<compile_context>
chip_gen: v7x
topology: tpu7x:2x2x1
jax: 0.10.2.dev20260603
libtpu: 0.0.44.dev20260713+nightly
codegen_flags: <defaults>
</compile_context>

<pallas_src>
import functools

import jax
import jax.numpy as jnp
from jax import lax
from jax.experimental import pallas as pl
from jax.experimental.pallas import tpu as pltpu
from jax.experimental.pallas import tpu_sc as plsc

B = 4
S = 2048
D = 1024
L = 10
E = 16
K = 2
CHUNK = 256
NSTEP = S // CHUNK

_SC_INFO = plsc.get_sparse_core_info()
_NC = _SC_INFO.num_cores
_NS = _SC_INFO.num_subcores
_NW = _NC * _NS
ROWS_OUT = B * K * L


def _chunk_sum(x):
    n = x.shape[0]
    p = [x[0], x[1], x[2], x[3]]
    for g in range(1, n // 4):
        for k in range(4):
            p[k] = p[k] + x[4 * g + k]
    return (p[0] + p[1]) + (p[2] + p[3])


def _tc_body(x_ref, w_ref, b_ref, out_ref, acc_ref):
    i = pl.program_id(0)

    @pl.when(i == 0)
    def _init():
        acc_ref[...] = jnp.zeros_like(acc_ref)

    x = x_ref[...].reshape(B, CHUNK // 8, 8, D)
    for b in range(B):
        acc_ref[b] += _chunk_sum(x[b])

    @pl.when(i == NSTEP - 1)
    def _finish():
        mean = jnp.sum(acc_ref[...], axis=1) * (1.0 / S)
        out_ref[...] = jax.lax.dot_general(
            mean, w_ref[...], (((1,), (1,)), ((), ())),
            preferred_element_type=jnp.float32) + b_ref[...]


def _router_logits(x_embed, router_w, router_b):
    return pl.pallas_call(
        _tc_body,
        grid=(NSTEP,),
        in_specs=[
            pl.BlockSpec((B, CHUNK, D), lambda i: (0, i, 0)),
            pl.BlockSpec((E, D), lambda i: (0, 0)),
            pl.BlockSpec((1, E), lambda i: (0, 0)),
        ],
        out_specs=pl.BlockSpec((B, E), lambda i: (0, 0)),
        out_shape=jax.ShapeDtypeStruct((B, E), jnp.float32),
        scratch_shapes=[pltpu.VMEM((B, 8, D), jnp.float32)],
        compiler_params=pltpu.CompilerParams(
            dimension_semantics=("arbitrary",)),
    )(x_embed, router_w, router_b.reshape(1, E))


def _sc_body(logits_hbm, p_hbm, out_hbm,
             logits_v, scores_tab, experts_tab, idx_ref, rowbuf, sem):
    wid = lax.axis_index("s") * _NC + lax.axis_index("c")
    lane = lax.iota(jnp.int32, 16)

    pltpu.sync_copy(logits_hbm, logits_v)

    def perm(v, idx):
        dn = lax.GatherDimensionNumbers(
            offset_dims=(), collapsed_slice_dims=(0,), start_index_map=(0,))
        return lax.gather(v, idx[:, None], dn, slice_sizes=(1,),
                          mode=lax.GatherScatterMode.PROMISE_IN_BOUNDS)

    def bfly(v, op):
        for sh in (1, 2, 4, 8):
            v = op(v, perm(v, lane ^ sh))
        return v

    for b in range(B):
        lv = logits_v[b]
        e = jnp.exp(lv)
        scores = e / bfly(e, jnp.add)
        m1 = bfly(scores, jnp.maximum)
        i1 = bfly(jnp.where(scores == m1, lane, E), jnp.minimum)
        s2 = jnp.where(lane == i1, -1.0, scores)
        m2 = bfly(s2, jnp.maximum)
        i2 = bfly(jnp.where(s2 == m2, lane, E), jnp.minimum)
        scores_tab[b * K + 0] = m1
        scores_tab[b * K + 1] = m2
        experts_tab[b * K + 0] = i1
        experts_tab[b * K + 1] = i2

    for mstep in range((ROWS_OUT + _NW - 1) // _NW):
        r = wid + _NW * mstep

        @pl.when(r < ROWS_OUT)
        def _row():
            bk = r // L
            l = r - bk * L
            score_vec = scores_tab[bk]
            expert_vec = experts_tab[bk]
            row_id = expert_vec * L + l
            idx_ref[...] = row_id
            pltpu.async_copy(p_hbm.at[idx_ref], rowbuf, sem).wait()
            for c in range(D // 16):
                sl = pl.ds(c * 16, 16)
                rowbuf[0, sl] = rowbuf[0, sl] * score_vec
            pltpu.sync_copy(rowbuf.at[pl.ds(0, 1), :],
                            out_hbm.at[pl.ds(r, 1), :])


@functools.partial(
    pl.kernel,
    out_type=jax.ShapeDtypeStruct((ROWS_OUT, D), jnp.float32),
    mesh=plsc.VectorSubcoreMesh(core_axis_name="c", subcore_axis_name="s"),
    scratch_types=[
        pltpu.VMEM((B, E), jnp.float32),
        pltpu.VMEM((B * K, 16), jnp.float32),
        pltpu.VMEM((B * K, 16), jnp.int32),
        pltpu.VMEM((16,), jnp.int32),
        pltpu.VMEM((16, D), jnp.float32),
        pltpu.SemaphoreType.DMA,
    ],
)
def _sc_mix(logits_hbm, p_hbm, out_hbm,
            logits_v, scores_tab, experts_tab, idx_ref, rowbuf, sem):
    _sc_body(logits_hbm, p_hbm, out_hbm,
             logits_v, scores_tab, experts_tab, idx_ref, rowbuf, sem)


@jax.jit
def _run(x_embed, prompts, router_w, router_b):
    logits = _router_logits(x_embed, router_w, router_b)
    p2d = prompts.reshape(E * L, D)
    out = _sc_mix(logits, p2d)
    return out.reshape(B, K * L, D)


def kernel(x_embed, prompts, router_w, router_b, layer_idx):
    return _run(x_embed, prompts, router_w, router_b)

# --- scband reference (transcript-rebuilt; emitter-appended) ---
"""Pipeline reference for scband-mo-eprompt-16930761081178 (READ-ONLY COPY).

The authoritative reference and input builder live on the scoring server;
editing this copy changes nothing except your own understanding.
"""

import jax, jax.numpy as jnp
import numpy as np

B = 4
S = 2048
EMBED_DIM = 1024
LENGTH = 10
POOL_SIZE = 16
TOP_K = 2


def setup_inputs(seed: int = 0) -> dict:
    key = jax.random.key(seed)
    k1, k2, k3, k4 = jax.random.split(key, 4)
    x_embed = jax.random.normal(k1, (B, S, EMBED_DIM), dtype=jnp.float32)
    # prompt pool: pool of Prompt_Simple params, each (1, length, embed_dim), stacked -> (POOL_SIZE, LENGTH, EMBED_DIM)
    prompts = jax.random.uniform(k2, (POOL_SIZE, LENGTH, EMBED_DIM), minval=-1.0, maxval=1.0, dtype=jnp.float32)
    # MoeRouter: nn.Linear(embed_dim, pool_size)
    router_w = jax.random.normal(k3, (POOL_SIZE, EMBED_DIM), dtype=jnp.float32) * 0.02
    router_b = jnp.zeros((POOL_SIZE,), dtype=jnp.float32)
    return {"x_embed": x_embed, "prompts": prompts, "router_w": router_w, "router_b": router_b, "layer_idx": 0}


def reference(x_embed, prompts, router_w, router_b, layer_idx):
    # embedding_key == 'mean'
    x_embed_mean = jnp.mean(x_embed, axis=1)                      # [B, D]
    # router = MoeRouter[int(layer_idx)]
    gate_logits = x_embed_mean @ router_w.T + router_b            # [B, E]
    gate_scores = jax.nn.softmax(gate_logits, axis=-1)            # [B, E]
    # old_count == len(prompt_pool) after init_train_prompt_pool, and use_prompt_key=False,
    # so the new/old orthogonality-loss branch is skipped (loss = 0).
    # top-k expert (prompt) selection and score-weighted prompt mixture
    topk_scores, topk_idx = jax.lax.top_k(gate_scores, TOP_K)     # [B, K]
    selected = jnp.take(prompts, topk_idx, axis=0)                # [B, K, L, D] gather
    weighted = selected * topk_scores[:, :, None, None]           # [B, K, L, D]
    batched_prompt = weighted.reshape(x_embed.shape[0], TOP_K * LENGTH, EMBED_DIM)
    return batched_prompt

if __name__ == "__main__":
    import jax
    _d = setup_inputs()
    print(jax.jit(kernel)(*tuple(_d.values())))

</pallas_src>

<mosaic_0001>
#map = affine_map<(d0, d1) -> (0, 0)>
module attributes {stable_mosaic.version = 14 : i64} {
  func.func @_sc_mix(%arg0: i32, %arg1: i32, %arg2: memref<4x16xf32, #tpu.memory_space<hbm>>, %arg3: memref<160x1024xf32, #tpu.memory_space<hbm>>, %arg4: memref<80x1024xf32, #tpu.memory_space<hbm>>, %arg5: memref<4x16xf32, #tpu.memory_space<vmem>>, %arg6: memref<8x16xf32, #tpu.memory_space<vmem>>, %arg7: memref<8x16xi32, #tpu.memory_space<vmem>>, %arg8: memref<16xi32, #tpu.memory_space<vmem>>, %arg9: memref<16x1024xf32, #tpu.memory_space<vmem>>, %arg10: memref<!tpu.dma_semaphore, #tpu.memory_space<semaphore_mem>>) attributes {dimension_semantics = [#tpu.dimension_semantics<core_parallel>, #tpu.dimension_semantics<subcore_parallel>], iteration_bounds = array<i64: 2, 16>, scalar_prefetch = 0 : i64, scratch_operands = 6 : i64, tpu.core_type = #tpu.core_type<sc_vector_subcore>, window_params = [{transform_indices = #map}, {transform_indices = #map}, {transform_indices = #map}]} {
    %mul3A = arith.constant 2 : i32
    %mul3A_0 = arith.muli %arg1, %mul3A : i32
    %add3A = arith.addi %mul3A_0, %arg0 : i32
    %iota3A = tpu.iota {dimensions = array<i32: 0>} : vector<16xi32>
    "tpu.region"() ({
      %run_scoped3A = tpu.sem_alloc : memref<!tpu.dma_semaphore, #tpu.memory_space<semaphore_mem>>
      tpu.enqueue_dma source(%arg2 : memref<4x16xf32, #tpu.memory_space<hbm>>) target(%arg5 : memref<4x16xf32, #tpu.memory_space<vmem>>) target_semaphore(%run_scoped3A : memref<!tpu.dma_semaphore, #tpu.memory_space<semaphore_mem>>)
      tpu.wait_dma2 semaphore(%run_scoped3A : memref<!tpu.dma_semaphore, #tpu.memory_space<semaphore_mem>>) src(%arg2 : memref<4x16xf32, #tpu.memory_space<hbm>>) dst(%arg5 : memref<4x16xf32, #tpu.memory_space<vmem>>)
      tpu.yield
    }) : () -> ()
    %get3A = arith.constant 0 : i32
    %get3A_1 = arith.index_cast %get3A : i32 to index
    %get3A_2 = arith.constant 0 : index
    %get3A_3 = tpu.vector_load %arg5[%get3A_1, %get3A_2] {strides = array<i32>} : memref<4x16xf32, #tpu.memory_space<vmem>>, vector<1x16xf32>,
    %get3A_4 = vector.shape_cast %get3A_3 : vector<1x16xf32> to vector<16xf32>
    %exp3A = math.exp %get3A_4 : vector<16xf32>
    %xor3A = arith.constant 1 : i32
    %xor3A_5 = vector.broadcast %xor3A : i32 to vector<16xi32>
    %xor3A_6 = arith.xori %iota3A, %xor3A_5 : vector<16xi32>
    %broadcast_in_dim3A = vector.shape_cast %xor3A_6 : vector<16xi32> to vector<16x1xi32>
    %gather3A = vector.shape_cast %broadcast_in_dim3A : vector<16x1xi32> to vector<16xi32>
    %gather3A_7 = tpu.dynamic_gather %exp3A[%gather3A] in [0] : vector<16xf32>, vector<16xi32> -> vector<16xf32>
    %add3A_8 = arith.addf %exp3A, %gather3A_7 : vector<16xf32>
    %xor3A_9 = arith.constant 2 : i32
    %xor3A_10 = vector.broadcast %xor3A_9 : i32 to vector<16xi32>
    %xor3A_11 = arith.xori %iota3A, %xor3A_10 : vector<16xi32>
    %broadcast_in_dim3A_12 = vector.shape_cast %xor3A_11 : vector<16xi32> to vector<16x1xi32>
    %gather3A_13 = vector.shape_cast %broadcast_in_dim3A_12 : vector<16x1xi32> to vector<16xi32>
    %gather3A_14 = tpu.dynamic_gather %add3A_8[%gather3A_13] in [0] : vector<16xf32>, vector<16xi32> -> vector<16xf32>
    %add3A_15 = arith.addf %add3A_8, %gather3A_14 : vector<16xf32>
    %xor3A_16 = arith.constant 4 : i32
    %xor3A_17 = vector.broadcast %xor3A_16 : i32 to vector<16xi32>
    %xor3A_18 = arith.xori %iota3A, %xor3A_17 : vector<16xi32>
    %broadcast_in_dim3A_19 = vector.shape_cast %xor3A_18 : vector<16xi32> to vector<16x1xi32>
    %gather3A_20 = vector.shape_cast %broadcast_in_dim3A_19 : vector<16x1xi32> to vector<16xi32>
    %gather3A_21 = tpu.dynamic_gather %add3A_15[%gather3A_20] in [0] : vector<16xf32>, vector<16xi32> -> vector<16xf32>
    %add3A_22 = arith.addf %add3A_15, %gather3A_21 : vector<16xf32>
    %xor3A_23 = arith.constant 8 : i32
    %xor3A_24 = vector.broadcast %xor3A_23 : i32 to vector<16xi32>
    %xor3A_25 = arith.xori %iota3A, %xor3A_24 : vector<16xi32>
    %broadcast_in_dim3A_26 = vector.shape_cast %xor3A_25 : vector<16xi32> to vector<16x1xi32>
    %gather3A_27 = vector.shape_cast %broadcast_in_dim3A_26 : vector<16x1xi32> to vector<16xi32>
    %gather3A_28 = tpu.dynamic_gather %add3A_22[%gather3A_27] in [0] : vector<16xf32>, vector<16xi32> -> vector<16xf32>
    %add3A_29 = arith.addf %add3A_22, %gather3A_28 : vector<16xf32>
    %div3A = arith.divf %exp3A, %add3A_29 : vector<16xf32>
    %xor3A_30 = arith.constant 1 : i32
    %xor3A_31 = vector.broadcast %xor3A_30 : i32 to vector<16xi32>
    %xor3A_32 = arith.xori %iota3A, %xor3A_31 : vector<16xi32>
    %broadcast_in_dim3A_33 = vector.shape_cast %xor3A_32 : vector<16xi32> to vector<16x1xi32>
    %gather3A_34 = vector.shape_cast %broadcast_in_dim3A_33 : vector<16x1xi32> to vector<16xi32>
    %gather3A_35 = tpu.dynamic_gather %div3A[%gather3A_34] in [0] : vector<16xf32>, vector<16xi32> -> vector<16xf32>
    %max3A = arith.maximumf %div3A, %gather3A_35 : vector<16xf32>
    %xor3A_36 = arith.constant 2 : i32
    %xor3A_37 = vector.broadcast %xor3A_36 : i32 to vector<16xi32>
    %xor3A_38 = arith.xori %iota3A, %xor3A_37 : vector<16xi32>
    %broadcast_in_dim3A_39 = vector.shape_cast %xor3A_38 : vector<16xi32> to vector<16x1xi32>
    %gather3A_40 = vector.shape_cast %broadcast_in_dim3A_39 : vector<16x1xi32> to vector<16xi32>
    %gather3A_41 = tpu.dynamic_gather %max3A[%gather3A_40] in [0] : vector<16xf32>, vector<16xi32> -> vector<16xf32>
    %max3A_42 = arith.maximumf %max3A, %gather3A_41 : vector<16xf32>
    %xor3A_43 = arith.constant 4 : i32
    %xor3A_44 = vector.broadcast %xor3A_43 : i32 to vector<16xi32>
    %xor3A_45 = arith.xori %iota3A, %xor3A_44 : vector<16xi32>
    %broadcast_in_dim3A_46 = vector.shape_cast %xor3A_45 : vector<16xi32> to vector<16x1xi32>
    %gather3A_47 = vector.shape_cast %broadcast_in_dim3A_46 : vector<16x1xi32> to vector<16xi32>
    %gather3A_48 = tpu.dynamic_gather %max3A_42[%gather3A_47] in [0] : vector<16xf32>, vector<16xi32> -> vector<16xf32>
    %max3A_49 = arith.maximumf %max3A_42, %gather3A_48 : vector<16xf32>
    %xor3A_50 = arith.constant 8 : i32
    %xor3A_51 = vector.broadcast %xor3A_50 : i32 to vector<16xi32>
    %xor3A_52 = arith.xori %iota3A, %xor3A_51 : vector<16xi32>
    %broadcast_in_dim3A_53 = vector.shape_cast %xor3A_52 : vector<16xi32> to vector<16x1xi32>
    %gather3A_54 = vector.shape_cast %broadcast_in_dim3A_53 : vector<16x1xi32> to vector<16xi32>
    %gather3A_55 = tpu.dynamic_gather %max3A_49[%gather3A_54] in [0] : vector<16xf32>, vector<16xi32> -> vector<16xf32>
    %max3A_56 = arith.maximumf %max3A_49, %gather3A_55 : vector<16xf32>
    %eq3A = arith.cmpf oeq, %div3A, %max3A_56 : vector<16xf32>
    %jit3A = arith.constant 16 : i32
    %broadcast_in_dim3A_57 = vector.broadcast %jit3A : i32 to vector<16xi32>
    %select_n3A = arith.select %eq3A, %iota3A, %broadcast_in_dim3A_57 : vector<16xi1>, vector<16xi32>
    %xor3A_58 = arith.constant 1 : i32
    %xor3A_59 = vector.broadcast %xor3A_58 : i32 to vector<16xi32>
    %xor3A_60 = arith.xori %iota3A, %xor3A_59 : vector<16xi32>
    %broadcast_in_dim3A_61 = vector.shape_cast %xor3A_60 : vector<16xi32> to vector<16x1xi32>
    %gather3A_62 = vector.shape_cast %broadcast_in_dim3A_61 : vector<16x1xi32> to vector<16xi32>
    %gather3A_63 = tpu.dynamic_gather %select_n3A[%gather3A_62] in [0] : vector<16xi32>, vector<16xi32> -> vector<16xi32>
    %min3A = arith.minsi %select_n3A, %gather3A_63 : vector<16xi32>
    %xor3A_64 = arith.constant 2 : i32
    %xor3A_65 = vector.broadcast %xor3A_64 : i32 to vector<16xi32>
    %xor3A_66 = arith.xori %iota3A, %xor3A_65 : vector<16xi32>
    %broadcast_in_dim3A_67 = vector.shape_cast %xor3A_66 : vector<16xi32> to vector<16x1xi32>
    %gather3A_68 = vector.shape_cast %broadcast_in_dim3A_67 : vector<16x1xi32> to vector<16xi32>
    %gather3A_69 = tpu.dynamic_gather %min3A[%gather3A_68] in [0] : vector<16xi32>, vector<16xi32> -> vector<16xi32>
    %min3A_70 = arith.minsi %min3A, %gather3A_69 : vector<16xi32>
    %xor3A_71 = arith.constant 4 : i32
    %xor3A_72 = vector.broadcast %xor3A_71 : i32 to vector<16xi32>
    %xor3A_73 = arith.xori %iota3A, %xor3A_72 : vector<16xi32>
    %broadcast_in_dim3A_74 = vector.shape_cast %xor3A_73 : vector<16xi32> to vector<16x1xi32>
    %gather3A_75 = vector.shape_cast %broadcast_in_dim3A_74 : vector<16x1xi32> to vector<16xi32>
    %gather3A_76 = tpu.dynamic_gather %min3A_70[%gather3A_75] in [0] : vector<16xi32>, vector<16xi32> -> vector<16xi32>
    %min3A_77 = arith.minsi %min3A_70, %gather3A_76 : vector<16xi32>
    %xor3A_78 = arith.constant 8 : i32
    %xor3A_79 = vector.broadcast %xor3A_78 : i32 to vector<16xi32>
    %xor3A_80 = arith.xori %iota3A, %xor3A_79 : vector<16xi32>
    %broadcast_in_dim3A_81 = vector.shape_cast %xor3A_80 : vector<16xi32> to vector<16x1xi32>
    %gather3A_82 = vector.shape_cast %broadcast_in_dim3A_81 : vector<16x1xi32> to vector<16xi32>
    %gather3A_83 = tpu.dynamic_gather %min3A_77[%gather3A_82] in [0] : vector<16xi32>, vector<16xi32> -> vector<16xi32>
    %min3A_84 = arith.minsi %min3A_77, %gather3A_83 : vector<16xi32>
    %eq3A_85 = arith.cmpi eq, %iota3A, %min3A_84 : vector<16xi32>
    %jit3A_86 = arith.constant -1.000000e+00 : f32
    %broadcast_in_dim3A_87 = vector.broadcast %jit3A_86 : f32 to vector<16xf32>
    %select_n3A_88 = arith.select %eq3A_85, %broadcast_in_dim3A_87, %div3A : vector<16xi1>, vector<16xf32>
    %xor3A_89 = arith.constant 1 : i32
    %xor3A_90 = vector.broadcast %xor3A_89 : i32 to vector<16xi32>
    %xor3A_91 = arith.xori %iota3A, %xor3A_90 : vector<16xi32>
    %broadcast_in_dim3A_92 = vector.shape_cast %xor3A_91 : vector<16xi32> to vector<16x1xi32>
    %gather3A_93 = vector.shape_cast %broadcast_in_dim3A_92 : vector<16x1xi32> to vector<16xi32>
    %gather3A_94 = tpu.dynamic_gather %select_n3A_88[%gather3A_93] in [0] : vector<16xf32>, vector<16xi32> -> vector<16xf32>
    %max3A_95 = arith.maximumf %select_n3A_88, %gather3A_94 : vector<16xf32>
    %xor3A_96 = arith.constant 2 : i32
    %xor3A_97 = vector.broadcast %xor3A_96 : i32 to vector<16xi32>
    %xor3A_98 = arith.xori %iota3A, %xor3A_97 : vector<16xi32>
    %broadcast_in_dim3A_99 = vector.shape_cast %xor3A_98 : vector<16xi32> to vector<16x1xi32>
    %gather3A_100 = vector.shape_cast %broadcast_in_dim3A_99 : vector<16x1xi32> to vector<16xi32>
    %gather3A_101 = tpu.dynamic_gather %max3A_95[%gather3A_100] in [0] : vector<16xf32>, vector<16xi32> -> vector<16xf32>
    %max3A_102 = arith.maximumf %max3A_95, %gather3A_101 : vector<16xf32>
    %xor3A_103 = arith.constant 4 : i32
    %xor3A_104 = vector.broadcast %xor3A_103 : i32 to vector<16xi32>
    %xor3A_105 = arith.xori %iota3A, %xor3A_104 : vector<16xi32>
    %broadcast_in_dim3A_106 = vector.shape_cast %xor3A_105 : vector<16xi32> to vector<16x1xi32>
    %gather3A_107 = vector.shape_cast %broadcast_in_dim3A_106 : vector<16x1xi32> to vector<16xi32>
    %gather3A_108 = tpu.dynamic_gather %max3A_102[%gather3A_107] in [0] : vector<16xf32>, vector<16xi32> -> vector<16xf32>
    %max3A_109 = arith.maximumf %max3A_102, %gather3A_108 : vector<16xf32>
    %xor3A_110 = arith.constant 8 : i32
    %xor3A_111 = vector.broadcast %xor3A_110 : i32 to vector<16xi32>
    %xor3A_112 = arith.xori %iota3A, %xor3A_111 : vector<16xi32>
    %broadcast_in_dim3A_113 = vector.shape_cast %xor3A_112 : vector<16xi32> to vector<16x1xi32>
    %gather3A_114 = vector.shape_cast %broadcast_in_dim3A_113 : vector<16x1xi32> to vector<16xi32>
    %gather3A_115 = tpu.dynamic_gather %max3A_109[%gather3A_114] in [0] : vector<16xf32>, vector<16xi32> -> vector<16xf32>
    %max3A_116 = arith.maximumf %max3A_109, %gather3A_115 : vector<16xf32>
    %eq3A_117 = arith.cmpf oeq, %select_n3A_88, %max3A_116 : vector<16xf32>
    %jit3A_118 = arith.constant 16 : i32
    %broadcast_in_dim3A_119 = vector.broadcast %jit3A_118 : i32 to vector<16xi32>
    %select_n3A_120 = arith.select %eq3A_117, %iota3A, %broadcast_in_dim3A_119 : vector<16xi1>, vector<16xi32>
    %xor3A_121 = arith.constant 1 : i32
    %xor3A_122 = vector.broadcast %xor3A_121 : i32 to vector<16xi32>
    %xor3A_123 = arith.xori %iota3A, %xor3A_122 : vector<16xi32>
    %broadcast_in_dim3A_124 = vector.shape_cast %xor3A_123 : vector<16xi32> to vector<16x1xi32>
    %gather3A_125 = vector.shape_cast %broadcast_in_dim3A_124 : vector<16x1xi32> to vector<16xi32>
    %gather3A_126 = tpu.dynamic_gather %select_n3A_120[%gather3A_125] in [0] : vector<16xi32>, vector<16xi32> -> vector<16xi32>
    %min3A_127 = arith.minsi %select_n3A_120, %gather3A_126 : vector<16xi32>
    %xor3A_128 = arith.constant 2 : i32
    %xor3A_129 = vector.broadcast %xor3A_128 : i32 to vector<16xi32>
    %xor3A_130 = arith.xori %iota3A, %xor3A_129 : vector<16xi32>
    %broadcast_in_dim3A_131 = vector.shape_cast %xor3A_130 : vector<16xi32> to vector<16x1xi32>
    %gather3A_132 = vector.shape_cast %broadcast_in_dim3A_131 : vector<16x1xi32> to vector<16xi32>
    %gather3A_133 = tpu.dynamic_gather %min3A_127[%gather3A_132] in [0] : vector<16xi32>, vector<16xi32> -> vector<16xi32>
    %min3A_134 = arith.minsi %min3A_127, %gather3A_133 : vector<16xi32>
    %xor3A_135 = arith.constant 4 : i32
    %xor3A_136 = vector.broadcast %xor3A_135 : i32 to vector<16xi32>
    %xor3A_137 = arith.xori %iota3A, %xor3A_136 : vector<16xi32>
    %broadcast_in_dim3A_138 = vector.shape_cast %xor3A_137 : vector<16xi32> to vector<16x1xi32>
    %gather3A_139 = vector.shape_cast %broadcast_in_dim3A_138 : vector<16x1xi32> to vector<16xi32>
    %gather3A_140 = tpu.dynamic_gather %min3A_134[%gather3A_139] in [0] : vector<16xi32>, vector<16xi32> -> vector<16xi32>
    %min3A_141 = arith.minsi %min3A_134, %gather3A_140 : vector<16xi32>
    %xor3A_142 = arith.constant 8 : i32
    %xor3A_143 = vector.broadcast %xor3A_142 : i32 to vector<16xi32>
    %xor3A_144 = arith.xori %iota3A, %xor3A_143 : vector<16xi32>
    %broadcast_in_dim3A_145 = vector.shape_cast %xor3A_144 : vector<16xi32> to vector<16x1xi32>
    %gather3A_146 = vector.shape_cast %broadcast_in_dim3A_145 : vector<16x1xi32> to vector<16xi32>
    %gather3A_147 = tpu.dynamic_gather %min3A_141[%gather3A_146] in [0] : vector<16xi32>, vector<16xi32> -> vector<16xi32>
    %min3A_148 = arith.minsi %min3A_141, %gather3A_147 : vector<16xi32>
    %swap3A = arith.constant 0 : i32
    %swap3A_149 = arith.index_cast %swap3A : i32 to index
    %swap3A_150 = arith.constant 0 : index
    %swap3A_151 = tpu.vector_load %arg6[%swap3A_149, %swap3A_150] {strides = array<i32>} : memref<8x16xf32, #tpu.memory_space<vmem>>, vector<1x16xf32>,
    %swap3A_152 = vector.shape_cast %swap3A_151 : vector<1x16xf32> to vector<16xf32>
    %swap3A_153 = vector.shape_cast %max3A_56 : vector<16xf32> to vector<1x16xf32>
    tpu.vector_store %arg6[%swap3A_149, %swap3A_150], %swap3A_153 {strides = array<i32>} : memref<8x16xf32, #tpu.memory_space<vmem>>, vector<1x16xf32>,
    %swap3A_154 = arith.constant 1 : i32
    %swap3A_155 = arith.index_cast %swap3A_154 : i32 to index
    %swap3A_156 = arith.constant 0 : index
    %swap3A_157 = tpu.vector_load %arg6[%swap3A_155, %swap3A_156] {strides = array<i32>} : memref<8x16xf32, #tpu.memory_space<vmem>>, vector<1x16xf32>,
    %swap3A_158 = vector.shape_cast %swap3A_157 : vector<1x16xf32> to vector<16xf32>
    %swap3A_159 = vector.shape_cast %max3A_116 : vector<16xf32> to vector<1x16xf32>
    tpu.vector_store %arg6[%swap3A_155, %swap3A_156], %swap3A_159 {strides = array<i32>} : memref<8x16xf32, #tpu.memory_space<vmem>>, vector<1x16xf32>,
    %swap3A_160 = arith.constant 0 : i32
    %swap3A_161 = arith.index_cast %swap3A_160 : i32 to index
    %swap3A_162 = arith.constant 0 : index
    %swap3A_163 = tpu.vector_load %arg7[%swap3A_161, %swap3A_162] {strides = array<i32>} : memref<8x16xi32, #tpu.memory_space<vmem>>, vector<1x16xi32>,
    %swap3A_164 = vector.shape_cast %swap3A_163 : vector<1x16xi32> to vector<16xi32>
    %swap3A_165 = vector.shape_cast %min3A_84 : vector<16xi32> to vector<1x16xi32>
    tpu.vector_store %arg7[%swap3A_161, %swap3A_162], %swap3A_165 {strides = array<i32>} : memref<8x16xi32, #tpu.memory_space<vmem>>, vector<1x16xi32>,
    %swap3A_166 = arith.constant 1 : i32
    %swap3A_167 = arith.index_cast %swap3A_166 : i32 to index
    %swap3A_168 = arith.constant 0 : index
    %swap3A_169 = tpu.vector_load %arg7[%swap3A_167, %swap3A_168] {strides = array<i32>} : memref<8x16xi32, #tpu.memory_space<vmem>>, vector<1x16xi32>,
    %swap3A_170 = vector.shape_cast %swap3A_169 : vector<1x16xi32> to vector<16xi32>
    %swap3A_171 = vector.shape_cast %min3A_148 : vector<16xi32> to vector<1x16xi32>
    tpu.vector_store %arg7[%swap3A_167, %swap3A_168], %swap3A_171 {strides = array<i32>} : memref<8x16xi32, #tpu.memory_space<vmem>>, vector<1x16xi32>,
    %get3A_172 = arith.constant 1 : i32
    %get3A_173 = arith.index_cast %get3A_172 : i32 to index
    %get3A_174 = arith.constant 0 : index
    %get3A_175 = tpu.vector_load %arg5[%get3A_173, %get3A_174] {strides = array<i32>} : memref<4x16xf32, #tpu.memory_space<vmem>>, vector<1x16xf32>,
    %get3A_176 = vector.shape_cast %get3A_175 : vector<1x16xf32> to vector<16xf32>
    %exp3A_177 = math.exp %get3A_176 : vector<16xf32>
    %xor3A_178 = arith.constant 1 : i32
    %xor3A_179 = vector.broadcast %xor3A_178 : i32 to vector<16xi32>
    %xor3A_180 = arith.xori %iota3A, %xor3A_179 : vector<16xi32>
    %broadcast_in_dim3A_181 = vector.shape_cast %xor3A_180 : vector<16xi32> to vector<16x1xi32>
    %gather3A_182 = vector.shape_cast %broadcast_in_dim3A_181 : vector<16x1xi32> to vector<16xi32>
    %gather3A_183 = tpu.dynamic_gather %exp3A_177[%gather3A_182] in [0] : vector<16xf32>, vector<16xi32> -> vector<16xf32>
    %add3A_184 = arith.addf %exp3A_177, %gather3A_183 : vector<16xf32>
    %xor3A_185 = arith.constant 2 : i32
    %xor3A_186 = vector.broadcast %xor3A_185 : i32 to vector<16xi32>
    %xor3A_187 = arith.xori %iota3A, %xor3A_186 : vector<16xi32>
    %broadcast_in_dim3A_188 = vector.shape_cast %xor3A_187 : vector<16xi32> to vector<16x1xi32>
    %gather3A_189 = vector.shape_cast %broadcast_in_dim3A_188 : vector<16x1xi32> to vector<16xi32>
    %gather3A_190 = tpu.dynamic_gather %add3A_184[%gather3A_189] in [0] : vector<16xf32>, vector<16xi32> -> vector<16xf32>
    %add3A_191 = arith.addf %add3A_184, %gather3A_190 : vector<16xf32>
    %xor3A_192 = arith.constant 4 : i32
    %xor3A_193 = vector.broadcast %xor3A_192 : i32 to vector<16xi32>
    %xor3A_194 = arith.xori %iota3A, %xor3A_193 : vector<16xi32>
    %broadcast_in_dim3A_195 = vector.shape_cast %xor3A_194 : vector<16xi32> to vector<16x1xi32>
    %gather3A_196 = vector.shape_cast %broadcast_in_dim3A_195 : vector<16x1xi32> to vector<16xi32>
    %gather3A_197 = tpu.dynamic_gather %add3A_191[%gather3A_196] in [0] : vector<16xf32>, vector<16xi32> -> vector<16xf32>
    %add3A_198 = arith.addf %add3A_191, %gather3A_197 : vector<16xf32>
    %xor3A_199 = arith.constant 8 : i32
    %xor3A_200 = vector.broadcast %xor3A_199 : i32 to vector<16xi32>
    %xor3A_201 = arith.xori %iota3A, %xor3A_200 : vector<16xi32>
    %broadcast_in_dim3A_202 = vector.shape_cast %xor3A_201 : vector<16xi32> to vector<16x1xi32>
    %gather3A_203 = vector.shape_cast %broadcast_in_dim3A_202 : vector<16x1xi32> to vector<16xi32>
    %gather3A_204 = tpu.dynamic_gather %add3A_198[%gather3A_203] in [0] : vector<16xf32>, vector<16xi32> -> vector<16xf32>
    %add3A_205 = arith.addf %add3A_198, %gather3A_204 : vector<16xf32>
    %div3A_206 = arith.divf %exp3A_177, %add3A_205 : vector<16xf32>
    %xor3A_207 = arith.constant 1 : i32
    %xor3A_208 = vector.broadcast %xor3A_207 : i32 to vector<16xi32>
    %xor3A_209 = arith.xori %iota3A, %xor3A_208 : vector<16xi32>
    %broadcast_in_dim3A_210 = vector.shape_cast %xor3A_209 : vector<16xi32> to vector<16x1xi32>
    %gather3A_211 = vector.shape_cast %broadcast_in_dim3A_210 : vector<16x1xi32> to vector<16xi32>
    %gather3A_212 = tpu.dynamic_gather %div3A_206[%gather3A_211] in [0] : vector<16xf32>, vector<16xi32> -> vector<16xf32>
    %max3A_213 = arith.maximumf %div3A_206, %gather3A_212 : vector<16xf32>
    %xor3A_214 = arith.constant 2 : i32
    %xor3A_215 = vector.broadcast %xor3A_214 : i32 to vector<16xi32>
    %xor3A_216 = arith.xori %iota3A, %xor3A_215 : vector<16xi32>
    %broadcast_in_dim3A_217 = vector.shape_cast %xor3A_216 : vector<16xi32> to vector<16x1xi32>
    %gather3A_218 = vector.shape_cast %broadcast_in_dim3A_217 : vector<16x1xi32> to vector<16xi32>
    %gather3A_219 = tpu.dynamic_gather %max3A_213[%gather3A_218] in [0] : vector<16xf32>, vector<16xi32> -> vector<16xf32>
    %max3A_220 = arith.maximumf %max3A_213, %gather3A_219 : vector<16xf32>
    %xor3A_221 = arith.constant 4 : i32
    %xor3A_222 = vector.broadcast %xor3A_221 : i32 to vector<16xi32>
    %xor3A_223 = arith.xori %iota3A, %xor3A_222 : vector<16xi32>
    %broadcast_in_dim3A_224 = vector.shape_cast %xor3A_223 : vector<16xi32> to vector<16x1xi32>
    %gather3A_225 = vector.shape_cast %broadcast_in_dim3A_224 : vector<16x1xi32> to vector<16xi32>
    %gather3A_226 = tpu.dynamic_gather %max3A_220[%gather3A_225] in [0] : vector<16xf32>, vector<16xi32> -> vector<16xf32>
    %max3A_227 = arith.maximumf %max3A_220, %gather3A_226 : vector<16xf32>
    %xor3A_228 = arith.constant 8 : i32
    %xor3A_229 = vector.broadcast %xor3A_228 : i32 to vector<16xi32>
    %xor3A_230 = arith.xori %iota3A, %xor3A_229 : vector<16xi32>
    %broadcast_in_dim3A_231 = vector.shape_cast %xor3A_230 : vector<16xi32> to vector<16x1xi32>
    %gather3A_232 = vector.shape_cast %broadcast_in_dim3A_231 : vector<16x1xi32> to vector<16xi32>
    %gather3A_233 = tpu.dynamic_gather %max3A_227[%gather3A_232] in [0] : vector<16xf32>, vector<16xi32> -> vector<16xf32>
    %max3A_234 = arith.maximumf %max3A_227, %gather3A_233 : vector<16xf32>
    %eq3A_235 = arith.cmpf oeq, %div3A_206, %max3A_234 : vector<16xf32>
    %jit3A_236 = arith.constant 16 : i32
    %broadcast_in_dim3A_237 = vector.broadcast %jit3A_236 : i32 to vector<16xi32>
    %select_n3A_238 = arith.select %eq3A_235, %iota3A, %broadcast_in_dim3A_237 : vector<16xi1>, vector<16xi32>
    %xor3A_239 = arith.constant 1 : i32
    %xor3A_240 = vector.broadcast %xor3A_239 : i32 to vector<16xi32>
    %xor3A_241 = arith.xori %iota3A, %xor3A_240 : vector<16xi32>
    %broadcast_in_dim3A_242 = vector.shape_cast %xor3A_241 : vector<16xi32> to vector<16x1xi32>
    %gather3A_243 = vector.shape_cast %broadcast_in_dim3A_242 : vector<16x1xi32> to vector<16xi32>
    %gather3A_244 = tpu.dynamic_gather %select_n3A_238[%gather3A_243] in [0] : vector<16xi32>, vector<16xi32> -> vector<16xi32>
    %min3A_245 = arith.minsi %select_n3A_238, %gather3A_244 : vector<16xi32>
    %xor3A_246 = arith.constant 2 : i32
    %xor3A_247 = vector.broadcast %xor3A_246 : i32 to vector<16xi32>
    %xor3A_248 = arith.xori %iota3A, %xor3A_247 : vector<16xi32>
    %broadcast_in_dim3A_249 = vector.shape_cast %xor3A_248 : vector<16xi32> to vector<16x1xi32>
    %gather3A_250 = vector.shape_cast %broadcast_in_dim3A_249 : vector<16x1xi32> to vector<16xi32>
    %gather3A_251 = tpu.dynamic_gather %min3A_245[%gather3A_250] in [0] : vector<16xi32>, vector<16xi32> -> vector<16xi32>
    %min3A_252 = arith.minsi %min3A_245, %gather3A_251 : vector<16xi32>
    %xor3A_253 = arith.constant 4 : i32
    %xor3A_254 = vector.broadcast %xor3A_253 : i32 to vector<16xi32>
    %xor3A_255 = arith.xori %iota3A, %xor3A_254 : vector<16xi32>
    %broadcast_in_dim3A_256 = vector.shape_cast %xor3A_255 : vector<16xi32> to vector<16x1xi32>
    %gather3A_257 = vector.shape_cast %broadcast_in_dim3A_256 : vector<16x1xi32> to vector<16xi32>
    %gather3A_258 = tpu.dynamic_gather %min3A_252[%gather3A_257] in [0] : vector<16xi32>, vector<16xi32> -> vector<16xi32>
    %min3A_259 = arith.minsi %min3A_252, %gather3A_258 : vector<16xi32>
    %xor3A_260 = arith.constant 8 : i32
    %xor3A_261 = vector.broadcast %xor3A_260 : i32 to vector<16xi32>
    %xor3A_262 = arith.xori %iota3A, %xor3A_261 : vector<16xi32>
    %broadcast_in_dim3A_263 = vector.shape_cast %xor3A_262 : vector<16xi32> to vector<16x1xi32>
    %gather3A_264 = vector.shape_cast %broadcast_in_dim3A_263 : vector<16x1xi32> to vector<16xi32>
    %gather3A_265 = tpu.dynamic_gather %min3A_259[%gather3A_264] in [0] : vector<16xi32>, vector<16xi32> -> vector<16xi32>
    %min3A_266 = arith.minsi %min3A_259, %gather3A_265 : vector<16xi32>
    %eq3A_267 = arith.cmpi eq, %iota3A, %min3A_266 : vector<16xi32>
    %jit3A_268 = arith.constant -1.000000e+00 : f32
    %broadcast_in_dim3A_269 = vector.broadcast %jit3A_268 : f32 to vector<16xf32>
    %select_n3A_270 = arith.select %eq3A_267, %broadcast_in_dim3A_269, %div3A_206 : vector<16xi1>, vector<16xf32>
    %xor3A_271 = arith.constant 1 : i32
    %xor3A_272 = vector.broadcast %xor3A_271 : i32 to vector<16xi32>
    %xor3A_273 = arith.xori %iota3A, %xor3A_272 : vector<16xi32>
    %broadcast_in_dim3A_274 = vector.shape_cast %xor3A_273 : vector<16xi32> to vector<16x1xi32>
    %gather3A_275 = vector.shape_cast %broadcast_in_dim3A_274 : vector<16x1xi32> to vector<16xi32>
    %gather3A_276 = tpu.dynamic_gather %select_n3A_270[%gather3A_275] in [0] : vector<16xf32>, vector<16xi32> -> vector<16xf32>
    %max3A_277 = arith.maximumf %select_n3A_270, %gather3A_276 : vector<16xf32>
    %xor3A_278 = arith.constant 2 : i32
    %xor3A_279 = vector.broadcast %xor3A_278 : i32 to vector<16xi32>
    %xor3A_280 = arith.xori %iota3A, %xor3A_279 : vector<16xi32>
    %broadcast_in_dim3A_281 = vector.shape_cast %xor3A_280 : vector<16xi32> to vector<16x1xi32>
    %gather3A_282 = vector.shape_cast %broadcast_in_dim3A_281 : vector<16x1xi32> to vector<16xi32>
    %gather3A_283 = tpu.dynamic_gather %max3A_277[%gather3A_282] in [0] : vector<16xf32>, vector<16xi32> -> vector<16xf32>
    %max3A_284 = arith.maximumf %max3A_277, %gather3A_283 : vector<16xf32>
    %xor3A_285 = arith.constant 4 : i32
    %xor3A_286 = vector.broadcast %xor3A_285 : i32 to vector<16xi32>
    %xor3A_287 = arith.xori %iota3A, %xor3A_286 : vector<16xi32>
    %broadcast_in_dim3A_288 = vector.shape_cast %xor3A_287 : vector<16xi32> to vector<16x1xi32>
    %gather3A_289 = vector.shape_cast %broadcast_in_dim3A_288 : vector<16x1xi32> to vector<16xi32>
    %gather3A_290 = tpu.dynamic_gather %max3A_284[%gather3A_289] in [0] : vector<16xf32>, vector<16xi32> -> vector<16xf32>
    %max3A_291 = arith.maximumf %max3A_284, %gather3A_290 : vector<16xf32>
    %xor3A_292 = arith.constant 8 : i32
    %xor3A_293 = vector.broadcast %xor3A_292 : i32 to vector<16xi32>
    %xor3A_294 = arith.xori %iota3A, %xor3A_293 : vector<16xi32>
    %broadcast_in_dim3A_295 = vector.shape_cast %xor3A_294 : vector<16xi32> to vector<16x1xi32>
    %gather3A_296 = vector.shape_cast %broadcast_in_dim3A_295 : vector<16x1xi32> to vector<16xi32>
    %gather3A_297 = tpu.dynamic_gather %max3A_291[%gather3A_296] in [0] : vector<16xf32>, vector<16xi32> -> vector<16xf32>
    %max3A_298 = arith.maximumf %max3A_291, %gather3A_297 : vector<16xf32>
    %eq3A_299 = arith.cmpf oeq, %select_n3A_270, %max3A_298 : vector<16xf32>
    %jit3A_300 = arith.constant 16 : i32
    %broadcast_in_dim3A_301 = vector.broadcast %jit3A_300 : i32 to vector<16xi32>
    %select_n3A_302 = arith.select %eq3A_299, %iota3A, %broadcast_in_dim3A_301 : vector<16xi1>, vector<16xi32>
    %xor3A_303 = arith.constant 1 : i32
    %xor3A_304 = vector.broadcast %xor3A_303 : i32 to vector<16xi32>
    %xor3A_305 = arith.xori %iota3A, %xor3A_304 : vector<16xi32>
    %broadcast_in_dim3A_306 = vector.shape_cast %xor3A_305 : vector<16xi32> to vector<16x1xi32>
    %gather3A_307 = vector.shape_cast %broadcast_in_dim3A_306 : vector<16x1xi32> to vector<16xi32>
    %gather3A_308 = tpu.dynamic_gather %select_n3A_302[%gather3A_307] in [0] : vector<16xi32>, vector<16xi32> -> vector<16xi32>
    %min3A_309 = arith.minsi %select_n3A_302, %gather3A_308 : vector<16xi32>
    %xor3A_310 = arith.constant 2 : i32
    %xor3A_311 = vector.broadcast %xor3A_310 : i32 to vector<16xi32>
    %xor3A_312 = arith.xori %iota3A, %xor3A_311 : vector<16xi32>
    %broadcast_in_dim3A_313 = vector.shape_cast %xor3A_312 : vector<16xi32> to vector<16x1xi32>
    %gather3A_314 = vector.shape_cast %broadcast_in_dim3A_313 : vector<16x1xi32> to vector<16xi32>
    %gather3A_315 = tpu.dynamic_gather %min3A_309[%gather3A_314] in [0] : vector<16xi32>, vector<16xi32> -> vector<16xi32>
    %min3A_316 = arith.minsi %min3A_309, %gather3A_315 : vector<16xi32>
    %xor3A_317 = arith.constant 4 : i32
    %xor3A_318 = vector.broadcast %xor3A_317 : i32 to vector<16xi32>
    %xor3A_319 = arith.xori %iota3A, %xor3A_318 : vector<16xi32>
    %broadcast_in_dim3A_320 = vector.shape_cast %xor3A_319 : vector<16xi32> to vector<16x1xi32>
    %gather3A_321 = vector.shape_cast %broadcast_in_dim3A_320 : vector<16x1xi32> to vector<16xi32>
    %gather3A_322 = tpu.dynamic_gather %min3A_316[%gather3A_321] in [0] : vector<16xi32>, vector<16xi32> -> vector<16xi32>
    %min3A_323 = arith.minsi %min3A_316, %gather3A_322 : vector<16xi32>
    %xor3A_324 = arith.constant 8 : i32
    %xor3A_325 = vector.broadcast %xor3A_324 : i32 to vector<16xi32>
    %xor3A_326 = arith.xori %iota3A, %xor3A_325 : vector<16xi32>
    %broadcast_in_dim3A_327 = vector.shape_cast %xor3A_326 : vector<16xi32> to vector<16x1xi32>
    %gather3A_328 = vector.shape_cast %broadcast_in_dim3A_327 : vector<16x1xi32> to vector<16xi32>
    %gather3A_329 = tpu.dynamic_gather %min3A_323[%gather3A_328] in [0] : vector<16xi32>, vector<16xi32> -> vector<16xi32>
    %min3A_330 = arith.minsi %min3A_323, %gather3A_329 : vector<16xi32>
    %swap3A_331 = arith.constant 2 : i32
    %swap3A_332 = arith.index_cast %swap3A_331 : i32 to index
    %swap3A_333 = arith.constant 0 : index
    %swap3A_334 = tpu.vector_load %arg6[%swap3A_332, %swap3A_333] {strides = array<i32>} : memref<8x16xf32, #tpu.memory_space<vmem>>, vector<1x16xf32>,
    %swap3A_335 = vector.shape_cast %swap3A_334 : vector<1x16xf32> to vector<16xf32>
    %swap3A_336 = vector.shape_cast %max3A_234 : vector<16xf32> to vector<1x16xf32>
    tpu.vector_store %arg6[%swap3A_332, %swap3A_333], %swap3A_336 {strides = array<i32>} : memref<8x16xf32, #tpu.memory_space<vmem>>, vector<1x16xf32>,
    %swap3A_337 = arith.constant 3 : i32
    %swap3A_338 = arith.index_cast %swap3A_337 : i32 to index
    %swap3A_339 = arith.constant 0 : index
    %swap3A_340 = tpu.vector_load %arg6[%swap3A_338, %swap3A_339] {strides = array<i32>} : memref<8x16xf32, #tpu.memory_space<vmem>>, vector<1x16xf32>,
    %swap3A_341 = vector.shape_cast %swap3A_340 : vector<1x16xf32> to vector<16xf32>
    %swap3A_342 = vector.shape_cast %max3A_298 : vector<16xf32> to vector<1x16xf32>
    tpu.vector_store %arg6[%swap3A_338, %swap3A_339], %swap3A_342 {strides = array<i32>} : memref<8x16xf32, #tpu.memory_space<vmem>>, vector<1x16xf32>,
    %swap3A_343 = arith.constant 2 : i32
    %swap3A_344 = arith.index_cast %swap3A_343 : i32 to index
    %swap3A_345 = arith.constant 0 : index
    %swap3A_346 = tpu.vector_load %arg7[%swap3A_344, %swap3A_345] {strides = array<i32>} : memref<8x16xi32, #tpu.memory_space<vmem>>, vector<1x16xi32>,
    %swap3A_347 = vector.shape_cast %swap3A_346 : vector<1x16xi32> to vector<16xi32>
    %swap3A_348 = vector.shape_cast %min3A_266 : vector<16xi32> to vector<1x16xi32>
    tpu.vector_store %arg7[%swap3A_344, %swap3A_345], %swap3A_348 {strides = array<i32>} : memref<8x16xi32, #tpu.memory_space<vmem>>, vector<1x16xi32>,
    %swap3A_349 = arith.constant 3 : i32
    %swap3A_350 = arith.index_cast %swap3A_349 : i32 to index
    %swap3A_351 = arith.constant 0 : index
    %swap3A_352 = tpu.vector_load %arg7[%swap3A_350, %swap3A_351] {strides = array<i32>} : memref<8x16xi32, #tpu.memory_space<vmem>>, vector<1x16xi32>,
    %swap3A_353 = vector.shape_cast %swap3A_352 : vector<1x16xi32> to vector<16xi32>
    %swap3A_354 = vector.shape_cast %min3A_330 : vector<16xi32> to vector<1x16xi32>
    tpu.vector_store %arg7[%swap3A_350, %swap3A_351], %swap3A_354 {strides = array<i32>} : memref<8x16xi32, #tpu.memory_space<vmem>>, vector<1x16xi32>,
    %get3A_355 = arith.constant 2 : i32
    %get3A_356 = arith.index_cast %get3A_355 : i32 to index
    %get3A_357 = arith.constant 0 : index
    %get3A_358 = tpu.vector_load %arg5[%get3A_356, %get3A_357] {strides = array<i32>} : memref<4x16xf32, #tpu.memory_space<vmem>>, vector<1x16xf32>,
    %get3A_359 = vector.shape_cast %get3A_358 : vector<1x16xf32> to vector<16xf32>
    %exp3A_360 = math.exp %get3A_359 : vector<16xf32>
    %xor3A_361 = arith.constant 1 : i32
    %xor3A_362 = vector.broadcast %xor3A_361 : i32 to vector<16xi32>
    %xor3A_363 = arith.xori %iota3A, %xor3A_362 : vector<16xi32>
    %broadcast_in_dim3A_364 = vector.shape_cast %xor3A_363 : vector<16xi32> to vector<16x1xi32>
    %gather3A_365 = vector.shape_cast %broadcast_in_dim3A_364 : vector<16x1xi32> to vector<16xi32>
    %gather3A_366 = tpu.dynamic_gather %exp3A_360[%gather3A_365] in [0] : vector<16xf32>, vector<16xi32> -> vector<16xf32>
    %add3A_367 = arith.addf %exp3A_360, %gather3A_366 : vector<16xf32>
    %xor3A_368 = arith.constant 2 : i32
    %xor3A_369 = vector.broadcast %xor3A_368 : i32 to vector<16xi32>
    %xor3A_370 = arith.xori %iota3A, %xor3A_369 : vector<16xi32>
    %broadcast_in_dim3A_371 = vector.shape_cast %xor3A_370 : vector<16xi32> to vector<16x1xi32>
    %gather3A_372 = vector.shape_cast %broadcast_in_dim3A_371 : vector<16x1xi32> to vector<16xi32>
    %gather3A_373 = tpu.dynamic_gather %add3A_367[%gather3A_372] in [0] : vector<16xf32>, vector<16xi32> -> vector<16xf32>
    %add3A_374 = arith.addf %add3A_367, %gather3A_373 : vector<16xf32>
    %xor3A_375 = arith.constant 4 : i32
    %xor3A_376 = vector.broadcast %xor3A_375 : i32 to vector<16xi32>
    %xor3A_377 = arith.xori %iota3A, %xor3A_376 : vector<16xi32>
    %broadcast_in_dim3A_378 = vector.shape_cast %xor3A_377 : vector<16xi32> to vector<16x1xi32>
    %gather3A_379 = vector.shape_cast %broadcast_in_dim3A_378 : vector<16x1xi32> to vector<16xi32>
    %gather3A_380 = tpu.dynamic_gather %add3A_374[%gather3A_379] in [0] : vector<16xf32>, vector<16xi32> -> vector<16xf32>
    %add3A_381 = arith.addf %add3A_374, %gather3A_380 : vector<16xf32>
    %xor3A_382 = arith.constant 8 : i32
    %xor3A_383 = vector.broadcast %xor3A_382 : i32 to vector<16xi32>
    %xor3A_384 = arith.xori %iota3A, %xor3A_383 : vector<16xi32>
    %broadcast_in_dim3A_385 = vector.shape_cast %xor3A_384 : vector<16xi32> to vector<16x1xi32>
    %gather3A_386 = vector.shape_cast %broadcast_in_dim3A_385 : vector<16x1xi32> to vector<16xi32>
    %gather3A_387 = tpu.dynamic_gather %add3A_381[%gather3A_386] in [0] : vector<16xf32>, vector<16xi32> -> vector<16xf32>
    %add3A_388 = arith.addf %add3A_381, %gather3A_387 : vector<16xf32>
    %div3A_389 = arith.divf %exp3A_360, %add3A_388 : vector<16xf32>
    %xor3A_390 = arith.constant 1 : i32
    %xor3A_391 = vector.broadcast %xor3A_390 : i32 to vector<16xi32>
    %xor3A_392 = arith.xori %iota3A, %xor3A_391 : vector<16xi32>
    %broadcast_in_dim3A_393 = vector.shape_cast %xor3A_392 : vector<16xi32> to vector<16x1xi32>
    %gather3A_394 = vector.shape_cast %broadcast_in_dim3A_393 : vector<16x1xi32> to vector<16xi32>
    %gather3A_395 = tpu.dynamic_gather %div3A_389[%gather3A_394] in [0] : vector<16xf32>, vector<16xi32> -> vector<16xf32>
    %max3A_396 = arith.maximumf %div3A_389, %gather3A_395 : vector<16xf32>
    %xor3A_397 = arith.constant 2 : i32
    %xor3A_398 = vector.broadcast %xor3A_397 : i32 to vector<16xi32>
    %xor3A_399 = arith.xori %iota3A, %xor3A_398 : vector<16xi32>
    %broadcast_in_dim3A_400 = vector.shape_cast %xor3A_399 : vector<16xi32> to vector<16x1xi32>
    %gather3A_401 = vector.shape_cast %broadcast_in_dim3A_400 : vector<16x1xi32> to vector<16xi32>
    %gather3A_402 = tpu.dynamic_gather %max3A_396[%gather3A_401] in [0] : vector<16xf32>, vector<16xi32> -> vector<16xf32>
    %max3A_403 = arith.maximumf %max3A_396, %gather3A_402 : vector<16xf32>
    %xor3A_404 = arith.constant 4 : i32
    %xor3A_405 = vector.broadcast %xor3A_404 : i32 to vector<16xi32>
    %xor3A_406 = arith.xori %iota3A, %xor3A_405 : vector<16xi32>
    %broadcast_in_dim3A_407 = vector.shape_cast %xor3A_406 : vector<16xi32> to vector<16x1xi32>
    %gather3A_408 = vector.shape_cast %broadcast_in_dim3A_407 : vector<16x1xi32> to vector<16xi32>
    %gather3A_409 = tpu.dynamic_gather %max3A_403[%gather3A_408] in [0] : vector<16xf32>, vector<16xi32> -> vector<16xf32>
    %max3A_410 = arith.maximumf %max3A_403, %gather3A_409 : vector<16xf32>
    %xor3A_411 = arith.constant 8 : i32
    %xor3A_412 = vector.broadcast %xor3A_411 : i32 to vector<16xi32>
    %xor3A_413 = arith.xori %iota3A, %xor3A_412 : vector<16xi32>
    %broadcast_in_dim3A_414 = vector.shape_cast %xor3A_413 : vector<16xi32> to vector<16x1xi32>
    %gather3A_415 = vector.shape_cast %broadcast_in_dim3A_414 : vector<16x1xi32> to vector<16xi32>
    %gather3A_416 = tpu.dynamic_gather %max3A_410[%gather3A_415] in [0] : vector<16xf32>, vector<16xi32> -> vector<16xf32>
    %max3A_417 = arith.maximumf %max3A_410, %gather3A_416 : vector<16xf32>
    %eq3A_418 = arith.cmpf oeq, %div3A_389, %max3A_417 : vector<16xf32>
    %jit3A_419 = arith.constant 16 : i32
    %broadcast_in_dim3A_420 = vector.broadcast %jit3A_419 : i32 to vector<16xi32>
    %select_n3A_421 = arith.select %eq3A_418, %iota3A, %broadcast_in_dim3A_420 : vector<16xi1>, vector<16xi32>
    %xor3A_422 = arith.constant 1 : i32
    %xor3A_423 = vector.broadcast %xor3A_422 : i32 to vector<16xi32>
    %xor3A_424 = arith.xori %iota3A, %xor3A_423 : vector<16xi32>
    %broadcast_in_dim3A_425 = vector.shape_cast %xor3A_424 : vector<16xi32> to vector<16x1xi32>
    %gather3A_426 = vector.shape_cast %broadcast_in_dim3A_425 : vector<16x1xi32> to vector<16xi32>
    %gather3A_427 = tpu.dynamic_gather %select_n3A_421[%gather3A_426] in [0] : vector<16xi32>, vector<16xi32> -> vector<16xi32>
    %min3A_428 = arith.minsi %select_n3A_421, %gather3A_427 : vector<16xi32>
    %xor3A_429 = arith.constant 2 : i32
    %xor3A_430 = vector.broadcast %xor3A_429 : i32 to vector<16xi32>
    %xor3A_431 = arith.xori %iota3A, %xor3A_430 : vector<16xi32>
    %broadcast_in_dim3A_432 = vector.shape_cast %xor3A_431 : vector<16xi32> to vector<16x1xi32>
    %gather3A_433 = vector.shape_cast %broadcast_in_dim3A_432 : vector<16x1xi32> to vector<16xi32>
    %gather3A_434 = tpu.dynamic_gather %min3A_428[%gather3A_433] in [0] : vector<16xi32>, vector<16xi32> -> vector<16xi32>
    %min3A_435 = arith.minsi %min3A_428, %gather3A_434 : vector<16xi32>
    %xor3A_436 = arith.constant 4 : i32
    %xor3A_437 = vector.broadcast %xor3A_436 : i32 to vector<16xi32>
    %xor3A_438 = arith.xori %iota3A, %xor3A_437 : vector<16xi32>
    %broadcast_in_dim3A_439 = vector.shape_cast %xor3A_438 : vector<16xi32> to vector<16x1xi32>
    %gather3A_440 = vector.shape_cast %broadcast_in_dim3A_439 : vector<16x1xi32> to vector<16xi32>
    %gather3A_441 = tpu.dynamic_gather %min3A_435[%gather3A_440] in [0] : vector<16xi32>, vector<16xi32> -> vector<16xi32>
    %min3A_442 = arith.minsi %min3A_435, %gather3A_441 : vector<16xi32>
    %xor3A_443 = arith.constant 8 : i32
    %xor3A_444 = vector.broadcast %xor3A_443 : i32 to vector<16xi32>
    %xor3A_445 = arith.xori %iota3A, %xor3A_444 : vector<16xi32>
    %broadcast_in_dim3A_446 = vector.shape_cast %xor3A_445 : vector<16xi32> to vector<16x1xi32>
    %gather3A_447 = vector.shape_cast %broadcast_in_dim3A_446 : vector<16x1xi32> to vector<16xi32>
    %gather3A_448 = tpu.dynamic_gather %min3A_442[%gather3A_447] in [0] : vector<16xi32>, vector<16xi32> -> vector<16xi32>
    %min3A_449 = arith.minsi %min3A_442, %gather3A_448 : vector<16xi32>
    %eq3A_450 = arith.cmpi eq, %iota3A, %min3A_449 : vector<16xi32>
    %jit3A_451 = arith.constant -1.000000e+00 : f32
    %broadcast_in_dim3A_452 = vector.broadcast %jit3A_451 : f32 to vector<16xf32>
    %select_n3A_453 = arith.select %eq3A_450, %broadcast_in_dim3A_452, %div3A_389 : vector<16xi1>, vector<16xf32>
    %xor3A_454 = arith.constant 1 : i32
    %xor3A_455 = vector.broadcast %xor3A_454 : i32 to vector<16xi32>
    %xor3A_456 = arith.xori %iota3A, %xor3A_455 : vector<16xi32>
    %broadcast_in_dim3A_457 = vector.shape_cast %xor3A_456 : vector<16xi32> to vector<16x1xi32>
    %gather3A_458 = vector.shape_cast %broadcast_in_dim3A_457 : vector<16x1xi32> to vector<16xi32>
    %gather3A_459 = tpu.dynamic_gather %select_n3A_453[%gather3A_458] in [0] : vector<16xf32>, vector<16xi32> -> vector<16xf32>
    %max3A_460 = arith.maximumf %select_n3A_453, %gather3A_459 : vector<16xf32>
    %xor3A_461 = arith.constant 2 : i32
    %xor3A_462 = vector.broadcast %xor3A_461 : i32 to vector<16xi32>
    %xor3A_463 = arith.xori %iota3A, %xor3A_462 : vector<16xi32>
    %broadcast_in_dim3A_464 = vector.shape_cast %xor3A_463 : vector<16xi32> to vector<16x1xi32>
    %gather3A_465 = vector.shape_cast %broadcast_in_dim3A_464 : vector<16x1xi32> to vector<16xi32>
    %gather3A_466 = tpu.dynamic_gather %max3A_460[%gather3A_465] in [0] : vector<16xf32>, vector<16xi32> -> vector<16xf32>
    %max3A_467 = arith.maximumf %max3A_460, %gather3A_466 : vector<16xf32>
    %xor3A_468 = arith.constant 4 : i32
    %xor3A_469 = vector.broadcast %xor3A_468 : i32 to vector<16xi32>
    %xor3A_470 = arith.xori %iota3A, %xor3A_469 : vector<16xi32>
    %broadcast_in_dim3A_471 = vector.shape_cast %xor3A_470 : vector<16xi32> to vector<16x1xi32>
    %gather3A_472 = vector.shape_cast %broadcast_in_dim3A_471 : vector<16x1xi32> to vector<16xi32>
    %gather3A_473 = tpu.dynamic_gather %max3A_467[%gather3A_472] in [0] : vector<16xf32>, vector<16xi32> -> vector<16xf32>
    %max3A_474 = arith.maximumf %max3A_467, %gather3A_473 : vector<16xf32>
    %xor3A_475 = arith.constant 8 : i32
    %xor3A_476 = vector.broadcast %xor3A_475 : i32 to vector<16xi32>
    %xor3A_477 = arith.xori %iota3A, %xor3A_476 : vector<16xi32>
    %broadcast_in_dim3A_478 = vector.shape_cast %xor3A_477 : vector<16xi32> to vector<16x1xi32>
    %gather3A_479 = vector.shape_cast %broadcast_in_dim3A_478 : vector<16x1xi32> to vector<16xi32>
    %gather3A_480 = tpu.dynamic_gather %max3A_474[%gather3A_479] in [0] : vector<16xf32>, vector<16xi32> -> vector<16xf32>
    %max3A_481 = arith.maximumf %max3A_474, %gather3A_480 : vector<16xf32>
    %eq3A_482 = arith.cmpf oeq, %select_n3A_453, %max3A_481 : vector<16xf32>
    %jit3A_483 = arith.constant 16 : i32
    %broadcast_in_dim3A_484 = vector.broadcast %jit3A_483 : i32 to vector<16xi32>
    %select_n3A_485 = arith.select %eq3A_482, %iota3A, %broadcast_in_dim3A_484 : vector<16xi1>, vector<16xi32>
    %xor3A_486 = arith.constant 1 : i32
    %xor3A_487 = vector.broadcast %xor3A_486 : i32 to vector<16xi32>
    %xor3A_488 = arith.xori %iota3A, %xor3A_487 : vector<16xi32>
    %broadcast_in_dim3A_489 = vector.shape_cast %xor3A_488 : vector<16xi32> to vector<16x1xi32>
    %gather3A_490 = vector.shape_cast %broadcast_in_dim3A_489 : vector<16x1xi32> to vector<16xi32>
    %gather3A_491 = tpu.dynamic_gather %select_n3A_485[%gather3A_490] in [0] : vector<16xi32>, vector<16xi32> -> vector<16xi32>
    %min3A_492 = arith.minsi %select_n3A_485, %gather3A_491 : vector<16xi32>
    %xor3A_493 = arith.constant 2 : i32
    %xor3A_494 = vector.broadcast %xor3A_493 : i32 to vector<16xi32>
    %xor3A_495 = arith.xori %iota3A, %xor3A_494 : vector<16xi32>
    %broadcast_in_dim3A_496 = vector.shape_cast %xor3A_495 : vector<16xi32> to vector<16x1xi32>
    %gather3A_497 = vector.shape_cast %broadcast_in_dim3A_496 : vector<16x1xi32> to vector<16xi32>
    %gather3A_498 = tpu.dynamic_gather %min3A_492[%gather3A_497] in [0] : vector<16xi32>, vector<16xi32> -> vector<16xi32>
    %min3A_499 = arith.minsi %min3A_492, %gather3A_498 : vector<16xi32>
    %xor3A_500 = arith.constant 4 : i32
    %xor3A_501 = vector.broadcast %xor3A_500 : i32 to vector<16xi32>
    %xor3A_502 = arith.xori %iota3A, %xor3A_501 : vector<16xi32>
    %broadcast_in_dim3A_503 = vector.shape_cast %xor3A_502 : vector<16xi32> to vector<16x1xi32>
    %gather3A_504 = vector.shape_cast %broadcast_in_dim3A_503 : vector<16x1xi32> to vector<16xi32>
    %gather3A_505 = tpu.dynamic_gather %min3A_499[%gather3A_504] in [0] : vector<16xi32>, vector<16xi32> -> vector<16xi32>
    %min3A_506 = arith.minsi %min3A_499, %gather3A_505 : vector<16xi32>
    %xor3A_507 = arith.constant 8 : i32
    %xor3A_508 = vector.broadcast %xor3A_507 : i32 to vector<16xi32>
    %xor3A_509 = arith.xori %iota3A, %xor3A_508 : vector<16xi32>
    %broadcast_in_dim3A_510 = vector.shape_cast %xor3A_509 : vector<16xi32> to vector<16x1xi32>
    %gather3A_511 = vector.shape_cast %broadcast_in_dim3A_510 : vector<16x1xi32> to vector<16xi32>
    %gather3A_512 = tpu.dynamic_gather %min3A_506[%gather3A_511] in [0] : vector<16xi32>, vector<16xi32> -> vector<16xi32>
    %min3A_513 = arith.minsi %min3A_506, %gather3A_512 : vector<16xi32>
    %swap3A_514 = arith.constant 4 : i32
    %swap3A_515 = arith.index_cast %swap3A_514 : i32 to index
    %swap3A_516 = arith.constant 0 : index
    %swap3A_517 = tpu.vector_load %arg6[%swap3A_515, %swap3A_516] {strides = array<i32>} : memref<8x16xf32, #tpu.memory_space<vmem>>, vector<1x16xf32>,
    %swap3A_518 = vector.shape_cast %swap3A_517 : vector<1x16xf32> to vector<16xf32>
    %swap3A_519 = vector.shape_cast %max3A_417 : vector<16xf32> to vector<1x16xf32>
    tpu.vector_store %arg6[%swap3A_515, %swap3A_516], %swap3A_519 {strides = array<i32>} : memref<8x16xf32, #tpu.memory_space<vmem>>, vector<1x16xf32>,
    %swap3A_520 = arith.constant 5 : i32
    %swap3A_521 = arith.index_cast %swap3A_520 : i32 to index
    %swap3A_522 = arith.constant 0 : index
    %swap3A_523 = tpu.vector_load %arg6[%swap3A_521, %swap3A_522] {strides = array<i32>} : memref<8x16xf32, #tpu.memory_space<vmem>>, vector<1x16xf32>,
    %swap3A_524 = vector.shape_cast %swap3A_523 : vector<1x16xf32> to vector<16xf32>
    %swap3A_525 = vector.shape_cast %max3A_481 : vector<16xf32> to vector<1x16xf32>
    tpu.vector_store %arg6[%swap3A_521, %swap3A_522], %swap3A_525 {strides = array<i32>} : memref<8x16xf32, #tpu.memory_space<vmem>>, vector<1x16xf32>,
    %swap3A_526 = arith.constant 4 : i32
    %swap3A_527 = arith.index_cast %swap3A_526 : i32 to index
    %swap3A_528 = arith.constant 0 : index
    %swap3A_529 = tpu.vector_load %arg7[%swap3A_527, %swap3A_528] {strides = array<i32>} : memref<8x16xi32, #tpu.memory_space<vmem>>, vector<1x16xi32>,
    %swap3A_530 = vector.shape_cast %swap3A_529 : vector<1x16xi32> to vector<16xi32>
    %swap3A_531 = vector.shape_cast %min3A_449 : vector<16xi32> to vector<1x16xi32>
    tpu.vector_store %arg7[%swap3A_527, %swap3A_528], %swap3A_531 {strides = array<i32>} : memref<8x16xi32, #tpu.memory_space<vmem>>, vector<1x16xi32>,
    %swap3A_532 = arith.constant 5 : i32
    %swap3A_533 = arith.index_cast %swap3A_532 : i32 to index
    %swap3A_534 = arith.constant 0 : index
    %swap3A_535 = tpu.vector_load %arg7[%swap3A_533, %swap3A_534] {strides = array<i32>} : memref<8x16xi32, #tpu.memory_space<vmem>>, vector<1x16xi32>,
    %swap3A_536 = vector.shape_cast %swap3A_535 : vector<1x16xi32> to vector<16xi32>
    %swap3A_537 = vector.shape_cast %min3A_513 : vector<16xi32> to vector<1x16xi32>
    tpu.vector_store %arg7[%swap3A_533, %swap3A_534], %swap3A_537 {strides = array<i32>} : memref<8x16xi32, #tpu.memory_space<vmem>>, vector<1x16xi32>,
    %get3A_538 = arith.constant 3 : i32
    %get3A_539 = arith.index_cast %get3A_538 : i32 to index
    %get3A_540 = arith.constant 0 : index
    %get3A_541 = tpu.vector_load %arg5[%get3A_539, %get3A_540] {strides = array<i32>} : memref<4x16xf32, #tpu.memory_space<vmem>>, vector<1x16xf32>,
    %get3A_542 = vector.shape_cast %get3A_541 : vector<1x16xf32> to vector<16xf32>
    %exp3A_543 = math.exp %get3A_542 : vector<16xf32>
    %xor3A_544 = arith.constant 1 : i32
    %xor3A_545 = vector.broadcast %xor3A_544 : i32 to vector<16xi32>
    %xor3A_546 = arith.xori %iota3A, %xor3A_545 : vector<16xi32>
    %broadcast_in_dim3A_547 = vector.shape_cast %xor3A_546 : vector<16xi32> to vector<16x1xi32>
    %gather3A_548 = vector.shape_cast %broadcast_in_dim3A_547 : vector<16x1xi32> to vector<16xi32>
    %gather3A_549 = tpu.dynamic_gather %exp3A_543[%gather3A_548] in [0] : vector<16xf32>, vector<16xi32> -> vector<16xf32>
    %add3A_550 = arith.addf %exp3A_543, %gather3A_549 : vector<16xf32>
    %xor3A_551 = arith.constant 2 : i32
    %xor3A_552 = vector.broadcast %xor3A_551 : i32 to vector<16xi32>
    %xor3A_553 = arith.xori %iota3A, %xor3A_552 : vector<16xi32>
    %broadcast_in_dim3A_554 = vector.shape_cast %xor3A_553 : vector<16xi32> to vector<16x1xi32>
    %gather3A_555 = vector.shape_cast %broadcast_in_dim3A_554 : vector<16x1xi32> to vector<16xi32>
    %gather3A_556 = tpu.dynamic_gather %add3A_550[%gather3A_555] in [0] : vector<16xf32>, vector<16xi32> -> vector<16xf32>
    %add3A_557 = arith.addf %add3A_550, %gather3A_556 : vector<16xf32>
    %xor3A_558 = arith.constant 4 : i32
    %xor3A_559 = vector.broadcast %xor3A_558 : i32 to vector<16xi32>
    %xor3A_560 = arith.xori %iota3A, %xor3A_559 : vector<16xi32>
    %broadcast_in_dim3A_561 = vector.shape_cast %xor3A_560 : vector<16xi32> to vector<16x1xi32>
    %gather3A_562 = vector.shape_cast %broadcast_in_dim3A_561 : vector<16x1xi32> to vector<16xi32>
    %gather3A_563 = tpu.dynamic_gather %add3A_557[%gather3A_562] in [0] : vector<16xf32>, vector<16xi32> -> vector<16xf32>
    %add3A_564 = arith.addf %add3A_557, %gather3A_563 : vector<16xf32>
    %xor3A_565 = arith.constant 8 : i32
    %xor3A_566 = vector.broadcast %xor3A_565 : i32 to vector<16xi32>
    %xor3A_567 = arith.xori %iota3A, %xor3A_566 : vector<16xi32>
    %broadcast_in_dim3A_568 = vector.shape_cast %xor3A_567 : vector<16xi32> to vector<16x1xi32>
    %gather3A_569 = vector.shape_cast %broadcast_in_dim3A_568 : vector<16x1xi32> to vector<16xi32>
    %gather3A_570 = tpu.dynamic_gather %add3A_564[%gather3A_569] in [0] : vector<16xf32>, vector<16xi32> -> vector<16xf32>
    %add3A_571 = arith.addf %add3A_564, %gather3A_570 : vector<16xf32>
    %div3A_572 = arith.divf %exp3A_543, %add3A_571 : vector<16xf32>
    %xor3A_573 = arith.constant 1 : i32
    %xor3A_574 = vector.broadcast %xor3A_573 : i32 to vector<16xi32>
    %xor3A_575 = arith.xori %iota3A, %xor3A_574 : vector<16xi32>
    %broadcast_in_dim3A_576 = vector.shape_cast %xor3A_575 : vector<16xi32> to vector<16x1xi32>
    %gather3A_577 = vector.shape_cast %broadcast_in_dim3A_576 : vector<16x1xi32> to vector<16xi32>
    %gather3A_578 = tpu.dynamic_gather %div3A_572[%gather3A_577] in [0] : vector<16xf32>, vector<16xi32> -> vector<16xf32>
    %max3A_579 = arith.maximumf %div3A_572, %gather3A_578 : vector<16xf32>
    %xor3A_580 = arith.constant 2 : i32
    %xor3A_581 = vector.broadcast %xor3A_580 : i32 to vector<16xi32>
    %xor3A_582 = arith.xori %iota3A, %xor3A_581 : vector<16xi32>
    %broadcast_in_dim3A_583 = vector.shape_cast %xor3A_582 : vector<16xi32> to vector<16x1xi32>
    %gather3A_584 = vector.shape_cast %broadcast_in_dim3A_583 : vector<16x1xi32> to vector<16xi32>
    %gather3A_585 = tpu.dynamic_gather %max3A_579[%gather3A_584] in [0] : vector<16xf32>, vector<16xi32> -> vector<16xf32>
    %max3A_586 = arith.maximumf %max3A_579, %gather3A_585 : vector<16xf32>
    %xor3A_587 = arith.constant 4 : i32
    %xor3A_588 = vector.broadcast %xor3A_587 : i32 to vector<16xi32>
    %xor3A_589 = arith.xori %iota3A, %xor3A_588 : vector<16xi32>
    %broadcast_in_dim3A_590 = vector.shape_cast %xor3A_589 : vector<16xi32> to vector<16x1xi32>
    %gather3A_591 = vector.shape_cast %broadcast_in_dim3A_590 : vector<16x1xi32> to vector<16xi32>
    %gather3A_592 = tpu.dynamic_gather %max3A_586[%gather3A_591] in [0] : vector<16xf32>, vector<16xi32> -> vector<16xf32>
    %max3A_593 = arith.maximumf %max3A_586, %gather3A_592 : vector<16xf32>
    %xor3A_594 = arith.constant 8 : i32
    %xor3A_595 = vector.broadcast %xor3A_594 : i32 to vector<16xi32>
    %xor3A_596 = arith.xori %iota3A, %xor3A_595 : vector<16xi32>
    %broadcast_in_dim3A_597 = vector.shape_cast %xor3A_596 : vector<16xi32> to vector<16x1xi32>
    %gather3A_598 = vector.shape_cast %broadcast_in_dim3A_597 : vector<16x1xi32> to vector<16xi32>
    %gather3A_599 = tpu.dynamic_gather %max3A_593[%gather3A_598] in [0] : vector<16xf32>, vector<16xi32> -> vector<16xf32>
    %max3A_600 = arith.maximumf %max3A_593, %gather3A_599 : vector<16xf32>
    %eq3A_601 = arith.cmpf oeq, %div3A_572, %max3A_600 : vector<16xf32>
    %jit3A_602 = arith.constant 16 : i32
    %broadcast_in_dim3A_603 = vector.broadcast %jit3A_602 : i32 to vector<16xi32>
    %select_n3A_604 = arith.select %eq3A_601, %iota3A, %broadcast_in_dim3A_603 : vector<16xi1>, vector<16xi32>
    %xor3A_605 = arith.constant 1 : i32
    %xor3A_606 = vector.broadcast %xor3A_605 : i32 to vector<16xi32>
    %xor3A_607 = arith.xori %iota3A, %xor3A_606 : vector<16xi32>
    %broadcast_in_dim3A_608 = vector.shape_cast %xor3A_607 : vector<16xi32> to vector<16x1xi32>
    %gather3A_609 = vector.shape_cast %broadcast_in_dim3A_608 : vector<16x1xi32> to vector<16xi32>
    %gather3A_610 = tpu.dynamic_gather %select_n3A_604[%gather3A_609] in [0] : vector<16xi32>, vector<16xi32> -> vector<16xi32>
    %min3A_611 = arith.minsi %select_n3A_604, %gather3A_610 : vector<16xi32>
    %xor3A_612 = arith.constant 2 : i32
    %xor3A_613 = vector.broadcast %xor3A_612 : i32 to vector<16xi32>
    %xor3A_614 = arith.xori %iota3A, %xor3A_613 : vector<16xi32>
    %broadcast_in_dim3A_615 = vector.shape_cast %xor3A_614 : vector<16xi32> to vector<16x1xi32>
    %gather3A_616 = vector.shape_cast %broadcast_in_dim3A_615 : vector<16x1xi32> to vector<16xi32>
    %gather3A_617 = tpu.dynamic_gather %min3A_611[%gather3A_616] in [0] : vector<16xi32>, vector<16xi32> -> vector<16xi32>
    %min3A_618 = arith.minsi %min3A_611, %gather3A_617 : vector<16xi32>
    %xor3A_619 = arith.constant 4 : i32
    %xor3A_620 = vector.broadcast %xor3A_619 : i32 to vector<16xi32>
    %xor3A_621 = arith.xori %iota3A, %xor3A_620 : vector<16xi32>
    %broadcast_in_dim3A_622 = vector.shape_cast %xor3A_621 : vector<16xi32> to vector<16x1xi32>
    %gather3A_623 = vector.shape_cast %broadcast_in_dim3A_622 : vector<16x1xi32> to vector<16xi32>
    %gather3A_624 = tpu.dynamic_gather %min3A_618[%gather3A_623] in [0] : vector<16xi32>, vector<16xi32> -> vector<16xi32>
    %min3A_625 = arith.minsi %min3A_618, %gather3A_624 : vector<16xi32>
    %xor3A_626 = arith.constant 8 : i32
    %xor3A_627 = vector.broadcast %xor3A_626 : i32 to vector<16xi32>
    %xor3A_628 = arith.xori %iota3A, %xor3A_627 : vector<16xi32>
    %broadcast_in_dim3A_629 = vector.shape_cast %xor3A_628 : vector<16xi32> to vector<16x1xi32>
    %gather3A_630 = vector.shape_cast %broadcast_in_dim3A_629 : vector<16x1xi32> to vector<16xi32>
    %gather3A_631 = tpu.dynamic_gather %min3A_625[%gather3A_630] in [0] : vector<16xi32>, vector<16xi32> -> vector<16xi32>
    %min3A_632 = arith.minsi %min3A_625, %gather3A_631 : vector<16xi32>
    %eq3A_633 = arith.cmpi eq, %iota3A, %min3A_632 : vector<16xi32>
    %jit3A_634 = arith.constant -1.000000e+00 : f32
    %broadcast_in_dim3A_635 = vector.broadcast %jit3A_634 : f32 to vector<16xf32>
    %select_n3A_636 = arith.select %eq3A_633, %broadcast_in_dim3A_635, %div3A_572 : vector<16xi1>, vector<16xf32>
    %xor3A_637 = arith.constant 1 : i32
    %xor3A_638 = vector.broadcast %xor3A_637 : i32 to vector<16xi32>
    %xor3A_639 = arith.xori %iota3A, %xor3A_638 : vector<16xi32>
    %broadcast_in_dim3A_640 = vector.shape_cast %xor3A_639 : vector<16xi32> to vector<16x1xi32>
    %gather3A_641 = vector.shape_cast %broadcast_in_dim3A_640 : vector<16x1xi32> to vector<16xi32>
    %gather3A_642 = tpu.dynamic_gather %select_n3A_636[%gather3A_641] in [0] : vector<16xf32>, vector<16xi32> -> vector<16xf32>
    %max3A_643 = arith.maximumf %select_n3A_636, %gather3A_642 : vector<16xf32>
    %xor3A_644 = arith.constant 2 : i32
    %xor3A_645 = vector.broadcast %xor3A_644 : i32 to vector<16xi32>
    %xor3A_646 = arith.xori %iota3A, %xor3A_645 : vector<16xi32>
    %broadcast_in_dim3A_647 = vector.shape_cast %xor3A_646 : vector<16xi32> to vector<16x1xi32>
    %gather3A_648 = vector.shape_cast %broadcast_in_dim3A_647 : vector<16x1xi32> to vector<16xi32>
    %gather3A_649 = tpu.dynamic_gather %max3A_643[%gather3A_648] in [0] : vector<16xf32>, vector<16xi32> -> vector<16xf32>
    %max3A_650 = arith.maximumf %max3A_643, %gather3A_649 : vector<16xf32>
    %xor3A_651 = arith.constant 4 : i32
    %xor3A_652 = vector.broadcast %xor3A_651 : i32 to vector<16xi32>
    %xor3A_653 = arith.xori %iota3A, %xor3A_652 : vector<16xi32>
    %broadcast_in_dim3A_654 = vector.shape_cast %xor3A_653 : vector<16xi32> to vector<16x1xi32>
    %gather3A_655 = vector.shape_cast %broadcast_in_dim3A_654 : vector<16x1xi32> to vector<16xi32>
    %gather3A_656 = tpu.dynamic_gather %max3A_650[%gather3A_655] in [0] : vector<16xf32>, vector<16xi32> -> vector<16xf32>
    %max3A_657 = arith.maximumf %max3A_650, %gather3A_656 : vector<16xf32>
    %xor3A_658 = arith.constant 8 : i32
    %xor3A_659 = vector.broadcast %xor3A_658 : i32 to vector<16xi32>
    %xor3A_660 = arith.xori %iota3A, %xor3A_659 : vector<16xi32>
    %broadcast_in_dim3A_661 = vector.shape_cast %xor3A_660 : vector<16xi32> to vector<16x1xi32>
    %gather3A_662 = vector.shape_cast %broadcast_in_dim3A_661 : vector<16x1xi32> to vector<16xi32>
    %gather3A_663 = tpu.dynamic_gather %max3A_657[%gather3A_662] in [0] : vector<16xf32>, vector<16xi32> -> vector<16xf32>
    %max3A_664 = arith.maximumf %max3A_657, %gather3A_663 : vector<16xf32>
    %eq3A_665 = arith.cmpf oeq, %select_n3A_636, %max3A_664 : vector<16xf32>
    %jit3A_666 = arith.constant 16 : i32
    %broadcast_in_dim3A_667 = vector.broadcast %jit3A_666 : i32 to vector<16xi32>
    %select_n3A_668 = arith.select %eq3A_665, %iota3A, %broadcast_in_dim3A_667 : vector<16xi1>, vector<16xi32>
    %xor3A_669 = arith.constant 1 : i32
    %xor3A_670 = vector.broadcast %xor3A_669 : i32 to vector<16xi32>
    %xor3A_671 = arith.xori %iota3A, %xor3A_670 : vector<16xi32>
    %broadcast_in_dim3A_672 = vector.shape_cast %xor3A_671 : vector<16xi32> to vector<16x1xi32>
    %gather3A_673 = vector.shape_cast %broadcast_in_dim3A_672 : vector<16x1xi32> to vector<16xi32>
    %gather3A_674 = tpu.dynamic_gather %select_n3A_668[%gather3A_673] in [0] : vector<16xi32>, vector<16xi32> -> vector<16xi32>
    %min3A_675 = arith.minsi %select_n3A_668, %gather3A_674 : vector<16xi32>
    %xor3A_676 = arith.constant 2 : i32
    %xor3A_677 = vector.broadcast %xor3A_676 : i32 to vector<16xi32>
    %xor3A_678 = arith.xori %iota3A, %xor3A_677 : vector<16xi32>
    %broadcast_in_dim3A_679 = vector.shape_cast %xor3A_678 : vector<16xi32> to vector<16x1xi32>
    %gather3A_680 = vector.shape_cast %broadcast_in_dim3A_679 : vector<16x1xi32> to vector<16xi32>
    %gather3A_681 = tpu.dynamic_gather %min3A_675[%gather3A_680] in [0] : vector<16xi32>, vector<16xi32> -> vector<16xi32>
    %min3A_682 = arith.minsi %min3A_675, %gather3A_681 : vector<16xi32>
    %xor3A_683 = arith.constant 4 : i32
    %xor3A_684 = vector.broadcast %xor3A_683 : i32 to vector<16xi32>
    %xor3A_685 = arith.xori %iota3A, %xor3A_684 : vector<16xi32>
    %broadcast_in_dim3A_686 = vector.shape_cast %xor3A_685 : vector<16xi32> to vector<16x1xi32>
    %gather3A_687 = vector.shape_cast %broadcast_in_dim3A_686 : vector<16x1xi32> to vector<16xi32>
    %gather3A_688 = tpu.dynamic_gather %min3A_682[%gather3A_687] in [0] : vector<16xi32>, vector<16xi32> -> vector<16xi32>
    %min3A_689 = arith.minsi %min3A_682, %gather3A_688 : vector<16xi32>
    %xor3A_690 = arith.constant 8 : i32
    %xor3A_691 = vector.broadcast %xor3A_690 : i32 to vector<16xi32>
    %xor3A_692 = arith.xori %iota3A, %xor3A_691 : vector<16xi32>
    %broadcast_in_dim3A_693 = vector.shape_cast %xor3A_692 : vector<16xi32> to vector<16x1xi32>
    %gather3A_694 = vector.shape_cast %broadcast_in_dim3A_693 : vector<16x1xi32> to vector<16xi32>
    %gather3A_695 = tpu.dynamic_gather %min3A_689[%gather3A_694] in [0] : vector<16xi32>, vector<16xi32> -> vector<16xi32>
    %min3A_696 = arith.minsi %min3A_689, %gather3A_695 : vector<16xi32>
    %swap3A_697 = arith.constant 6 : i32
    %swap3A_698 = arith.index_cast %swap3A_697 : i32 to index
    %swap3A_699 = arith.constant 0 : index
    %swap3A_700 = tpu.vector_load %arg6[%swap3A_698, %swap3A_699] {strides = array<i32>} : memref<8x16xf32, #tpu.memory_space<vmem>>, vector<1x16xf32>,
    %swap3A_701 = vector.shape_cast %swap3A_700 : vector<1x16xf32> to vector<16xf32>
    %swap3A_702 = vector.shape_cast %max3A_600 : vector<16xf32> to vector<1x16xf32>
    tpu.vector_store %arg6[%swap3A_698, %swap3A_699], %swap3A_702 {strides = array<i32>} : memref<8x16xf32, #tpu.memory_space<vmem>>, vector<1x16xf32>,
    %swap3A_703 = arith.constant 7 : i32
    %swap3A_704 = arith.index_cast %swap3A_703 : i32 to index
    %swap3A_705 = arith.constant 0 : index
    %swap3A_706 = tpu.vector_load %arg6[%swap3A_704, %swap3A_705] {strides = array<i32>} : memref<8x16xf32, #tpu.memory_space<vmem>>, vector<1x16xf32>,
    %swap3A_707 = vector.shape_cast %swap3A_706 : vector<1x16xf32> to vector<16xf32>
    %swap3A_708 = vector.shape_cast %max3A_664 : vector<16xf32> to vector<1x16xf32>
    tpu.vector_store %arg6[%swap3A_704, %swap3A_705], %swap3A_708 {strides = array<i32>} : memref<8x16xf32, #tpu.memory_space<vmem>>, vector<1x16xf32>,
    %swap3A_709 = arith.constant 6 : i32
    %swap3A_710 = arith.index_cast %swap3A_709 : i32 to index
    %swap3A_711 = arith.constant 0 : index
    %swap3A_712 = tpu.vector_load %arg7[%swap3A_710, %swap3A_711] {strides = array<i32>} : memref<8x16xi32, #tpu.memory_space<vmem>>, vector<1x16xi32>,
    %swap3A_713 = vector.shape_cast %swap3A_712 : vector<1x16xi32> to vector<16xi32>
    %swap3A_714 = vector.shape_cast %min3A_632 : vector<16xi32> to vector<1x16xi32>
    tpu.vector_store %arg7[%swap3A_710, %swap3A_711], %swap3A_714 {strides = array<i32>} : memref<8x16xi32, #tpu.memory_space<vmem>>, vector<1x16xi32>,
    %swap3A_715 = arith.constant 7 : i32
    %swap3A_716 = arith.index_cast %swap3A_715 : i32 to index
    %swap3A_717 = arith.constant 0 : index
    %swap3A_718 = tpu.vector_load %arg7[%swap3A_716, %swap3A_717] {strides = array<i32>} : memref<8x16xi32, #tpu.memory_space<vmem>>, vector<1x16xi32>,
    %swap3A_719 = vector.shape_cast %swap3A_718 : vector<1x16xi32> to vector<16xi32>
    %swap3A_720 = vector.shape_cast %min3A_696 : vector<16xi32> to vector<1x16xi32>
    tpu.vector_store %arg7[%swap3A_716, %swap3A_717], %swap3A_720 {strides = array<i32>} : memref<8x16xi32, #tpu.memory_space<vmem>>, vector<1x16xi32>,
    %add3A_721 = arith.constant 0 : i32
    %add3A_722 = arith.addi %add3A, %add3A_721 : i32
    %lt3A = arith.constant 80 : i32
    %lt3A_723 = arith.cmpi slt, %add3A_722, %lt3A : i32
    %convert_element_type3A = arith.extui %lt3A_723 : i1 to i32
    %cond3A = arith.constant 0 : i32
    %cond3A_724 = arith.cmpi ne, %convert_element_type3A, %cond3A : i32
    scf.if %cond3A_724 {
      %jit3A_739 = arith.constant 10 : i32
      %div3A_740 = arith.divsi %add3A_722, %jit3A_739 : i32
      %sign3A = arith.constant 0 : i32
      %sign3A_741 = arith.cmpi sgt, %add3A_722, %sign3A : i32
      %sign3A_742 = arith.extui %sign3A_741 : i1 to i32
      %sign3A_743 = arith.constant 0 : i32
      %sign3A_744 = arith.cmpi slt, %add3A_722, %sign3A_743 : i32
      %sign3A_745 = arith.extui %sign3A_744 : i1 to i32
      %sign3A_746 = arith.subi %sign3A_742, %sign3A_745 : i32
      %sign3A_747 = arith.constant 0 : i32
      %sign3A_748 = arith.cmpi sgt, %jit3A_739, %sign3A_747 : i32
      %sign3A_749 = arith.extui %sign3A_748 : i1 to i32
      %sign3A_750 = arith.constant 0 : i32
      %sign3A_751 = arith.cmpi slt, %jit3A_739, %sign3A_750 : i32
      %sign3A_752 = arith.extui %sign3A_751 : i1 to i32
      %sign3A_753 = arith.subi %sign3A_749, %sign3A_752 : i32
      %ne3A = arith.cmpi ne, %sign3A_746, %sign3A_753 : i32
      %rem3A = arith.remsi %add3A_722, %jit3A_739 : i32
      %ne3A_754 = arith.constant 0 : i32
      %ne3A_755 = arith.cmpi ne, %rem3A, %ne3A_754 : i32
      %and3A = arith.andi %ne3A, %ne3A_755 : i1
      %sub3A = arith.constant 1 : i32
      %sub3A_756 = arith.subi %div3A_740, %sub3A : i32
      %select_n3A_757 = arith.select %and3A, %sub3A_756, %div3A_740 : i32
      %mul3A_758 = arith.constant 10 : i32
      %mul3A_759 = arith.muli %select_n3A_757, %mul3A_758 : i32
      %sub3A_760 = arith.subi %add3A_722, %mul3A_759 : i32
      %get3A_761 = arith.index_cast %select_n3A_757 : i32 to index
      %get3A_762 = arith.constant 0 : index
      %get3A_763 = tpu.vector_load %arg6[%get3A_761, %get3A_762] {strides = array<i32>} : memref<8x16xf32, #tpu.memory_space<vmem>>, vector<1x16xf32>,
      %get3A_764 = vector.shape_cast %get3A_763 : vector<1x16xf32> to vector<16xf32>
      %get3A_765 = arith.index_cast %select_n3A_757 : i32 to index
      %get3A_766 = arith.constant 0 : index
      %get3A_767 = tpu.vector_load %arg7[%get3A_765, %get3A_766] {strides = array<i32>} : memref<8x16xi32, #tpu.memory_space<vmem>>, vector<1x16xi32>,
      %get3A_768 = vector.shape_cast %get3A_767 : vector<1x16xi32> to vector<16xi32>
      %mul3A_769 = arith.constant 10 : i32
      %mul3A_770 = vector.broadcast %mul3A_769 : i32 to vector<16xi32>
      %mul3A_771 = arith.muli %get3A_768, %mul3A_770 : vector<16xi32>
      %add3A_772 = vector.broadcast %sub3A_760 : i32 to vector<16xi32>
      %add3A_773 = arith.addi %mul3A_771, %add3A_772 : vector<16xi32>
      %swap3A_774 = arith.constant 0 : index
      %swap3A_775 = tpu.vector_load %arg8[%swap3A_774] {strides = array<i32>} : memref<16xi32, #tpu.memory_space<vmem>>, vector<16xi32>,
      %swap3A_776 = vector.shape_cast %swap3A_775 : vector<16xi32> to vector<16xi32>
      %swap3A_777 = vector.shape_cast %add3A_773 : vector<16xi32> to vector<16xi32>
      tpu.vector_store %arg8[%swap3A_774], %swap3A_777 {strides = array<i32>} : memref<16xi32, #tpu.memory_space<vmem>>, vector<16xi32>,
      %dma_start3A = arith.constant 0 : i32
      %dma_start3A_778 = arith.constant 0 : i32
      %dma_start3A_779 = tpu.memref_slice %arg3[%dma_start3A, %dma_start3A_778] : memref<160x1024xf32, #tpu.memory_space<hbm>> -> memref<160x1024xf32, #tpu.memory_space<hbm>>
      tpu.enqueue_indirect_dma source(%dma_start3A_779 : memref<160x1024xf32, #tpu.memory_space<hbm>>) target(%arg9 : memref<16x1024xf32, #tpu.memory_space<vmem>>) offsets(%arg8 : memref<16xi32, #tpu.memory_space<vmem>>) semaphore(%arg10 : memref<!tpu.dma_semaphore, #tpu.memory_space<semaphore_mem>>)
      %dma_wait3A = arith.constant 0 : i32
      %dma_wait3A_780 = arith.constant 0 : i32
      %dma_wait3A_781 = tpu.memref_slice %arg3[%dma_wait3A, %dma_wait3A_780] : memref<160x1024xf32, #tpu.memory_space<hbm>> -> memref<160x1024xf32, #tpu.memory_space<hbm>>
      tpu.wait_indirect_dma semaphore(%arg10 : memref<!tpu.dma_semaphore, #tpu.memory_space<semaphore_mem>>) src(%dma_wait3A_781 : memref<160x1024xf32, #tpu.memory_space<hbm>>) dst(%arg9 : memref<16x1024xf32, #tpu.memory_space<vmem>>)
      %get3A_782 = arith.constant 0 : i32
      %get3A_783 = arith.index_cast %get3A_782 : i32 to index
      %get3A_784 = arith.constant 0 : index
      %get3A_785 = tpu.vector_load %arg9[%get3A_783, %get3A_784] {strides = array<i32>} : memref<16x1024xf32, #tpu.memory_space<vmem>>, vector<1x16xf32>,
      %get3A_786 = vector.shape_cast %get3A_785 : vector<1x16xf32> to vector<16xf32>
      %mul3A_787 = arith.mulf %get3A_786, %get3A_764 : vector<16xf32>
      %swap3A_788 = arith.constant 0 : i32
      %swap3A_789 = arith.index_cast %swap3A_788 : i32 to index
      %swap3A_790 = arith.constant 0 : index
      %swap3A_791 = tpu.vector_load %arg9[%swap3A_789, %swap3A_790] {strides = array<i32>} : memref<16x1024xf32, #tpu.memory_space<vmem>>, vector<1x16xf32>,
      %swap3A_792 = vector.shape_cast %swap3A_791 : vector<1x16xf32> to vector<16xf32>
      %swap3A_793 = vector.shape_cast %mul3A_787 : vector<16xf32> to vector<1x16xf32>
      tpu.vector_store %arg9[%swap3A_789, %swap3A_790], %swap3A_793 {strides = array<i32>} : memref<16x1024xf32, #tpu.memory_space<vmem>>, vector<1x16xf32>,
      %get3A_794 = arith.constant 0 : i32
      %get3A_795 = arith.index_cast %get3A_794 : i32 to index
      %get3A_796 = arith.constant 16 : index
      %get3A_797 = tpu.vector_load %arg9[%get3A_795, %get3A_796] {strides = array<i32>} : memref<16x1024xf32, #tpu.memory_space<vmem>>, vector<1x16xf32>,
      %get3A_798 = vector.shape_cast %get3A_797 : vector<1x16xf32> to vector<16xf32>
      %mul3A_799 = arith.mulf %get3A_798, %get3A_764 : vector<16xf32>
      %swap3A_800 = arith.constant 0 : i32
      %swap3A_801 = arith.index_cast %swap3A_800 : i32 to index
      %swap3A_802 = arith.constant 16 : index
      %swap3A_803 = tpu.vector_load %arg9[%swap3A_801, %swap3A_802] {strides = array<i32>} : memref<16x1024xf32, #tpu.memory_space<vmem>>, vector<1x16xf32>,
      %swap3A_804 = vector.shape_cast %swap3A_803 : vector<1x16xf32> to vector<16xf32>
      %swap3A_805 = vector.shape_cast %mul3A_799 : vector<16xf32> to vector<1x16xf32>
      tpu.vector_store %arg9[%swap3A_801, %swap3A_802], %swap3A_805 {strides = array<i32>} : memref<16x1024xf32, #tpu.memory_space<vmem>>, vector<1x16xf32>,
      %get3A_806 = arith.constant 0 : i32
      %get3A_807 = arith.index_cast %get3A_806 : i32 to index
      %get3A_808 = arith.constant 32 : index
      %get3A_809 = tpu.vector_load %arg9[%get3A_807, %get3A_808] {strides = array<i32>} : memref<16x1024xf32, #tpu.memory_space<vmem>>, vector<1x16xf32>,
      %get3A_810 = vector.shape_cast %get3A_809 : vector<1x16xf32> to vector<16xf32>
      %mul3A_811 = arith.mulf %get3A_810, %get3A_764 : vector<16xf32>
      %swap3A_812 = arith.constant 0 : i32
      %swap3A_813 = arith.index_cast %swap3A_812 : i32 to index
      %swap3A_814 = arith.constant 32 : index
      %swap3A_815 = tpu.vector_load %arg9[%swap3A_813, %swap3A_814] {strides = array<i32>} : memref<16x1024xf32, #tpu.memory_space<vmem>>, vector<1x16xf32>,
      %swap3A_816 = vector.shape_cast %swap3A_815 : vector<1x16xf32> to vector<16xf32>
      %swap3A_817 = vector.shape_cast %mul3A_811 : vector<16xf32> to vector<1x16xf32>
      tpu.vector_store %arg9[%swap3A_813, %swap3A_814], %swap3A_817 {strides = array<i32>} : memref<16x1024xf32, #tpu.memory_space<vmem>>, vector<1x16xf32>,
      %get3A_818 = arith.constant 0 : i32
      %get3A_819 = arith.index_cast %get3A_818 : i32 to index
      %get3A_820 = arith.constant 48 : index
      %get3A_821 = tpu.vector_load %arg9[%get3A_819, %get3A_820] {strides = array<i32>} : memref<16x1024xf32, #tpu.memory_space<vmem>>, vector<1x16xf32>,
      %get3A_822 = vector.shape_cast %get3A_821 : vector<1x16xf32> to vector<16xf32>
      %mul3A_823 = arith.mulf %get3A_822, %get3A_764 : vector<16xf32>
      %swap3A_824 = arith.constant 0 : i32
      %swap3A_825 = arith.index_cast %swap3A_824 : i32 to index
      %swap3A_826 = arith.constant 48 : index
      %swap3A_827 = tpu.vector_load %arg9[%swap3A_825, %swap3A_826] {strides = array<i32>} : memref<16x1024xf32, #tpu.memory_space<vmem>>, vector<1x16xf32>,
      %swap3A_828 = vector.shape_cast %swap3A_827 : vector<1x16xf32> to vector<16xf32>
      %swap3A_829 = vector.shape_cast %mul3A_823 : vector<16xf32> to vector<1x16xf32>
      tpu.vector_store %arg9[%swap3A_825, %swap3A_826], %swap3A_829 {strides = array<i32>} : memref<16x1024xf32, #tpu.memory_space<vmem>>, vector<1x16xf32>,
      %get3A_830 = arith.constant 0 : i32
      %get3A_831 = arith.index_cast %get3A_830 : i32 to index
      %get3A_832 = arith.constant 64 : index
      %get3A_833 = tpu.vector_load %arg9[%get3A_831, %get3A_832] {strides = array<i32>} : memref<16x1024xf32, #tpu.memory_space<vmem>>, vector<1x16xf32>,
      %get3A_834 = vector.shape_cast %get3A_833 : vector<1x16xf32> to vector<16xf32>
      %mul3A_835 = arith.mulf %get3A_834, %get3A_764 : vector<16xf32>
      %swap3A_836 = arith.constant 0 : i32
      %swap3A_837 = arith.index_cast %swap3A_836 : i32 to index
      %swap3A_838 = arith.constant 64 : index
      %swap3A_839 = tpu.vector_load %arg9[%swap3A_837, %swap3A_838] {strides = array<i32>} : memref<16x1024xf32, #tpu.memory_space<vmem>>, vector<1x16xf32>,
      %swap3A_840 = vector.shape_cast %swap3A_839 : vector<1x16xf32> to vector<16xf32>
      %swap3A_841 = vector.shape_cast %mul3A_835 : vector<16xf32> to vector<1x16xf32>
      tpu.vector_store %arg9[%swap3A_837, %swap3A_838], %swap3A_841 {strides = array<i32>} : memref<16x1024xf32, #tpu.memory_space<vmem>>, vector<1x16xf32>,
      %get3A_842 = arith.constant 0 : i32
      %get3A_843 = arith.index_cast %get3A_842 : i32 to index
      %get3A_844 = arith.constant 80 : index
      %get3A_845 = tpu.vector_load %arg9[%get3A_843, %get3A_844] {strides = array<i32>} : memref<16x1024xf32, #tpu.memory_space<vmem>>, vector<1x16xf32>,
      %get3A_846 = vector.shape_cast %get3A_845 : vector<1x16xf32> to vector<16xf32>
      %mul3A_847 = arith.mulf %get3A_846, %get3A_764 : vector<16xf32>
      %swap3A_848 = arith.constant 0 : i32
      %swap3A_849 = arith.index_cast %swap3A_848 : i32 to index
      %swap3A_850 = arith.constant 80 : index
      %swap3A_851 = tpu.vector_load %arg9[%swap3A_849, %swap3A_850] {strides = array<i32>} : memref<16x1024xf32, #tpu.memory_space<vmem>>, vector<1x16xf32>,
      %swap3A_852 = vector.shape_cast %swap3A_851 : vector<1x16xf32> to vector<16xf32>
      %swap3A_853 = vector.shape_cast %mul3A_847 : vector<16xf32> to vector<1x16xf32>
      tpu.vector_store %arg9[%swap3A_849, %swap3A_850], %swap3A_853 {strides = array<i32>} : memref<16x1024xf32, #tpu.memory_space<vmem>>, vector<1x16xf32>,
      %get3A_854 = arith.constant 0 : i32
      %get3A_855 = arith.index_cast %get3A_854 : i32 to index
      %get3A_856 = arith.constant 96 : index
      %get3A_857 = tpu.vector_load %arg9[%get3A_855, %get3A_856] {strides = array<i32>} : memref<16x1024xf32, #tpu.memory_space<vmem>>, vector<1x16xf32>,
      %get3A_858 = vector.shape_cast %get3A_857 : vector<1x16xf32> to vector<16xf32>
      %mul3A_859 = arith.mulf %get3A_858, %get3A_764 : vector<16xf32>
      %swap3A_860 = arith.constant 0 : i32
      %swap3A_861 = arith.index_cast %swap3A_860 : i32 to index
      %swap3A_862 = arith.constant 96 : index
      %swap3A_863 = tpu.vector_load %arg9[%swap3A_861, %swap3A_862] {strides = array<i32>} : memref<16x1024xf32, #tpu.memory_space<vmem>>, vector<1x16xf32>,
      %swap3A_864 = vector.shape_cast %swap3A_863 : vector<1x16xf32> to vector<16xf32>
      %swap3A_865 = vector.shape_cast %mul3A_859 : vector<16xf32> to vector<1x16xf32>
      tpu.vector_store %arg9[%swap3A_861, %swap3A_862], %swap3A_865 {strides = array<i32>} : memref<16x1024xf32, #tpu.memory_space<vmem>>, vector<1x16xf32>,
      %get3A_866 = arith.constant 0 : i32
      %get3A_867 = arith.index_cast %get3A_866 : i32 to index
      %get3A_868 = arith.constant 112 : index
      %get3A_869 = tpu.vector_load %arg9[%get3A_867, %get3A_868] {strides = array<i32>} : memref<16x1024xf32, #tpu.memory_space<vmem>>, vector<1x16xf32>,
      %get3A_870 = vector.shape_cast %get3A_869 : vector<1x16xf32> to vector<16xf32>
      %mul3A_871 = arith.mulf %get3A_870, %get3A_764 : vector<16xf32>
      %swap3A_872 = arith.constant 0 : i32
      %swap3A_873 = arith.index_cast %swap3A_872 : i32 to index
      %swap3A_874 = arith.constant 112 : index
      %swap3A_875 = tpu.vector_load %arg9[%swap3A_873, %swap3A_874] {strides = array<i32>} : memref<16x1024xf32, #tpu.memory_space<vmem>>, vector<1x16xf32>,
      %swap3A_876 = vector.shape_cast %swap3A_875 : vector<1x16xf32> to vector<16xf32>
      %swap3A_877 = vector.shape_cast %mul3A_871 : vector<16xf32> to vector<1x16xf32>
      tpu.vector_store %arg9[%swap3A_873, %swap3A_874], %swap3A_877 {strides = array<i32>} : memref<16x1024xf32, #tpu.memory_space<vmem>>, vector<1x16xf32>,
      %get3A_878 = arith.constant 0 : i32
      %get3A_879 = arith.index_cast %get3A_878 : i32 to index
      %get3A_880 = arith.constant 128 : index
      %get3A_881 = tpu.vector_load %arg9[%get3A_879, %get3A_880] {strides = array<i32>} : memref<16x1024xf32, #tpu.memory_space<vmem>>, vector<1x16xf32>,
      %get3A_882 = vector.shape_cast %get3A_881 : vector<1x16xf32> to vector<16xf32>
      %mul3A_883 = arith.mulf %get3A_882, %get3A_764 : vector<16xf32>
      %swap3A_884 = arith.constant 0 : i32
      %swap3A_885 = arith.index_cast %swap3A_884 : i32 to index
      %swap3A_886 = arith.constant 128 : index
      %swap3A_887 = tpu.vector_load %arg9[%swap3A_885, %swap3A_886] {strides = array<i32>} : memref<16x1024xf32, #tpu.memory_space<vmem>>, vector<1x16xf32>,
      %swap3A_888 = vector.shape_cast %swap3A_887 : vector<1x16xf32> to vector<16xf32>
      %swap3A_889 = vector.shape_cast %mul3A_883 : vector<16xf32> to vector<1x16xf32>
      tpu.vector_store %arg9[%swap3A_885, %swap3A_886], %swap3A_889 {strides = array<i32>} : memref<16x1024xf32, #tpu.memory_space<vmem>>, vector<1x16xf32>,
      %get3A_890 = arith.constant 0 : i32
      %get3A_891 = arith.index_cast %get3A_890 : i32 to index
      %get3A_892 = arith.constant 144 : index
      %get3A_893 = tpu.vector_load %arg9[%get3A_891, %get3A_892] {strides = array<i32>} : memref<16x1024xf32, #tpu.memory_space<vmem>>, vector<1x16xf32>,
      %get3A_894 = vector.shape_cast %get3A_893 : vector<1x16xf32> to vector<16xf32>
      %mul3A_895 = arith.mulf %get3A_894, %get3A_764 : vector<16xf32>
      %swap3A_896 = arith.constant 0 : i32
      %swap3A_897 = arith.index_cast %swap3A_896 : i32 to index
      %swap3A_898 = arith.constant 144 : index
      %swap3A_899 = tpu.vector_load %arg9[%swap3A_897, %swap3A_898] {strides = array<i32>} : memref<16x1024xf32, #tpu.memory_space<vmem>>, vector<1x16xf32>,
      %swap3A_900 = vector.shape_cast %swap3A_899 : vector<1x16xf32> to vector<16xf32>
      %swap3A_901 = vector.shape_cast %mul3A_895 : vector<16xf32> to vector<1x16xf32>
      tpu.vector_store %arg9[%swap3A_897, %swap3A_898], %swap3A_901 {strides = array<i32>} : memref<16x1024xf32, #tpu.memory_space<vmem>>, vector<1x16xf32>,
      %get3A_902 = arith.constant 0 : i32
      %get3A_903 = arith.index_cast %get3A_902 : i32 to index
      %get3A_904 = arith.constant 160 : index
      %get3A_905 = tpu.vector_load %arg9[%get3A_903, %get3A_904] {strides = array<i32>} : memref<16x1024xf32, #tpu.memory_space<vmem>>, vector<1x16xf32>,
      %get3A_906 = vector.shape_cast %get3A_905 : vector<1x16xf32> to vector<16xf32>
      %mul3A_907 = arith.mulf %get3A_906, %get3A_764 : vector<16xf32>
      %swap3A_908 = arith.constant 0 : i32
      %swap3A_909 = arith.index_cast %swap3A_908 : i32 to index
      %swap3A_910 = arith.constant 160 : index
      %swap3A_911 = tpu.vector_load %arg9[%swap3A_909, %swap3A_910] {strides = array<i32>} : memref<16x1024xf32, #tpu.memory_space<vmem>>, vector<1x16xf32>,
      %swap3A_912 = vector.shape_cast %swap3A_911 : vector<1x16xf32> to vector<16xf32>
      %swap3A_913 = vector.shape_cast %mul3A_907 : vector<16xf32> to vector<1x16xf32>
      tpu.vector_store %arg9[%swap3A_909, %swap3A_910], %swap3A_913 {strides = array<i32>} : memref<16x1024xf32, #tpu.memory_space<vmem>>, vector<1x16xf32>,
      %get3A_914 = arith.constant 0 : i32
      %get3A_915 = arith.index_cast %get3A_914 : i32 to index
      %get3A_916 = arith.constant 176 : index
      %get3A_917 = tpu.vector_load %arg9[%get3A_915, %get3A_916] {strides = array<i32>} : memref<16x1024xf32, #tpu.memory_space<vmem>>, vector<1x16xf32>,
      %get3A_918 = vector.shape_cast %get3A_917 : vector<1x16xf32> to vector<16xf32>
      %mul3A_919 = arith.mulf %get3A_918, %get3A_764 : vector<16xf32>
      %swap3A_920 = arith.constant 0 : i32
      %swap3A_921 = arith.index_cast %swap3A_920 : i32 to index
      %swap3A_922 = arith.constant 176 : index
      %swap3A_923 = tpu.vector_load %arg9[%swap3A_921, %swap3A_922] {strides = array<i32>} : memref<16x1024xf32, #tpu.memory_space<vmem>>, vector<1x16xf32>,
      %swap3A_924 = vector.shape_cast %swap3A_923 : vector<1x16xf32> to vector<16xf32>
      %swap3A_925 = vector.shape_cast %mul3A_919 : vector<16xf32> to vector<1x16xf32>
      tpu.vector_store %arg9[%swap3A_921, %swap3A_922], %swap3A_925 {strides = array<i32>} : memref<16x1024xf32, #tpu.memory_space<vmem>>, vector<1x16xf32>,
      %get3A_926 = arith.constant 0 : i32
      %get3A_927 = arith.index_cast %get3A_926 : i32 to index
      %get3A_928 = arith.constant 192 : index
      %get3A_929 = tpu.vector_load %arg9[%get3A_927, %get3A_928] {strides = array<i32>} : memref<16x1024xf32, #tpu.memory_space<vmem>>, vector<1x16xf32>,
      %get3A_930 = vector.shape_cast %get3A_929 : vector<1x16xf32> to vector<16xf32>
      %mul3A_931 = arith.mulf %get3A_930, %get3A_764 : vector<16xf32>
      %swap3A_932 = arith.constant 0 : i32
      %swap3A_933 = arith.index_cast %swap3A_932 : i32 to index
      %swap3A_934 = arith.constant 192 : index
      %swap3A_935 = tpu.vector_load %arg9[%swap3A_933, %swap3A_934] {strides = array<i32>} : memref<16x1024xf32, #tpu.memory_space<vmem>>, vector<1x16xf32>,
      %swap3A_936 = vector.shape_cast %swap3A_935 : vector<1x16xf32> to vector<16xf32>
      %swap3A_937 = vector.shape_cast %mul3A_931 : vector<16xf32> to vector<1x16xf32>
      tpu.vector_store %arg9[%swap3A_933, %swap3A_934], %swap3A_937 {strides = array<i32>} : memref<16x1024xf32, #tpu.memory_space<vmem>>, vector<1x16xf32>,
      %get3A_938 = arith.constant 0 : i32
      %get3A_939 = arith.index_cast %get3A_938 : i32 to index
      %get3A_940 = arith.constant 208 : index
      %get3A_941 = tpu.vector_load %arg9[%get3A_939, %get3A_940] {strides = array<i32>} : memref<16x1024xf32, #tpu.memory_space<vmem>>, vector<1x16xf32>,
      %get3A_942 = vector.shape_cast %get3A_941 : vector<1x16xf32> to vector<16xf32>
      %mul3A_943 = arith.mulf %get3A_942, %get3A_764 : vector<16xf32>
      %swap3A_944 = arith.constant 0 : i32
      %swap3A_945 = arith.index_cast %swap3A_944 : i32 to index
      %swap3A_946 = arith.constant 208 : index
      %swap3A_947 = tpu.vector_load %arg9[%swap3A_945, %swap3A_946] {strides = array<i32>} : memref<16x1024xf32, #tpu.memory_space<vmem>>, vector<1x16xf32>,
      %swap3A_948 = vector.shape_cast %swap3A_947 : vector<1x16xf32> to vector<16xf32>
      %swap3A_949 = vector.shape_cast %mul3A_943 : vector<16xf32> to vector<1x16xf32>
      tpu.vector_store %arg9[%swap3A_945, %swap3A_946], %swap3A_949 {strides = array<i32>} : memref<16x1024xf32, #tpu.memory_space<vmem>>, vector<1x16xf32>,
      %get3A_950 = arith.constant 0 : i32
      %get3A_951 = arith.index_cast %get3A_950 : i32 to index
      %get3A_952 = arith.constant 224 : index
      %get3A_953 = tpu.vector_load %arg9[%get3A_951, %get3A_952] {strides = array<i32>} : memref<16x1024xf32, #tpu.memory_space<vmem>>, vector<1x16xf32>,
      %get3A_954 = vector.shape_cast %get3A_953 : vector<1x16xf32> to vector<16xf32>
      %mul3A_955 = arith.mulf %get3A_954, %get3A_764 : vector<16xf32>
      %swap3A_956 = arith.constant 0 : i32
      %swap3A_957 = arith.index_cast %swap3A_956 : i32 to index
      %swap3A_958 = arith.constant 224 : index
      %swap3A_959 = tpu.vector_load %arg9[%swap3A_957, %swap3A_958] {strides = array<i32>} : memref<16x1024xf32, #tpu.memory_space<vmem>>, vector<1x16xf32>,
      %swap3A_960 = vector.shape_cast %swap3A_959 : vector<1x16xf32> to vector<16xf32>
      %swap3A_961 = vector.shape_cast %mul3A_955 : vector<16xf32> to vector<1x16xf32>
      tpu.vector_store %arg9[%swap3A_957, %swap3A_958], %swap3A_961 {strides = array<i32>} : memref<16x1024xf32, #tpu.memory_space<vmem>>, vector<1x16xf32>,
      %get3A_962 = arith.constant 0 : i32
      %get3A_963 = arith.index_cast %get3A_962 : i32 to index
      %get3A_964 = arith.constant 240 : index
      %get3A_965 = tpu.vector_load %arg9[%get3A_963, %get3A_964] {strides = array<i32>} : memref<16x1024xf32, #tpu.memory_space<vmem>>, vector<1x16xf32>,
      %get3A_966 = vector.shape_cast %get3A_965 : vector<1x16xf32> to vector<16xf32>
      %mul3A_967 = arith.mulf %get3A_966, %get3A_764 : vector<16xf32>
      %swap3A_968 = arith.constant 0 : i32
      %swap3A_969 = arith.index_cast %swap3A_968 : i32 to index
      %swap3A_970 = arith.constant 240 : index
      %swap3A_971 = tpu.vector_load %arg9[%swap3A_969, %swap3A_970] {strides = array<i32>} : memref<16x1024xf32, #tpu.memory_space<vmem>>, vector<1x16xf32>,
      %swap3A_972 = vector.shape_cast %swap3A_971 : vector<1x16xf32> to vector<16xf32>
      %swap3A_973 = vector.shape_cast %mul3A_967 : vector<16xf32> to vector<1x16xf32>
      tpu.vector_store %arg9[%swap3A_969, %swap3A_970], %swap3A_973 {strides = array<i32>} : memref<16x1024xf32, #tpu.memory_space<vmem>>, vector<1x16xf32>,
      %get3A_974 = arith.constant 0 : i32
      %get3A_975 = arith.index_cast %get3A_974 : i32 to index
      %get3A_976 = arith.constant 256 : index
      %get3A_977 = tpu.vector_load %arg9[%get3A_975, %get3A_976] {strides = array<i32>} : memref<16x1024xf32, #tpu.memory_space<vmem>>, vector<1x16xf32>,
      %get3A_978 = vector.shape_cast %get3A_977 : vector<1x16xf32> to vector<16xf32>
      %mul3A_979 = arith.mulf %get3A_978, %get3A_764 : vector<16xf32>
      %swap3A_980 = arith.constant 0 : i32
      %swap3A_981 = arith.index_cast %swap3A_980 : i32 to index
      %swap3A_982 = arith.constant 256 : index
      %swap3A_983 = tpu.vector_load %arg9[%swap3A_981, %swap3A_982] {strides = array<i32>} : memref<16x1024xf32, #tpu.memory_space<vmem>>, vector<1x16xf32>,
      %swap3A_984 = vector.shape_cast %swap3A_983 : vector<1x16xf32> to vector<16xf32>
      %swap3A_985 = vector.shape_cast %mul3A_979 : vector<16xf32> to vector<1x16xf32>
      tpu.vector_store %arg9[%swap3A_981, %swap3A_982], %swap3A_985 {strides = array<i32>} : memref<16x1024xf32, #tpu.memory_space<vmem>>, vector<1x16xf32>,
      %get3A_986 = arith.constant 0 : i32
      %get3A_987 = arith.index_cast %get3A_986 : i32 to index
      %get3A_988 = arith.constant 272 : index
      %get3A_989 = tpu.vector_load %arg9[%get3A_987, %get3A_988] {strides = array<i32>} : memref<16x1024xf32, #tpu.memory_space<vmem>>, vector<1x16xf32>,
      %get3A_990 = vector.shape_cast %get3A_989 : vector<1x16xf32> to vector<16xf32>
      %mul3A_991 = arith.mulf %get3A_990, %get3A_764 : vector<16xf32>
      %swap3A_992 = arith.constant 0 : i32
      %swap3A_993 = arith.index_cast %swap3A_992 : i32 to index
      %swap3A_994 = arith.constant 272 : index
      %swap3A_995 = tpu.vector_load %arg9[%swap3A_993, %swap3A_994] {strides = array<i32>} : memref<16x1024xf32, #tpu.memory_space<vmem>>, vector<1x16xf32>,
      %swap3A_996 = vector.shape_cast %swap3A_995 : vector<1x16xf32> to vector<16xf32>
      %swap3A_997 = vector.shape_cast %mul3A_991 : vector<16xf32> to vector<1x16xf32>
      tpu.vector_store %arg9[%swap3A_993, %swap3A_994], %swap3A_997 {strides = array<i32>} : memref<16x1024xf32, #tpu.memory_space<vmem>>, vector<1x16xf32>,
      %get3A_998 = arith.constant 0 : i32
      %get3A_999 = arith.index_cast %get3A_998 : i32 to index
      %get3A_1000 = arith.constant 288 : index
      %get3A_1001 = tpu.vector_load %arg9[%get3A_999, %get3A_1000] {strides = array<i32>} : memref<16x1024xf32, #tpu.memory_space<vmem>>, vector<1x16xf32>,
      %get3A_1002 = vector.shape_cast %get3A_1001 : vector<1x16xf32> to vector<16xf32>
      %mul3A_1003 = arith.mulf %get3A_1002, %get3A_764 : vector<16xf32>
      %swap3A_1004 = arith.constant 0 : i32
      %swap3A_1005 = arith.index_cast %swap3A_1004 : i32 to index
      %swap3A_1006 = arith.constant 288 : index
      %swap3A_1007 = tpu.vector_load %arg9[%swap3A_1005, %swap3A_1006] {strides = array<i32>} : memref<16x1024xf32, #tpu.memory_space<vmem>>, vector<1x16xf32>,
      %swap3A_1008 = vector.shape_cast %swap3A_1007 : vector<1x16xf32> to vector<16xf32>
      %swap3A_1009 = vector.shape_cast %mul3A_1003 : vector<16xf32> to vector<1x16xf32>
      tpu.vector_store %arg9[%swap3A_1005, %swap3A_1006], %swap3A_1009 {strides = array<i32>} : memref<16x1024xf32, #tpu.memory_space<vmem>>, vector<1x16xf32>,
      %get3A_1010 = arith.constant 0 : i32
      %get3A_1011 = arith.index_cast %get3A_1010 : i32 to index
      %get3A_1012 = arith.constant 304 : index
      %get3A_1013 = tpu.vector_load %arg9[%get3A_1011, %get3A_1012] {strides = array<i32>} : memref<16x1024xf32, #tpu.memory_space<vmem>>, vector<1x16xf32>,
      %get3A_1014 = vector.shape_cast %get3A_1013 : vector<1x16xf32> to vector<16xf32>
      %mul3A_1015 = arith.mulf %get3A_1014, %get3A_764 : vector<16xf32>
      %swap3A_1016 = arith.constant 0 : i32
      %swap3A_1017 = arith.index_cast %swap3A_1016 : i32 to index
      %swap3A_1018 = arith.constant 304 : index
      %swap3A_1019 = tpu.vector_load %arg9[%swap3A_1017, %swap3A_1018] {strides = array<i32>} : memref<16x1024xf32, #tpu.memory_space<vmem>>, vector<1x16xf32>,
      %swap3A_1020 = vector.shape_cast %swap3A_1019 : vector<1x16xf32> to vector<16xf32>
      %swap3A_1021 = vector.shape_cast %mul3A_1015 : vector<16xf32> to vector<1x16xf32>
      tpu.vector_store %arg9[%swap3A_1017, %swap3A_1018], %swap3A_1021 {strides = array<i32>} : memref<16x1024xf32, #tpu.memory_space<vmem>>, vector<1x16xf32>,
      %get3A_1022 = arith.constant 0 : i32
      %get3A_1023 = arith.index_cast %get3A_1022 : i32 to index
      %get3A_1024 = arith.constant 320 : index
      %get3A_1025 = tpu.vector_load %arg9[%get3A_1023, %get3A_1024] {strides = array<i32>} : memref<16x1024xf32, #tpu.memory_space<vmem>>, vector<1x16xf32>,
      %get3A_1026 = vector.shape_cast %get3A_1025 : vector<1x16xf32> to vector<16xf32>
      %mul3A_1027 = arith.mulf %get3A_1026, %get3A_764 : vector<16xf32>
      %swap3A_1028 = arith.constant 0 : i32
      %swap3A_1029 = arith.index_cast %swap3A_1028 : i32 to index
      %swap3A_1030 = arith.constant 320 : index
      %swap3A_1031 = tpu.vector_load %arg9[%swap3A_1029, %swap3A_1030] {strides = array<i32>} : memref<16x1024xf32, #tpu.memory_space<vmem>>, vector<1x16xf32>,
      %swap3A_1032 = vector.shape_cast %swap3A_1031 : vector<1x16xf32> to vector<16xf32>
      %swap3A_1033 = vector.shape_cast %mul3A_1027 : vector<16xf32> to vector<1x16xf32>
      tpu.vector_store %arg9[%swap3A_1029, %swap3A_1030], %swap3A_1033 {strides = array<i32>} : memref<16x1024xf32, #tpu.memory_space<vmem>>, vector<1x16xf32>,
      %get3A_1034 = arith.constant 0 : i32
      %get3A_1035 = arith.index_cast %get3A_1034 : i32 to index
      %get3A_1036 = arith.constant 336 : index
      %get3A_1037 = tpu.vector_load %arg9[%get3A_1035, %get3A_1036] {strides = array<i32>} : memref<16x1024xf32, #tpu.memory_space<vmem>>, vector<1x16xf32>,
      %get3A_1038 = vector.shape_cast %get3A_1037 : vector<1x16xf32> to vector<16xf32>
      %mul3A_1039 = arith.mulf %get3A_1038, %get3A_764 : vector<16xf32>
      %swap3A_1040 = arith.constant 0 : i32
      %swap3A_1041 = arith.index_cast %swap3A_1040 : i32 to index
      %swap3A_1042 = arith.constant 336 : index
      %swap3A_1043 = tpu.vector_load %arg9[%swap3A_1041, %swap3A_1042] {strides = array<i32>} : memref<16x1024xf32, #tpu.memory_space<vmem>>, vector<1x16xf32>,
      %swap3A_1044 = vector.shape_cast %swap3A_1043 : vector<1x16xf32> to vector<16xf32>
      %swap3A_1045 = vector.shape_cast %mul3A_1039 : vector<16xf32> to vector<1x16xf32>
      tpu.vector_store %arg9[%swap3A_1041, %swap3A_1042], %swap3A_1045 {strides = array<i32>} : memref<16x1024xf32, #tpu.memory_space<vmem>>, vector<1x16xf32>,
      %get3A_1046 = arith.constant 0 : i32
      %get3A_1047 = arith.index_cast %get3A_1046 : i32 to index
      %get3A_1048 = arith.constant 352 : index
      %get3A_1049 = tpu.vector_load %arg9[%get3A_1047, %get3A_1048] {strides = array<i32>} : memref<16x1024xf32, #tpu.memory_space<vmem>>, vector<1x16xf32>,
      %get3A_1050 = vector.shape_cast %get3A_1049 : vector<1x16xf32> to vector<16xf32>
      %mul3A_1051 = arith.mulf %get3A_1050, %get3A_764 : vector<16xf32>
      %swap3A_1052 = arith.constant 0 : i32
      %swap3A_1053 = arith.index_cast %swap3A_1052 : i32 to index
      %swap3A_1054 = arith.constant 352 : index
      %swap3A_1055 = tpu.vector_load %arg9[%swap3A_1053, %swap3A_1054] {strides = array<i32>} : memref<16x1024xf32, #tpu.memory_space<vmem>>, vector<1x16xf32>,
      %swap3A_1056 = vector.shape_cast %swap3A_1055 : vector<1x16xf32> to vector<16xf32>
      %swap3A_1057 = vector.shape_cast %mul3A_1051 : vector<16xf32> to vector<1x16xf32>
      tpu.vector_store %arg9[%swap3A_1053, %swap3A_1054], %swap3A_1057 {strides = array<i32>} : memref<16x1024xf32, #tpu.memory_space<vmem>>, vector<1x16xf32>,
      %get3A_1058 = arith.constant 0 : i32
      %get3A_1059 = arith.index_cast %get3A_1058 : i32 to index
      %get3A_1060 = arith.constant 368 : index
      %get3A_1061 = tpu.vector_load %arg9[%get3A_1059, %get3A_1060] {strides = array<i32>} : memref<16x1024xf32, #tpu.memory_space<vmem>>, vector<1x16xf32>,
      %get3A_1062 = vector.shape_cast %get3A_1061 : vector<1x16xf32> to vector<16xf32>
      %mul3A_1063 = arith.mulf %get3A_1062, %get3A_764 : vector<16xf32>
      %swap3A_1064 = arith.constant 0 : i32
      %swap3A_1065 = arith.index_cast %swap3A_1064 : i32 to index
      %swap3A_1066 = arith.constant 368 : index
      %swap3A_1067 = tpu.vector_load %arg9[%swap3A_1065, %swap3A_1066] {strides = array<i32>} : memref<16x1024xf32, #tpu.memory_space<vmem>>, vector<1x16xf32>,
      %swap3A_1068 = vector.shape_cast %swap3A_1067 : vector<1x16xf32> to vector<16xf32>
      %swap3A_1069 = vector.shape_cast %mul3A_1063 : vector<16xf32> to vector<1x16xf32>
      tpu.vector_store %arg9[%swap3A_1065, %swap3A_1066], %swap3A_1069 {strides = array<i32>} : memref<16x1024xf32, #tpu.memory_space<vmem>>, vector<1x16xf32>,
      %get3A_1070 = arith.constant 0 : i32
      %get3A_1071 = arith.index_cast %get3A_1070 : i32 to index
      %get3A_1072 = arith.constant 384 : index
      %get3A_1073 = tpu.vector_load %arg9[%get3A_1071, %get3A_1072] {strides = array<i32>} : memref<16x1024xf32, #tpu.memory_space<vmem>>, vector<1x16xf32>,
      %get3A_1074 = vector.shape_cast %get3A_1073 : vector<1x16xf32> to vector<16xf32>
      %mul3A_1075 = arith.mulf %get3A_1074, %get3A_764 : vector<16xf32>
      %swap3A_1076 = arith.constant 0 : i32
      %swap3A_1077 = arith.index_cast %swap3A_1076 : i32 to index
      %swap3A_1078 = arith.constant 384 : index
      %swap3A_1079 = tpu.vector_load %arg9[%swap3A_1077, %swap3A_1078] {strides = array<i32>} : memref<16x1024xf32, #tpu.memory_space<vmem>>, vector<1x16xf32>,
      %swap3A_1080 = vector.shape_cast %swap3A_1079 : vector<1x16xf32> to vector<16xf32>
      %swap3A_1081 = vector.shape_cast %mul3A_1075 : vector<16xf32> to vector<1x16xf32>
      tpu.vector_store %arg9[%swap3A_1077, %swap3A_1078], %swap3A_1081 {strides = array<i32>} : memref<16x1024xf32, #tpu.memory_space<vmem>>, vector<1x16xf32>,
      %get3A_1082 = arith.constant 0 : i32
      %get3A_1083 = arith.index_cast %get3A_1082 : i32 to index
      %get3A_1084 = arith.constant 400 : index
      %get3A_1085 = tpu.vector_load %arg9[%get3A_1083, %get3A_1084] {strides = array<i32>} : memref<16x1024xf32, #tpu.memory_space<vmem>>, vector<1x16xf32>,
      %get3A_1086 = vector.shape_cast %get3A_1085 : vector<1x16xf32> to vector<16xf32>
      %mul3A_1087 = arith.mulf %get3A_1086, %get3A_764 : vector<16xf32>
      %swap3A_1088 = arith.constant 0 : i32
      %swap3A_1089 = arith.index_cast %swap3A_1088 : i32 to index
      %swap3A_1090 = arith.constant 400 : index
      %swap3A_1091 = tpu.vector_load %arg9[%swap3A_1089, %swap3A_1090] {strides = array<i32>} : memref<16x1024xf32, #tpu.memory_space<vmem>>, vector<1x16xf32>,
      %swap3A_1092 = vector.shape_cast %swap3A_1091 : vector<1x16xf32> to vector<16xf32>
      %swap3A_1093 = vector.shape_cast %mul3A_1087 : vector<16xf32> to vector<1x16xf32>
      tpu.vector_store %arg9[%swap3A_1089, %swap3A_1090], %swap3A_1093 {strides = array<i32>} : memref<16x1024xf32, #tpu.memory_space<vmem>>, vector<1x16xf32>,
      %get3A_1094 = arith.constant 0 : i32
      %get3A_1095 = arith.index_cast %get3A_1094 : i32 to index
      %get3A_1096 = arith.constant 416 : index
      %get3A_1097 = tpu.vector_load %arg9[%get3A_1095, %get3A_1096] {strides = array<i32>} : memref<16x1024xf32, #tpu.memory_space<vmem>>, vector<1x16xf32>,
      %get3A_1098 = vector.shape_cast %get3A_1097 : vector<1x16xf32> to vector<16xf32>
      %mul3A_1099 = arith.mulf %get3A_1098, %get3A_764 : vector<16xf32>
      %swap3A_1100 = arith.constant 0 : i32
      %swap3A_1101 = arith.index_cast %swap3A_1100 : i32 to index
      %swap3A_1102 = arith.constant 416 : index
      %swap3A_1103 = tpu.vector_load %arg9[%swap3A_1101, %swap3A_1102] {strides = array<i32>} : memref<16x1024xf32, #tpu.memory_space<vmem>>, vector<1x16xf32>,
      %swap3A_1104 = vector.shape_cast %swap3A_1103 : vector<1x16xf32> to vector<16xf32>
      %swap3A_1105 = vector.shape_cast %mul3A_1099 : vector<16xf32> to vector<1x16xf32>
      tpu.vector_store %arg9[%swap3A_1101, %swap3A_1102], %swap3A_1105 {strides = array<i32>} : memref<16x1024xf32, #tpu.memory_space<vmem>>, vector<1x16xf32>,
      %get3A_1106 = arith.constant 0 : i32
      %get3A_1107 = arith.index_cast %get3A_1106 : i32 to index
      %get3A_1108 = arith.constant 432 : index
      %get3A_1109 = tpu.vector_load %arg9[%get3A_1107, %get3A_1108] {strides = array<i32>} : memref<16x1024xf32, #tpu.memory_space<vmem>>, vector<1x16xf32>,
      %get3A_1110 = vector.shape_cast %get3A_1109 : vector<1x16xf32> to vector<16xf32>
      %mul3A_1111 = arith.mulf %get3A_1110, %get3A_764 : vector<16xf32>
      %swap3A_1112 = arith.constant 0 : i32
      %swap3A_1113 = arith.index_cast %swap3A_1112 : i32 to index
      %swap3A_1114 = arith.constant 432 : index
      %swap3A_1115 = tpu.vector_load %arg9[%swap3A_1113, %swap3A_1114] {strides = array<i32>} : memref<16x1024xf32, #tpu.memory_space<vmem>>, vector<1x16xf32>,
      %swap3A_1116 = vector.shape_cast %swap3A_1115 : vector<1x16xf32> to vector<16xf32>
      %swap3A_1117 = vector.shape_cast %mul3A_1111 : vector<16xf32> to vector<1x16xf32>
      tpu.vector_store %arg9[%swap3A_1113, %swap3A_1114], %swap3A_1117 {strides = array<i32>} : memref<16x1024xf32, #tpu.memory_space<vmem>>, vector<1x16xf32>,
      %get3A_1118 = arith.constant 0 : i32
      %get3A_1119 = arith.index_cast %get3A_1118 : i32 to index
      %get3A_1120 = arith.constant 448 : index
      %get3A_1121 = tpu.vector_load %arg9[%get3A_1119, %get3A_1120] {strides = array<i32>} : memref<16x1024xf32, #tpu.memory_space<vmem>>, vector<1x16xf32>,
      %get3A_1122 = vector.shape_cast %get3A_1121 : vector<1x16xf32> to vector<16xf32>
      %mul3A_1123 = arith.mulf %get3A_1122, %get3A_764 : vector<16xf32>
      %swap3A_1124 = arith.constant 0 : i32
      %swap3A_1125 = arith.index_cast %swap3A_1124 : i32 to index
      %swap3A_1126 = arith.constant 448 : index
      %swap3A_1127 = tpu.vector_load %arg9[%swap3A_1125, %swap3A_1126] {strides = array<i32>} : memref<16x1024xf32, #tpu.memory_space<vmem>>, vector<1x16xf32>,
      %swap3A_1128 = vector.shape_cast %swap3A_1127 : vector<1x16xf32> to vector<16xf32>
      %swap3A_1129 = vector.shape_cast %mul3A_1123 : vector<16xf32> to vector<1x16xf32>
      tpu.vector_store %arg9[%swap3A_1125, %swap3A_1126], %swap3A_1129 {strides = array<i32>} : memref<16x1024xf32, #tpu.memory_space<vmem>>, vector<1x16xf32>,
      %get3A_1130 = arith.constant 0 : i32
      %get3A_1131 = arith.index_cast %get3A_1130 : i32 to index
      %get3A_1132 = arith.constant 464 : index
      %get3A_1133 = tpu.vector_load %arg9[%get3A_1131, %get3A_1132] {strides = array<i32>} : memref<16x1024xf32, #tpu.memory_space<vmem>>, vector<1x16xf32>,
      %get3A_1134 = vector.shape_cast %get3A_1133 : vector<1x16xf32> to vector<16xf32>
      %mul3A_1135 = arith.mulf %get3A_1134, %get3A_764 : vector<16xf32>
      %swap3A_1136 = arith.constant 0 : i32
      %swap3A_1137 = arith.index_cast %swap3A_1136 : i32 to index
      %swap3A_1138 = arith.constant 464 : index
      %swap3A_1139 = tpu.vector_load %arg9[%swap3A_1137, %swap3A_1138] {strides = array<i32>} : memref<16x1024xf32, #tpu.memory_space<vmem>>, vector<1x16xf32>,
      %swap3A_1140 = vector.shape_cast %swap3A_1139 : vector<1x16xf32> to vector<16xf32>
      %swap3A_1141 = vector.shape_cast %mul3A_1135 : vector<16xf32> to vector<1x16xf32>
      tpu.vector_store %arg9[%swap3A_1137, %swap3A_1138], %swap3A_1141 {strides = array<i32>} : memref<16x1024xf32, #tpu.memory_space<vmem>>, vector<1x16xf32>,
      %get3A_1142 = arith.constant 0 : i32
      %get3A_1143 = arith.index_cast %get3A_1142 : i32 to index
      %get3A_1144 = arith.constant 480 : index
      %get3A_1145 = tpu.vector_load %arg9[%get3A_1143, %get3A_1144] {strides = array<i32>} : memref<16x1024xf32, #tpu.memory_space<vmem>>, vector<1x16xf32>,
      %get3A_1146 = vector.shape_cast %get3A_1145 : vector<1x16xf32> to vector<16xf32>
      %mul3A_1147 = arith.mulf %get3A_1146, %get3A_764 : vector<16xf32>
      %swap3A_1148 = arith.constant 0 : i32
      %swap3A_1149 = arith.index_cast %swap3A_1148 : i32 to index
      %swap3A_1150 = arith.constant 480 : index
      %swap3A_1151 = tpu.vector_load %arg9[%swap3A_1149, %swap3A_1150] {strides = array<i32>} : memref<16x1024xf32, #tpu.memory_space<vmem>>, vector<1x16xf32>,
      %swap3A_1152 = vector.shape_cast %swap3A_1151 : vector<1x16xf32> to vector<16xf32>
      %swap3A_1153 = vector.shape_cast %mul3A_1147 : vector<16xf32> to vector<1x16xf32>
      tpu.vector_store %arg9[%swap3A_1149, %swap3A_1150], %swap3A_1153 {strides = array<i32>} : memref<16x1024xf32, #tpu.memory_space<vmem>>, vector<1x16xf32>,
      %get3A_1154 = arith.constant 0 : i32
      %get3A_1155 = arith.index_cast %get3A_1154 : i32 to index
      %get3A_1156 = arith.constant 496 : index
      %get3A_1157 = tpu.vector_load %arg9[%get3A_1155, %get3A_1156] {strides = array<i32>} : memref<16x1024xf32, #tpu.memory_space<vmem>>, vector<1x16xf32>,
      %get3A_1158 = vector.shape_cast %get3A_1157 : vector<1x16xf32> to vector<16xf32>
      %mul3A_1159 = arith.mulf %get3A_1158, %get3A_764 : vector<16xf32>
      %swap3A_1160 = arith.constant 0 : i32
      %swap3A_1161 = arith.index_cast %swap3A_1160 : i32 to index
      %swap3A_1162 = arith.constant 496 : index
      %swap3A_1163 = tpu.vector_load %arg9[%swap3A_1161, %swap3A_1162] {strides = array<i32>} : memref<16x1024xf32, #tpu.memory_space<vmem>>, vector<1x16xf32>,
      %swap3A_1164 = vector.shape_cast %swap3A_1163 : vector<1x16xf32> to vector<16xf32>
      %swap3A_1165 = vector.shape_cast %mul3A_1159 : vector<16xf32> to vector<1x16xf32>
      tpu.vector_store %arg9[%swap3A_1161, %swap3A_1162], %swap3A_1165 {strides = array<i32>} : memref<16x1024xf32, #tpu.memory_space<vmem>>, vector<1x16xf32>,
      %get3A_1166 = arith.constant 0 : i32
      %get3A_1167 = arith.index_cast %get3A_1166 : i32 to index
      %get3A_1168 = arith.constant 512 : index
      %get3A_1169 = tpu.vector_load %arg9[%get3A_1167, %get3A_1168] {strides = array<i32>} : memref<16x1024xf32, #tpu.memory_space<vmem>>, vector<1x16xf32>,
      %get3A_1170 = vector.shape_cast %get3A_1169 : vector<1x16xf32> to vector<16xf32>
      %mul3A_1171 = arith.mulf %get3A_1170, %get3A_764 : vector<16xf32>
      %swap3A_1172 = arith.constant 0 : i32
      %swap3A_1173 = arith.index_cast %swap3A_1172 : i32 to index
      %swap3A_1174 = arith.constant 512 : index
      %swap3A_1175 = tpu.vector_load %arg9[%swap3A_1173, %swap3A_1174] {strides = array<i32>} : memref<16x1024xf32, #tpu.memory_space<vmem>>, vector<1x16xf32>,
      %swap3A_1176 = vector.shape_cast %swap3A_1175 : vector<1x16xf32> to vector<16xf32>
      %swap3A_1177 = vector.shape_cast %mul3A_1171 : vector<16xf32> to vector<1x16xf32>
      tpu.vector_store %arg9[%swap3A_1173, %swap3A_1174], %swap3A_1177 {strides = array<i32>} : memref<16x1024xf32, #tpu.memory_space<vmem>>, vector<1x16xf32>,
      %get3A_1178 = arith.constant 0 : i32
      %get3A_1179 = arith.index_cast %get3A_1178 : i32 to index
      %get3A_1180 = arith.constant 528 : index
      %get3A_1181 = tpu.vector_load %arg9[%get3A_1179, %get3A_1180] {strides = array<i32>} : memref<16x1024xf32, #tpu.memory_space<vmem>>, vector<1x16xf32>,
      %get3A_1182 = vector.shape_cast %get3A_1181 : vector<1x16xf32> to vector<16xf32>
      %mul3A_1183 = arith.mulf %get3A_1182, %get3A_764 : vector<16xf32>
      %swap3A_1184 = arith.constant 0 : i32
      %swap3A_1185 = arith.index_cast %swap3A_1184 : i32 to index
      %swap3A_1186 = arith.constant 528 : index
      %swap3A_1187 = tpu.vector_load %arg9[%swap3A_1185, %swap3A_1186] {strides = array<i32>} : memref<16x1024xf32, #tpu.memory_space<vmem>>, vector<1x16xf32>,
      %swap3A_1188 = vector.shape_cast %swap3A_1187 : vector<1x16xf32> to vector<16xf32>
      %swap3A_1189 = vector.shape_cast %mul3A_1183 : vector<16xf32> to vector<1x16xf32>
      tpu.vector_store %arg9[%swap3A_1185, %swap3A_1186], %swap3A_1189 {strides = array<i32>} : memref<16x1024xf32, #tpu.memory_space<vmem>>, vector<1x16xf32>,
      %get3A_1190 = arith.constant 0 : i32
      %get3A_1191 = arith.index_cast %get3A_1190 : i32 to index
      %get3A_1192 = arith.constant 544 : index
      %get3A_1193 = tpu.vector_load %arg9[%get3A_1191, %get3A_1192] {strides = array<i32>} : memref<16x1024xf32, #tpu.memory_space<vmem>>, vector<1x16xf32>,
      %get3A_1194 = vector.shape_cast %get3A_1193 : vector<1x16xf32> to vector<16xf32>
      %mul3A_1195 = arith.mulf %get3A_1194, %get3A_764 : vector<16xf32>
      %swap3A_1196 = arith.constant 0 : i32
      %swap3A_1197 = arith.index_cast %swap3A_1196 : i32 to index
      %swap3A_1198 = arith.constant 544 : index
      %swap3A_1199 = tpu.vector_load %arg9[%swap3A_1197, %swap3A_1198] {strides = array<i32>} : memref<16x1024xf32, #tpu.memory_space<vmem>>, vector<1x16xf32>,
      %swap3A_1200 = vector.shape_cast %swap3A_1199 : vector<1x16xf32> to vector<16xf32>
      %swap3A_1201 = vector.shape_cast %mul3A_1195 : vector<16xf32> to vector<1x16xf32>
      tpu.vector_store %arg9[%swap3A_1197, %swap3A_1198], %swap3A_1201 {strides = array<i32>} : memref<16x1024xf32, #tpu.memory_space<vmem>>, vector<1x16xf32>,
      %get3A_1202 = arith.constant 0 : i32
      %get3A_1203 = arith.index_cast %get3A_1202 : i32 to index
      %get3A_1204 = arith.constant 560 : index
      %get3A_1205 = tpu.vector_load %arg9[%get3A_1203, %get3A_1204] {strides = array<i32>} : memref<16x1024xf32, #tpu.memory_space<vmem>>, vector<1x16xf32>,
      %get3A_1206 = vector.shape_cast %get3A_1205 : vector<1x16xf32> to vector<16xf32>
      %mul3A_1207 = arith.mulf %get3A_1206, %get3A_764 : vector<16xf32>
      %swap3A_1208 = arith.constant 0 : i32
      %swap3A_1209 = arith.index_cast %swap3A_1208 : i32 to index
      %swap3A_1210 = arith.constant 560 : index
      %swap3A_1211 = tpu.vector_load %arg9[%swap3A_1209, %swap3A_1210] {strides = array<i32>} : memref<16x1024xf32, #tpu.memory_space<vmem>>, vector<1x16xf32>,
      %swap3A_1212 = vector.shape_cast %swap3A_1211 : vector<1x16xf32> to vector<16xf32>
      %swap3A_1213 = vector.shape_cast %mul3A_1207 : vector<16xf32> to vector<1x16xf32>
      tpu.vector_store %arg9[%swap3A_1209, %swap3A_1210], %swap3A_1213 {strides = array<i32>} : memref<16x1024xf32, #tpu.memory_space<vmem>>, vector<1x16xf32>,
      %get3A_1214 = arith.constant 0 : i32
      %get3A_1215 = arith.index_cast %get3A_1214 : i32 to index
      %get3A_1216 = arith.constant 576 : index
      %get3A_1217 = tpu.vector_load %arg9[%get3A_1215, %get3A_1216] {strides = array<i32>} : memref<16x1024xf32, #tpu.memory_space<vmem>>, vector<1x16xf32>,
      %get3A_1218 = vector.shape_cast %get3A_1217 : vector<1x16xf32> to vector<16xf32>
      %mul3A_1219 = arith.mulf %get3A_1218, %get3A_764 : vector<16xf32>
      %swap3A_1220 = arith.constant 0 : i32
      %swap3A_1221 = arith.index_cast %swap3A_1220 : i32 to index
      %swap3A_1222 = arith.constant 576 : index
      %swap3A_1223 = tpu.vector_load %arg9[%swap3A_1221, %swap3A_1222] {strides = array<i32>} : memref<16x1024xf32, #tpu.memory_space<vmem>>, vector<1x16xf32>,
      %swap3A_1224 = vector.shape_cast %swap3A_1223 : vector<1x16xf32> to vector<16xf32>
      %swap3A_1225 = vector.shape_cast %mul3A_1219 : vector<16xf32> to vector<1x16xf32>
      tpu.vector_store %arg9[%swap3A_1221, %swap3A_1222], %swap3A_1225 {strides = array<i32>} : memref<16x1024xf32, #tpu.memory_space<vmem>>, vector<1x16xf32>,
      %get3A_1226 = arith.constant 0 : i32
      %get3A_1227 = arith.index_cast %get3A_1226 : i32 to index
      %get3A_1228 = arith.constant 592 : index
      %get3A_1229 = tpu.vector_load %arg9[%get3A_1227, %get3A_1228] {strides = array<i32>} : memref<16x1024xf32, #tpu.memory_space<vmem>>, vector<1x16xf32>,
      %get3A_1230 = vector.shape_cast %get3A_1229 : vector<1x16xf32> to vector<16xf32>
      %mul3A_1231 = arith.mulf %get3A_1230, %get3A_764 : vector<16xf32>
      %swap3A_1232 = arith.constant 0 : i32
      %swap3A_1233 = arith.index_cast %swap3A_1232 : i32 to index
      %swap3A_1234 = arith.constant 592 : index
      %swap3A_1235 = tpu.vector_load %arg9[%swap3A_1233, %swap3A_1234] {strides = array<i32>} : memref<16x1024xf32, #tpu.memory_space<vmem>>, vector<1x16xf32>,
      %swap3A_1236 = vector.shape_cast %swap3A_1235 : vector<1x16xf32> to vector<16xf32>
      %swap3A_1237 = vector.shape_cast %mul3A_1231 : vector<16xf32> to vector<1x16xf32>
      tpu.vector_store %arg9[%swap3A_1233, %swap3A_1234], %swap3A_1237 {strides = array<i32>} : memref<16x1024xf32, #tpu.memory_space<vmem>>, vector<1x16xf32>,
      %get3A_1238 = arith.constant 0 : i32
      %get3A_1239 = arith.index_cast %get3A_1238 : i32 to index
      %get3A_1240 = arith.constant 608 : index
      %get3A_1241 = tpu.vector_load %arg9[%get3A_1239, %get3A_1240] {strides = array<i32>} : memref<16x1024xf32, #tpu.memory_space<vmem>>, vector<1x16xf32>,
      %get3A_1242 = vector.shape_cast %get3A_1241 : vector<1x16xf32> to vector<16xf32>
      %mul3A_1243 = arith.mulf %get3A_1242, %get3A_764 : vector<16xf32>
      %swap3A_1244 = arith.constant 0 : i32
      %swap3A_1245 = arith.index_cast %swap3A_1244 : i32 to index
      %swap3A_1246 = arith.constant 608 : index
      %swap3A_1247 = tpu.vector_load %arg9[%swap3A_1245, %swap3A_1246] {strides = array<i32>} : memref<16x1024xf32, #tpu.memory_space<vmem>>, vector<1x16xf32>,
      %swap3A_1248 = vector.shape_cast %swap3A_1247 : vector<1x16xf32> to vector<16xf32>
      %swap3A_1249 = vector.shape_cast %mul3A_1243 : vector<16xf32> to vector<1x16xf32>
      tpu.vector_store %arg9[%swap3A_1245, %swap3A_1246], %swap3A_1249 {strides = array<i32>} : memref<16x1024xf32, #tpu.memory_space<vmem>>, vector<1x16xf32>,
      %get3A_1250 = arith.constant 0 : i32
      %get3A_1251 = arith.index_cast %get3A_1250 : i32 to index
      %get3A_1252 = arith.constant 624 : index
      %get3A_1253 = tpu.vector_load %arg9[%get3A_1251, %get3A_1252] {strides = array<i32>} : memref<16x1024xf32, #tpu.memory_space<vmem>>, vector<1x16xf32>,
      %get3A_1254 = vector.shape_cast %get3A_1253 : vector<1x16xf32> to vector<16xf32>
      %mul3A_1255 = arith.mulf %get3A_1254, %get3A_764 : vector<16xf32>
      %swap3A_1256 = arith.constant 0 : i32
      %swap3A_1257 = arith.index_cast %swap3A_1256 : i32 to index
      %swap3A_1258 = arith.constant 624 : index
      %swap3A_1259 = tpu.vector_load %arg9[%swap3A_1257, %swap3A_1258] {strides = array<i32>} : memref<16x1024xf32, #tpu.memory_space<vmem>>, vector<1x16xf32>,
      %swap3A_1260 = vector.shape_cast %swap3A_1259 : vector<1x16xf32> to vector<16xf32>
      %swap3A_1261 = vector.shape_cast %mul3A_1255 : vector<16xf32> to vector<1x16xf32>
      tpu.vector_store %arg9[%swap3A_1257, %swap3A_1258], %swap3A_1261 {strides = array<i32>} : memref<16x1024xf32, #tpu.memory_space<vmem>>, vector<1x16xf32>,
      %get3A_1262 = arith.constant 0 : i32
      %get3A_1263 = arith.index_cast %get3A_1262 : i32 to index
      %get3A_1264 = arith.constant 640 : index
      %get3A_1265 = tpu.vector_load %arg9[%get3A_1263, %get3A_1264] {strides = array<i32>} : memref<16x1024xf32, #tpu.memory_space<vmem>>, vector<1x16xf32>,
      %get3A_1266 = vector.shape_cast %get3A_1265 : vector<1x16xf32> to vector<16xf32>
      %mul3A_1267 = arith.mulf %get3A_1266, %get3A_764 : vector<16xf32>
      %swap3A_1268 = arith.constant 0 : i32
      %swap3A_1269 = arith.index_cast %swap3A_1268 : i32 to index
      %swap3A_1270 = arith.constant 640 : index
      %swap3A_1271 = tpu.vector_load %arg9[%swap3A_1269, %swap3A_1270] {strides = array<i32>} : memref<16x1024xf32, #tpu.memory_space<vmem>>, vector<1x16xf32>,
      %swap3A_1272 = vector.shape_cast %swap3A_1271 : vector<1x16xf32> to vector<16xf32>
      %swap3A_1273 = vector.shape_cast %mul3A_1267 : vector<16xf32> to vector<1x16xf32>
      tpu.vector_store %arg9[%swap3A_1269, %swap3A_1270], %swap3A_1273 {strides = array<i32>} : memref<16x1024xf32, #tpu.memory_space<vmem>>, vector<1x16xf32>,
      %get3A_1274 = arith.constant 0 : i32
      %get3A_1275 = arith.index_cast %get3A_1274 : i32 to index
      %get3A_1276 = arith.constant 656 : index
      %get3A_1277 = tpu.vector_load %arg9[%get3A_1275, %get3A_1276] {strides = array<i32>} : memref<16x1024xf32, #tpu.memory_space<vmem>>, vector<1x16xf32>,
      %get3A_1278 = vector.shape_cast %get3A_1277 : vector<1x16xf32> to vector<16xf32>
      %mul3A_1279 = arith.mulf %get3A_1278, %get3A_764 : vector<16xf32>
      %swap3A_1280 = arith.constant 0 : i32
      %swap3A_1281 = arith.index_cast %swap3A_1280 : i32 to index
      %swap3A_1282 = arith.constant 656 : index
      %swap3A_1283 = tpu.vector_load %arg9[%swap3A_1281, %swap3A_1282] {strides = array<i32>} : memref<16x1024xf32, #tpu.memory_space<vmem>>, vector<1x16xf32>,
      %swap3A_1284 = vector.shape_cast %swap3A_1283 : vector<1x16xf32> to vector<16xf32>
      %swap3A_1285 = vector.shape_cast %mul3A_1279 : vector<16xf32> to vector<1x16xf32>
      tpu.vector_store %arg9[%swap3A_1281, %swap3A_1282], %swap3A_1285 {strides = array<i32>} : memref<16x1024xf32, #tpu.memory_space<vmem>>, vector<1x16xf32>,
      %get3A_1286 = arith.constant 0 : i32
      %get3A_1287 = arith.index_cast %get3A_1286 : i32 to index
      %get3A_1288 = arith.constant 672 : index
      %get3A_1289 = tpu.vector_load %arg9[%get3A_1287, %get3A_1288] {strides = array<i32>} : memref<16x1024xf32, #tpu.memory_space<vmem>>, vector<1x16xf32>,
      %get3A_1290 = vector.shape_cast %get3A_1289 : vector<1x16xf32> to vector<16xf32>
      %mul3A_1291 = arith.mulf %get3A_1290, %get3A_764 : vector<16xf32>
      %swap3A_1292 = arith.constant 0 : i32
      %swap3A_1293 = arith.index_cast %swap3A_1292 : i32 to index
      %swap3A_1294 = arith.constant 672 : index
      %swap3A_1295 = tpu.vector_load %arg9[%swap3A_1293, %swap3A_1294] {strides = array<i32>} : memref<16x1024xf32, #tpu.memory_space<vmem>>, vector<1x16xf32>,
      %swap3A_1296 = vector.shape_cast %swap3A_1295 : vector<1x16xf32> to vector<16xf32>
      %swap3A_1297 = vector.shape_cast %mul3A_1291 : vector<16xf32> to vector<1x16xf32>
      tpu.vector_store %arg9[%swap3A_1293, %swap3A_1294], %swap3A_1297 {strides = array<i32>} : memref<16x1024xf32, #tpu.memory_space<vmem>>, vector<1x16xf32>,
      %get3A_1298 = arith.constant 0 : i32
      %get3A_1299 = arith.index_cast %get3A_1298 : i32 to index
      %get3A_1300 = arith.constant 688 : index
      %get3A_1301 = tpu.vector_load %arg9[%get3A_1299, %get3A_1300] {strides = array<i32>} : memref<16x1024xf32, #tpu.memory_space<vmem>>, vector<1x16xf32>,
      %get3A_1302 = vector.shape_cast %get3A_1301 : vector<1x16xf32> to vector<16xf32>
      %mul3A_1303 = arith.mulf %get3A_1302, %get3A_764 : vector<16xf32>
      %swap3A_1304 = arith.constant 0 : i32
      %swap3A_1305 = arith.index_cast %swap3A_1304 : i32 to index
      %swap3A_1306 = arith.constant 688 : index
      %swap3A_1307 = tpu.vector_load %arg9[%swap3A_1305, %swap3A_1306] {strides = array<i32>} : memref<16x1024xf32, #tpu.memory_space<vmem>>, vector<1x16xf32>,
      %swap3A_1308 = vector.shape_cast %swap3A_1307 : vector<1x16xf32> to vector<16xf32>
      %swap3A_1309 = vector.shape_cast %mul3A_1303 : vector<16xf32> to vector<1x16xf32>
      tpu.vector_store %arg9[%swap3A_1305, %swap3A_1306], %swap3A_1309 {strides = array<i32>} : memref<16x1024xf32, #tpu.memory_space<vmem>>, vector<1x16xf32>,
      %get3A_1310 = arith.constant 0 : i32
      %get3A_1311 = arith.index_cast %get3A_1310 : i32 to index
      %get3A_1312 = arith.constant 704 : index
      %get3A_1313 = tpu.vector_load %arg9[%get3A_1311, %get3A_1312] {strides = array<i32>} : memref<16x1024xf32, #tpu.memory_space<vmem>>, vector<1x16xf32>,
      %get3A_1314 = vector.shape_cast %get3A_1313 : vector<1x16xf32> to vector<16xf32>
      %mul3A_1315 = arith.mulf %get3A_1314, %get3A_764 : vector<16xf32>
      %swap3A_1316 = arith.constant 0 : i32
      %swap3A_1317 = arith.index_cast %swap3A_1316 : i32 to index
      %swap3A_1318 = arith.constant 704 : index
      %swap3A_1319 = tpu.vector_load %arg9[%swap3A_1317, %swap3A_1318] {strides = array<i32>} : memref<16x1024xf32, #tpu.memory_space<vmem>>, vector<1x16xf32>,
      %swap3A_1320 = vector.shape_cast %swap3A_1319 : vector<1x16xf32> to vector<16xf32>
      %swap3A_1321 = vector.shape_cast %mul3A_1315 : vector<16xf32> to vector<1x16xf32>
      tpu.vector_store %arg9[%swap3A_1317, %swap3A_1318], %swap3A_1321 {strides = array<i32>} : memref<16x1024xf32, #tpu.memory_space<vmem>>, vector<1x16xf32>,
      %get3A_1322 = arith.constant 0 : i32
      %get3A_1323 = arith.index_cast %get3A_1322 : i32 to index
      %get3A_1324 = arith.constant 720 : index
      %get3A_1325 = tpu.vector_load %arg9[%get3A_1323, %get3A_1324] {strides = array<i32>} : memref<16x1024xf32, #tpu.memory_space<vmem>>, vector<1x16xf32>,
      %get3A_1326 = vector.shape_cast %get3A_1325 : vector<1x16xf32> to vector<16xf32>
      %mul3A_1327 = arith.mulf %get3A_1326, %get3A_764 : vector<16xf32>
      %swap3A_1328 = arith.constant 0 : i32
      %swap3A_1329 = arith.index_cast %swap3A_1328 : i32 to index
      %swap3A_1330 = arith.constant 720 : index
      %swap3A_1331 = tpu.vector_load %arg9[%swap3A_1329, %swap3A_1330] {strides = array<i32>} : memref<16x1024xf32, #tpu.memory_space<vmem>>, vector<1x16xf32>,
      %swap3A_1332 = vector.shape_cast %swap3A_1331 : vector<1x16xf32> to vector<16xf32>
      %swap3A_1333 = vector.shape_cast %mul3A_1327 : vector<16xf32> to vector<1x16xf32>
      tpu.vector_store %arg9[%swap3A_1329, %swap3A_1330], %swap3A_1333 {strides = array<i32>} : memref<16x1024xf32, #tpu.memory_space<vmem>>, vector<1x16xf32>,
      %get3A_1334 = arith.constant 0 : i32
      %get3A_1335 = arith.index_cast %get3A_1334 : i32 to index
      %get3A_1336 = arith.constant 736 : index
      %get3A_1337 = tpu.vector_load %arg9[%get3A_1335, %get3A_1336] {strides = array<i32>} : memref<16x1024xf32, #tpu.memory_space<vmem>>, vector<1x16xf32>,
      %get3A_1338 = vector.shape_cast %get3A_1337 : vector<1x16xf32> to vector<16xf32>
      %mul3A_1339 = arith.mulf %get3A_1338, %get3A_764 : vector<16xf32>
      %swap3A_1340 = arith.constant 0 : i32
      %swap3A_1341 = arith.index_cast %swap3A_1340 : i32 to index
      %swap3A_1342 = arith.constant 736 : index
      %swap3A_1343 = tpu.vector_load %arg9[%swap3A_1341, %swap3A_1342] {strides = array<i32>} : memref<16x1024xf32, #tpu.memory_space<vmem>>, vector<1x16xf32>,
      %swap3A_1344 = vector.shape_cast %swap3A_1343 : vector<1x16xf32> to vector<16xf32>
      %swap3A_1345 = vector.shape_cast %mul3A_1339 : vector<16xf32> to vector<1x16xf32>
      tpu.vector_store %arg9[%swap3A_1341, %swap3A_1342], %swap3A_1345 {strides = array<i32>} : memref<16x1024xf32, #tpu.memory_space<vmem>>, vector<1x16xf32>,
      %get3A_1346 = arith.constant 0 : i32
      %get3A_1347 = arith.index_cast %get3A_1346 : i32 to index
      %get3A_1348 = arith.constant 752 : index
      %get3A_1349 = tpu.vector_load %arg9[%get3A_1347, %get3A_1348] {strides = array<i32>} : memref<16x1024xf32, #tpu.memory_space<vmem>>, vector<1x16xf32>,
      %get3A_1350 = vector.shape_cast %get3A_1349 : vector<1x16xf32> to vector<16xf32>
      %mul3A_1351 = arith.mulf %get3A_1350, %get3A_764 : vector<16xf32>
      %swap3A_1352 = arith.constant 0 : i32
      %swap3A_1353 = arith.index_cast %swap3A_1352 : i32 to index
      %swap3A_1354 = arith.constant 752 : index
      %swap3A_1355 = tpu.vector_load %arg9[%swap3A_1353, %swap3A_1354] {strides = array<i32>} : memref<16x1024xf32, #tpu.memory_space<vmem>>, vector<1x16xf32>,
      %swap3A_1356 = vector.shape_cast %swap3A_1355 : vector<1x16xf32> to vector<16xf32>
      %swap3A_1357 = vector.shape_cast %mul3A_1351 : vector<16xf32> to vector<1x16xf32>
      tpu.vector_store %arg9[%swap3A_1353, %swap3A_1354], %swap3A_1357 {strides = array<i32>} : memref<16x1024xf32, #tpu.memory_space<vmem>>, vector<1x16xf32>,
      %get3A_1358 = arith.constant 0 : i32
      %get3A_1359 = arith.index_cast %get3A_1358 : i32 to index
      %get3A_1360 = arith.constant 768 : index
      %get3A_1361 = tpu.vector_load %arg9[%get3A_1359, %get3A_1360] {strides = array<i32>} : memref<16x1024xf32, #tpu.memory_space<vmem>>, vector<1x16xf32>,
      %get3A_1362 = vector.shape_cast %get3A_1361 : vector<1x16xf32> to vector<16xf32>
      %mul3A_1363 = arith.mulf %get3A_1362, %get3A_764 : vector<16xf32>
      %swap3A_1364 = arith.constant 0 : i32
      %swap3A_1365 = arith.index_cast %swap3A_1364 : i32 to index
      %swap3A_1366 = arith.constant 768 : index
      %swap3A_1367 = tpu.vector_load %arg9[%swap3A_1365, %swap3A_1366] {strides = array<i32>} : memref<16x1024xf32, #tpu.memory_space<vmem>>, vector<1x16xf32>,
      %swap3A_1368 = vector.shape_cast %swap3A_1367 : vector<1x16xf32> to vector<16xf32>
      %swap3A_1369 = vector.shape_cast %mul3A_1363 : vector<16xf32> to vector<1x16xf32>
      tpu.vector_store %arg9[%swap3A_1365, %swap3A_1366], %swap3A_1369 {strides = array<i32>} : memref<16x1024xf32, #tpu.memory_space<vmem>>, vector<1x16xf32>,
      %get3A_1370 = arith.constant 0 : i32
      %get3A_1371 = arith.index_cast %get3A_1370 : i32 to index
      %get3A_1372 = arith.constant 784 : index
      %get3A_1373 = tpu.vector_load %arg9[%get3A_1371, %get3A_1372] {strides = array<i32>} : memref<16x1024xf32, #tpu.memory_space<vmem>>, vector<1x16xf32>,
      %get3A_1374 = vector.shape_cast %get3A_1373 : vector<1x16xf32> to vector<16xf32>
      %mul3A_1375 = arith.mulf %get3A_1374, %get3A_764 : vector<16xf32>
      %swap3A_1376 = arith.constant 0 : i32
      %swap3A_1377 = arith.index_cast %swap3A_1376 : i32 to index
      %swap3A_1378 = arith.constant 784 : index
      %swap3A_1379 = tpu.vector_load %arg9[%swap3A_1377, %swap3A_1378] {strides = array<i32>} : memref<16x1024xf32, #tpu.memory_space<vmem>>, vector<1x16xf32>,
      %swap3A_1380 = vector.shape_cast %swap3A_1379 : vector<1x16xf32> to vector<16xf32>
      %swap3A_1381 = vector.shape_cast %mul3A_1375 : vector<16xf32> to vector<1x16xf32>
      tpu.vector_store %arg9[%swap3A_1377, %swap3A_1378], %swap3A_1381 {strides = array<i32>} : memref<16x1024xf32, #tpu.memory_space<vmem>>, vector<1x16xf32>,
      %get3A_1382 = arith.constant 0 : i32
      %get3A_1383 = arith.index_cast %get3A_1382 : i32 to index
      %get3A_1384 = arith.constant 800 : index
      %get3A_1385 = tpu.vector_load %arg9[%get3A_1383, %get3A_1384] {strides = array<i32>} : memref<16x1024xf32, #tpu.memory_space<vmem>>, vector<1x16xf32>,
      %get3A_1386 = vector.shape_cast %get3A_1385 : vector<1x16xf32> to vector<16xf32>
      %mul3A_1387 = arith.mulf %get3A_1386, %get3A_764 : vector<16xf32>
      %swap3A_1388 = arith.constant 0 : i32
      %swap3A_1389 = arith.index_cast %swap3A_1388 : i32 to index
      %swap3A_1390 = arith.constant 800 : index
      %swap3A_1391 = tpu.vector_load %arg9[%swap3A_1389, %swap3A_1390] {strides = array<i32>} : memref<16x1024xf32, #tpu.memory_space<vmem>>, vector<1x16xf32>,
      %swap3A_1392 = vector.shape_cast %swap3A_1391 : vector<1x16xf32> to vector<16xf32>
      %swap3A_1393 = vector.shape_cast %mul3A_1387 : vector<16xf32> to vector<1x16xf32>
      tpu.vector_store %arg9[%swap3A_1389, %swap3A_1390], %swap3A_1393 {strides = array<i32>} : memref<16x1024xf32, #tpu.memory_space<vmem>>, vector<1x16xf32>,
      %get3A_1394 = arith.constant 0 : i32
      %get3A_1395 = arith.index_cast %get3A_1394 : i32 to index
      %get3A_1396 = arith.constant 816 : index
      %get3A_1397 = tpu.vector_load %arg9[%get3A_1395, %get3A_1396] {strides = array<i32>} : memref<16x1024xf32, #tpu.memory_space<vmem>>, vector<1x16xf32>,
      %get3A_1398 = vector.shape_cast %get3A_1397 : vector<1x16xf32> to vector<16xf32>
      %mul3A_1399 = arith.mulf %get3A_1398, %get3A_764 : vector<16xf32>
      %swap3A_1400 = arith.constant 0 : i32
      %swap3A_1401 = arith.index_cast %swap3A_1400 : i32 to index
      %swap3A_1402 = arith.constant 816 : index
      %swap3A_1403 = tpu.vector_load %arg9[%swap3A_1401, %swap3A_1402] {strides = array<i32>} : memref<16x1024xf32, #tpu.memory_space<vmem>>, vector<1x16xf32>,
      %swap3A_1404 = vector.shape_cast %swap3A_1403 : vector<1x16xf32> to vector<16xf32>
      %swap3A_1405 = vector.shape_cast %mul3A_1399 : vector<16xf32> to vector<1x16xf32>
      tpu.vector_store %arg9[%swap3A_1401, %swap3A_1402], %swap3A_1405 {strides = array<i32>} : memref<16x1024xf32, #tpu.memory_space<vmem>>, vector<1x16xf32>,
      %get3A_1406 = arith.constant 0 : i32
      %get3A_1407 = arith.index_cast %get3A_1406 : i32 to index
      %get3A_1408 = arith.constant 832 : index
      %get3A_1409 = tpu.vector_load %arg9[%get3A_1407, %get3A_1408] {strides = array<i32>} : memref<16x1024xf32, #tpu.memory_space<vmem>>, vector<1x16xf32>,
      %get3A_1410 = vector.shape_cast %get3A_1409 : vector<1x16xf32> to vector<16xf32>
      %mul3A_1411 = arith.mulf %get3A_1410, %get3A_764 : vector<16xf32>
      %swap3A_1412 = arith.constant 0 : i32
      %swap3A_1413 = arith.index_cast %swap3A_1412 : i32 to index
      %swap3A_1414 = arith.constant 832 : index
      %swap3A_1415 = tpu.vector_load %arg9[%swap3A_1413, %swap3A_1414] {strides = array<i32>} : memref<16x1024xf32, #tpu.memory_space<vmem>>, vector<1x16xf32>,
      %swap3A_1416 = vector.shape_cast %swap3A_1415 : vector<1x16xf32> to vector<16xf32>
      %swap3A_1417 = vector.shape_cast %mul3A_1411 : vector<16xf32> to vector<1x16xf32>
      tpu.vector_store %arg9[%swap3A_1413, %swap3A_1414], %swap3A_1417 {strides = array<i32>} : memref<16x1024xf32, #tpu.memory_space<vmem>>, vector<1x16xf32>,
      %get3A_1418 = arith.constant 0 : i32
      %get3A_1419 = arith.index_cast %get3A_1418 : i32 to index
      %get3A_1420 = arith.constant 848 : index
      %get3A_1421 = tpu.vector_load %arg9[%get3A_1419, %get3A_1420] {strides = array<i32>} : memref<16x1024xf32, #tpu.memory_space<vmem>>, vector<1x16xf32>,
      %get3A_1422 = vector.shape_cast %get3A_1421 : vector<1x16xf32> to vector<16xf32>
      %mul3A_1423 = arith.mulf %get3A_1422, %get3A_764 : vector<16xf32>
      %swap3A_1424 = arith.constant 0 : i32
      %swap3A_1425 = arith.index_cast %swap3A_1424 : i32 to index
      %swap3A_1426 = arith.constant 848 : index
      %swap3A_1427 = tpu.vector_load %arg9[%swap3A_1425, %swap3A_1426] {strides = array<i32>} : memref<16x1024xf32, #tpu.memory_space<vmem>>, vector<1x16xf32>,
      %swap3A_1428 = vector.shape_cast %swap3A_1427 : vector<1x16xf32> to vector<16xf32>
      %swap3A_1429 = vector.shape_cast %mul3A_1423 : vector<16xf32> to vector<1x16xf32>
      tpu.vector_store %arg9[%swap3A_1425, %swap3A_1426], %swap3A_1429 {strides = array<i32>} : memref<16x1024xf32, #tpu.memory_space<vmem>>, vector<1x16xf32>,
      %get3A_1430 = arith.constant 0 : i32
      %get3A_1431 = arith.index_cast %get3A_1430 : i32 to index
      %get3A_1432 = arith.constant 864 : index
      %get3A_1433 = tpu.vector_load %arg9[%get3A_1431, %get3A_1432] {strides = array<i32>} : memref<16x1024xf32, #tpu.memory_space<vmem>>, vector<1x16xf32>,
      %get3A_1434 = vector.shape_cast %get3A_1433 : vector<1x16xf32> to vector<16xf32>
      %mul3A_1435 = arith.mulf %get3A_1434, %get3A_764 : vector<16xf32>
      %swap3A_1436 = arith.constant 0 : i32
      %swap3A_1437 = arith.index_cast %swap3A_1436 : i32 to index
      %swap3A_1438 = arith.constant 864 : index
      %swap3A_1439 = tpu.vector_load %arg9[%swap3A_1437, %swap3A_1438] {strides = array<i32>} : memref<16x1024xf32, #tpu.memory_space<vmem>>, vector<1x16xf32>,
      %swap3A_1440 = vector.shape_cast %swap3A_1439 : vector<1x16xf32> to vector<16xf32>
      %swap3A_1441 = vector.shape_cast %mul3A_1435 : vector<16xf32> to vector<1x16xf32>
      tpu.vector_store %arg9[%swap3A_1437, %swap3A_1438], %swap3A_1441 {strides = array<i32>} : memref<16x1024xf32, #tpu.memory_space<vmem>>, vector<1x16xf32>,
      %get3A_1442 = arith.constant 0 : i32
      %get3A_1443 = arith.index_cast %get3A_1442 : i32 to index
      %get3A_1444 = arith.constant 880 : index
      %get3A_1445 = tpu.vector_load %arg9[%get3A_1443, %get3A_1444] {strides = array<i32>} : memref<16x1024xf32, #tpu.memory_space<vmem>>, vector<1x16xf32>,
      %get3A_1446 = vector.shape_cast %get3A_1445 : vector<1x16xf32> to vector<16xf32>
      %mul3A_1447 = arith.mulf %get3A_1446, %get3A_764 : vector<16xf32>
      %swap3A_1448 = arith.constant 0 : i32
      %swap3A_1449 = arith.index_cast %swap3A_1448 : i32 to index
      %swap3A_1450 = arith.constant 880 : index
      %swap3A_1451 = tpu.vector_load %arg9[%swap3A_1449, %swap3A_1450] {strides = array<i32>} : memref<16x1024xf32, #tpu.memory_space<vmem>>, vector<1x16xf32>,
      %swap3A_1452 = vector.shape_cast %swap3A_1451 : vector<1x16xf32> to vector<16xf32>
      %swap3A_1453 = vector.shape_cast %mul3A_1447 : vector<16xf32> to vector<1x16xf32>
      tpu.vector_store %arg9[%swap3A_1449, %swap3A_1450], %swap3A_1453 {strides = array<i32>} : memref<16x1024xf32, #tpu.memory_space<vmem>>, vector<1x16xf32>,
      %get3A_1454 = arith.constant 0 : i32
      %get3A_1455 = arith.index_cast %get3A_1454 : i32 to index
      %get3A_1456 = arith.constant 896 : index
      %get3A_1457 = tpu.vector_load %arg9[%get3A_1455, %get3A_1456] {strides = array<i32>} : memref<16x1024xf32, #tpu.memory_space<vmem>>, vector<1x16xf32>,
      %get3A_1458 = vector.shape_cast %get3A_1457 : vector<1x16xf32> to vector<16xf32>
      %mul3A_1459 = arith.mulf %get3A_1458, %get3A_764 : vector<16xf32>
      %swap3A_1460 = arith.constant 0 : i32
      %swap3A_1461 = arith.index_cast %swap3A_1460 : i32 to index
      %swap3A_1462 = arith.constant 896 : index
      %swap3A_1463 = tpu.vector_load %arg9[%swap3A_1461, %swap3A_1462] {strides = array<i32>} : memref<16x1024xf32, #tpu.memory_space<vmem>>, vector<1x16xf32>,
      %swap3A_1464 = vector.shape_cast %swap3A_1463 : vector<1x16xf32> to vector<16xf32>
      %swap3A_1465 = vector.shape_cast %mul3A_1459 : vector<16xf32> to vector<1x16xf32>
      tpu.vector_store %arg9[%swap3A_1461, %swap3A_1462], %swap3A_1465 {strides = array<i32>} : memref<16x1024xf32, #tpu.memory_space<vmem>>, vector<1x16xf32>,
      %get3A_1466 = arith.constant 0 : i32
      %get3A_1467 = arith.index_cast %get3A_1466 : i32 to index
      %get3A_1468 = arith.constant 912 : index
      %get3A_1469 = tpu.vector_load %arg9[%get3A_1467, %get3A_1468] {strides = array<i32>} : memref<16x1024xf32, #tpu.memory_space<vmem>>, vector<1x16xf32>,
      %get3A_1470 = vector.shape_cast %get3A_1469 : vector<1x16xf32> to vector<16xf32>
      %mul3A_1471 = arith.mulf %get3A_1470, %get3A_764 : vector<16xf32>
      %swap3A_1472 = arith.constant 0 : i32
      %swap3A_1473 = arith.index_cast %swap3A_1472 : i32 to index
      %swap3A_1474 = arith.constant 912 : index
      %swap3A_1475 = tpu.vector_load %arg9[%swap3A_1473, %swap3A_1474] {strides = array<i32>} : memref<16x1024xf32, #tpu.memory_space<vmem>>, vector<1x16xf32>,
      %swap3A_1476 = vector.shape_cast %swap3A_1475 : vector<1x16xf32> to vector<16xf32>
      %swap3A_1477 = vector.shape_cast %mul3A_1471 : vector<16xf32> to vector<1x16xf32>
      tpu.vector_store %arg9[%swap3A_1473, %swap3A_1474], %swap3A_1477 {strides = array<i32>} : memref<16x1024xf32, #tpu.memory_space<vmem>>, vector<1x16xf32>,
      %get3A_1478 = arith.constant 0 : i32
      %get3A_1479 = arith.index_cast %get3A_1478 : i32 to index
      %get3A_1480 = arith.constant 928 : index
      %get3A_1481 = tpu.vector_load %arg9[%get3A_1479, %get3A_1480] {strides = array<i32>} : memref<16x1024xf32, #tpu.memory_space<vmem>>, vector<1x16xf32>,
      %get3A_1482 = vector.shape_cast %get3A_1481 : vector<1x16xf32> to vector<16xf32>
      %mul3A_1483 = arith.mulf %get3A_1482, %get3A_764 : vector<16xf32>
      %swap3A_1484 = arith.constant 0 : i32
      %swap3A_1485 = arith.index_cast %swap3A_1484 : i32 to index
      %swap3A_1486 = arith.constant 928 : index
      %swap3A_1487 = tpu.vector_load %arg9[%swap3A_1485, %swap3A_1486] {strides = array<i32>} : memref<16x1024xf32, #tpu.memory_space<vmem>>, vector<1x16xf32>,
      %swap3A_1488 = vector.shape_cast %swap3A_1487 : vector<1x16xf32> to vector<16xf32>
      %swap3A_1489 = vector.shape_cast %mul3A_1483 : vector<16xf32> to vector<1x16xf32>
      tpu.vector_store %arg9[%swap3A_1485, %swap3A_1486], %swap3A_1489 {strides = array<i32>} : memref<16x1024xf32, #tpu.memory_space<vmem>>, vector<1x16xf32>,
      %get3A_1490 = arith.constant 0 : i32
      %get3A_1491 = arith.index_cast %get3A_1490 : i32 to index
      %get3A_1492 = arith.constant 944 : index
      %get3A_1493 = tpu.vector_load %arg9[%get3A_1491, %get3A_1492] {strides = array<i32>} : memref<16x1024xf32, #tpu.memory_space<vmem>>, vector<1x16xf32>,
      %get3A_1494 = vector.shape_cast %get3A_1493 : vector<1x16xf32> to vector<16xf32>
      %mul3A_1495 = arith.mulf %get3A_1494, %get3A_764 : vector<16xf32>
      %swap3A_1496 = arith.constant 0 : i32
      %swap3A_1497 = arith.index_cast %swap3A_1496 : i32 to index
      %swap3A_1498 = arith.constant 944 : index
      %swap3A_1499 = tpu.vector_load %arg9[%swap3A_1497, %swap3A_1498] {strides = array<i32>} : memref<16x1024xf32, #tpu.memory_space<vmem>>, vector<1x16xf32>,
      %swap3A_1500 = vector.shape_cast %swap3A_1499 : vector<1x16xf32> to vector<16xf32>
      %swap3A_1501 = vector.shape_cast %mul3A_1495 : vector<16xf32> to vector<1x16xf32>
      tpu.vector_store %arg9[%swap3A_1497, %swap3A_1498], %swap3A_1501 {strides = array<i32>} : memref<16x1024xf32, #tpu.memory_space<vmem>>, vector<1x16xf32>,
      %get3A_1502 = arith.constant 0 : i32
      %get3A_1503 = arith.index_cast %get3A_1502 : i32 to index
      %get3A_1504 = arith.constant 960 : index
      %get3A_1505 = tpu.vector_load %arg9[%get3A_1503, %get3A_1504] {strides = array<i32>} : memref<16x1024xf32, #tpu.memory_space<vmem>>, vector<1x16xf32>,
      %get3A_1506 = vector.shape_cast %get3A_1505 : vector<1x16xf32> to vector<16xf32>
      %mul3A_1507 = arith.mulf %get3A_1506, %get3A_764 : vector<16xf32>
      %swap3A_1508 = arith.constant 0 : i32
      %swap3A_1509 = arith.index_cast %swap3A_1508 : i32 to index
      %swap3A_1510 = arith.constant 960 : index
      %swap3A_1511 = tpu.vector_load %arg9[%swap3A_1509, %swap3A_1510] {strides = array<i32>} : memref<16x1024xf32, #tpu.memory_space<vmem>>, vector<1x16xf32>,
      %swap3A_1512 = vector.shape_cast %swap3A_1511 : vector<1x16xf32> to vector<16xf32>
      %swap3A_1513 = vector.shape_cast %mul3A_1507 : vector<16xf32> to vector<1x16xf32>
      tpu.vector_store %arg9[%swap3A_1509, %swap3A_1510], %swap3A_1513 {strides = array<i32>} : memref<16x1024xf32, #tpu.memory_space<vmem>>, vector<1x16xf32>,
      %get3A_1514 = arith.constant 0 : i32
      %get3A_1515 = arith.index_cast %get3A_1514 : i32 to index
      %get3A_1516 = arith.constant 976 : index
      %get3A_1517 = tpu.vector_load %arg9[%get3A_1515, %get3A_1516] {strides = array<i32>} : memref<16x1024xf32, #tpu.memory_space<vmem>>, vector<1x16xf32>,
      %get3A_1518 = vector.shape_cast %get3A_1517 : vector<1x16xf32> to vector<16xf32>
      %mul3A_1519 = arith.mulf %get3A_1518, %get3A_764 : vector<16xf32>
      %swap3A_1520 = arith.constant 0 : i32
      %swap3A_1521 = arith.index_cast %swap3A_1520 : i32 to index
      %swap3A_1522 = arith.constant 976 : index
      %swap3A_1523 = tpu.vector_load %arg9[%swap3A_1521, %swap3A_1522] {strides = array<i32>} : memref<16x1024xf32, #tpu.memory_space<vmem>>, vector<1x16xf32>,
      %swap3A_1524 = vector.shape_cast %swap3A_1523 : vector<1x16xf32> to vector<16xf32>
      %swap3A_1525 = vector.shape_cast %mul3A_1519 : vector<16xf32> to vector<1x16xf32>
      tpu.vector_store %arg9[%swap3A_1521, %swap3A_1522], %swap3A_1525 {strides = array<i32>} : memref<16x1024xf32, #tpu.memory_space<vmem>>, vector<1x16xf32>,
      %get3A_1526 = arith.constant 0 : i32
      %get3A_1527 = arith.index_cast %get3A_1526 : i32 to index
      %get3A_1528 = arith.constant 992 : index
      %get3A_1529 = tpu.vector_load %arg9[%get3A_1527, %get3A_1528] {strides = array<i32>} : memref<16x1024xf32, #tpu.memory_space<vmem>>, vector<1x16xf32>,
      %get3A_1530 = vector.shape_cast %get3A_1529 : vector<1x16xf32> to vector<16xf32>
      %mul3A_1531 = arith.mulf %get3A_1530, %get3A_764 : vector<16xf32>
      %swap3A_1532 = arith.constant 0 : i32
      %swap3A_1533 = arith.index_cast %swap3A_1532 : i32 to index
      %swap3A_1534 = arith.constant 992 : index
      %swap3A_1535 = tpu.vector_load %arg9[%swap3A_1533, %swap3A_1534] {strides = array<i32>} : memref<16x1024xf32, #tpu.memory_space<vmem>>, vector<1x16xf32>,
      %swap3A_1536 = vector.shape_cast %swap3A_1535 : vector<1x16xf32> to vector<16xf32>
      %swap3A_1537 = vector.shape_cast %mul3A_1531 : vector<16xf32> to vector<1x16xf32>
      tpu.vector_store %arg9[%swap3A_1533, %swap3A_1534], %swap3A_1537 {strides = array<i32>} : memref<16x1024xf32, #tpu.memory_space<vmem>>, vector<1x16xf32>,
      %get3A_1538 = arith.constant 0 : i32
      %get3A_1539 = arith.index_cast %get3A_1538 : i32 to index
      %get3A_1540 = arith.constant 1008 : index
      %get3A_1541 = tpu.vector_load %arg9[%get3A_1539, %get3A_1540] {strides = array<i32>} : memref<16x1024xf32, #tpu.memory_space<vmem>>, vector<1x16xf32>,
      %get3A_1542 = vector.shape_cast %get3A_1541 : vector<1x16xf32> to vector<16xf32>
      %mul3A_1543 = arith.mulf %get3A_1542, %get3A_764 : vector<16xf32>
      %swap3A_1544 = arith.constant 0 : i32
      %swap3A_1545 = arith.index_cast %swap3A_1544 : i32 to index
      %swap3A_1546 = arith.constant 1008 : index
      %swap3A_1547 = tpu.vector_load %arg9[%swap3A_1545, %swap3A_1546] {strides = array<i32>} : memref<16x1024xf32, #tpu.memory_space<vmem>>, vector<1x16xf32>,
      %swap3A_1548 = vector.shape_cast %swap3A_1547 : vector<1x16xf32> to vector<16xf32>
      %swap3A_1549 = vector.shape_cast %mul3A_1543 : vector<16xf32> to vector<1x16xf32>
      tpu.vector_store %arg9[%swap3A_1545, %swap3A_1546], %swap3A_1549 {strides = array<i32>} : memref<16x1024xf32, #tpu.memory_space<vmem>>, vector<1x16xf32>,
      "tpu.region"() ({
        %run_scoped3A = tpu.sem_alloc : memref<!tpu.dma_semaphore, #tpu.memory_space<semaphore_mem>>
        %dma_start3A_1550 = arith.constant 0 : i32
        %dma_start3A_1551 = arith.constant 0 : i32
        %dma_start3A_1552 = tpu.memref_slice %arg9[%dma_start3A_1550, %dma_start3A_1551] : memref<16x1024xf32, #tpu.memory_space<vmem>> -> memref<1x1024xf32, #tpu.memory_space<vmem>>
        %dma_start3A_1553 = arith.constant 0 : i32
        %dma_start3A_1554 = tpu.memref_slice %arg4[%add3A_722, %dma_start3A_1553] : memref<80x1024xf32, #tpu.memory_space<hbm>> -> memref<1x1024xf32, #tpu.memory_space<hbm>>
        %dma_start3A_1555 = arith.constant 0 : i32
        %dma_start3A_1556 = tpu.memref_slice %arg4[%add3A_722, %dma_start3A_1555] : memref<80x1024xf32, #tpu.memory_space<hbm>> -> memref<1x1024xf32, #tpu.memory_space<hbm>>
        %dma_start3A_1557 = arith.constant 0 : i32
        %dma_start3A_1558 = arith.constant 0 : i32
        %dma_start3A_1559 = tpu.memref_slice %arg9[%dma_start3A_1557, %dma_start3A_1558] : memref<16x1024xf32, #tpu.memory_space<vmem>> -> memref<1x1024xf32, #tpu.memory_space<vmem>>
        tpu.enqueue_dma source(%dma_start3A_1559 : memref<1x1024xf32, #tpu.memory_space<vmem>>) target(%dma_start3A_1556 : memref<1x1024xf32, #tpu.memory_space<hbm>>) target_semaphore(%run_scoped3A : memref<!tpu.dma_semaphore, #tpu.memory_space<semaphore_mem>>)
        %dma_wait3A_1560 = arith.constant 0 : i32
        %dma_wait3A_1561 = arith.constant 0 : i32
        %dma_wait3A_1562 = tpu.memref_slice %arg9[%dma_wait3A_1560, %dma_wait3A_1561] : memref<16x1024xf32, #tpu.memory_space<vmem>> -> memref<1x1024xf32, #tpu.memory_space<vmem>>
        %dma_wait3A_1563 = arith.constant 0 : i32
        %dma_wait3A_1564 = tpu.memref_slice %arg4[%add3A_722, %dma_wait3A_1563] : memref<80x1024xf32, #tpu.memory_space<hbm>> -> memref<1x1024xf32, #tpu.memory_space<hbm>>
        %dma_wait3A_1565 = arith.constant 0 : i32
        %dma_wait3A_1566 = tpu.memref_slice %arg4[%add3A_722, %dma_wait3A_1565] : memref<80x1024xf32, #tpu.memory_space<hbm>> -> memref<1x1024xf32, #tpu.memory_space<hbm>>
        %dma_wait3A_1567 = arith.constant 0 : i32
        %dma_wait3A_1568 = arith.constant 0 : i32
        %dma_wait3A_1569 = tpu.memref_slice %arg9[%dma_wait3A_1567, %dma_wait3A_1568] : memref<16x1024xf32, #tpu.memory_space<vmem>> -> memref<1x1024xf32, #tpu.memory_space<vmem>>
        tpu.wait_dma2 semaphore(%run_scoped3A : memref<!tpu.dma_semaphore, #tpu.memory_space<semaphore_mem>>) src(%dma_wait3A_1569 : memref<1x1024xf32, #tpu.memory_space<vmem>>) dst(%dma_wait3A_1566 : memref<1x1024xf32, #tpu.memory_space<hbm>>)
        tpu.yield
      }) : () -> ()
    } else {
    }
    %add3A_725 = arith.constant 32 : i32
    %add3A_726 = arith.addi %add3A, %add3A_725 : i32
    %lt3A_727 = arith.constant 80 : i32
    %lt3A_728 = arith.cmpi slt, %add3A_726, %lt3A_727 : i32
    %convert_element_type3A_729 = arith.extui %lt3A_728 : i1 to i32
    %cond3A_730 = arith.constant 0 : i32
    %cond3A_731 = arith.cmpi ne, %convert_element_type3A_729, %cond3A_730 : i32
    scf.if %cond3A_731 {
      %jit3A_739 = arith.constant 10 : i32
      %div3A_740 = arith.divsi %add3A_726, %jit3A_739 : i32
      %sign3A = arith.constant 0 : i32
      %sign3A_741 = arith.cmpi sgt, %add3A_726, %sign3A : i32
      %sign3A_742 = arith.extui %sign3A_741 : i1 to i32
      %sign3A_743 = arith.constant 0 : i32
      %sign3A_744 = arith.cmpi slt, %add3A_726, %sign3A_743 : i32
      %sign3A_745 = arith.extui %sign3A_744 : i1 to i32
      %sign3A_746 = arith.subi %sign3A_742, %sign3A_745 : i32
      %sign3A_747 = arith.constant 0 : i32
      %sign3A_748 = arith.cmpi sgt, %jit3A_739, %sign3A_747 : i32
      %sign3A_749 = arith.extui %sign3A_748 : i1 to i32
      %sign3A_750 = arith.constant 0 : i32
      %sign3A_751 = arith.cmpi slt, %jit3A_739, %sign3A_750 : i32
      %sign3A_752 = arith.extui %sign3A_751 : i1 to i32
      %sign3A_753 = arith.subi %sign3A_749, %sign3A_752 : i32
      %ne3A = arith.cmpi ne, %sign3A_746, %sign3A_753 : i32
      %rem3A = arith.remsi %add3A_726, %jit3A_739 : i32
      %ne3A_754 = arith.constant 0 : i32
      %ne3A_755 = arith.cmpi ne, %rem3A, %ne3A_754 : i32
      %and3A = arith.andi %ne3A, %ne3A_755 : i1
      %sub3A = arith.constant 1 : i32
      %sub3A_756 = arith.subi %div3A_740, %sub3A : i32
      %select_n3A_757 = arith.select %and3A, %sub3A_756, %div3A_740 : i32
      %mul3A_758 = arith.constant 10 : i32
      %mul3A_759 = arith.muli %select_n3A_757, %mul3A_758 : i32
      %sub3A_760 = arith.subi %add3A_726, %mul3A_759 : i32
      %get3A_761 = arith.index_cast %select_n3A_757 : i32 to index
      %get3A_762 = arith.constant 0 : index
      %get3A_763 = tpu.vector_load %arg6[%get3A_761, %get3A_762] {strides = array<i32>} : memref<8x16xf32, #tpu.memory_space<vmem>>, vector<1x16xf32>,
      %get3A_764 = vector.shape_cast %get3A_763 : vector<1x16xf32> to vector<16xf32>
      %get3A_765 = arith.index_cast %select_n3A_757 : i32 to index
      %get3A_766 = arith.constant 0 : index
      %get3A_767 = tpu.vector_load %arg7[%get3A_765, %get3A_766] {strides = array<i32>} : memref<8x16xi32, #tpu.memory_space<vmem>>, vector<1x16xi32>,
      %get3A_768 = vector.shape_cast %get3A_767 : vector<1x16xi32> to vector<16xi32>
      %mul3A_769 = arith.constant 10 : i32
      %mul3A_770 = vector.broadcast %mul3A_769 : i32 to vector<16xi32>
      %mul3A_771 = arith.muli %get3A_768, %mul3A_770 : vector<16xi32>
      %add3A_772 = vector.broadcast %sub3A_760 : i32 to vector<16xi32>
      %add3A_773 = arith.addi %mul3A_771, %add3A_772 : vector<16xi32>
      %swap3A_774 = arith.constant 0 : index
      %swap3A_775 = tpu.vector_load %arg8[%swap3A_774] {strides = array<i32>} : memref<16xi32, #tpu.memory_space<vmem>>, vector<16xi32>,
      %swap3A_776 = vector.shape_cast %swap3A_775 : vector<16xi32> to vector<16xi32>
      %swap3A_777 = vector.shape_cast %add3A_773 : vector<16xi32> to vector<16xi32>
      tpu.vector_store %arg8[%swap3A_774], %swap3A_777 {strides = array<i32>} : memref<16xi32, #tpu.memory_space<vmem>>, vector<16xi32>,
      %dma_start3A = arith.constant 0 : i32
      %dma_start3A_778 = arith.constant 0 : i32
      %dma_start3A_779 = tpu.memref_slice %arg3[%dma_start3A, %dma_start3A_778] : memref<160x1024xf32, #tpu.memory_space<hbm>> -> memref<160x1024xf32, #tpu.memory_space<hbm>>
      tpu.enqueue_indirect_dma source(%dma_start3A_779 : memref<160x1024xf32, #tpu.memory_space<hbm>>) target(%arg9 : memref<16x1024xf32, #tpu.memory_space<vmem>>) offsets(%arg8 : memref<16xi32, #tpu.memory_space<vmem>>) semaphore(%arg10 : memref<!tpu.dma_semaphore, #tpu.memory_space<semaphore_mem>>)
      %dma_wait3A = arith.constant 0 : i32
      %dma_wait3A_780 = arith.constant 0 : i32
      %dma_wait3A_781 = tpu.memref_slice %arg3[%dma_wait3A, %dma_wait3A_780] : memref<160x1024xf32, #tpu.memory_space<hbm>> -> memref<160x1024xf32, #tpu.memory_space<hbm>>
      tpu.wait_indirect_dma semaphore(%arg10 : memref<!tpu.dma_semaphore, #tpu.memory_space<semaphore_mem>>) src(%dma_wait3A_781 : memref<160x1024xf32, #tpu.memory_space<hbm>>) dst(%arg9 : memref<16x1024xf32, #tpu.memory_space<vmem>>)
      %get3A_782 = arith.constant 0 : i32
      %get3A_783 = arith.index_cast %get3A_782 : i32 to index
      %get3A_784 = arith.constant 0 : index
      %get3A_785 = tpu.vector_load %arg9[%get3A_783, %get3A_784] {strides = array<i32>} : memref<16x1024xf32, #tpu.memory_space<vmem>>, vector<1x16xf32>,
      %get3A_786 = vector.shape_cast %get3A_785 : vector<1x16xf32> to vector<16xf32>
      %mul3A_787 = arith.mulf %get3A_786, %get3A_764 : vector<16xf32>
      %swap3A_788 = arith.constant 0 : i32
      %swap3A_789 = arith.index_cast %swap3A_788 : i32 to index
      %swap3A_790 = arith.constant 0 : index
      %swap3A_791 = tpu.vector_load %arg9[%swap3A_789, %swap3A_790] {strides = array<i32>} : memref<16x1024xf32, #tpu.memory_space<vmem>>, vector<1x16xf32>,
      %swap3A_792 = vector.shape_cast %swap3A_791 : vector<1x16xf32> to vector<16xf32>
      %swap3A_793 = vector.shape_cast %mul3A_787 : vector<16xf32> to vector<1x16xf32>
      tpu.vector_store %arg9[%swap3A_789, %swap3A_790], %swap3A_793 {strides = array<i32>} : memref<16x1024xf32, #tpu.memory_space<vmem>>, vector<1x16xf32>,
      %get3A_794 = arith.constant 0 : i32
      %get3A_795 = arith.index_cast %get3A_794 : i32 to index
      %get3A_796 = arith.constant 16 : index
      %get3A_797 = tpu.vector_load %arg9[%get3A_795, %get3A_796] {strides = array<i32>} : memref<16x1024xf32, #tpu.memory_space<vmem>>, vector<1x16xf32>,
      %get3A_798 = vector.shape_cast %get3A_797 : vector<1x16xf32> to vector<16xf32>
      %mul3A_799 = arith.mulf %get3A_798, %get3A_764 : vector<16xf32>
      %swap3A_800 = arith.constant 0 : i32
      %swap3A_801 = arith.index_cast %swap3A_800 : i32 to index
      %swap3A_802 = arith.constant 16 : index
      %swap3A_803 = tpu.vector_load %arg9[%swap3A_801, %swap3A_802] {strides = array<i32>} : memref<16x1024xf32, #tpu.memory_space<vmem>>, vector<1x16xf32>,
      %swap3A_804 = vector.shape_cast %swap3A_803 : vector<1x16xf32> to vector<16xf32>
      %swap3A_805 = vector.shape_cast %mul3A_799 : vector<16xf32> to vector<1x16xf32>
      tpu.vector_store %arg9[%swap3A_801, %swap3A_802], %swap3A_805 {strides = array<i32>} : memref<16x1024xf32, #tpu.memory_space<vmem>>, vector<1x16xf32>,
      %get3A_806 = arith.constant 0 : i32
      %get3A_807 = arith.index_cast %get3A_806 : i32 to index
      %get3A_808 = arith.constant 32 : index
      %get3A_809 = tpu.vector_load %arg9[%get3A_807, %get3A_808] {strides = array<i32>} : memref<16x1024xf32, #tpu.memory_space<vmem>>, vector<1x16xf32>,
      %get3A_810 = vector.shape_cast %get3A_809 : vector<1x16xf32> to vector<16xf32>
      %mul3A_811 = arith.mulf %get3A_810, %get3A_764 : vector<16xf32>
      %swap3A_812 = arith.constant 0 : i32
      %swap3A_813 = arith.index_cast %swap3A_812 : i32 to index
      %swap3A_814 = arith.constant 32 : index
      %swap3A_815 = tpu.vector_load %arg9[%swap3A_813, %swap3A_814] {strides = array<i32>} : memref<16x1024xf32, #tpu.memory_space<vmem>>, vector<1x16xf32>,
      %swap3A_816 = vector.shape_cast %swap3A_815 : vector<1x16xf32> to vector<16xf32>
      %swap3A_817 = vector.shape_cast %mul3A_811 : vector<16xf32> to vector<1x16xf32>
      tpu.vector_store %arg9[%swap3A_813, %swap3A_814], %swap3A_817 {strides = array<i32>} : memref<16x1024xf32, #tpu.memory_space<vmem>>, vector<1x16xf32>,
      %get3A_818 = arith.constant 0 : i32
      %get3A_819 = arith.index_cast %get3A_818 : i32 to index
      %get3A_820 = arith.constant 48 : index
      %get3A_821 = tpu.vector_load %arg9[%get3A_819, %get3A_820] {strides = array<i32>} : memref<16x1024xf32, #tpu.memory_space<vmem>>, vector<1x16xf32>,
      %get3A_822 = vector.shape_cast %get3A_821 : vector<1x16xf32> to vector<16xf32>
      %mul3A_823 = arith.mulf %get3A_822, %get3A_764 : vector<16xf32>
      %swap3A_824 = arith.constant 0 : i32
      %swap3A_825 = arith.index_cast %swap3A_824 : i32 to index
      %swap3A_826 = arith.constant 48 : index
      %swap3A_827 = tpu.vector_load %arg9[%swap3A_825, %swap3A_826] {strides = array<i32>} : memref<16x1024xf32, #tpu.memory_space<vmem>>, vector<1x16xf32>,
      %swap3A_828 = vector.shape_cast %swap3A_827 : vector<1x16xf32> to vector<16xf32>
      %swap3A_829 = vector.shape_cast %mul3A_823 : vector<16xf32> to vector<1x16xf32>
      tpu.vector_store %arg9[%swap3A_825, %swap3A_826], %swap3A_829 {strides = array<i32>} : memref<16x1024xf32, #tpu.memory_space<vmem>>, vector<1x16xf32>,
      %get3A_830 = arith.constant 0 : i32
      %get3A_831 = arith.index_cast %get3A_830 : i32 to index
      %get3A_832 = arith.constant 64 : index
      %get3A_833 = tpu.vector_load %arg9[%get3A_831, %get3A_832] {strides = array<i32>} : memref<16x1024xf32, #tpu.memory_space<vmem>>, vector<1x16xf32>,
      %get3A_834 = vector.shape_cast %get3A_833 : vector<1x16xf32> to vector<16xf32>
      %mul3A_835 = arith.mulf %get3A_834, %get3A_764 : vector<16xf32>
      %swap3A_836 = arith.constant 0 : i32
      %swap3A_837 = arith.index_cast %swap3A_836 : i32 to index
      %swap3A_838 = arith.constant 64 : index
      %swap3A_839 = tpu.vector_load %arg9[%swap3A_837, %swap3A_838] {strides = array<i32>} : memref<16x1024xf32, #tpu.memory_space<vmem>>, vector<1x16xf32>,
      %swap3A_840 = vector.shape_cast %swap3A_839 : vector<1x16xf32> to vector<16xf32>
      %swap3A_841 = vector.shape_cast %mul3A_835 : vector<16xf32> to vector<1x16xf32>
      tpu.vector_store %arg9[%swap3A_837, %swap3A_838], %swap3A_841 {strides = array<i32>} : memref<16x1024xf32, #tpu.memory_space<vmem>>, vector<1x16xf32>,
      %get3A_842 = arith.constant 0 : i32
      %get3A_843 = arith.index_cast %get3A_842 : i32 to index
      %get3A_844 = arith.constant 80 : index
      %get3A_845 = tpu.vector_load %arg9[%get3A_843, %get3A_844] {strides = array<i32>} : memref<16x1024xf32, #tpu.memory_space<vmem>>, vector<1x16xf32>,
      %get3A_846 = vector.shape_cast %get3A_845 : vector<1x16xf32> to vector<16xf32>
      %mul3A_847 = arith.mulf %get3A_846, %get3A_764 : vector<16xf32>
      %swap3A_848 = arith.constant 0 : i32
      %swap3A_849 = arith.index_cast %swap3A_848 : i32 to index
      %swap3A_850 = arith.constant 80 : index
      %swap3A_851 = tpu.vector_load %arg9[%swap3A_849, %swap3A_850] {strides = array<i32>} : memref<16x1024xf32, #tpu.memory_space<vmem>>, vector<1x16xf32>,
      %swap3A_852 = vector.shape_cast %swap3A_851 : vector<1x16xf32> to vector<16xf32>
      %swap3A_853 = vector.shape_cast %mul3A_847 : vector<16xf32> to vector<1x16xf32>
      tpu.vector_store %arg9[%swap3A_849, %swap3A_850], %swap3A_853 {strides = array<i32>} : memref<16x1024xf32, #tpu.memory_space<vmem>>, vector<1x16xf32>,
      %get3A_854 = arith.constant 0 : i32
      %get3A_855 = arith.index_cast %get3A_854 : i32 to index
      %get3A_856 = arith.constant 96 : index
      %get3A_857 = tpu.vector_load %arg9[%get3A_855, %get3A_856] {strides = array<i32>} : memref<16x1024xf32, #tpu.memory_space<vmem>>, vector<1x16xf32>,
      %get3A_858 = vector.shape_cast %get3A_857 : vector<1x16xf32> to vector<16xf32>
      %mul3A_859 = arith.mulf %get3A_858, %get3A_764 : vector<16xf32>
      %swap3A_860 = arith.constant 0 : i32
      %swap3A_861 = arith.index_cast %swap3A_860 : i32 to index
      %swap3A_862 = arith.constant 96 : index
      %swap3A_863 = tpu.vector_load %arg9[%swap3A_861, %swap3A_862] {strides = array<i32>} : memref<16x1024xf32, #tpu.memory_space<vmem>>, vector<1x16xf32>,
      %swap3A_864 = vector.shape_cast %swap3A_863 : vector<1x16xf32> to vector<16xf32>
      %swap3A_865 = vector.shape_cast %mul3A_859 : vector<16xf32> to vector<1x16xf32>
      tpu.vector_store %arg9[%swap3A_861, %swap3A_862], %swap3A_865 {strides = array<i32>} : memref<16x1024xf32, #tpu.memory_space<vmem>>, vector<1x16xf32>,
      %get3A_866 = arith.constant 0 : i32
      %get3A_867 = arith.index_cast %get3A_866 : i32 to index
      %get3A_868 = arith.constant 112 : index
      %get3A_869 = tpu.vector_load %arg9[%get3A_867, %get3A_868] {strides = array<i32>} : memref<16x1024xf32, #tpu.memory_space<vmem>>, vector<1x16xf32>,
      %get3A_870 = vector.shape_cast %get3A_869 : vector<1x16xf32> to vector<16xf32>
      %mul3A_871 = arith.mulf %get3A_870, %get3A_764 : vector<16xf32>
      %swap3A_872 = arith.constant 0 : i32
      %swap3A_873 = arith.index_cast %swap3A_872 : i32 to index
      %swap3A_874 = arith.constant 112 : index
      %swap3A_875 = tpu.vector_load %arg9[%swap3A_873, %swap3A_874] {strides = array<i32>} : memref<16x1024xf32, #tpu.memory_space<vmem>>, vector<1x16xf32>,
      %swap3A_876 = vector.shape_cast %swap3A_875 : vector<1x16xf32> to vector<16xf32>
      %swap3A_877 = vector.shape_cast %mul3A_871 : vector<16xf32> to vector<1x16xf32>
      tpu.vector_store %arg9[%swap3A_873, %swap3A_874], %swap3A_877 {strides = array<i32>} : memref<16x1024xf32, #tpu.memory_space<vmem>>, vector<1x16xf32>,
      %get3A_878 = arith.constant 0 : i32
      %get3A_879 = arith.index_cast %get3A_878 : i32 to index
      %get3A_880 = arith.constant 128 : index
      %get3A_881 = tpu.vector_load %arg9[%get3A_879, %get3A_880] {strides = array<i32>} : memref<16x1024xf32, #tpu.memory_space<vmem>>, vector<1x16xf32>,
      %get3A_882 = vector.shape_cast %get3A_881 : vector<1x16xf32> to vector<16xf32>
      %mul3A_883 = arith.mulf %get3A_882, %get3A_764 : vector<16xf32>
      %swap3A_884 = arith.constant 0 : i32
      %swap3A_885 = arith.index_cast %swap3A_884 : i32 to index
      %swap3A_886 = arith.constant 128 : index
      %swap3A_887 = tpu.vector_load %arg9[%swap3A_885, %swap3A_886] {strides = array<i32>} : memref<16x1024xf32, #tpu.memory_space<vmem>>, vector<1x16xf32>,
      %swap3A_888 = vector.shape_cast %swap3A_887 : vector<1x16xf32> to vector<16xf32>
      %swap3A_889 = vector.shape_cast %mul3A_883 : vector<16xf32> to vector<1x16xf32>
      tpu.vector_store %arg9[%swap3A_885, %swap3A_886], %swap3A_889 {strides = array<i32>} : memref<16x1024xf32, #tpu.memory_space<vmem>>, vector<1x16xf32>,
      %get3A_890 = arith.constant 0 : i32
      %get3A_891 = arith.index_cast %get3A_890 : i32 to index
      %get3A_892 = arith.constant 144 : index
      %get3A_893 = tpu.vector_load %arg9[%get3A_891, %get3A_892] {strides = array<i32>} : memref<16x1024xf32, #tpu.memory_space<vmem>>, vector<1x16xf32>,
      %get3A_894 = vector.shape_cast %get3A_893 : vector<1x16xf32> to vector<16xf32>
      %mul3A_895 = arith.mulf %get3A_894, %get3A_764 : vector<16xf32>
      %swap3A_896 = arith.constant 0 : i32
      %swap3A_897 = arith.index_cast %swap3A_896 : i32 to index
      %swap3A_898 = arith.constant 144 : index
      %swap3A_899 = tpu.vector_load %arg9[%swap3A_897, %swap3A_898] {strides = array<i32>} : memref<16x1024xf32, #tpu.memory_space<vmem>>, vector<1x16xf32>,
      %swap3A_900 = vector.shape_cast %swap3A_899 : vector<1x16xf32> to vector<16xf32>
      %swap3A_901 = vector.shape_cast %mul3A_895 : vector<16xf32> to vector<1x16xf32>
      tpu.vector_store %arg9[%swap3A_897, %swap3A_898], %swap3A_901 {strides = array<i32>} : memref<16x1024xf32, #tpu.memory_space<vmem>>, vector<1x16xf32>,
      %get3A_902 = arith.constant 0 : i32
      %get3A_903 = arith.index_cast %get3A_902 : i32 to index
      %get3A_904 = arith.constant 160 : index
      %get3A_905 = tpu.vector_load %arg9[%get3A_903, %get3A_904] {strides = array<i32>} : memref<16x1024xf32, #tpu.memory_space<vmem>>, vector<1x16xf32>,
      %get3A_906 = vector.shape_cast %get3A_905 : vector<1x16xf32> to vector<16xf32>
      %mul3A_907 = arith.mulf %get3A_906, %get3A_764 : vector<16xf32>
      %swap3A_908 = arith.constant 0 : i32
      %swap3A_909 = arith.index_cast %swap3A_908 : i32 to index
      %swap3A_910 = arith.constant 160 : index
      %swap3A_911 = tpu.vector_load %arg9[%swap3A_909, %swap3A_910] {strides = array<i32>} : memref<16x1024xf32, #tpu.memory_space<vmem>>, vector<1x16xf32>,
      %swap3A_912 = vector.shape_cast %swap3A_911 : vector<1x16xf32> to vector<16xf32>
      %swap3A_913 = vector.shape_cast %mul3A_907 : vector<16xf32> to vector<1x16xf32>
      tpu.vector_store %arg9[%swap3A_909, %swap3A_910], %swap3A_913 {strides = array<i32>} : memref<16x1024xf32, #tpu.memory_space<vmem>>, vector<1x16xf32>,
      %get3A_914 = arith.constant 0 : i32
      %get3A_915 = arith.index_cast %get3A_914 : i32 to index
      %get3A_916 = arith.constant 176 : index
      %get3A_917 = tpu.vector_load %arg9[%get3A_915, %get3A_916] {strides = array<i32>} : memref<16x1024xf32, #tpu.memory_space<vmem>>, vector<1x16xf32>,
      %get3A_918 = vector.shape_cast %get3A_917 : vector<1x16xf32> to vector<16xf32>
      %mul3A_919 = arith.mulf %get3A_918, %get3A_764 : vector<16xf32>
      %swap3A_920 = arith.constant 0 : i32
      %swap3A_921 = arith.index_cast %swap3A_920 : i32 to index
      %swap3A_922 = arith.constant 176 : index
      %swap3A_923 = tpu.vector_load %arg9[%swap3A_921, %swap3A_922] {strides = array<i32>} : memref<16x1024xf32, #tpu.memory_space<vmem>>, vector<1x16xf32>,
      %swap3A_924 = vector.shape_cast %swap3A_923 : vector<1x16xf32> to vector<16xf32>
      %swap3A_925 = vector.shape_cast %mul3A_919 : vector<16xf32> to vector<1x16xf32>
      tpu.vector_store %arg9[%swap3A_921, %swap3A_922], %swap3A_925 {strides = array<i32>} : memref<16x1024xf32, #tpu.memory_space<vmem>>, vector<1x16xf32>,
      %get3A_926 = arith.constant 0 : i32
      %get3A_927 = arith.index_cast %get3A_926 : i32 to index
      %get3A_928 = arith.constant 192 : index
      %get3A_929 = tpu.vector_load %arg9[%get3A_927, %get3A_928] {strides = array<i32>} : memref<16x1024xf32, #tpu.memory_space<vmem>>, vector<1x16xf32>,
      %get3A_930 = vector.shape_cast %get3A_929 : vector<1x16xf32> to vector<16xf32>
      %mul3A_931 = arith.mulf %get3A_930, %get3A_764 : vector<16xf32>
      %swap3A_932 = arith.constant 0 : i32
      %swap3A_933 = arith.index_cast %swap3A_932 : i32 to index
      %swap3A_934 = arith.constant 192 : index
      %swap3A_935 = tpu.vector_load %arg9[%swap3A_933, %swap3A_934] {strides = array<i32>} : memref<16x1024xf32, #tpu.memory_space<vmem>>, vector<1x16xf32>,
      %swap3A_936 = vector.shape_cast %swap3A_935 : vector<1x16xf32> to vector<16xf32>
      %swap3A_937 = vector.shape_cast %mul3A_931 : vector<16xf32> to vector<1x16xf32>
      tpu.vector_store %arg9[%swap3A_933, %swap3A_934], %swap3A_937 {strides = array<i32>} : memref<16x1024xf32, #tpu.memory_space<vmem>>, vector<1x16xf32>,
      %get3A_938 = arith.constant 0 : i32
      %get3A_939 = arith.index_cast %get3A_938 : i32 to index
      %get3A_940 = arith.constant 208 : index
      %get3A_941 = tpu.vector_load %arg9[%get3A_939, %get3A_940] {strides = array<i32>} : memref<16x1024xf32, #tpu.memory_space<vmem>>, vector<1x16xf32>,
      %get3A_942 = vector.shape_cast %get3A_941 : vector<1x16xf32> to vector<16xf32>
      %mul3A_943 = arith.mulf %get3A_942, %get3A_764 : vector<16xf32>
      %swap3A_944 = arith.constant 0 : i32
      %swap3A_945 = arith.index_cast %swap3A_944 : i32 to index
      %swap3A_946 = arith.constant 208 : index
      %swap3A_947 = tpu.vector_load %arg9[%swap3A_945, %swap3A_946] {strides = array<i32>} : memref<16x1024xf32, #tpu.memory_space<vmem>>, vector<1x16xf32>,
      %swap3A_948 = vector.shape_cast %swap3A_947 : vector<1x16xf32> to vector<16xf32>
      %swap3A_949 = vector.shape_cast %mul3A_943 : vector<16xf32> to vector<1x16xf32>
      tpu.vector_store %arg9[%swap3A_945, %swap3A_946], %swap3A_949 {strides = array<i32>} : memref<16x1024xf32, #tpu.memory_space<vmem>>, vector<1x16xf32>,
      %get3A_950 = arith.constant 0 : i32
      %get3A_951 = arith.index_cast %get3A_950 : i32 to index
      %get3A_952 = arith.constant 224 : index
      %get3A_953 = tpu.vector_load %arg9[%get3A_951, %get3A_952] {strides = array<i32>} : memref<16x1024xf32, #tpu.memory_space<vmem>>, vector<1x16xf32>,
      %get3A_954 = vector.shape_cast %get3A_953 : vector<1x16xf32> to vector<16xf32>
      %mul3A_955 = arith.mulf %get3A_954, %get3A_764 : vector<16xf32>
      %swap3A_956 = arith.constant 0 : i32
      %swap3A_957 = arith.index_cast %swap3A_956 : i32 to index
      %swap3A_958 = arith.constant 224 : index
      %swap3A_959 = tpu.vector_load %arg9[%swap3A_957, %swap3A_958] {strides = array<i32>} : memref<16x1024xf32, #tpu.memory_space<vmem>>, vector<1x16xf32>,
      %swap3A_960 = vector.shape_cast %swap3A_959 : vector<1x16xf32> to vector<16xf32>
      %swap3A_961 = vector.shape_cast %mul3A_955 : vector<16xf32> to vector<1x16xf32>
      tpu.vector_store %arg9[%swap3A_957, %swap3A_958], %swap3A_961 {strides = array<i32>} : memref<16x1024xf32, #tpu.memory_space<vmem>>, vector<1x16xf32>,
      %get3A_962 = arith.constant 0 : i32
      %get3A_963 = arith.index_cast %get3A_962 : i32 to index
      %get3A_964 = arith.constant 240 : index
      %get3A_965 = tpu.vector_load %arg9[%get3A_963, %get3A_964] {strides = array<i32>} : memref<16x1024xf32, #tpu.memory_space<vmem>>, vector<1x16xf32>,
      %get3A_966 = vector.shape_cast %get3A_965 : vector<1x16xf32> to vector<16xf32>
      %mul3A_967 = arith.mulf %get3A_966, %get3A_764 : vector<16xf32>
      %swap3A_968 = arith.constant 0 : i32
      %swap3A_969 = arith.index_cast %swap3A_968 : i32 to index
      %swap3A_970 = arith.constant 240 : index
      %swap3A_971 = tpu.vector_load %arg9[%swap3A_969, %swap3A_970] {strides = array<i32>} : memref<16x1024xf32, #tpu.memory_space<vmem>>, vector<1x16xf32>,
      %swap3A_972 = vector.shape_cast %swap3A_971 : vector<1x16xf32> to vector<16xf32>
      %swap3A_973 = vector.shape_cast %mul3A_967 : vector<16xf32> to vector<1x16xf32>
      tpu.vector_store %arg9[%swap3A_969, %swap3A_970], %swap3A_973 {strides = array<i32>} : memref<16x1024xf32, #tpu.memory_space<vmem>>, vector<1x16xf32>,
      %get3A_974 = arith.constant 0 : i32
      %get3A_975 = arith.index_cast %get3A_974 : i32 to index
      %get3A_976 = arith.constant 256 : index
      %get3A_977 = tpu.vector_load %arg9[%get3A_975, %get3A_976] {strides = array<i32>} : memref<16x1024xf32, #tpu.memory_space<vmem>>, vector<1x16xf32>,
      %get3A_978 = vector.shape_cast %get3A_977 : vector<1x16xf32> to vector<16xf32>
      %mul3A_979 = arith.mulf %get3A_978, %get3A_764 : vector<16xf32>
      %swap3A_980 = arith.constant 0 : i32
      %swap3A_981 = arith.index_cast %swap3A_980 : i32 to index
      %swap3A_982 = arith.constant 256 : index
      %swap3A_983 = tpu.vector_load %arg9[%swap3A_981, %swap3A_982] {strides = array<i32>} : memref<16x1024xf32, #tpu.memory_space<vmem>>, vector<1x16xf32>,
      %swap3A_984 = vector.shape_cast %swap3A_983 : vector<1x16xf32> to vector<16xf32>
      %swap3A_985 = vector.shape_cast %mul3A_979 : vector<16xf32> to vector<1x16xf32>
      tpu.vector_store %arg9[%swap3A_981, %swap3A_982], %swap3A_985 {strides = array<i32>} : memref<16x1024xf32, #tpu.memory_space<vmem>>, vector<1x16xf32>,
      %get3A_986 = arith.constant 0 : i32
      %get3A_987 = arith.index_cast %get3A_986 : i32 to index
      %get3A_988 = arith.constant 272 : index
      %get3A_989 = tpu.vector_load %arg9[%get3A_987, %get3A_988] {strides = array<i32>} : memref<16x1024xf32, #tpu.memory_space<vmem>>, vector<1x16xf32>,
      %get3A_990 = vector.shape_cast %get3A_989 : vector<1x16xf32> to vector<16xf32>
      %mul3A_991 = arith.mulf %get3A_990, %get3A_764 : vector<16xf32>
      %swap3A_992 = arith.constant 0 : i32
      %swap3A_993 = arith.index_cast %swap3A_992 : i32 to index
      %swap3A_994 = arith.constant 272 : index
      %swap3A_995 = tpu.vector_load %arg9[%swap3A_993, %swap3A_994] {strides = array<i32>} : memref<16x1024xf32, #tpu.memory_space<vmem>>, vector<1x16xf32>,
      %swap3A_996 = vector.shape_cast %swap3A_995 : vector<1x16xf32> to vector<16xf32>
      %swap3A_997 = vector.shape_cast %mul3A_991 : vector<16xf32> to vector<1x16xf32>
      tpu.vector_store %arg9[%swap3A_993, %swap3A_994], %swap3A_997 {strides = array<i32>} : memref<16x1024xf32, #tpu.memory_space<vmem>>, vector<1x16xf32>,
      %get3A_998 = arith.constant 0 : i32
      %get3A_999 = arith.index_cast %get3A_998 : i32 to index
      %get3A_1000 = arith.constant 288 : index
      %get3A_1001 = tpu.vector_load %arg9[%get3A_999, %get3A_1000] {strides = array<i32>} : memref<16x1024xf32, #tpu.memory_space<vmem>>, vector<1x16xf32>,
      %get3A_1002 = vector.shape_cast %get3A_1001 : vector<1x16xf32> to vector<16xf32>
      %mul3A_1003 = arith.mulf %get3A_1002, %get3A_764 : vector<16xf32>
      %swap3A_1004 = arith.constant 0 : i32
      %swap3A_1005 = arith.index_cast %swap3A_1004 : i32 to index
      %swap3A_1006 = arith.constant 288 : index
      %swap3A_1007 = tpu.vector_load %arg9[%swap3A_1005, %swap3A_1006] {strides = array<i32>} : memref<16x1024xf32, #tpu.memory_space<vmem>>, vector<1x16xf32>,
      %swap3A_1008 = vector.shape_cast %swap3A_1007 : vector<1x16xf32> to vector<16xf32>
      %swap3A_1009 = vector.shape_cast %mul3A_1003 : vector<16xf32> to vector<1x16xf32>
      tpu.vector_store %arg9[%swap3A_1005, %swap3A_1006], %swap3A_1009 {strides = array<i32>} : memref<16x1024xf32, #tpu.memory_space<vmem>>, vector<1x16xf32>,
      %get3A_1010 = arith.constant 0 : i32
      %get3A_1011 = arith.index_cast %get3A_1010 : i32 to index
      %get3A_1012 = arith.constant 304 : index
      %get3A_1013 = tpu.vector_load %arg9[%get3A_1011, %get3A_1012] {strides = array<i32>} : memref<16x1024xf32, #tpu.memory_space<vmem>>, vector<1x16xf32>,
      %get3A_1014 = vector.shape_cast %get3A_1013 : vector<1x16xf32> to vector<16xf32>
      %mul3A_1015 = arith.mulf %get3A_1014, %get3A_764 : vector<16xf32>
      %swap3A_1016 = arith.constant 0 : i32
      %swap3A_1017 = arith.index_cast %swap3A_1016 : i32 to index
      %swap3A_1018 = arith.constant 304 : index
      %swap3A_1019 = tpu.vector_load %arg9[%swap3A_1017, %swap3A_1018] {strides = array<i32>} : memref<16x1024xf32, #tpu.memory_space<vmem>>, vector<1x16xf32>,
      %swap3A_1020 = vector.shape_cast %swap3A_1019 : vector<1x16xf32> to vector<16xf32>
      %swap3A_1021 = vector.shape_cast %mul3A_1015 : vector<16xf32> to vector<1x16xf32>
      tpu.vector_store %arg9[%swap3A_1017, %swap3A_1018], %swap3A_1021 {strides = array<i32>} : memref<16x1024xf32, #tpu.memory_space<vmem>>, vector<1x16xf32>,
      %get3A_1022 = arith.constant 0 : i32
      %get3A_1023 = arith.index_cast %get3A_1022 : i32 to index
      %get3A_1024 = arith.constant 320 : index
      %get3A_1025 = tpu.vector_load %arg9[%get3A_1023, %get3A_1024] {strides = array<i32>} : memref<16x1024xf32, #tpu.memory_space<vmem>>, vector<1x16xf32>,
      %get3A_1026 = vector.shape_cast %get3A_1025 : vector<1x16xf32> to vector<16xf32>
      %mul3A_1027 = arith.mulf %get3A_1026, %get3A_764 : vector<16xf32>
      %swap3A_1028 = arith.constant 0 : i32
      %swap3A_1029 = arith.index_cast %swap3A_1028 : i32 to index
      %swap3A_1030 = arith.constant 320 : index
      %swap3A_1031 = tpu.vector_load %arg9[%swap3A_1029, %swap3A_1030] {strides = array<i32>} : memref<16x1024xf32, #tpu.memory_space<vmem>>, vector<1x16xf32>,
      %swap3A_1032 = vector.shape_cast %swap3A_1031 : vector<1x16xf32> to vector<16xf32>
      %swap3A_1033 = vector.shape_cast %mul3A_1027 : vector<16xf32> to vector<1x16xf32>
      tpu.vector_store %arg9[%swap3A_1029, %swap3A_1030], %swap3A_1033 {strides = array<i32>} : memref<16x1024xf32, #tpu.memory_space<vmem>>, vector<1x16xf32>,
      %get3A_1034 = arith.constant 0 : i32
      %get3A_1035 = arith.index_cast %get3A_1034 : i32 to index
      %get3A_1036 = arith.constant 336 : index
      %get3A_1037 = tpu.vector_load %arg9[%get3A_1035, %get3A_1036] {strides = array<i32>} : memref<16x1024xf32, #tpu.memory_space<vmem>>, vector<1x16xf32>,
      %get3A_1038 = vector.shape_cast %get3A_1037 : vector<1x16xf32> to vector<16xf32>
      %mul3A_1039 = arith.mulf %get3A_1038, %get3A_764 : vector<16xf32>
      %swap3A_1040 = arith.constant 0 : i32
      %swap3A_1041 = arith.index_cast %swap3A_1040 : i32 to index
      %swap3A_1042 = arith.constant 336 : index
      %swap3A_1043 = tpu.vector_load %arg9[%swap3A_1041, %swap3A_1042] {strides = array<i32>} : memref<16x1024xf32, #tpu.memory_space<vmem>>, vector<1x16xf32>,
      %swap3A_1044 = vector.shape_cast %swap3A_1043 : vector<1x16xf32> to vector<16xf32>
      %swap3A_1045 = vector.shape_cast %mul3A_1039 : vector<16xf32> to vector<1x16xf32>
      tpu.vector_store %arg9[%swap3A_1041, %swap3A_1042], %swap3A_1045 {strides = array<i32>} : memref<16x1024xf32, #tpu.memory_space<vmem>>, vector<1x16xf32>,
      %get3A_1046 = arith.constant 0 : i32
      %get3A_1047 = arith.index_cast %get3A_1046 : i32 to index
      %get3A_1048 = arith.constant 352 : index
      %get3A_1049 = tpu.vector_load %arg9[%get3A_1047, %get3A_1048] {strides = array<i32>} : memref<16x1024xf32, #tpu.memory_space<vmem>>, vector<1x16xf32>,
      %get3A_1050 = vector.shape_cast %get3A_1049 : vector<1x16xf32> to vector<16xf32>
      %mul3A_1051 = arith.mulf %get3A_1050, %get3A_764 : vector<16xf32>
      %swap3A_1052 = arith.constant 0 : i32
      %swap3A_1053 = arith.index_cast %swap3A_1052 : i32 to index
      %swap3A_1054 = arith.constant 352 : index
      %swap3A_1055 = tpu.vector_load %arg9[%swap3A_1053, %swap3A_1054] {strides = array<i32>} : memref<16x1024xf32, #tpu.memory_space<vmem>>, vector<1x16xf32>,
      %swap3A_1056 = vector.shape_cast %swap3A_1055 : vector<1x16xf32> to vector<16xf32>
      %swap3A_1057 = vector.shape_cast %mul3A_1051 : vector<16xf32> to vector<1x16xf32>
      tpu.vector_store %arg9[%swap3A_1053, %swap3A_1054], %swap3A_1057 {strides = array<i32>} : memref<16x1024xf32, #tpu.memory_space<vmem>>, vector<1x16xf32>,
      %get3A_1058 = arith.constant 0 : i32
      %get3A_1059 = arith.index_cast %get3A_1058 : i32 to index
      %get3A_1060 = arith.constant 368 : index
      %get3A_1061 = tpu.vector_load %arg9[%get3A_1059, %get3A_1060] {strides = array<i32>} : memref<16x1024xf32, #tpu.memory_space<vmem>>, vector<1x16xf32>,
      %get3A_1062 = vector.shape_cast %get3A_1061 : vector<1x16xf32> to vector<16xf32>
      %mul3A_1063 = arith.mulf %get3A_1062, %get3A_764 : vector<16xf32>
      %swap3A_1064 = arith.constant 0 : i32
      %swap3A_1065 = arith.index_cast %swap3A_1064 : i32 to index
      %swap3A_1066 = arith.constant 368 : index
      %swap3A_1067 = tpu.vector_load %arg9[%swap3A_1065, %swap3A_1066] {strides = array<i32>} : memref<16x1024xf32, #tpu.memory_space<vmem>>, vector<1x16xf32>,
      %swap3A_1068 = vector.shape_cast %swap3A_1067 : vector<1x16xf32> to vector<16xf32>
      %swap3A_1069 = vector.shape_cast %mul3A_1063 : vector<16xf32> to vector<1x16xf32>
      tpu.vector_store %arg9[%swap3A_1065, %swap3A_1066], %swap3A_1069 {strides = array<i32>} : memref<16x1024xf32, #tpu.memory_space<vmem>>, vector<1x16xf32>,
      %get3A_1070 = arith.constant 0 : i32
      %get3A_1071 = arith.index_cast %get3A_1070 : i32 to index
      %get3A_1072 = arith.constant 384 : index
      %get3A_1073 = tpu.vector_load %arg9[%get3A_1071, %get3A_1072] {strides = array<i32>} : memref<16x1024xf32, #tpu.memory_space<vmem>>, vector<1x16xf32>,
      %get3A_1074 = vector.shape_cast %get3A_1073 : vector<1x16xf32> to vector<16xf32>
      %mul3A_1075 = arith.mulf %get3A_1074, %get3A_764 : vector<16xf32>
      %swap3A_1076 = arith.constant 0 : i32
      %swap3A_1077 = arith.index_cast %swap3A_1076 : i32 to index
      %swap3A_1078 = arith.constant 384 : index
      %swap3A_1079 = tpu.vector_load %arg9[%swap3A_1077, %swap3A_1078] {strides = array<i32>} : memref<16x1024xf32, #tpu.memory_space<vmem>>, vector<1x16xf32>,
      %swap3A_1080 = vector.shape_cast %swap3A_1079 : vector<1x16xf32> to vector<16xf32>
      %swap3A_1081 = vector.shape_cast %mul3A_1075 : vector<16xf32> to vector<1x16xf32>
      tpu.vector_store %arg9[%swap3A_1077, %swap3A_1078], %swap3A_1081 {strides = array<i32>} : memref<16x1024xf32, #tpu.memory_space<vmem>>, vector<1x16xf32>,
      %get3A_1082 = arith.constant 0 : i32
      %get3A_1083 = arith.index_cast %get3A_1082 : i32 to index
      %get3A_1084 = arith.constant 400 : index
      %get3A_1085 = tpu.vector_load %arg9[%get3A_1083, %get3A_1084] {strides = array<i32>} : memref<16x1024xf32, #tpu.memory_space<vmem>>, vector<1x16xf32>,
      %get3A_1086 = vector.shape_cast %get3A_1085 : vector<1x16xf32> to vector<16xf32>
      %mul3A_1087 = arith.mulf %get3A_1086, %get3A_764 : vector<16xf32>
      %swap3A_1088 = arith.constant 0 : i32
      %swap3A_1089 = arith.index_cast %swap3A_1088 : i32 to index
      %swap3A_1090 = arith.constant 400 : index
      %swap3A_1091 = tpu.vector_load %arg9[%swap3A_1089, %swap3A_1090] {strides = array<i32>} : memref<16x1024xf32, #tpu.memory_space<vmem>>, vector<1x16xf32>,
      %swap3A_1092 = vector.shape_cast %swap3A_1091 : vector<1x16xf32> to vector<16xf32>
      %swap3A_1093 = vector.shape_cast %mul3A_1087 : vector<16xf32> to vector<1x16xf32>
      tpu.vector_store %arg9[%swap3A_1089, %swap3A_1090], %swap3A_1093 {strides = array<i32>} : memref<16x1024xf32, #tpu.memory_space<vmem>>, vector<1x16xf32>,
      %get3A_1094 = arith.constant 0 : i32
      %get3A_1095 = arith.index_cast %get3A_1094 : i32 to index
      %get3A_1096 = arith.constant 416 : index
      %get3A_1097 = tpu.vector_load %arg9[%get3A_1095, %get3A_1096] {strides = array<i32>} : memref<16x1024xf32, #tpu.memory_space<vmem>>, vector<1x16xf32>,
      %get3A_1098 = vector.shape_cast %get3A_1097 : vector<1x16xf32> to vector<16xf32>
      %mul3A_1099 = arith.mulf %get3A_1098, %get3A_764 : vector<16xf32>
      %swap3A_1100 = arith.constant 0 : i32
      %swap3A_1101 = arith.index_cast %swap3A_1100 : i32 to index
      %swap3A_1102 = arith.constant 416 : index
      %swap3A_1103 = tpu.vector_load %arg9[%swap3A_1101, %swap3A_1102] {strides = array<i32>} : memref<16x1024xf32, #tpu.memory_space<vmem>>, vector<1x16xf32>,
      %swap3A_1104 = vector.shape_cast %swap3A_1103 : vector<1x16xf32> to vector<16xf32>
      %swap3A_1105 = vector.shape_cast %mul3A_1099 : vector<16xf32> to vector<1x16xf32>
      tpu.vector_store %arg9[%swap3A_1101, %swap3A_1102], %swap3A_1105 {strides = array<i32>} : memref<16x1024xf32, #tpu.memory_space<vmem>>, vector<1x16xf32>,
      %get3A_1106 = arith.constant 0 : i32
      %get3A_1107 = arith.index_cast %get3A_1106 : i32 to index
      %get3A_1108 = arith.constant 432 : index
      %get3A_1109 = tpu.vector_load %arg9[%get3A_1107, %get3A_1108] {strides = array<i32>} : memref<16x1024xf32, #tpu.memory_space<vmem>>, vector<1x16xf32>,
      %get3A_1110 = vector.shape_cast %get3A_1109 : vector<1x16xf32> to vector<16xf32>
      %mul3A_1111 = arith.mulf %get3A_1110, %get3A_764 : vector<16xf32>
      %swap3A_1112 = arith.constant 0 : i32
      %swap3A_1113 = arith.index_cast %swap3A_1112 : i32 to index
      %swap3A_1114 = arith.constant 432 : index
      %swap3A_1115 = tpu.vector_load %arg9[%swap3A_1113, %swap3A_1114] {strides = array<i32>} : memref<16x1024xf32, #tpu.memory_space<vmem>>, vector<1x16xf32>,
      %swap3A_1116 = vector.shape_cast %swap3A_1115 : vector<1x16xf32> to vector<16xf32>
      %swap3A_1117 = vector.shape_cast %mul3A_1111 : vector<16xf32> to vector<1x16xf32>
      tpu.vector_store %arg9[%swap3A_1113, %swap3A_1114], %swap3A_1117 {strides = array<i32>} : memref<16x1024xf32, #tpu.memory_space<vmem>>, vector<1x16xf32>,
      %get3A_1118 = arith.constant 0 : i32
      %get3A_1119 = arith.index_cast %get3A_1118 : i32 to index
      %get3A_1120 = arith.constant 448 : index
      %get3A_1121 = tpu.vector_load %arg9[%get3A_1119, %get3A_1120] {strides = array<i32>} : memref<16x1024xf32, #tpu.memory_space<vmem>>, vector<1x16xf32>,
      %get3A_1122 = vector.shape_cast %get3A_1121 : vector<1x16xf32> to vector<16xf32>
      %mul3A_1123 = arith.mulf %get3A_1122, %get3A_764 : vector<16xf32>
      %swap3A_1124 = arith.constant 0 : i32
      %swap3A_1125 = arith.index_cast %swap3A_1124 : i32 to index
      %swap3A_1126 = arith.constant 448 : index
      %swap3A_1127 = tpu.vector_load %arg9[%swap3A_1125, %swap3A_1126] {strides = array<i32>} : memref<16x1024xf32, #tpu.memory_space<vmem>>, vector<1x16xf32>,
      %swap3A_1128 = vector.shape_cast %swap3A_1127 : vector<1x16xf32> to vector<16xf32>
      %swap3A_1129 = vector.shape_cast %mul3A_1123 : vector<16xf32> to vector<1x16xf32>
      tpu.vector_store %arg9[%swap3A_1125, %swap3A_1126], %swap3A_1129 {strides = array<i32>} : memref<16x1024xf32, #tpu.memory_space<vmem>>, vector<1x16xf32>,
      %get3A_1130 = arith.constant 0 : i32
      %get3A_1131 = arith.index_cast %get3A_1130 : i32 to index
      %get3A_1132 = arith.constant 464 : index
      %get3A_1133 = tpu.vector_load %arg9[%get3A_1131, %get3A_1132] {strides = array<i32>} : memref<16x1024xf32, #tpu.memory_space<vmem>>, vector<1x16xf32>,
      %get3A_1134 = vector.shape_cast %get3A_1133 : vector<1x16xf32> to vector<16xf32>
      %mul3A_1135 = arith.mulf %get3A_1134, %get3A_764 : vector<16xf32>
      %swap3A_1136 = arith.constant 0 : i32
      %swap3A_1137 = arith.index_cast %swap3A_1136 : i32 to index
      %swap3A_1138 = arith.constant 464 : index
      %swap3A_1139 = tpu.vector_load %arg9[%swap3A_1137, %swap3A_1138] {strides = array<i32>} : memref<16x1024xf32, #tpu.memory_space<vmem>>, vector<1x16xf32>,
      %swap3A_1140 = vector.shape_cast %swap3A_1139 : vector<1x16xf32> to vector<16xf32>
      %swap3A_1141 = vector.shape_cast %mul3A_1135 : vector<16xf32> to vector<1x16xf32>
      tpu.vector_store %arg9[%swap3A_1137, %swap3A_1138], %swap3A_1141 {strides = array<i32>} : memref<16x1024xf32, #tpu.memory_space<vmem>>, vector<1x16xf32>,
      %get3A_1142 = arith.constant 0 : i32
      %get3A_1143 = arith.index_cast %get3A_1142 : i32 to index
      %get3A_1144 = arith.constant 480 : index
      %get3A_1145 = tpu.vector_load %arg9[%get3A_1143, %get3A_1144] {strides = array<i32>} : memref<16x1024xf32, #tpu.memory_space<vmem>>, vector<1x16xf32>,
      %get3A_1146 = vector.shape_cast %get3A_1145 : vector<1x16xf32> to vector<16xf32>
      %mul3A_1147 = arith.mulf %get3A_1146, %get3A_764 : vector<16xf32>
      %swap3A_1148 = arith.constant 0 : i32
      %swap3A_1149 = arith.index_cast %swap3A_1148 : i32 to index
      %swap3A_1150 = arith.constant 480 : index
      %swap3A_1151 = tpu.vector_load %arg9[%swap3A_1149, %swap3A_1150] {strides = array<i32>} : memref<16x1024xf32, #tpu.memory_space<vmem>>, vector<1x16xf32>,
      %swap3A_1152 = vector.shape_cast %swap3A_1151 : vector<1x16xf32> to vector<16xf32>
      %swap3A_1153 = vector.shape_cast %mul3A_1147 : vector<16xf32> to vector<1x16xf32>
      tpu.vector_store %arg9[%swap3A_1149, %swap3A_1150], %swap3A_1153 {strides = array<i32>} : memref<16x1024xf32, #tpu.memory_space<vmem>>, vector<1x16xf32>,
      %get3A_1154 = arith.constant 0 : i32
      %get3A_1155 = arith.index_cast %get3A_1154 : i32 to index
      %get3A_1156 = arith.constant 496 : index
      %get3A_1157 = tpu.vector_load %arg9[%get3A_1155, %get3A_1156] {strides = array<i32>} : memref<16x1024xf32, #tpu.memory_space<vmem>>, vector<1x16xf32>,
      %get3A_1158 = vector.shape_cast %get3A_1157 : vector<1x16xf32> to vector<16xf32>
      %mul3A_1159 = arith.mulf %get3A_1158, %get3A_764 : vector<16xf32>
      %swap3A_1160 = arith.constant 0 : i32
      %swap3A_1161 = arith.index_cast %swap3A_1160 : i32 to index
      %swap3A_1162 = arith.constant 496 : index
      %swap3A_1163 = tpu.vector_load %arg9[%swap3A_1161, %swap3A_1162] {strides = array<i32>} : memref<16x1024xf32, #tpu.memory_space<vmem>>, vector<1x16xf32>,
      %swap3A_1164 = vector.shape_cast %swap3A_1163 : vector<1x16xf32> to vector<16xf32>
      %swap3A_1165 = vector.shape_cast %mul3A_1159 : vector<16xf32> to vector<1x16xf32>
      tpu.vector_store %arg9[%swap3A_1161, %swap3A_1162], %swap3A_1165 {strides = array<i32>} : memref<16x1024xf32, #tpu.memory_space<vmem>>, vector<1x16xf32>,
      %get3A_1166 = arith.constant 0 : i32
      %get3A_1167 = arith.index_cast %get3A_1166 : i32 to index
      %get3A_1168 = arith.constant 512 : index
      %get3A_1169 = tpu.vector_load %arg9[%get3A_1167, %get3A_1168] {strides = array<i32>} : memref<16x1024xf32, #tpu.memory_space<vmem>>, vector<1x16xf32>,
      %get3A_1170 = vector.shape_cast %get3A_1169 : vector<1x16xf32> to vector<16xf32>
      %mul3A_1171 = arith.mulf %get3A_1170, %get3A_764 : vector<16xf32>
      %swap3A_1172 = arith.constant 0 : i32
      %swap3A_1173 = arith.index_cast %swap3A_1172 : i32 to index
      %swap3A_1174 = arith.constant 512 : index
      %swap3A_1175 = tpu.vector_load %arg9[%swap3A_1173, %swap3A_1174] {strides = array<i32>} : memref<16x1024xf32, #tpu.memory_space<vmem>>, vector<1x16xf32>,
      %swap3A_1176 = vector.shape_cast %swap3A_1175 : vector<1x16xf32> to vector<16xf32>
      %swap3A_1177 = vector.shape_cast %mul3A_1171 : vector<16xf32> to vector<1x16xf32>
      tpu.vector_store %arg9[%swap3A_1173, %swap3A_1174], %swap3A_1177 {strides = array<i32>} : memref<16x1024xf32, #tpu.memory_space<vmem>>, vector<1x16xf32>,
      %get3A_1178 = arith.constant 0 : i32
      %get3A_1179 = arith.index_cast %get3A_1178 : i32 to index
      %get3A_1180 = arith.constant 528 : index
      %get3A_1181 = tpu.vector_load %arg9[%get3A_1179, %get3A_1180] {strides = array<i32>} : memref<16x1024xf32, #tpu.memory_space<vmem>>, vector<1x16xf32>,
      %get3A_1182 = vector.shape_cast %get3A_1181 : vector<1x16xf32> to vector<16xf32>
      %mul3A_1183 = arith.mulf %get3A_1182, %get3A_764 : vector<16xf32>
      %swap3A_1184 = arith.constant 0 : i32
      %swap3A_1185 = arith.index_cast %swap3A_1184 : i32 to index
      %swap3A_1186 = arith.constant 528 : index
      %swap3A_1187 = tpu.vector_load %arg9[%swap3A_1185, %swap3A_1186] {strides = array<i32>} : memref<16x1024xf32, #tpu.memory_space<vmem>>, vector<1x16xf32>,
      %swap3A_1188 = vector.shape_cast %swap3A_1187 : vector<1x16xf32> to vector<16xf32>
      %swap3A_1189 = vector.shape_cast %mul3A_1183 : vector<16xf32> to vector<1x16xf32>
      tpu.vector_store %arg9[%swap3A_1185, %swap3A_1186], %swap3A_1189 {strides = array<i32>} : memref<16x1024xf32, #tpu.memory_space<vmem>>, vector<1x16xf32>,
      %get3A_1190 = arith.constant 0 : i32
      %get3A_1191 = arith.index_cast %get3A_1190 : i32 to index
      %get3A_1192 = arith.constant 544 : index
      %get3A_1193 = tpu.vector_load %arg9[%get3A_1191, %get3A_1192] {strides = array<i32>} : memref<16x1024xf32, #tpu.memory_space<vmem>>, vector<1x16xf32>,
      %get3A_1194 = vector.shape_cast %get3A_1193 : vector<1x16xf32> to vector<16xf32>
      %mul3A_1195 = arith.mulf %get3A_1194, %get3A_764 : vector<16xf32>
      %swap3A_1196 = arith.constant 0 : i32
      %swap3A_1197 = arith.index_cast %swap3A_1196 : i32 to index
      %swap3A_1198 = arith.constant 544 : index
      %swap3A_1199 = tpu.vector_load %arg9[%swap3A_1197, %swap3A_1198] {strides = array<i32>} : memref<16x1024xf32, #tpu.memory_space<vmem>>, vector<1x16xf32>,
      %swap3A_1200 = vector.shape_cast %swap3A_1199 : vector<1x16xf32> to vector<16xf32>
      %swap3A_1201 = vector.shape_cast %mul3A_1195 : vector<16xf32> to vector<1x16xf32>
      tpu.vector_store %arg9[%swap3A_1197, %swap3A_1198], %swap3A_1201 {strides = array<i32>} : memref<16x1024xf32, #tpu.memory_space<vmem>>, vector<1x16xf32>,
      %get3A_1202 = arith.constant 0 : i32
      %get3A_1203 = arith.index_cast %get3A_1202 : i32 to index
      %get3A_1204 = arith.constant 560 : index
      %get3A_1205 = tpu.vector_load %arg9[%get3A_1203, %get3A_1204] {strides = array<i32>} : memref<16x1024xf32, #tpu.memory_space<vmem>>, vector<1x16xf32>,
      %get3A_1206 = vector.shape_cast %get3A_1205 : vector<1x16xf32> to vector<16xf32>
      %mul3A_1207 = arith.mulf %get3A_1206, %get3A_764 : vector<16xf32>
      %swap3A_1208 = arith.constant 0 : i32
      %swap3A_1209 = arith.index_cast %swap3A_1208 : i32 to index
      %swap3A_1210 = arith.constant 560 : index
      %swap3A_1211 = tpu.vector_load %arg9[%swap3A_1209, %swap3A_1210] {strides = array<i32>} : memref<16x1024xf32, #tpu.memory_space<vmem>>, vector<1x16xf32>,
      %swap3A_1212 = vector.shape_cast %swap3A_1211 : vector<1x16xf32> to vector<16xf32>
      %swap3A_1213 = vector.shape_cast %mul3A_1207 : vector<16xf32> to vector<1x16xf32>
      tpu.vector_store %arg9[%swap3A_1209, %swap3A_1210], %swap3A_1213 {strides = array<i32>} : memref<16x1024xf32, #tpu.memory_space<vmem>>, vector<1x16xf32>,
      %get3A_1214 = arith.constant 0 : i32
      %get3A_1215 = arith.index_cast %get3A_1214 : i32 to index
      %get3A_1216 = arith.constant 576 : index
      %get3A_1217 = tpu.vector_load %arg9[%get3A_1215, %get3A_1216] {strides = array<i32>} : memref<16x1024xf32, #tpu.memory_space<vmem>>, vector<1x16xf32>,
      %get3A_1218 = vector.shape_cast %get3A_1217 : vector<1x16xf32> to vector<16xf32>
      %mul3A_1219 = arith.mulf %get3A_1218, %get3A_764 : vector<16xf32>
      %swap3A_1220 = arith.constant 0 : i32
      %swap3A_1221 = arith.index_cast %swap3A_1220 : i32 to index
      %swap3A_1222 = arith.constant 576 : index
      %swap3A_1223 = tpu.vector_load %arg9[%swap3A_1221, %swap3A_1222] {strides = array<i32>} : memref<16x1024xf32, #tpu.memory_space<vmem>>, vector<1x16xf32>,
      %swap3A_1224 = vector.shape_cast %swap3A_1223 : vector<1x16xf32> to vector<16xf32>
      %swap3A_1225 = vector.shape_cast %mul3A_1219 : vector<16xf32> to vector<1x16xf32>
      tpu.vector_store %arg9[%swap3A_1221, %swap3A_1222], %swap3A_1225 {strides = array<i32>} : memref<16x1024xf32, #tpu.memory_space<vmem>>, vector<1x16xf32>,
      %get3A_1226 = arith.constant 0 : i32
      %get3A_1227 = arith.index_cast %get3A_1226 : i32 to index
      %get3A_1228 = arith.constant 592 : index
      %get3A_1229 = tpu.vector_load %arg9[%get3A_1227, %get3A_1228] {strides = array<i32>} : memref<16x1024xf32, #tpu.memory_space<vmem>>, vector<1x16xf32>,
      %get3A_1230 = vector.shape_cast %get3A_1229 : vector<1x16xf32> to vector<16xf32>
      %mul3A_1231 = arith.mulf %get3A_1230, %get3A_764 : vector<16xf32>
      %swap3A_1232 = arith.constant 0 : i32
      %swap3A_1233 = arith.index_cast %swap3A_1232 : i32 to index
      %swap3A_1234 = arith.constant 592 : index
      %swap3A_1235 = tpu.vector_load %arg9[%swap3A_1233, %swap3A_1234] {strides = array<i32>} : memref<16x1024xf32, #tpu.memory_space<vmem>>, vector<1x16xf32>,
      %swap3A_1236 = vector.shape_cast %swap3A_1235 : vector<1x16xf32> to vector<16xf32>
      %swap3A_1237 = vector.shape_cast %mul3A_1231 : vector<16xf32> to vector<1x16xf32>
      tpu.vector_store %arg9[%swap3A_1233, %swap3A_1234], %swap3A_1237 {strides = array<i32>} : memref<16x1024xf32, #tpu.memory_space<vmem>>, vector<1x16xf32>,
      %get3A_1238 = arith.constant 0 : i32
      %get3A_1239 = arith.index_cast %get3A_1238 : i32 to index
      %get3A_1240 = arith.constant 608 : index
      %get3A_1241 = tpu.vector_load %arg9[%get3A_1239, %get3A_1240] {strides = array<i32>} : memref<16x1024xf32, #tpu.memory_space<vmem>>, vector<1x16xf32>,
      %get3A_1242 = vector.shape_cast %get3A_1241 : vector<1x16xf32> to vector<16xf32>
      %mul3A_1243 = arith.mulf %get3A_1242, %get3A_764 : vector<16xf32>
      %swap3A_1244 = arith.constant 0 : i32
      %swap3A_1245 = arith.index_cast %swap3A_1244 : i32 to index
      %swap3A_1246 = arith.constant 608 : index
      %swap3A_1247 = tpu.vector_load %arg9[%swap3A_1245, %swap3A_1246] {strides = array<i32>} : memref<16x1024xf32, #tpu.memory_space<vmem>>, vector<1x16xf32>,
      %swap3A_1248 = vector.shape_cast %swap3A_1247 : vector<1x16xf32> to vector<16xf32>
      %swap3A_1249 = vector.shape_cast %mul3A_1243 : vector<16xf32> to vector<1x16xf32>
      tpu.vector_store %arg9[%swap3A_1245, %swap3A_1246], %swap3A_1249 {strides = array<i32>} : memref<16x1024xf32, #tpu.memory_space<vmem>>, vector<1x16xf32>,
      %get3A_1250 = arith.constant 0 : i32
      %get3A_1251 = arith.index_cast %get3A_1250 : i32 to index
      %get3A_1252 = arith.constant 624 : index
      %get3A_1253 = tpu.vector_load %arg9[%get3A_1251, %get3A_1252] {strides = array<i32>} : memref<16x1024xf32, #tpu.memory_space<vmem>>, vector<1x16xf32>,
      %get3A_1254 = vector.shape_cast %get3A_1253 : vector<1x16xf32> to vector<16xf32>
      %mul3A_1255 = arith.mulf %get3A_1254, %get3A_764 : vector<16xf32>
      %swap3A_1256 = arith.constant 0 : i32
      %swap3A_1257 = arith.index_cast %swap3A_1256 : i32 to index
      %swap3A_1258 = arith.constant 624 : index
      %swap3A_1259 = tpu.vector_load %arg9[%swap3A_1257, %swap3A_1258] {strides = array<i32>} : memref<16x1024xf32, #tpu.memory_space<vmem>>, vector<1x16xf32>,
      %swap3A_1260 = vector.shape_cast %swap3A_1259 : vector<1x16xf32> to vector<16xf32>
      %swap3A_1261 = vector.shape_cast %mul3A_1255 : vector<16xf32> to vector<1x16xf32>
      tpu.vector_store %arg9[%swap3A_1257, %swap3A_1258], %swap3A_1261 {strides = array<i32>} : memref<16x1024xf32, #tpu.memory_space<vmem>>, vector<1x16xf32>,
      %get3A_1262 = arith.constant 0 : i32
      %get3A_1263 = arith.index_cast %get3A_1262 : i32 to index
      %get3A_1264 = arith.constant 640 : index
      %get3A_1265 = tpu.vector_load %arg9[%get3A_1263, %get3A_1264] {strides = array<i32>} : memref<16x1024xf32, #tpu.memory_space<vmem>>, vector<1x16xf32>,
      %get3A_1266 = vector.shape_cast %get3A_1265 : vector<1x16xf32> to vector<16xf32>
      %mul3A_1267 = arith.mulf %get3A_1266, %get3A_764 : vector<16xf32>
      %swap3A_1268 = arith.constant 0 : i32
      %swap3A_1269 = arith.index_cast %swap3A_1268 : i32 to index
      %swap3A_1270 = arith.constant 640 : index
      %swap3A_1271 = tpu.vector_load %arg9[%swap3A_1269, %swap3A_1270] {strides = array<i32>} : memref<16x1024xf32, #tpu.memory_space<vmem>>, vector<1x16xf32>,
      %swap3A_1272 = vector.shape_cast %swap3A_1271 : vector<1x16xf32> to vector<16xf32>
      %swap3A_1273 = vector.shape_cast %mul3A_1267 : vector<16xf32> to vector<1x16xf32>
      tpu.vector_store %arg9[%swap3A_1269, %swap3A_1270], %swap3A_1273 {strides = array<i32>} : memref<16x1024xf32, #tpu.memory_space<vmem>>, vector<1x16xf32>,
      %get3A_1274 = arith.constant 0 : i32
      %get3A_1275 = arith.index_cast %get3A_1274 : i32 to index
      %get3A_1276 = arith.constant 656 : index
      %get3A_1277 = tpu.vector_load %arg9[%get3A_1275, %get3A_1276] {strides = array<i32>} : memref<16x1024xf32, #tpu.memory_space<vmem>>, vector<1x16xf32>,
      %get3A_1278 = vector.shape_cast %get3A_1277 : vector<1x16xf32> to vector<16xf32>
      %mul3A_1279 = arith.mulf %get3A_1278, %get3A_764 : vector<16xf32>
      %swap3A_1280 = arith.constant 0 : i32
      %swap3A_1281 = arith.index_cast %swap3A_1280 : i32 to index
      %swap3A_1282 = arith.constant 656 : index
      %swap3A_1283 = tpu.vector_load %arg9[%swap3A_1281, %swap3A_1282] {strides = array<i32>} : memref<16x1024xf32, #tpu.memory_space<vmem>>, vector<1x16xf32>,
      %swap3A_1284 = vector.shape_cast %swap3A_1283 : vector<1x16xf32> to vector<16xf32>
      %swap3A_1285 = vector.shape_cast %mul3A_1279 : vector<16xf32> to vector<1x16xf32>
      tpu.vector_store %arg9[%swap3A_1281, %swap3A_1282], %swap3A_1285 {strides = array<i32>} : memref<16x1024xf32, #tpu.memory_space<vmem>>, vector<1x16xf32>,
      %get3A_1286 = arith.constant 0 : i32
      %get3A_1287 = arith.index_cast %get3A_1286 : i32 to index
      %get3A_1288 = arith.constant 672 : index
      %get3A_1289 = tpu.vector_load %arg9[%get3A_1287, %get3A_1288] {strides = array<i32>} : memref<16x1024xf32, #tpu.memory_space<vmem>>, vector<1x16xf32>,
      %get3A_1290 = vector.shape_cast %get3A_1289 : vector<1x16xf32> to vector<16xf32>
      %mul3A_1291 = arith.mulf %get3A_1290, %get3A_764 : vector<16xf32>
      %swap3A_1292 = arith.constant 0 : i32
      %swap3A_1293 = arith.index_cast %swap3A_1292 : i32 to index
      %swap3A_1294 = arith.constant 672 : index
      %swap3A_1295 = tpu.vector_load %arg9[%swap3A_1293, %swap3A_1294] {strides = array<i32>} : memref<16x1024xf32, #tpu.memory_space<vmem>>, vector<1x16xf32>,
      %swap3A_1296 = vector.shape_cast %swap3A_1295 : vector<1x16xf32> to vector<16xf32>
      %swap3A_1297 = vector.shape_cast %mul3A_1291 : vector<16xf32> to vector<1x16xf32>
      tpu.vector_store %arg9[%swap3A_1293, %swap3A_1294], %swap3A_1297 {strides = array<i32>} : memref<16x1024xf32, #tpu.memory_space<vmem>>, vector<1x16xf32>,
      %get3A_1298 = arith.constant 0 : i32
      %get3A_1299 = arith.index_cast %get3A_1298 : i32 to index
      %get3A_1300 = arith.constant 688 : index
      %get3A_1301 = tpu.vector_load %arg9[%get3A_1299, %get3A_1300] {strides = array<i32>} : memref<16x1024xf32, #tpu.memory_space<vmem>>, vector<1x16xf32>,
      %get3A_1302 = vector.shape_cast %get3A_1301 : vector<1x16xf32> to vector<16xf32>
      %mul3A_1303 = arith.mulf %get3A_1302, %get3A_764 : vector<16xf32>
      %swap3A_1304 = arith.constant 0 : i32
      %swap3A_1305 = arith.index_cast %swap3A_1304 : i32 to index
      %swap3A_1306 = arith.constant 688 : index
      %swap3A_1307 = tpu.vector_load %arg9[%swap3A_1305, %swap3A_1306] {strides = array<i32>} : memref<16x1024xf32, #tpu.memory_space<vmem>>, vector<1x16xf32>,
      %swap3A_1308 = vector.shape_cast %swap3A_1307 : vector<1x16xf32> to vector<16xf32>
      %swap3A_1309 = vector.shape_cast %mul3A_1303 : vector<16xf32> to vector<1x16xf32>
      tpu.vector_store %arg9[%swap3A_1305, %swap3A_1306], %swap3A_1309 {strides = array<i32>} : memref<16x1024xf32, #tpu.memory_space<vmem>>, vector<1x16xf32>,
      %get3A_1310 = arith.constant 0 : i32
      %get3A_1311 = arith.index_cast %get3A_1310 : i32 to index
      %get3A_1312 = arith.constant 704 : index
      %get3A_1313 = tpu.vector_load %arg9[%get3A_1311, %get3A_1312] {strides = array<i32>} : memref<16x1024xf32, #tpu.memory_space<vmem>>, vector<1x16xf32>,
      %get3A_1314 = vector.shape_cast %get3A_1313 : vector<1x16xf32> to vector<16xf32>
      %mul3A_1315 = arith.mulf %get3A_1314, %get3A_764 : vector<16xf32>
      %swap3A_1316 = arith.constant 0 : i32
      %swap3A_1317 = arith.index_cast %swap3A_1316 : i32 to index
      %swap3A_1318 = arith.constant 704 : index
      %swap3A_1319 = tpu.vector_load %arg9[%swap3A_1317, %swap3A_1318] {strides = array<i32>} : memref<16x1024xf32, #tpu.memory_space<vmem>>, vector<1x16xf32>,
      %swap3A_1320 = vector.shape_cast %swap3A_1319 : vector<1x16xf32> to vector<16xf32>
      %swap3A_1321 = vector.shape_cast %mul3A_1315 : vector<16xf32> to vector<1x16xf32>
      tpu.vector_store %arg9[%swap3A_1317, %swap3A_1318], %swap3A_1321 {strides = array<i32>} : memref<16x1024xf32, #tpu.memory_space<vmem>>, vector<1x16xf32>,
      %get3A_1322 = arith.constant 0 : i32
      %get3A_1323 = arith.index_cast %get3A_1322 : i32 to index
      %get3A_1324 = arith.constant 720 : index
      %get3A_1325 = tpu.vector_load %arg9[%get3A_1323, %get3A_1324] {strides = array<i32>} : memref<16x1024xf32, #tpu.memory_space<vmem>>, vector<1x16xf32>,
      %get3A_1326 = vector.shape_cast %get3A_1325 : vector<1x16xf32> to vector<16xf32>
      %mul3A_1327 = arith.mulf %get3A_1326, %get3A_764 : vector<16xf32>
      %swap3A_1328 = arith.constant 0 : i32
      %swap3A_1329 = arith.index_cast %swap3A_1328 : i32 to index
      %swap3A_1330 = arith.constant 720 : index
      %swap3A_1331 = tpu.vector_load %arg9[%swap3A_1329, %swap3A_1330] {strides = array<i32>} : memref<16x1024xf32, #tpu.memory_space<vmem>>, vector<1x16xf32>,
      %swap3A_1332 = vector.shape_cast %swap3A_1331 : vector<1x16xf32> to vector<16xf32>
      %swap3A_1333 = vector.shape_cast %mul3A_1327 : vector<16xf32> to vector<1x16xf32>
      tpu.vector_store %arg9[%swap3A_1329, %swap3A_1330], %swap3A_1333 {strides = array<i32>} : memref<16x1024xf32, #tpu.memory_space<vmem>>, vector<1x16xf32>,
      %get3A_1334 = arith.constant 0 : i32
      %get3A_1335 = arith.index_cast %get3A_1334 : i32 to index
      %get3A_1336 = arith.constant 736 : index
      %get3A_1337 = tpu.vector_load %arg9[%get3A_1335, %get3A_1336] {strides = array<i32>} : memref<16x1024xf32, #tpu.memory_space<vmem>>, vector<1x16xf32>,
      %get3A_1338 = vector.shape_cast %get3A_1337 : vector<1x16xf32> to vector<16xf32>
      %mul3A_1339 = arith.mulf %get3A_1338, %get3A_764 : vector<16xf32>
      %swap3A_1340 = arith.constant 0 : i32
      %swap3A_1341 = arith.index_cast %swap3A_1340 : i32 to index
      %swap3A_1342 = arith.constant 736 : index
      %swap3A_1343 = tpu.vector_load %arg9[%swap3A_1341, %swap3A_1342] {strides = array<i32>} : memref<16x1024xf32, #tpu.memory_space<vmem>>, vector<1x16xf32>,
      %swap3A_1344 = vector.shape_cast %swap3A_1343 : vector<1x16xf32> to vector<16xf32>
      %swap3A_1345 = vector.shape_cast %mul3A_1339 : vector<16xf32> to vector<1x16xf32>
      tpu.vector_store %arg9[%swap3A_1341, %swap3A_1342], %swap3A_1345 {strides = array<i32>} : memref<16x1024xf32, #tpu.memory_space<vmem>>, vector<1x16xf32>,
      %get3A_1346 = arith.constant 0 : i32
      %get3A_1347 = arith.index_cast %get3A_1346 : i32 to index
      %get3A_1348 = arith.constant 752 : index
      %get3A_1349 = tpu.vector_load %arg9[%get3A_1347, %get3A_1348] {strides = array<i32>} : memref<16x1024xf32, #tpu.memory_space<vmem>>, vector<1x16xf32>,
      %get3A_1350 = vector.shape_cast %get3A_1349 : vector<1x16xf32> to vector<16xf32>
      %mul3A_1351 = arith.mulf %get3A_1350, %get3A_764 : vector<16xf32>
      %swap3A_1352 = arith.constant 0 : i32
      %swap3A_1353 = arith.index_cast %swap3A_1352 : i32 to index
      %swap3A_1354 = arith.constant 752 : index
      %swap3A_1355 = tpu.vector_load %arg9[%swap3A_1353, %swap3A_1354] {strides = array<i32>} : memref<16x1024xf32, #tpu.memory_space<vmem>>, vector<1x16xf32>,
      %swap3A_1356 = vector.shape_cast %swap3A_1355 : vector<1x16xf32> to vector<16xf32>
      %swap3A_1357 = vector.shape_cast %mul3A_1351 : vector<16xf32> to vector<1x16xf32>
      tpu.vector_store %arg9[%swap3A_1353, %swap3A_1354], %swap3A_1357 {strides = array<i32>} : memref<16x1024xf32, #tpu.memory_space<vmem>>, vector<1x16xf32>,
      %get3A_1358 = arith.constant 0 : i32
      %get3A_1359 = arith.index_cast %get3A_1358 : i32 to index
      %get3A_1360 = arith.constant 768 : index
      %get3A_1361 = tpu.vector_load %arg9[%get3A_1359, %get3A_1360] {strides = array<i32>} : memref<16x1024xf32, #tpu.memory_space<vmem>>, vector<1x16xf32>,
      %get3A_1362 = vector.shape_cast %get3A_1361 : vector<1x16xf32> to vector<16xf32>
      %mul3A_1363 = arith.mulf %get3A_1362, %get3A_764 : vector<16xf32>
      %swap3A_1364 = arith.constant 0 : i32
      %swap3A_1365 = arith.index_cast %swap3A_1364 : i32 to index
      %swap3A_1366 = arith.constant 768 : index
      %swap3A_1367 = tpu.vector_load %arg9[%swap3A_1365, %swap3A_1366] {strides = array<i32>} : memref<16x1024xf32, #tpu.memory_space<vmem>>, vector<1x16xf32>,
      %swap3A_1368 = vector.shape_cast %swap3A_1367 : vector<1x16xf32> to vector<16xf32>
      %swap3A_1369 = vector.shape_cast %mul3A_1363 : vector<16xf32> to vector<1x16xf32>
      tpu.vector_store %arg9[%swap3A_1365, %swap3A_1366], %swap3A_1369 {strides = array<i32>} : memref<16x1024xf32, #tpu.memory_space<vmem>>, vector<1x16xf32>,
      %get3A_1370 = arith.constant 0 : i32
      %get3A_1371 = arith.index_cast %get3A_1370 : i32 to index
      %get3A_1372 = arith.constant 784 : index
      %get3A_1373 = tpu.vector_load %arg9[%get3A_1371, %get3A_1372] {strides = array<i32>} : memref<16x1024xf32, #tpu.memory_space<vmem>>, vector<1x16xf32>,
      %get3A_1374 = vector.shape_cast %get3A_1373 : vector<1x16xf32> to vector<16xf32>
      %mul3A_1375 = arith.mulf %get3A_1374, %get3A_764 : vector<16xf32>
      %swap3A_1376 = arith.constant 0 : i32
      %swap3A_1377 = arith.index_cast %swap3A_1376 : i32 to index
      %swap3A_1378 = arith.constant 784 : index
      %swap3A_1379 = tpu.vector_load %arg9[%swap3A_1377, %swap3A_1378] {strides = array<i32>} : memref<16x1024xf32, #tpu.memory_space<vmem>>, vector<1x16xf32>,
      %swap3A_1380 = vector.shape_cast %swap3A_1379 : vector<1x16xf32> to vector<16xf32>
      %swap3A_1381 = vector.shape_cast %mul3A_1375 : vector<16xf32> to vector<1x16xf32>
      tpu.vector_store %arg9[%swap3A_1377, %swap3A_1378], %swap3A_1381 {strides = array<i32>} : memref<16x1024xf32, #tpu.memory_space<vmem>>, vector<1x16xf32>,
      %get3A_1382 = arith.constant 0 : i32
      %get3A_1383 = arith.index_cast %get3A_1382 : i32 to index
      %get3A_1384 = arith.constant 800 : index
      %get3A_1385 = tpu.vector_load %arg9[%get3A_1383, %get3A_1384] {strides = array<i32>} : memref<16x1024xf32, #tpu.memory_space<vmem>>, vector<1x16xf32>,
      %get3A_1386 = vector.shape_cast %get3A_1385 : vector<1x16xf32> to vector<16xf32>
      %mul3A_1387 = arith.mulf %get3A_1386, %get3A_764 : vector<16xf32>
      %swap3A_1388 = arith.constant 0 : i32
      %swap3A_1389 = arith.index_cast %swap3A_1388 : i32 to index
      %swap3A_1390 = arith.constant 800 : index
      %swap3A_1391 = tpu.vector_load %arg9[%swap3A_1389, %swap3A_1390] {strides = array<i32>} : memref<16x1024xf32, #tpu.memory_space<vmem>>, vector<1x16xf32>,
      %swap3A_1392 = vector.shape_cast %swap3A_1391 : vector<1x16xf32> to vector<16xf32>
      %swap3A_1393 = vector.shape_cast %mul3A_1387 : vector<16xf32> to vector<1x16xf32>
      tpu.vector_store %arg9[%swap3A_1389, %swap3A_1390], %swap3A_1393 {strides = array<i32>} : memref<16x1024xf32, #tpu.memory_space<vmem>>, vector<1x16xf32>,
      %get3A_1394 = arith.constant 0 : i32
      %get3A_1395 = arith.index_cast %get3A_1394 : i32 to index
      %get3A_1396 = arith.constant 816 : index
      %get3A_1397 = tpu.vector_load %arg9[%get3A_1395, %get3A_1396] {strides = array<i32>} : memref<16x1024xf32, #tpu.memory_space<vmem>>, vector<1x16xf32>,
      %get3A_1398 = vector.shape_cast %get3A_1397 : vector<1x16xf32> to vector<16xf32>
      %mul3A_1399 = arith.mulf %get3A_1398, %get3A_764 : vector<16xf32>
      %swap3A_1400 = arith.constant 0 : i32
      %swap3A_1401 = arith.index_cast %swap3A_1400 : i32 to index
      %swap3A_1402 = arith.constant 816 : index
      %swap3A_1403 = tpu.vector_load %arg9[%swap3A_1401, %swap3A_1402] {strides = array<i32>} : memref<16x1024xf32, #tpu.memory_space<vmem>>, vector<1x16xf32>,
      %swap3A_1404 = vector.shape_cast %swap3A_1403 : vector<1x16xf32> to vector<16xf32>
      %swap3A_1405 = vector.shape_cast %mul3A_1399 : vector<16xf32> to vector<1x16xf32>
      tpu.vector_store %arg9[%swap3A_1401, %swap3A_1402], %swap3A_1405 {strides = array<i32>} : memref<16x1024xf32, #tpu.memory_space<vmem>>, vector<1x16xf32>,
      %get3A_1406 = arith.constant 0 : i32
      %get3A_1407 = arith.index_cast %get3A_1406 : i32 to index
      %get3A_1408 = arith.constant 832 : index
      %get3A_1409 = tpu.vector_load %arg9[%get3A_1407, %get3A_1408] {strides = array<i32>} : memref<16x1024xf32, #tpu.memory_space<vmem>>, vector<1x16xf32>,
      %get3A_1410 = vector.shape_cast %get3A_1409 : vector<1x16xf32> to vector<16xf32>
      %mul3A_1411 = arith.mulf %get3A_1410, %get3A_764 : vector<16xf32>
      %swap3A_1412 = arith.constant 0 : i32
      %swap3A_1413 = arith.index_cast %swap3A_1412 : i32 to index
      %swap3A_1414 = arith.constant 832 : index
      %swap3A_1415 = tpu.vector_load %arg9[%swap3A_1413, %swap3A_1414] {strides = array<i32>} : memref<16x1024xf32, #tpu.memory_space<vmem>>, vector<1x16xf32>,
      %swap3A_1416 = vector.shape_cast %swap3A_1415 : vector<1x16xf32> to vector<16xf32>
      %swap3A_1417 = vector.shape_cast %mul3A_1411 : vector<16xf32> to vector<1x16xf32>
      tpu.vector_store %arg9[%swap3A_1413, %swap3A_1414], %swap3A_1417 {strides = array<i32>} : memref<16x1024xf32, #tpu.memory_space<vmem>>, vector<1x16xf32>,
      %get3A_1418 = arith.constant 0 : i32
      %get3A_1419 = arith.index_cast %get3A_1418 : i32 to index
      %get3A_1420 = arith.constant 848 : index
      %get3A_1421 = tpu.vector_load %arg9[%get3A_1419, %get3A_1420] {strides = array<i32>} : memref<16x1024xf32, #tpu.memory_space<vmem>>, vector<1x16xf32>,
      %get3A_1422 = vector.shape_cast %get3A_1421 : vector<1x16xf32> to vector<16xf32>
      %mul3A_1423 = arith.mulf %get3A_1422, %get3A_764 : vector<16xf32>
      %swap3A_1424 = arith.constant 0 : i32
      %swap3A_1425 = arith.index_cast %swap3A_1424 : i32 to index
      %swap3A_1426 = arith.constant 848 : index
      %swap3A_1427 = tpu.vector_load %arg9[%swap3A_1425, %swap3A_1426] {strides = array<i32>} : memref<16x1024xf32, #tpu.memory_space<vmem>>, vector<1x16xf32>,
      %swap3A_1428 = vector.shape_cast %swap3A_1427 : vector<1x16xf32> to vector<16xf32>
      %swap3A_1429 = vector.shape_cast %mul3A_1423 : vector<16xf32> to vector<1x16xf32>
      tpu.vector_store %arg9[%swap3A_1425, %swap3A_1426], %swap3A_1429 {strides = array<i32>} : memref<16x1024xf32, #tpu.memory_space<vmem>>, vector<1x16xf32>,
      %get3A_1430 = arith.constant 0 : i32
      %get3A_1431 = arith.index_cast %get3A_1430 : i32 to index
      %get3A_1432 = arith.constant 864 : index
      %get3A_1433 = tpu.vector_load %arg9[%get3A_1431, %get3A_1432] {strides = array<i32>} : memref<16x1024xf32, #tpu.memory_space<vmem>>, vector<1x16xf32>,
      %get3A_1434 = vector.shape_cast %get3A_1433 : vector<1x16xf32> to vector<16xf32>
      %mul3A_1435 = arith.mulf %get3A_1434, %get3A_764 : vector<16xf32>
      %swap3A_1436 = arith.constant 0 : i32
      %swap3A_1437 = arith.index_cast %swap3A_1436 : i32 to index
      %swap3A_1438 = arith.constant 864 : index
      %swap3A_1439 = tpu.vector_load %arg9[%swap3A_1437, %swap3A_1438] {strides = array<i32>} : memref<16x1024xf32, #tpu.memory_space<vmem>>, vector<1x16xf32>,
      %swap3A_1440 = vector.shape_cast %swap3A_1439 : vector<1x16xf32> to vector<16xf32>
      %swap3A_1441 = vector.shape_cast %mul3A_1435 : vector<16xf32> to vector<1x16xf32>
      tpu.vector_store %arg9[%swap3A_1437, %swap3A_1438], %swap3A_1441 {strides = array<i32>} : memref<16x1024xf32, #tpu.memory_space<vmem>>, vector<1x16xf32>,
      %get3A_1442 = arith.constant 0 : i32
      %get3A_1443 = arith.index_cast %get3A_1442 : i32 to index
      %get3A_1444 = arith.constant 880 : index
      %get3A_1445 = tpu.vector_load %arg9[%get3A_1443, %get3A_1444] {strides = array<i32>} : memref<16x1024xf32, #tpu.memory_space<vmem>>, vector<1x16xf32>,
      %get3A_1446 = vector.shape_cast %get3A_1445 : vector<1x16xf32> to vector<16xf32>
      %mul3A_1447 = arith.mulf %get3A_1446, %get3A_764 : vector<16xf32>
      %swap3A_1448 = arith.constant 0 : i32
      %swap3A_1449 = arith.index_cast %swap3A_1448 : i32 to index
      %swap3A_1450 = arith.constant 880 : index
      %swap3A_1451 = tpu.vector_load %arg9[%swap3A_1449, %swap3A_1450] {strides = array<i32>} : memref<16x1024xf32, #tpu.memory_space<vmem>>, vector<1x16xf32>,
      %swap3A_1452 = vector.shape_cast %swap3A_1451 : vector<1x16xf32> to vector<16xf32>
      %swap3A_1453 = vector.shape_cast %mul3A_1447 : vector<16xf32> to vector<1x16xf32>
      tpu.vector_store %arg9[%swap3A_1449, %swap3A_1450], %swap3A_1453 {strides = array<i32>} : memref<16x1024xf32, #tpu.memory_space<vmem>>, vector<1x16xf32>,
      %get3A_1454 = arith.constant 0 : i32
      %get3A_1455 = arith.index_cast %get3A_1454 : i32 to index
      %get3A_1456 = arith.constant 896 : index
      %get3A_1457 = tpu.vector_load %arg9[%get3A_1455, %get3A_1456] {strides = array<i32>} : memref<16x1024xf32, #tpu.memory_space<vmem>>, vector<1x16xf32>,
      %get3A_1458 = vector.shape_cast %get3A_1457 : vector<1x16xf32> to vector<16xf32>
      %mul3A_1459 = arith.mulf %get3A_1458, %get3A_764 : vector<16xf32>
      %swap3A_1460 = arith.constant 0 : i32
      %swap3A_1461 = arith.index_cast %swap3A_1460 : i32 to index
      %swap3A_1462 = arith.constant 896 : index
      %swap3A_1463 = tpu.vector_load %arg9[%swap3A_1461, %swap3A_1462] {strides = array<i32>} : memref<16x1024xf32, #tpu.memory_space<vmem>>, vector<1x16xf32>,
      %swap3A_1464 = vector.shape_cast %swap3A_1463 : vector<1x16xf32> to vector<16xf32>
      %swap3A_1465 = vector.shape_cast %mul3A_1459 : vector<16xf32> to vector<1x16xf32>
      tpu.vector_store %arg9[%swap3A_1461, %swap3A_1462], %swap3A_1465 {strides = array<i32>} : memref<16x1024xf32, #tpu.memory_space<vmem>>, vector<1x16xf32>,
      %get3A_1466 = arith.constant 0 : i32
      %get3A_1467 = arith.index_cast %get3A_1466 : i32 to index
      %get3A_1468 = arith.constant 912 : index
      %get3A_1469 = tpu.vector_load %arg9[%get3A_1467, %get3A_1468] {strides = array<i32>} : memref<16x1024xf32, #tpu.memory_space<vmem>>, vector<1x16xf32>,
      %get3A_1470 = vector.shape_cast %get3A_1469 : vector<1x16xf32> to vector<16xf32>
      %mul3A_1471 = arith.mulf %get3A_1470, %get3A_764 : vector<16xf32>
      %swap3A_1472 = arith.constant 0 : i32
      %swap3A_1473 = arith.index_cast %swap3A_1472 : i32 to index
      %swap3A_1474 = arith.constant 912 : index
      %swap3A_1475 = tpu.vector_load %arg9[%swap3A_1473, %swap3A_1474] {strides = array<i32>} : memref<16x1024xf32, #tpu.memory_space<vmem>>, vector<1x16xf32>,
      %swap3A_1476 = vector.shape_cast %swap3A_1475 : vector<1x16xf32> to vector<16xf32>
      %swap3A_1477 = vector.shape_cast %mul3A_1471 : vector<16xf32> to vector<1x16xf32>
      tpu.vector_store %arg9[%swap3A_1473, %swap3A_1474], %swap3A_1477 {strides = array<i32>} : memref<16x1024xf32, #tpu.memory_space<vmem>>, vector<1x16xf32>,
      %get3A_1478 = arith.constant 0 : i32
      %get3A_1479 = arith.index_cast %get3A_1478 : i32 to index
      %get3A_1480 = arith.constant 928 : index
      %get3A_1481 = tpu.vector_load %arg9[%get3A_1479, %get3A_1480] {strides = array<i32>} : memref<16x1024xf32, #tpu.memory_space<vmem>>, vector<1x16xf32>,
      %get3A_1482 = vector.shape_cast %get3A_1481 : vector<1x16xf32> to vector<16xf32>
      %mul3A_1483 = arith.mulf %get3A_1482, %get3A_764 : vector<16xf32>
      %swap3A_1484 = arith.constant 0 : i32
      %swap3A_1485 = arith.index_cast %swap3A_1484 : i32 to index
      %swap3A_1486 = arith.constant 928 : index
      %swap3A_1487 = tpu.vector_load %arg9[%swap3A_1485, %swap3A_1486] {strides = array<i32>} : memref<16x1024xf32, #tpu.memory_space<vmem>>, vector<1x16xf32>,
      %swap3A_1488 = vector.shape_cast %swap3A_1487 : vector<1x16xf32> to vector<16xf32>
      %swap3A_1489 = vector.shape_cast %mul3A_1483 : vector<16xf32> to vector<1x16xf32>
      tpu.vector_store %arg9[%swap3A_1485, %swap3A_1486], %swap3A_1489 {strides = array<i32>} : memref<16x1024xf32, #tpu.memory_space<vmem>>, vector<1x16xf32>,
      %get3A_1490 = arith.constant 0 : i32
      %get3A_1491 = arith.index_cast %get3A_1490 : i32 to index
      %get3A_1492 = arith.constant 944 : index
      %get3A_1493 = tpu.vector_load %arg9[%get3A_1491, %get3A_1492] {strides = array<i32>} : memref<16x1024xf32, #tpu.memory_space<vmem>>, vector<1x16xf32>,
      %get3A_1494 = vector.shape_cast %get3A_1493 : vector<1x16xf32> to vector<16xf32>
      %mul3A_1495 = arith.mulf %get3A_1494, %get3A_764 : vector<16xf32>
      %swap3A_1496 = arith.constant 0 : i32
      %swap3A_1497 = arith.index_cast %swap3A_1496 : i32 to index
      %swap3A_1498 = arith.constant 944 : index
      %swap3A_1499 = tpu.vector_load %arg9[%swap3A_1497, %swap3A_1498] {strides = array<i32>} : memref<16x1024xf32, #tpu.memory_space<vmem>>, vector<1x16xf32>,
      %swap3A_1500 = vector.shape_cast %swap3A_1499 : vector<1x16xf32> to vector<16xf32>
      %swap3A_1501 = vector.shape_cast %mul3A_1495 : vector<16xf32> to vector<1x16xf32>
      tpu.vector_store %arg9[%swap3A_1497, %swap3A_1498], %swap3A_1501 {strides = array<i32>} : memref<16x1024xf32, #tpu.memory_space<vmem>>, vector<1x16xf32>,
      %get3A_1502 = arith.constant 0 : i32
      %get3A_1503 = arith.index_cast %get3A_1502 : i32 to index
      %get3A_1504 = arith.constant 960 : index
      %get3A_1505 = tpu.vector_load %arg9[%get3A_1503, %get3A_1504] {strides = array<i32>} : memref<16x1024xf32, #tpu.memory_space<vmem>>, vector<1x16xf32>,
      %get3A_1506 = vector.shape_cast %get3A_1505 : vector<1x16xf32> to vector<16xf32>
      %mul3A_1507 = arith.mulf %get3A_1506, %get3A_764 : vector<16xf32>
      %swap3A_1508 = arith.constant 0 : i32
      %swap3A_1509 = arith.index_cast %swap3A_1508 : i32 to index
      %swap3A_1510 = arith.constant 960 : index
      %swap3A_1511 = tpu.vector_load %arg9[%swap3A_1509, %swap3A_1510] {strides = array<i32>} : memref<16x1024xf32, #tpu.memory_space<vmem>>, vector<1x16xf32>,
      %swap3A_1512 = vector.shape_cast %swap3A_1511 : vector<1x16xf32> to vector<16xf32>
      %swap3A_1513 = vector.shape_cast %mul3A_1507 : vector<16xf32> to vector<1x16xf32>
      tpu.vector_store %arg9[%swap3A_1509, %swap3A_1510], %swap3A_1513 {strides = array<i32>} : memref<16x1024xf32, #tpu.memory_space<vmem>>, vector<1x16xf32>,
      %get3A_1514 = arith.constant 0 : i32
      %get3A_1515 = arith.index_cast %get3A_1514 : i32 to index
      %get3A_1516 = arith.constant 976 : index
      %get3A_1517 = tpu.vector_load %arg9[%get3A_1515, %get3A_1516] {strides = array<i32>} : memref<16x1024xf32, #tpu.memory_space<vmem>>, vector<1x16xf32>,
      %get3A_1518 = vector.shape_cast %get3A_1517 : vector<1x16xf32> to vector<16xf32>
      %mul3A_1519 = arith.mulf %get3A_1518, %get3A_764 : vector<16xf32>
      %swap3A_1520 = arith.constant 0 : i32
      %swap3A_1521 = arith.index_cast %swap3A_1520 : i32 to index
      %swap3A_1522 = arith.constant 976 : index
      %swap3A_1523 = tpu.vector_load %arg9[%swap3A_1521, %swap3A_1522] {strides = array<i32>} : memref<16x1024xf32, #tpu.memory_space<vmem>>, vector<1x16xf32>,
      %swap3A_1524 = vector.shape_cast %swap3A_1523 : vector<1x16xf32> to vector<16xf32>
      %swap3A_1525 = vector.shape_cast %mul3A_1519 : vector<16xf32> to vector<1x16xf32>
      tpu.vector_store %arg9[%swap3A_1521, %swap3A_1522], %swap3A_1525 {strides = array<i32>} : memref<16x1024xf32, #tpu.memory_space<vmem>>, vector<1x16xf32>,
      %get3A_1526 = arith.constant 0 : i32
      %get3A_1527 = arith.index_cast %get3A_1526 : i32 to index
      %get3A_1528 = arith.constant 992 : index
      %get3A_1529 = tpu.vector_load %arg9[%get3A_1527, %get3A_1528] {strides = array<i32>} : memref<16x1024xf32, #tpu.memory_space<vmem>>, vector<1x16xf32>,
      %get3A_1530 = vector.shape_cast %get3A_1529 : vector<1x16xf32> to vector<16xf32>
      %mul3A_1531 = arith.mulf %get3A_1530, %get3A_764 : vector<16xf32>
      %swap3A_1532 = arith.constant 0 : i32
      %swap3A_1533 = arith.index_cast %swap3A_1532 : i32 to index
      %swap3A_1534 = arith.constant 992 : index
      %swap3A_1535 = tpu.vector_load %arg9[%swap3A_1533, %swap3A_1534] {strides = array<i32>} : memref<16x1024xf32, #tpu.memory_space<vmem>>, vector<1x16xf32>,
      %swap3A_1536 = vector.shape_cast %swap3A_1535 : vector<1x16xf32> to vector<16xf32>
      %swap3A_1537 = vector.shape_cast %mul3A_1531 : vector<16xf32> to vector<1x16xf32>
      tpu.vector_store %arg9[%swap3A_1533, %swap3A_1534], %swap3A_1537 {strides = array<i32>} : memref<16x1024xf32, #tpu.memory_space<vmem>>, vector<1x16xf32>,
      %get3A_1538 = arith.constant 0 : i32
      %get3A_1539 = arith.index_cast %get3A_1538 : i32 to index
      %get3A_1540 = arith.constant 1008 : index
      %get3A_1541 = tpu.vector_load %arg9[%get3A_1539, %get3A_1540] {strides = array<i32>} : memref<16x1024xf32, #tpu.memory_space<vmem>>, vector<1x16xf32>,
      %get3A_1542 = vector.shape_cast %get3A_1541 : vector<1x16xf32> to vector<16xf32>
      %mul3A_1543 = arith.mulf %get3A_1542, %get3A_764 : vector<16xf32>
      %swap3A_1544 = arith.constant 0 : i32
      %swap3A_1545 = arith.index_cast %swap3A_1544 : i32 to index
      %swap3A_1546 = arith.constant 1008 : index
      %swap3A_1547 = tpu.vector_load %arg9[%swap3A_1545, %swap3A_1546] {strides = array<i32>} : memref<16x1024xf32, #tpu.memory_space<vmem>>, vector<1x16xf32>,
      %swap3A_1548 = vector.shape_cast %swap3A_1547 : vector<1x16xf32> to vector<16xf32>
      %swap3A_1549 = vector.shape_cast %mul3A_1543 : vector<16xf32> to vector<1x16xf32>
      tpu.vector_store %arg9[%swap3A_1545, %swap3A_1546], %swap3A_1549 {strides = array<i32>} : memref<16x1024xf32, #tpu.memory_space<vmem>>, vector<1x16xf32>,
      "tpu.region"() ({
        %run_scoped3A = tpu.sem_alloc : memref<!tpu.dma_semaphore, #tpu.memory_space<semaphore_mem>>
        %dma_start3A_1550 = arith.constant 0 : i32
        %dma_start3A_1551 = arith.constant 0 : i32
        %dma_start3A_1552 = tpu.memref_slice %arg9[%dma_start3A_1550, %dma_start3A_1551] : memref<16x1024xf32, #tpu.memory_space<vmem>> -> memref<1x1024xf32, #tpu.memory_space<vmem>>
        %dma_start3A_1553 = arith.constant 0 : i32
        %dma_start3A_1554 = tpu.memref_slice %arg4[%add3A_726, %dma_start3A_1553] : memref<80x1024xf32, #tpu.memory_space<hbm>> -> memref<1x1024xf32, #tpu.memory_space<hbm>>
        %dma_start3A_1555 = arith.constant 0 : i32
        %dma_start3A_1556 = tpu.memref_slice %arg4[%add3A_726, %dma_start3A_1555] : memref<80x1024xf32, #tpu.memory_space<hbm>> -> memref<1x1024xf32, #tpu.memory_space<hbm>>
        %dma_start3A_1557 = arith.constant 0 : i32
        %dma_start3A_1558 = arith.constant 0 : i32
        %dma_start3A_1559 = tpu.memref_slice %arg9[%dma_start3A_1557, %dma_start3A_1558] : memref<16x1024xf32, #tpu.memory_space<vmem>> -> memref<1x1024xf32, #tpu.memory_space<vmem>>
        tpu.enqueue_dma source(%dma_start3A_1559 : memref<1x1024xf32, #tpu.memory_space<vmem>>) target(%dma_start3A_1556 : memref<1x1024xf32, #tpu.memory_space<hbm>>) target_semaphore(%run_scoped3A : memref<!tpu.dma_semaphore, #tpu.memory_space<semaphore_mem>>)
        %dma_wait3A_1560 = arith.constant 0 : i32
        %dma_wait3A_1561 = arith.constant 0 : i32
        %dma_wait3A_1562 = tpu.memref_slice %arg9[%dma_wait3A_1560, %dma_wait3A_1561] : memref<16x1024xf32, #tpu.memory_space<vmem>> -> memref<1x1024xf32, #tpu.memory_space<vmem>>
        %dma_wait3A_1563 = arith.constant 0 : i32
        %dma_wait3A_1564 = tpu.memref_slice %arg4[%add3A_726, %dma_wait3A_1563] : memref<80x1024xf32, #tpu.memory_space<hbm>> -> memref<1x1024xf32, #tpu.memory_space<hbm>>
        %dma_wait3A_1565 = arith.constant 0 : i32
        %dma_wait3A_1566 = tpu.memref_slice %arg4[%add3A_726, %dma_wait3A_1565] : memref<80x1024xf32, #tpu.memory_space<hbm>> -> memref<1x1024xf32, #tpu.memory_space<hbm>>
        %dma_wait3A_1567 = arith.constant 0 : i32
        %dma_wait3A_1568 = arith.constant 0 : i32
        %dma_wait3A_1569 = tpu.memref_slice %arg9[%dma_wait3A_1567, %dma_wait3A_1568] : memref<16x1024xf32, #tpu.memory_space<vmem>> -> memref<1x1024xf32, #tpu.memory_space<vmem>>
        tpu.wait_dma2 semaphore(%run_scoped3A : memref<!tpu.dma_semaphore, #tpu.memory_space<semaphore_mem>>) src(%dma_wait3A_1569 : memref<1x1024xf32, #tpu.memory_space<vmem>>) dst(%dma_wait3A_1566 : memref<1x1024xf32, #tpu.memory_space<hbm>>)
        tpu.yield
      }) : () -> ()
    } else {
    }
    %add3A_732 = arith.constant 64 : i32
    %add3A_733 = arith.addi %add3A, %add3A_732 : i32
    %lt3A_734 = arith.constant 80 : i32
    %lt3A_735 = arith.cmpi slt, %add3A_733, %lt3A_734 : i32
    %convert_element_type3A_736 = arith.extui %lt3A_735 : i1 to i32
    %cond3A_737 = arith.constant 0 : i32
    %cond3A_738 = arith.cmpi ne, %convert_element_type3A_736, %cond3A_737 : i32
    scf.if %cond3A_738 {
      %jit3A_739 = arith.constant 10 : i32
      %div3A_740 = arith.divsi %add3A_733, %jit3A_739 : i32
      %sign3A = arith.constant 0 : i32
      %sign3A_741 = arith.cmpi sgt, %add3A_733, %sign3A : i32
      %sign3A_742 = arith.extui %sign3A_741 : i1 to i32
      %sign3A_743 = arith.constant 0 : i32
      %sign3A_744 = arith.cmpi slt, %add3A_733, %sign3A_743 : i32
      %sign3A_745 = arith.extui %sign3A_744 : i1 to i32
      %sign3A_746 = arith.subi %sign3A_742, %sign3A_745 : i32
      %sign3A_747 = arith.constant 0 : i32
      %sign3A_748 = arith.cmpi sgt, %jit3A_739, %sign3A_747 : i32
      %sign3A_749 = arith.extui %sign3A_748 : i1 to i32
      %sign3A_750 = arith.constant 0 : i32
      %sign3A_751 = arith.cmpi slt, %jit3A_739, %sign3A_750 : i32
      %sign3A_752 = arith.extui %sign3A_751 : i1 to i32
      %sign3A_753 = arith.subi %sign3A_749, %sign3A_752 : i32
      %ne3A = arith.cmpi ne, %sign3A_746, %sign3A_753 : i32
      %rem3A = arith.remsi %add3A_733, %jit3A_739 : i32
      %ne3A_754 = arith.constant 0 : i32
      %ne3A_755 = arith.cmpi ne, %rem3A, %ne3A_754 : i32
      %and3A = arith.andi %ne3A, %ne3A_755 : i1
      %sub3A = arith.constant 1 : i32
      %sub3A_756 = arith.subi %div3A_740, %sub3A : i32
      %select_n3A_757 = arith.select %and3A, %sub3A_756, %div3A_740 : i32
      %mul3A_758 = arith.constant 10 : i32
      %mul3A_759 = arith.muli %select_n3A_757, %mul3A_758 : i32
      %sub3A_760 = arith.subi %add3A_733, %mul3A_759 : i32
      %get3A_761 = arith.index_cast %select_n3A_757 : i32 to index
      %get3A_762 = arith.constant 0 : index
      %get3A_763 = tpu.vector_load %arg6[%get3A_761, %get3A_762] {strides = array<i32>} : memref<8x16xf32, #tpu.memory_space<vmem>>, vector<1x16xf32>,
      %get3A_764 = vector.shape_cast %get3A_763 : vector<1x16xf32> to vector<16xf32>
      %get3A_765 = arith.index_cast %select_n3A_757 : i32 to index
      %get3A_766 = arith.constant 0 : index
      %get3A_767 = tpu.vector_load %arg7[%get3A_765, %get3A_766] {strides = array<i32>} : memref<8x16xi32, #tpu.memory_space<vmem>>, vector<1x16xi32>,
      %get3A_768 = vector.shape_cast %get3A_767 : vector<1x16xi32> to vector<16xi32>
      %mul3A_769 = arith.constant 10 : i32
      %mul3A_770 = vector.broadcast %mul3A_769 : i32 to vector<16xi32>
      %mul3A_771 = arith.muli %get3A_768, %mul3A_770 : vector<16xi32>
      %add3A_772 = vector.broadcast %sub3A_760 : i32 to vector<16xi32>
      %add3A_773 = arith.addi %mul3A_771, %add3A_772 : vector<16xi32>
      %swap3A_774 = arith.constant 0 : index
      %swap3A_775 = tpu.vector_load %arg8[%swap3A_774] {strides = array<i32>} : memref<16xi32, #tpu.memory_space<vmem>>, vector<16xi32>,
      %swap3A_776 = vector.shape_cast %swap3A_775 : vector<16xi32> to vector<16xi32>
      %swap3A_777 = vector.shape_cast %add3A_773 : vector<16xi32> to vector<16xi32>
      tpu.vector_store %arg8[%swap3A_774], %swap3A_777 {strides = array<i32>} : memref<16xi32, #tpu.memory_space<vmem>>, vector<16xi32>,
      %dma_start3A = arith.constant 0 : i32
      %dma_start3A_778 = arith.constant 0 : i32
      %dma_start3A_779 = tpu.memref_slice %arg3[%dma_start3A, %dma_start3A_778] : memref<160x1024xf32, #tpu.memory_space<hbm>> -> memref<160x1024xf32, #tpu.memory_space<hbm>>
      tpu.enqueue_indirect_dma source(%dma_start3A_779 : memref<160x1024xf32, #tpu.memory_space<hbm>>) target(%arg9 : memref<16x1024xf32, #tpu.memory_space<vmem>>) offsets(%arg8 : memref<16xi32, #tpu.memory_space<vmem>>) semaphore(%arg10 : memref<!tpu.dma_semaphore, #tpu.memory_space<semaphore_mem>>)
      %dma_wait3A = arith.constant 0 : i32
      %dma_wait3A_780 = arith.constant 0 : i32
      %dma_wait3A_781 = tpu.memref_slice %arg3[%dma_wait3A, %dma_wait3A_780] : memref<160x1024xf32, #tpu.memory_space<hbm>> -> memref<160x1024xf32, #tpu.memory_space<hbm>>
      tpu.wait_indirect_dma semaphore(%arg10 : memref<!tpu.dma_semaphore, #tpu.memory_space<semaphore_mem>>) src(%dma_wait3A_781 : memref<160x1024xf32, #tpu.memory_space<hbm>>) dst(%arg9 : memref<16x1024xf32, #tpu.memory_space<vmem>>)
      %get3A_782 = arith.constant 0 : i32
      %get3A_783 = arith.index_cast %get3A_782 : i32 to index
      %get3A_784 = arith.constant 0 : index
      %get3A_785 = tpu.vector_load %arg9[%get3A_783, %get3A_784] {strides = array<i32>} : memref<16x1024xf32, #tpu.memory_space<vmem>>, vector<1x16xf32>,
      %get3A_786 = vector.shape_cast %get3A_785 : vector<1x16xf32> to vector<16xf32>
      %mul3A_787 = arith.mulf %get3A_786, %get3A_764 : vector<16xf32>
      %swap3A_788 = arith.constant 0 : i32
      %swap3A_789 = arith.index_cast %swap3A_788 : i32 to index
      %swap3A_790 = arith.constant 0 : index
      %swap3A_791 = tpu.vector_load %arg9[%swap3A_789, %swap3A_790] {strides = array<i32>} : memref<16x1024xf32, #tpu.memory_space<vmem>>, vector<1x16xf32>,
      %swap3A_792 = vector.shape_cast %swap3A_791 : vector<1x16xf32> to vector<16xf32>
      %swap3A_793 = vector.shape_cast %mul3A_787 : vector<16xf32> to vector<1x16xf32>
      tpu.vector_store %arg9[%swap3A_789, %swap3A_790], %swap3A_793 {strides = array<i32>} : memref<16x1024xf32, #tpu.memory_space<vmem>>, vector<1x16xf32>,
      %get3A_794 = arith.constant 0 : i32
      %get3A_795 = arith.index_cast %get3A_794 : i32 to index
      %get3A_796 = arith.constant 16 : index
      %get3A_797 = tpu.vector_load %arg9[%get3A_795, %get3A_796] {strides = array<i32>} : memref<16x1024xf32, #tpu.memory_space<vmem>>, vector<1x16xf32>,
      %get3A_798 = vector.shape_cast %get3A_797 : vector<1x16xf32> to vector<16xf32>
      %mul3A_799 = arith.mulf %get3A_798, %get3A_764 : vector<16xf32>
      %swap3A_800 = arith.constant 0 : i32
      %swap3A_801 = arith.index_cast %swap3A_800 : i32 to index
      %swap3A_802 = arith.constant 16 : index
      %swap3A_803 = tpu.vector_load %arg9[%swap3A_801, %swap3A_802] {strides = array<i32>} : memref<16x1024xf32, #tpu.memory_space<vmem>>, vector<1x16xf32>,
      %swap3A_804 = vector.shape_cast %swap3A_803 : vector<1x16xf32> to vector<16xf32>
      %swap3A_805 = vector.shape_cast %mul3A_799 : vector<16xf32> to vector<1x16xf32>
      tpu.vector_store %arg9[%swap3A_801, %swap3A_802], %swap3A_805 {strides = array<i32>} : memref<16x1024xf32, #tpu.memory_space<vmem>>, vector<1x16xf32>,
      %get3A_806 = arith.constant 0 : i32
      %get3A_807 = arith.index_cast %get3A_806 : i32 to index
      %get3A_808 = arith.constant 32 : index
      %get3A_809 = tpu.vector_load %arg9[%get3A_807, %get3A_808] {strides = array<i32>} : memref<16x1024xf32, #tpu.memory_space<vmem>>, vector<1x16xf32>,
      %get3A_810 = vector.shape_cast %get3A_809 : vector<1x16xf32> to vector<16xf32>
      %mul3A_811 = arith.mulf %get3A_810, %get3A_764 : vector<16xf32>
      %swap3A_812 = arith.constant 0 : i32
      %swap3A_813 = arith.index_cast %swap3A_812 : i32 to index
      %swap3A_814 = arith.constant 32 : index
      %swap3A_815 = tpu.vector_load %arg9[%swap3A_813, %swap3A_814] {strides = array<i32>} : memref<16x1024xf32, #tpu.memory_space<vmem>>, vector<1x16xf32>,
      %swap3A_816 = vector.shape_cast %swap3A_815 : vector<1x16xf32> to vector<16xf32>
      %swap3A_817 = vector.shape_cast %mul3A_811 : vector<16xf32> to vector<1x16xf32>
      tpu.vector_store %arg9[%swap3A_813, %swap3A_814], %swap3A_817 {strides = array<i32>} : memref<16x1024xf32, #tpu.memory_space<vmem>>, vector<1x16xf32>,
      %get3A_818 = arith.constant 0 : i32
      %get3A_819 = arith.index_cast %get3A_818 : i32 to index
      %get3A_820 = arith.constant 48 : index
      %get3A_821 = tpu.vector_load %arg9[%get3A_819, %get3A_820] {strides = array<i32>} : memref<16x1024xf32, #tpu.memory_space<vmem>>, vector<1x16xf32>,
      %get3A_822 = vector.shape_cast %get3A_821 : vector<1x16xf32> to vector<16xf32>
      %mul3A_823 = arith.mulf %get3A_822, %get3A_764 : vector<16xf32>
      %swap3A_824 = arith.constant 0 : i32
      %swap3A_825 = arith.index_cast %swap3A_824 : i32 to index
      %swap3A_826 = arith.constant 48 : index
      %swap3A_827 = tpu.vector_load %arg9[%swap3A_825, %swap3A_826] {strides = array<i32>} : memref<16x1024xf32, #tpu.memory_space<vmem>>, vector<1x16xf32>,
      %swap3A_828 = vector.shape_cast %swap3A_827 : vector<1x16xf32> to vector<16xf32>
      %swap3A_829 = vector.shape_cast %mul3A_823 : vector<16xf32> to vector<1x16xf32>
      tpu.vector_store %arg9[%swap3A_825, %swap3A_826], %swap3A_829 {strides = array<i32>} : memref<16x1024xf32, #tpu.memory_space<vmem>>, vector<1x16xf32>,
      %get3A_830 = arith.constant 0 : i32
      %get3A_831 = arith.index_cast %get3A_830 : i32 to index
      %get3A_832 = arith.constant 64 : index
      %get3A_833 = tpu.vector_load %arg9[%get3A_831, %get3A_832] {strides = array<i32>} : memref<16x1024xf32, #tpu.memory_space<vmem>>, vector<1x16xf32>,
      %get3A_834 = vector.shape_cast %get3A_833 : vector<1x16xf32> to vector<16xf32>
      %mul3A_835 = arith.mulf %get3A_834, %get3A_764 : vector<16xf32>
      %swap3A_836 = arith.constant 0 : i32
      %swap3A_837 = arith.index_cast %swap3A_836 : i32 to index
      %swap3A_838 = arith.constant 64 : index
      %swap3A_839 = tpu.vector_load %arg9[%swap3A_837, %swap3A_838] {strides = array<i32>} : memref<16x1024xf32, #tpu.memory_space<vmem>>, vector<1x16xf32>,
      %swap3A_840 = vector.shape_cast %swap3A_839 : vector<1x16xf32> to vector<16xf32>
      %swap3A_841 = vector.shape_cast %mul3A_835 : vector<16xf32> to vector<1x16xf32>
      tpu.vector_store %arg9[%swap3A_837, %swap3A_838], %swap3A_841 {strides = array<i32>} : memref<16x1024xf32, #tpu.memory_space<vmem>>, vector<1x16xf32>,
      %get3A_842 = arith.constant 0 : i32
      %get3A_843 = arith.index_cast %get3A_842 : i32 to index
      %get3A_844 = arith.constant 80 : index
      %get3A_845 = tpu.vector_load %arg9[%get3A_843, %get3A_844] {strides = array<i32>} : memref<16x1024xf32, #tpu.memory_space<vmem>>, vector<1x16xf32>,
      %get3A_846 = vector.shape_cast %get3A_845 : vector<1x16xf32> to vector<16xf32>
      %mul3A_847 = arith.mulf %get3A_846, %get3A_764 : vector<16xf32>
      %swap3A_848 = arith.constant 0 : i32
      %swap3A_849 = arith.index_cast %swap3A_848 : i32 to index
      %swap3A_850 = arith.constant 80 : index
      %swap3A_851 = tpu.vector_load %arg9[%swap3A_849, %swap3A_850] {strides = array<i32>} : memref<16x1024xf32, #tpu.memory_space<vmem>>, vector<1x16xf32>,
      %swap3A_852 = vector.shape_cast %swap3A_851 : vector<1x16xf32> to vector<16xf32>
      %swap3A_853 = vector.shape_cast %mul3A_847 : vector<16xf32> to vector<1x16xf32>
      tpu.vector_store %arg9[%swap3A_849, %swap3A_850], %swap3A_853 {strides = array<i32>} : memref<16x1024xf32, #tpu.memory_space<vmem>>, vector<1x16xf32>,
      %get3A_854 = arith.constant 0 : i32
      %get3A_855 = arith.index_cast %get3A_854 : i32 to index
      %get3A_856 = arith.constant 96 : index
      %get3A_857 = tpu.vector_load %arg9[%get3A_855, %get3A_856] {strides = array<i32>} : memref<16x1024xf32, #tpu.memory_space<vmem>>, vector<1x16xf32>,
      %get3A_858 = vector.shape_cast %get3A_857 : vector<1x16xf32> to vector<16xf32>
      %mul3A_859 = arith.mulf %get3A_858, %get3A_764 : vector<16xf32>
      %swap3A_860 = arith.constant 0 : i32
      %swap3A_861 = arith.index_cast %swap3A_860 : i32 to index
      %swap3A_862 = arith.constant 96 : index
      %swap3A_863 = tpu.vector_load %arg9[%swap3A_861, %swap3A_862] {strides = array<i32>} : memref<16x1024xf32, #tpu.memory_space<vmem>>, vector<1x16xf32>,
      %swap3A_864 = vector.shape_cast %swap3A_863 : vector<1x16xf32> to vector<16xf32>
      %swap3A_865 = vector.shape_cast %mul3A_859 : vector<16xf32> to vector<1x16xf32>
      tpu.vector_store %arg9[%swap3A_861, %swap3A_862], %swap3A_865 {strides = array<i32>} : memref<16x1024xf32, #tpu.memory_space<vmem>>, vector<1x16xf32>,
      %get3A_866 = arith.constant 0 : i32
      %get3A_867 = arith.index_cast %get3A_866 : i32 to index
      %get3A_868 = arith.constant 112 : index
      %get3A_869 = tpu.vector_load %arg9[%get3A_867, %get3A_868] {strides = array<i32>} : memref<16x1024xf32, #tpu.memory_space<vmem>>, vector<1x16xf32>,
      %get3A_870 = vector.shape_cast %get3A_869 : vector<1x16xf32> to vector<16xf32>
      %mul3A_871 = arith.mulf %get3A_870, %get3A_764 : vector<16xf32>
      %swap3A_872 = arith.constant 0 : i32
      %swap3A_873 = arith.index_cast %swap3A_872 : i32 to index
      %swap3A_874 = arith.constant 112 : index
      %swap3A_875 = tpu.vector_load %arg9[%swap3A_873, %swap3A_874] {strides = array<i32>} : memref<16x1024xf32, #tpu.memory_space<vmem>>, vector<1x16xf32>,
      %swap3A_876 = vector.shape_cast %swap3A_875 : vector<1x16xf32> to vector<16xf32>
      %swap3A_877 = vector.shape_cast %mul3A_871 : vector<16xf32> to vector<1x16xf32>
      tpu.vector_store %arg9[%swap3A_873, %swap3A_874], %swap3A_877 {strides = array<i32>} : memref<16x1024xf32, #tpu.memory_space<vmem>>, vector<1x16xf32>,
      %get3A_878 = arith.constant 0 : i32
      %get3A_879 = arith.index_cast %get3A_878 : i32 to index
      %get3A_880 = arith.constant 128 : index
      %get3A_881 = tpu.vector_load %arg9[%get3A_879, %get3A_880] {strides = array<i32>} : memref<16x1024xf32, #tpu.memory_space<vmem>>, vector<1x16xf32>,
      %get3A_882 = vector.shape_cast %get3A_881 : vector<1x16xf32> to vector<16xf32>
      %mul3A_883 = arith.mulf %get3A_882, %get3A_764 : vector<16xf32>
      %swap3A_884 = arith.constant 0 : i32
      %swap3A_885 = arith.index_cast %swap3A_884 : i32 to index
      %swap3A_886 = arith.constant 128 : index
      %swap3A_887 = tpu.vector_load %arg9[%swap3A_885, %swap3A_886] {strides = array<i32>} : memref<16x1024xf32, #tpu.memory_space<vmem>>, vector<1x16xf32>,
      %swap3A_888 = vector.shape_cast %swap3A_887 : vector<1x16xf32> to vector<16xf32>
      %swap3A_889 = vector.shape_cast %mul3A_883 : vector<16xf32> to vector<1x16xf32>
      tpu.vector_store %arg9[%swap3A_885, %swap3A_886], %swap3A_889 {strides = array<i32>} : memref<16x1024xf32, #tpu.memory_space<vmem>>, vector<1x16xf32>,
      %get3A_890 = arith.constant 0 : i32
      %get3A_891 = arith.index_cast %get3A_890 : i32 to index
      %get3A_892 = arith.constant 144 : index
      %get3A_893 = tpu.vector_load %arg9[%get3A_891, %get3A_892] {strides = array<i32>} : memref<16x1024xf32, #tpu.memory_space<vmem>>, vector<1x16xf32>,
      %get3A_894 = vector.shape_cast %get3A_893 : vector<1x16xf32> to vector<16xf32>
      %mul3A_895 = arith.mulf %get3A_894, %get3A_764 : vector<16xf32>
      %swap3A_896 = arith.constant 0 : i32
      %swap3A_897 = arith.index_cast %swap3A_896 : i32 to index
      %swap3A_898 = arith.constant 144 : index
      %swap3A_899 = tpu.vector_load %arg9[%swap3A_897, %swap3A_898] {strides = array<i32>} : memref<16x1024xf32, #tpu.memory_space<vmem>>, vector<1x16xf32>,
      %swap3A_900 = vector.shape_cast %swap3A_899 : vector<1x16xf32> to vector<16xf32>
      %swap3A_901 = vector.shape_cast %mul3A_895 : vector<16xf32> to vector<1x16xf32>
      tpu.vector_store %arg9[%swap3A_897, %swap3A_898], %swap3A_901 {strides = array<i32>} : memref<16x1024xf32, #tpu.memory_space<vmem>>, vector<1x16xf32>,
      %get3A_902 = arith.constant 0 : i32
      %get3A_903 = arith.index_cast %get3A_902 : i32 to index
      %get3A_904 = arith.constant 160 : index
      %get3A_905 = tpu.vector_load %arg9[%get3A_903, %get3A_904] {strides = array<i32>} : memref<16x1024xf32, #tpu.memory_space<vmem>>, vector<1x16xf32>,
      %get3A_906 = vector.shape_cast %get3A_905 : vector<1x16xf32> to vector<16xf32>
      %mul3A_907 = arith.mulf %get3A_906, %get3A_764 : vector<16xf32>
      %swap3A_908 = arith.constant 0 : i32
      %swap3A_909 = arith.index_cast %swap3A_908 : i32 to index
      %swap3A_910 = arith.constant 160 : index
      %swap3A_911 = tpu.vector_load %arg9[%swap3A_909, %swap3A_910] {strides = array<i32>} : memref<16x1024xf32, #tpu.memory_space<vmem>>, vector<1x16xf32>,
      %swap3A_912 = vector.shape_cast %swap3A_911 : vector<1x16xf32> to vector<16xf32>
      %swap3A_913 = vector.shape_cast %mul3A_907 : vector<16xf32> to vector<1x16xf32>
      tpu.vector_store %arg9[%swap3A_909, %swap3A_910], %swap3A_913 {strides = array<i32>} : memref<16x1024xf32, #tpu.memory_space<vmem>>, vector<1x16xf32>,
      %get3A_914 = arith.constant 0 : i32
      %get3A_915 = arith.index_cast %get3A_914 : i32 to index
      %get3A_916 = arith.constant 176 : index
      %get3A_917 = tpu.vector_load %arg9[%get3A_915, %get3A_916] {strides = array<i32>} : memref<16x1024xf32, #tpu.memory_space<vmem>>, vector<1x16xf32>,
      %get3A_918 = vector.shape_cast %get3A_917 : vector<1x16xf32> to vector<16xf32>
      %mul3A_919 = arith.mulf %get3A_918, %get3A_764 : vector<16xf32>
      %swap3A_920 = arith.constant 0 : i32
      %swap3A_921 = arith.index_cast %swap3A_920 : i32 to index
      %swap3A_922 = arith.constant 176 : index
      %swap3A_923 = tpu.vector_load %arg9[%swap3A_921, %swap3A_922] {strides = array<i32>} : memref<16x1024xf32, #tpu.memory_space<vmem>>, vector<1x16xf32>,
      %swap3A_924 = vector.shape_cast %swap3A_923 : vector<1x16xf32> to vector<16xf32>
      %swap3A_925 = vector.shape_cast %mul3A_919 : vector<16xf32> to vector<1x16xf32>
      tpu.vector_store %arg9[%swap3A_921, %swap3A_922], %swap3A_925 {strides = array<i32>} : memref<16x1024xf32, #tpu.memory_space<vmem>>, vector<1x16xf32>,
      %get3A_926 = arith.constant 0 : i32
      %get3A_927 = arith.index_cast %get3A_926 : i32 to index
      %get3A_928 = arith.constant 192 : index
      %get3A_929 = tpu.vector_load %arg9[%get3A_927, %get3A_928] {strides = array<i32>} : memref<16x1024xf32, #tpu.memory_space<vmem>>, vector<1x16xf32>,
      %get3A_930 = vector.shape_cast %get3A_929 : vector<1x16xf32> to vector<16xf32>
      %mul3A_931 = arith.mulf %get3A_930, %get3A_764 : vector<16xf32>
      %swap3A_932 = arith.constant 0 : i32
      %swap3A_933 = arith.index_cast %swap3A_932 : i32 to index
      %swap3A_934 = arith.constant 192 : index
      %swap3A_935 = tpu.vector_load %arg9[%swap3A_933, %swap3A_934] {strides = array<i32>} : memref<16x1024xf32, #tpu.memory_space<vmem>>, vector<1x16xf32>,
      %swap3A_936 = vector.shape_cast %swap3A_935 : vector<1x16xf32> to vector<16xf32>
      %swap3A_937 = vector.shape_cast %mul3A_931 : vector<16xf32> to vector<1x16xf32>
      tpu.vector_store %arg9[%swap3A_933, %swap3A_934], %swap3A_937 {strides = array<i32>} : memref<16x1024xf32, #tpu.memory_space<vmem>>, vector<1x16xf32>,
      %get3A_938 = arith.constant 0 : i32
      %get3A_939 = arith.index_cast %get3A_938 : i32 to index
      %get3A_940 = arith.constant 208 : index
      %get3A_941 = tpu.vector_load %arg9[%get3A_939, %get3A_940] {strides = array<i32>} : memref<16x1024xf32, #tpu.memory_space<vmem>>, vector<1x16xf32>,
      %get3A_942 = vector.shape_cast %get3A_941 : vector<1x16xf32> to vector<16xf32>
      %mul3A_943 = arith.mulf %get3A_942, %get3A_764 : vector<16xf32>
      %swap3A_944 = arith.constant 0 : i32
      %swap3A_945 = arith.index_cast %swap3A_944 : i32 to index
      %swap3A_946 = arith.constant 208 : index
      %swap3A_947 = tpu.vector_load %arg9[%swap3A_945, %swap3A_946] {strides = array<i32>} : memref<16x1024xf32, #tpu.memory_space<vmem>>, vector<1x16xf32>,
      %swap3A_948 = vector.shape_cast %swap3A_947 : vector<1x16xf32> to vector<16xf32>
      %swap3A_949 = vector.shape_cast %mul3A_943 : vector<16xf32> to vector<1x16xf32>
      tpu.vector_store %arg9[%swap3A_945, %swap3A_946], %swap3A_949 {strides = array<i32>} : memref<16x1024xf32, #tpu.memory_space<vmem>>, vector<1x16xf32>,
      %get3A_950 = arith.constant 0 : i32
      %get3A_951 = arith.index_cast %get3A_950 : i32 to index
      %get3A_952 = arith.constant 224 : index
      %get3A_953 = tpu.vector_load %arg9[%get3A_951, %get3A_952] {strides = array<i32>} : memref<16x1024xf32, #tpu.memory_space<vmem>>, vector<1x16xf32>,
      %get3A_954 = vector.shape_cast %get3A_953 : vector<1x16xf32> to vector<16xf32>
      %mul3A_955 = arith.mulf %get3A_954, %get3A_764 : vector<16xf32>
      %swap3A_956 = arith.constant 0 : i32
      %swap3A_957 = arith.index_cast %swap3A_956 : i32 to index
      %swap3A_958 = arith.constant 224 : index
      %swap3A_959 = tpu.vector_load %arg9[%swap3A_957, %swap3A_958] {strides = array<i32>} : memref<16x1024xf32, #tpu.memory_space<vmem>>, vector<1x16xf32>,
      %swap3A_960 = vector.shape_cast %swap3A_959 : vector<1x16xf32> to vector<16xf32>
      %swap3A_961 = vector.shape_cast %mul3A_955 : vector<16xf32> to vector<1x16xf32>
      tpu.vector_store %arg9[%swap3A_957, %swap3A_958], %swap3A_961 {strides = array<i32>} : memref<16x1024xf32, #tpu.memory_space<vmem>>, vector<1x16xf32>,
      %get3A_962 = arith.constant 0 : i32
      %get3A_963 = arith.index_cast %get3A_962 : i32 to index
      %get3A_964 = arith.constant 240 : index
      %get3A_965 = tpu.vector_load %arg9[%get3A_963, %get3A_964] {strides = array<i32>} : memref<16x1024xf32, #tpu.memory_space<vmem>>, vector<1x16xf32>,
      %get3A_966 = vector.shape_cast %get3A_965 : vector<1x16xf32> to vector<16xf32>
      %mul3A_967 = arith.mulf %get3A_966, %get3A_764 : vector<16xf32>
      %swap3A_968 = arith.constant 0 : i32
      %swap3A_969 = arith.index_cast %swap3A_968 : i32 to index
      %swap3A_970 = arith.constant 240 : index
      %swap3A_971 = tpu.vector_load %arg9[%swap3A_969, %swap3A_970] {strides = array<i32>} : memref<16x1024xf32, #tpu.memory_space<vmem>>, vector<1x16xf32>,
      %swap3A_972 = vector.shape_cast %swap3A_971 : vector<1x16xf32> to vector<16xf32>
      %swap3A_973 = vector.shape_cast %mul3A_967 : vector<16xf32> to vector<1x16xf32>
      tpu.vector_store %arg9[%swap3A_969, %swap3A_970], %swap3A_973 {strides = array<i32>} : memref<16x1024xf32, #tpu.memory_space<vmem>>, vector<1x16xf32>,
      %get3A_974 = arith.constant 0 : i32
      %get3A_975 = arith.index_cast %get3A_974 : i32 to index
      %get3A_976 = arith.constant 256 : index
      %get3A_977 = tpu.vector_load %arg9[%get3A_975, %get3A_976] {strides = array<i32>} : memref<16x1024xf32, #tpu.memory_space<vmem>>, vector<1x16xf32>,
      %get3A_978 = vector.shape_cast %get3A_977 : vector<1x16xf32> to vector<16xf32>
      %mul3A_979 = arith.mulf %get3A_978, %get3A_764 : vector<16xf32>
      %swap3A_980 = arith.constant 0 : i32
      %swap3A_981 = arith.index_cast %swap3A_980 : i32 to index
      %swap3A_982 = arith.constant 256 : index
      %swap3A_983 = tpu.vector_load %arg9[%swap3A_981, %swap3A_982] {strides = array<i32>} : memref<16x1024xf32, #tpu.memory_space<vmem>>, vector<1x16xf32>,
      %swap3A_984 = vector.shape_cast %swap3A_983 : vector<1x16xf32> to vector<16xf32>
      %swap3A_985 = vector.shape_cast %mul3A_979 : vector<16xf32> to vector<1x16xf32>
      tpu.vector_store %arg9[%swap3A_981, %swap3A_982], %swap3A_985 {strides = array<i32>} : memref<16x1024xf32, #tpu.memory_space<vmem>>, vector<1x16xf32>,
      %get3A_986 = arith.constant 0 : i32
      %get3A_987 = arith.index_cast %get3A_986 : i32 to index
      %get3A_988 = arith.constant 272 : index
      %get3A_989 = tpu.vector_load %arg9[%get3A_987, %get3A_988] {strides = array<i32>} : memref<16x1024xf32, #tpu.memory_space<vmem>>, vector<1x16xf32>,
      %get3A_990 = vector.shape_cast %get3A_989 : vector<1x16xf32> to vector<16xf32>
      %mul3A_991 = arith.mulf %get3A_990, %get3A_764 : vector<16xf32>
      %swap3A_992 = arith.constant 0 : i32
      %swap3A_993 = arith.index_cast %swap3A_992 : i32 to index
      %swap3A_994 = arith.constant 272 : index
      %swap3A_995 = tpu.vector_load %arg9[%swap3A_993, %swap3A_994] {strides = array<i32>} : memref<16x1024xf32, #tpu.memory_space<vmem>>, vector<1x16xf32>,
      %swap3A_996 = vector.shape_cast %swap3A_995 : vector<1x16xf32> to vector<16xf32>
      %swap3A_997 = vector.shape_cast %mul3A_991 : vector<16xf32> to vector<1x16xf32>
      tpu.vector_store %arg9[%swap3A_993, %swap3A_994], %swap3A_997 {strides = array<i32>} : memref<16x1024xf32, #tpu.memory_space<vmem>>, vector<1x16xf32>,
      %get3A_998 = arith.constant 0 : i32
      %get3A_999 = arith.index_cast %get3A_998 : i32 to index
      %get3A_1000 = arith.constant 288 : index
      %get3A_1001 = tpu.vector_load %arg9[%get3A_999, %get3A_1000] {strides = array<i32>} : memref<16x1024xf32, #tpu.memory_space<vmem>>, vector<1x16xf32>,
      %get3A_1002 = vector.shape_cast %get3A_1001 : vector<1x16xf32> to vector<16xf32>
      %mul3A_1003 = arith.mulf %get3A_1002, %get3A_764 : vector<16xf32>
      %swap3A_1004 = arith.constant 0 : i32
      %swap3A_1005 = arith.index_cast %swap3A_1004 : i32 to index
      %swap3A_1006 = arith.constant 288 : index
      %swap3A_1007 = tpu.vector_load %arg9[%swap3A_1005, %swap3A_1006] {strides = array<i32>} : memref<16x1024xf32, #tpu.memory_space<vmem>>, vector<1x16xf32>,
      %swap3A_1008 = vector.shape_cast %swap3A_1007 : vector<1x16xf32> to vector<16xf32>
      %swap3A_1009 = vector.shape_cast %mul3A_1003 : vector<16xf32> to vector<1x16xf32>
      tpu.vector_store %arg9[%swap3A_1005, %swap3A_1006], %swap3A_1009 {strides = array<i32>} : memref<16x1024xf32, #tpu.memory_space<vmem>>, vector<1x16xf32>,
      %get3A_1010 = arith.constant 0 : i32
      %get3A_1011 = arith.index_cast %get3A_1010 : i32 to index
      %get3A_1012 = arith.constant 304 : index
      %get3A_1013 = tpu.vector_load %arg9[%get3A_1011, %get3A_1012] {strides = array<i32>} : memref<16x1024xf32, #tpu.memory_space<vmem>>, vector<1x16xf32>,
      %get3A_1014 = vector.shape_cast %get3A_1013 : vector<1x16xf32> to vector<16xf32>
      %mul3A_1015 = arith.mulf %get3A_1014, %get3A_764 : vector<16xf32>
      %swap3A_1016 = arith.constant 0 : i32
      %swap3A_1017 = arith.index_cast %swap3A_1016 : i32 to index
      %swap3A_1018 = arith.constant 304 : index
      %swap3A_1019 = tpu.vector_load %arg9[%swap3A_1017, %swap3A_1018] {strides = array<i32>} : memref<16x1024xf32, #tpu.memory_space<vmem>>, vector<1x16xf32>,
      %swap3A_1020 = vector.shape_cast %swap3A_1019 : vector<1x16xf32> to vector<16xf32>
      %swap3A_1021 = vector.shape_cast %mul3A_1015 : vector<16xf32> to vector<1x16xf32>
      tpu.vector_store %arg9[%swap3A_1017, %swap3A_1018], %swap3A_1021 {strides = array<i32>} : memref<16x1024xf32, #tpu.memory_space<vmem>>, vector<1x16xf32>,
      %get3A_1022 = arith.constant 0 : i32
      %get3A_1023 = arith.index_cast %get3A_1022 : i32 to index
      %get3A_1024 = arith.constant 320 : index
      %get3A_1025 = tpu.vector_load %arg9[%get3A_1023, %get3A_1024] {strides = array<i32>} : memref<16x1024xf32, #tpu.memory_space<vmem>>, vector<1x16xf32>,
      %get3A_1026 = vector.shape_cast %get3A_1025 : vector<1x16xf32> to vector<16xf32>
      %mul3A_1027 = arith.mulf %get3A_1026, %get3A_764 : vector<16xf32>
      %swap3A_1028 = arith.constant 0 : i32
      %swap3A_1029 = arith.index_cast %swap3A_1028 : i32 to index
      %swap3A_1030 = arith.constant 320 : index
      %swap3A_1031 = tpu.vector_load %arg9[%swap3A_1029, %swap3A_1030] {strides = array<i32>} : memref<16x1024xf32, #tpu.memory_space<vmem>>, vector<1x16xf32>,
      %swap3A_1032 = vector.shape_cast %swap3A_1031 : vector<1x16xf32> to vector<16xf32>
      %swap3A_1033 = vector.shape_cast %mul3A_1027 : vector<16xf32> to vector<1x16xf32>
      tpu.vector_store %arg9[%swap3A_1029, %swap3A_1030], %swap3A_1033 {strides = array<i32>} : memref<16x1024xf32, #tpu.memory_space<vmem>>, vector<1x16xf32>,
      %get3A_1034 = arith.constant 0 : i32
      %get3A_1035 = arith.index_cast %get3A_1034 : i32 to index
      %get3A_1036 = arith.constant 336 : index
      %get3A_1037 = tpu.vector_load %arg9[%get3A_1035, %get3A_1036] {strides = array<i32>} : memref<16x1024xf32, #tpu.memory_space<vmem>>, vector<1x16xf32>,
      %get3A_1038 = vector.shape_cast %get3A_1037 : vector<1x16xf32> to vector<16xf32>
      %mul3A_1039 = arith.mulf %get3A_1038, %get3A_764 : vector<16xf32>
      %swap3A_1040 = arith.constant 0 : i32
      %swap3A_1041 = arith.index_cast %swap3A_1040 : i32 to index
      %swap3A_1042 = arith.constant 336 : index
      %swap3A_1043 = tpu.vector_load %arg9[%swap3A_1041, %swap3A_1042] {strides = array<i32>} : memref<16x1024xf32, #tpu.memory_space<vmem>>, vector<1x16xf32>,
      %swap3A_1044 = vector.shape_cast %swap3A_1043 : vector<1x16xf32> to vector<16xf32>
      %swap3A_1045 = vector.shape_cast %mul3A_1039 : vector<16xf32> to vector<1x16xf32>
      tpu.vector_store %arg9[%swap3A_1041, %swap3A_1042], %swap3A_1045 {strides = array<i32>} : memref<16x1024xf32, #tpu.memory_space<vmem>>, vector<1x16xf32>,
      %get3A_1046 = arith.constant 0 : i32
      %get3A_1047 = arith.index_cast %get3A_1046 : i32 to index
      %get3A_1048 = arith.constant 352 : index
      %get3A_1049 = tpu.vector_load %arg9[%get3A_1047, %get3A_1048] {strides = array<i32>} : memref<16x1024xf32, #tpu.memory_space<vmem>>, vector<1x16xf32>,
      %get3A_1050 = vector.shape_cast %get3A_1049 : vector<1x16xf32> to vector<16xf32>
      %mul3A_1051 = arith.mulf %get3A_1050, %get3A_764 : vector<16xf32>
      %swap3A_1052 = arith.constant 0 : i32
      %swap3A_1053 = arith.index_cast %swap3A_1052 : i32 to index
      %swap3A_1054 = arith.constant 352 : index
      %swap3A_1055 = tpu.vector_load %arg9[%swap3A_1053, %swap3A_1054] {strides = array<i32>} : memref<16x1024xf32, #tpu.memory_space<vmem>>, vector<1x16xf32>,
      %swap3A_1056 = vector.shape_cast %swap3A_1055 : vector<1x16xf32> to vector<16xf32>
      %swap3A_1057 = vector.shape_cast %mul3A_1051 : vector<16xf32> to vector<1x16xf32>
      tpu.vector_store %arg9[%swap3A_1053, %swap3A_1054], %swap3A_1057 {strides = array<i32>} : memref<16x1024xf32, #tpu.memory_space<vmem>>, vector<1x16xf32>,
      %get3A_1058 = arith.constant 0 : i32
      %get3A_1059 = arith.index_cast %get3A_1058 : i32 to index
      %get3A_1060 = arith.constant 368 : index
      %get3A_1061 = tpu.vector_load %arg9[%get3A_1059, %get3A_1060] {strides = array<i32>} : memref<16x1024xf32, #tpu.memory_space<vmem>>, vector<1x16xf32>,
      %get3A_1062 = vector.shape_cast %get3A_1061 : vector<1x16xf32> to vector<16xf32>
      %mul3A_1063 = arith.mulf %get3A_1062, %get3A_764 : vector<16xf32>
      %swap3A_1064 = arith.constant 0 : i32
      %swap3A_1065 = arith.index_cast %swap3A_1064 : i32 to index
      %swap3A_1066 = arith.constant 368 : index
      %swap3A_1067 = tpu.vector_load %arg9[%swap3A_1065, %swap3A_1066] {strides = array<i32>} : memref<16x1024xf32, #tpu.memory_space<vmem>>, vector<1x16xf32>,
      %swap3A_1068 = vector.shape_cast %swap3A_1067 : vector<1x16xf32> to vector<16xf32>
      %swap3A_1069 = vector.shape_cast %mul3A_1063 : vector<16xf32> to vector<1x16xf32>
      tpu.vector_store %arg9[%swap3A_1065, %swap3A_1066], %swap3A_1069 {strides = array<i32>} : memref<16x1024xf32, #tpu.memory_space<vmem>>, vector<1x16xf32>,
      %get3A_1070 = arith.constant 0 : i32
      %get3A_1071 = arith.index_cast %get3A_1070 : i32 to index
      %get3A_1072 = arith.constant 384 : index
      %get3A_1073 = tpu.vector_load %arg9[%get3A_1071, %get3A_1072] {strides = array<i32>} : memref<16x1024xf32, #tpu.memory_space<vmem>>, vector<1x16xf32>,
      %get3A_1074 = vector.shape_cast %get3A_1073 : vector<1x16xf32> to vector<16xf32>
      %mul3A_1075 = arith.mulf %get3A_1074, %get3A_764 : vector<16xf32>
      %swap3A_1076 = arith.constant 0 : i32
      %swap3A_1077 = arith.index_cast %swap3A_1076 : i32 to index
      %swap3A_1078 = arith.constant 384 : index
      %swap3A_1079 = tpu.vector_load %arg9[%swap3A_1077, %swap3A_1078] {strides = array<i32>} : memref<16x1024xf32, #tpu.memory_space<vmem>>, vector<1x16xf32>,
      %swap3A_1080 = vector.shape_cast %swap3A_1079 : vector<1x16xf32> to vector<16xf32>
      %swap3A_1081 = vector.shape_cast %mul3A_1075 : vector<16xf32> to vector<1x16xf32>
      tpu.vector_store %arg9[%swap3A_1077, %swap3A_1078], %swap3A_1081 {strides = array<i32>} : memref<16x1024xf32, #tpu.memory_space<vmem>>, vector<1x16xf32>,
      %get3A_1082 = arith.constant 0 : i32
      %get3A_1083 = arith.index_cast %get3A_1082 : i32 to index
      %get3A_1084 = arith.constant 400 : index
      %get3A_1085 = tpu.vector_load %arg9[%get3A_1083, %get3A_1084] {strides = array<i32>} : memref<16x1024xf32, #tpu.memory_space<vmem>>, vector<1x16xf32>,
      %get3A_1086 = vector.shape_cast %get3A_1085 : vector<1x16xf32> to vector<16xf32>
      %mul3A_1087 = arith.mulf %get3A_1086, %get3A_764 : vector<16xf32>
      %swap3A_1088 = arith.constant 0 : i32
      %swap3A_1089 = arith.index_cast %swap3A_1088 : i32 to index
      %swap3A_1090 = arith.constant 400 : index
      %swap3A_1091 = tpu.vector_load %arg9[%swap3A_1089, %swap3A_1090] {strides = array<i32>} : memref<16x1024xf32, #tpu.memory_space<vmem>>, vector<1x16xf32>,
      %swap3A_1092 = vector.shape_cast %swap3A_1091 : vector<1x16xf32> to vector<16xf32>
      %swap3A_1093 = vector.shape_cast %mul3A_1087 : vector<16xf32> to vector<1x16xf32>
      tpu.vector_store %arg9[%swap3A_1089, %swap3A_1090], %swap3A_1093 {strides = array<i32>} : memref<16x1024xf32, #tpu.memory_space<vmem>>, vector<1x16xf32>,
      %get3A_1094 = arith.constant 0 : i32
      %get3A_1095 = arith.index_cast %get3A_1094 : i32 to index
      %get3A_1096 = arith.constant 416 : index
      %get3A_1097 = tpu.vector_load %arg9[%get3A_1095, %get3A_1096] {strides = array<i32>} : memref<16x1024xf32, #tpu.memory_space<vmem>>, vector<1x16xf32>,
      %get3A_1098 = vector.shape_cast %get3A_1097 : vector<1x16xf32> to vector<16xf32>
      %mul3A_1099 = arith.mulf %get3A_1098, %get3A_764 : vector<16xf32>
      %swap3A_1100 = arith.constant 0 : i32
      %swap3A_1101 = arith.index_cast %swap3A_1100 : i32 to index
      %swap3A_1102 = arith.constant 416 : index
      %swap3A_1103 = tpu.vector_load %arg9[%swap3A_1101, %swap3A_1102] {strides = array<i32>} : memref<16x1024xf32, #tpu.memory_space<vmem>>, vector<1x16xf32>,
      %swap3A_1104 = vector.shape_cast %swap3A_1103 : vector<1x16xf32> to vector<16xf32>
      %swap3A_1105 = vector.shape_cast %mul3A_1099 : vector<16xf32> to vector<1x16xf32>
      tpu.vector_store %arg9[%swap3A_1101, %swap3A_1102], %swap3A_1105 {strides = array<i32>} : memref<16x1024xf32, #tpu.memory_space<vmem>>, vector<1x16xf32>,
      %get3A_1106 = arith.constant 0 : i32
      %get3A_1107 = arith.index_cast %get3A_1106 : i32 to index
      %get3A_1108 = arith.constant 432 : index
      %get3A_1109 = tpu.vector_load %arg9[%get3A_1107, %get3A_1108] {strides = array<i32>} : memref<16x1024xf32, #tpu.memory_space<vmem>>, vector<1x16xf32>,
      %get3A_1110 = vector.shape_cast %get3A_1109 : vector<1x16xf32> to vector<16xf32>
      %mul3A_1111 = arith.mulf %get3A_1110, %get3A_764 : vector<16xf32>
      %swap3A_1112 = arith.constant 0 : i32
      %swap3A_1113 = arith.index_cast %swap3A_1112 : i32 to index
      %swap3A_1114 = arith.constant 432 : index
      %swap3A_1115 = tpu.vector_load %arg9[%swap3A_1113, %swap3A_1114] {strides = array<i32>} : memref<16x1024xf32, #tpu.memory_space<vmem>>, vector<1x16xf32>,
      %swap3A_1116 = vector.shape_cast %swap3A_1115 : vector<1x16xf32> to vector<16xf32>
      %swap3A_1117 = vector.shape_cast %mul3A_1111 : vector<16xf32> to vector<1x16xf32>
      tpu.vector_store %arg9[%swap3A_1113, %swap3A_1114], %swap3A_1117 {strides = array<i32>} : memref<16x1024xf32, #tpu.memory_space<vmem>>, vector<1x16xf32>,
      %get3A_1118 = arith.constant 0 : i32
      %get3A_1119 = arith.index_cast %get3A_1118 : i32 to index
      %get3A_1120 = arith.constant 448 : index
      %get3A_1121 = tpu.vector_load %arg9[%get3A_1119, %get3A_1120] {strides = array<i32>} : memref<16x1024xf32, #tpu.memory_space<vmem>>, vector<1x16xf32>,
      %get3A_1122 = vector.shape_cast %get3A_1121 : vector<1x16xf32> to vector<16xf32>
      %mul3A_1123 = arith.mulf %get3A_1122, %get3A_764 : vector<16xf32>
      %swap3A_1124 = arith.constant 0 : i32
      %swap3A_1125 = arith.index_cast %swap3A_1124 : i32 to index
      %swap3A_1126 = arith.constant 448 : index
      %swap3A_1127 = tpu.vector_load %arg9[%swap3A_1125, %swap3A_1126] {strides = array<i32>} : memref<16x1024xf32, #tpu.memory_space<vmem>>, vector<1x16xf32>,
      %swap3A_1128 = vector.shape_cast %swap3A_1127 : vector<1x16xf32> to vector<16xf32>
      %swap3A_1129 = vector.shape_cast %mul3A_1123 : vector<16xf32> to vector<1x16xf32>
      tpu.vector_store %arg9[%swap3A_1125, %swap3A_1126], %swap3A_1129 {strides = array<i32>} : memref<16x1024xf32, #tpu.memory_space<vmem>>, vector<1x16xf32>,
      %get3A_1130 = arith.constant 0 : i32
      %get3A_1131 = arith.index_cast %get3A_1130 : i32 to index
      %get3A_1132 = arith.constant 464 : index
      %get3A_1133 = tpu.vector_load %arg9[%get3A_1131, %get3A_1132] {strides = array<i32>} : memref<16x1024xf32, #tpu.memory_space<vmem>>, vector<1x16xf32>,
      %get3A_1134 = vector.shape_cast %get3A_1133 : vector<1x16xf32> to vector<16xf32>
      %mul3A_1135 = arith.mulf %get3A_1134, %get3A_764 : vector<16xf32>
      %swap3A_1136 = arith.constant 0 : i32
      %swap3A_1137 = arith.index_cast %swap3A_1136 : i32 to index
      %swap3A_1138 = arith.constant 464 : index
      %swap3A_1139 = tpu.vector_load %arg9[%swap3A_1137, %swap3A_1138] {strides = array<i32>} : memref<16x1024xf32, #tpu.memory_space<vmem>>, vector<1x16xf32>,
      %swap3A_1140 = vector.shape_cast %swap3A_1139 : vector<1x16xf32> to vector<16xf32>
      %swap3A_1141 = vector.shape_cast %mul3A_1135 : vector<16xf32> to vector<1x16xf32>
      tpu.vector_store %arg9[%swap3A_1137, %swap3A_1138], %swap3A_1141 {strides = array<i32>} : memref<16x1024xf32, #tpu.memory_space<vmem>>, vector<1x16xf32>,
      %get3A_1142 = arith.constant 0 : i32
      %get3A_1143 = arith.index_cast %get3A_1142 : i32 to index
      %get3A_1144 = arith.constant 480 : index
      %get3A_1145 = tpu.vector_load %arg9[%get3A_1143, %get3A_1144] {strides = array<i32>} : memref<16x1024xf32, #tpu.memory_space<vmem>>, vector<1x16xf32>,
      %get3A_1146 = vector.shape_cast %get3A_1145 : vector<1x16xf32> to vector<16xf32>
      %mul3A_1147 = arith.mulf %get3A_1146, %get3A_764 : vector<16xf32>
      %swap3A_1148 = arith.constant 0 : i32
      %swap3A_1149 = arith.index_cast %swap3A_1148 : i32 to index
      %swap3A_1150 = arith.constant 480 : index
      %swap3A_1151 = tpu.vector_load %arg9[%swap3A_1149, %swap3A_1150] {strides = array<i32>} : memref<16x1024xf32, #tpu.memory_space<vmem>>, vector<1x16xf32>,
      %swap3A_1152 = vector.shape_cast %swap3A_1151 : vector<1x16xf32> to vector<16xf32>
      %swap3A_1153 = vector.shape_cast %mul3A_1147 : vector<16xf32> to vector<1x16xf32>
      tpu.vector_store %arg9[%swap3A_1149, %swap3A_1150], %swap3A_1153 {strides = array<i32>} : memref<16x1024xf32, #tpu.memory_space<vmem>>, vector<1x16xf32>,
      %get3A_1154 = arith.constant 0 : i32
      %get3A_1155 = arith.index_cast %get3A_1154 : i32 to index
      %get3A_1156 = arith.constant 496 : index
      %get3A_1157 = tpu.vector_load %arg9[%get3A_1155, %get3A_1156] {strides = array<i32>} : memref<16x1024xf32, #tpu.memory_space<vmem>>, vector<1x16xf32>,
      %get3A_1158 = vector.shape_cast %get3A_1157 : vector<1x16xf32> to vector<16xf32>
      %mul3A_1159 = arith.mulf %get3A_1158, %get3A_764 : vector<16xf32>
      %swap3A_1160 = arith.constant 0 : i32
      %swap3A_1161 = arith.index_cast %swap3A_1160 : i32 to index
      %swap3A_1162 = arith.constant 496 : index
      %swap3A_1163 = tpu.vector_load %arg9[%swap3A_1161, %swap3A_1162] {strides = array<i32>} : memref<16x1024xf32, #tpu.memory_space<vmem>>, vector<1x16xf32>,
      %swap3A_1164 = vector.shape_cast %swap3A_1163 : vector<1x16xf32> to vector<16xf32>
      %swap3A_1165 = vector.shape_cast %mul3A_1159 : vector<16xf32> to vector<1x16xf32>
      tpu.vector_store %arg9[%swap3A_1161, %swap3A_1162], %swap3A_1165 {strides = array<i32>} : memref<16x1024xf32, #tpu.memory_space<vmem>>, vector<1x16xf32>,
      %get3A_1166 = arith.constant 0 : i32
      %get3A_1167 = arith.index_cast %get3A_1166 : i32 to index
      %get3A_1168 = arith.constant 512 : index
      %get3A_1169 = tpu.vector_load %arg9[%get3A_1167, %get3A_1168] {strides = array<i32>} : memref<16x1024xf32, #tpu.memory_space<vmem>>, vector<1x16xf32>,
      %get3A_1170 = vector.shape_cast %get3A_1169 : vector<1x16xf32> to vector<16xf32>
      %mul3A_1171 = arith.mulf %get3A_1170, %get3A_764 : vector<16xf32>
      %swap3A_1172 = arith.constant 0 : i32
      %swap3A_1173 = arith.index_cast %swap3A_1172 : i32 to index
      %swap3A_1174 = arith.constant 512 : index
      %swap3A_1175 = tpu.vector_load %arg9[%swap3A_1173, %swap3A_1174] {strides = array<i32>} : memref<16x1024xf32, #tpu.memory_space<vmem>>, vector<1x16xf32>,
      %swap3A_1176 = vector.shape_cast %swap3A_1175 : vector<1x16xf32> to vector<16xf32>
      %swap3A_1177 = vector.shape_cast %mul3A_1171 : vector<16xf32> to vector<1x16xf32>
      tpu.vector_store %arg9[%swap3A_1173, %swap3A_1174], %swap3A_1177 {strides = array<i32>} : memref<16x1024xf32, #tpu.memory_space<vmem>>, vector<1x16xf32>,
      %get3A_1178 = arith.constant 0 : i32
      %get3A_1179 = arith.index_cast %get3A_1178 : i32 to index
      %get3A_1180 = arith.constant 528 : index
      %get3A_1181 = tpu.vector_load %arg9[%get3A_1179, %get3A_1180] {strides = array<i32>} : memref<16x1024xf32, #tpu.memory_space<vmem>>, vector<1x16xf32>,
      %get3A_1182 = vector.shape_cast %get3A_1181 : vector<1x16xf32> to vector<16xf32>
      %mul3A_1183 = arith.mulf %get3A_1182, %get3A_764 : vector<16xf32>
      %swap3A_1184 = arith.constant 0 : i32
      %swap3A_1185 = arith.index_cast %swap3A_1184 : i32 to index
      %swap3A_1186 = arith.constant 528 : index
      %swap3A_1187 = tpu.vector_load %arg9[%swap3A_1185, %swap3A_1186] {strides = array<i32>} : memref<16x1024xf32, #tpu.memory_space<vmem>>, vector<1x16xf32>,
      %swap3A_1188 = vector.shape_cast %swap3A_1187 : vector<1x16xf32> to vector<16xf32>
      %swap3A_1189 = vector.shape_cast %mul3A_1183 : vector<16xf32> to vector<1x16xf32>
      tpu.vector_store %arg9[%swap3A_1185, %swap3A_1186], %swap3A_1189 {strides = array<i32>} : memref<16x1024xf32, #tpu.memory_space<vmem>>, vector<1x16xf32>,
      %get3A_1190 = arith.constant 0 : i32
      %get3A_1191 = arith.index_cast %get3A_1190 : i32 to index
      %get3A_1192 = arith.constant 544 : index
      %get3A_1193 = tpu.vector_load %arg9[%get3A_1191, %get3A_1192] {strides = array<i32>} : memref<16x1024xf32, #tpu.memory_space<vmem>>, vector<1x16xf32>,
      %get3A_1194 = vector.shape_cast %get3A_1193 : vector<1x16xf32> to vector<16xf32>
      %mul3A_1195 = arith.mulf %get3A_1194, %get3A_764 : vector<16xf32>
      %swap3A_1196 = arith.constant 0 : i32
      %swap3A_1197 = arith.index_cast %swap3A_1196 : i32 to index
      %swap3A_1198 = arith.constant 544 : index
      %swap3A_1199 = tpu.vector_load %arg9[%swap3A_1197, %swap3A_1198] {strides = array<i32>} : memref<16x1024xf32, #tpu.memory_space<vmem>>, vector<1x16xf32>,
      %swap3A_1200 = vector.shape_cast %swap3A_1199 : vector<1x16xf32> to vector<16xf32>
      %swap3A_1201 = vector.shape_cast %mul3A_1195 : vector<16xf32> to vector<1x16xf32>
      tpu.vector_store %arg9[%swap3A_1197, %swap3A_1198], %swap3A_1201 {strides = array<i32>} : memref<16x1024xf32, #tpu.memory_space<vmem>>, vector<1x16xf32>,
      %get3A_1202 = arith.constant 0 : i32
      %get3A_1203 = arith.index_cast %get3A_1202 : i32 to index
      %get3A_1204 = arith.constant 560 : index
      %get3A_1205 = tpu.vector_load %arg9[%get3A_1203, %get3A_1204] {strides = array<i32>} : memref<16x1024xf32, #tpu.memory_space<vmem>>, vector<1x16xf32>,
      %get3A_1206 = vector.shape_cast %get3A_1205 : vector<1x16xf32> to vector<16xf32>
      %mul3A_1207 = arith.mulf %get3A_1206, %get3A_764 : vector<16xf32>
      %swap3A_1208 = arith.constant 0 : i32
      %swap3A_1209 = arith.index_cast %swap3A_1208 : i32 to index
      %swap3A_1210 = arith.constant 560 : index
      %swap3A_1211 = tpu.vector_load %arg9[%swap3A_1209, %swap3A_1210] {strides = array<i32>} : memref<16x1024xf32, #tpu.memory_space<vmem>>, vector<1x16xf32>,
      %swap3A_1212 = vector.shape_cast %swap3A_1211 : vector<1x16xf32> to vector<16xf32>
      %swap3A_1213 = vector.shape_cast %mul3A_1207 : vector<16xf32> to vector<1x16xf32>
      tpu.vector_store %arg9[%swap3A_1209, %swap3A_1210], %swap3A_1213 {strides = array<i32>} : memref<16x1024xf32, #tpu.memory_space<vmem>>, vector<1x16xf32>,
      %get3A_1214 = arith.constant 0 : i32
      %get3A_1215 = arith.index_cast %get3A_1214 : i32 to index
      %get3A_1216 = arith.constant 576 : index
      %get3A_1217 = tpu.vector_load %arg9[%get3A_1215, %get3A_1216] {strides = array<i32>} : memref<16x1024xf32, #tpu.memory_space<vmem>>, vector<1x16xf32>,
      %get3A_1218 = vector.shape_cast %get3A_1217 : vector<1x16xf32> to vector<16xf32>
      %mul3A_1219 = arith.mulf %get3A_1218, %get3A_764 : vector<16xf32>
      %swap3A_1220 = arith.constant 0 : i32
      %swap3A_1221 = arith.index_cast %swap3A_1220 : i32 to index
      %swap3A_1222 = arith.constant 576 : index
      %swap3A_1223 = tpu.vector_load %arg9[%swap3A_1221, %swap3A_1222] {strides = array<i32>} : memref<16x1024xf32, #tpu.memory_space<vmem>>, vector<1x16xf32>,
      %swap3A_1224 = vector.shape_cast %swap3A_1223 : vector<1x16xf32> to vector<16xf32>
      %swap3A_1225 = vector.shape_cast %mul3A_1219 : vector<16xf32> to vector<1x16xf32>
      tpu.vector_store %arg9[%swap3A_1221, %swap3A_1222], %swap3A_1225 {strides = array<i32>} : memref<16x1024xf32, #tpu.memory_space<vmem>>, vector<1x16xf32>,
      %get3A_1226 = arith.constant 0 : i32
      %get3A_1227 = arith.index_cast %get3A_1226 : i32 to index
      %get3A_1228 = arith.constant 592 : index
      %get3A_1229 = tpu.vector_load %arg9[%get3A_1227, %get3A_1228] {strides = array<i32>} : memref<16x1024xf32, #tpu.memory_space<vmem>>, vector<1x16xf32>,
      %get3A_1230 = vector.shape_cast %get3A_1229 : vector<1x16xf32> to vector<16xf32>
      %mul3A_1231 = arith.mulf %get3A_1230, %get3A_764 : vector<16xf32>
      %swap3A_1232 = arith.constant 0 : i32
      %swap3A_1233 = arith.index_cast %swap3A_1232 : i32 to index
      %swap3A_1234 = arith.constant 592 : index
      %swap3A_1235 = tpu.vector_load %arg9[%swap3A_1233, %swap3A_1234] {strides = array<i32>} : memref<16x1024xf32, #tpu.memory_space<vmem>>, vector<1x16xf32>,
      %swap3A_1236 = vector.shape_cast %swap3A_1235 : vector<1x16xf32> to vector<16xf32>
      %swap3A_1237 = vector.shape_cast %mul3A_1231 : vector<16xf32> to vector<1x16xf32>
      tpu.vector_store %arg9[%swap3A_1233, %swap3A_1234], %swap3A_1237 {strides = array<i32>} : memref<16x1024xf32, #tpu.memory_space<vmem>>, vector<1x16xf32>,
      %get3A_1238 = arith.constant 0 : i32
      %get3A_1239 = arith.index_cast %get3A_1238 : i32 to index
      %get3A_1240 = arith.constant 608 : index
      %get3A_1241 = tpu.vector_load %arg9[%get3A_1239, %get3A_1240] {strides = array<i32>} : memref<16x1024xf32, #tpu.memory_space<vmem>>, vector<1x16xf32>,
      %get3A_1242 = vector.shape_cast %get3A_1241 : vector<1x16xf32> to vector<16xf32>
      %mul3A_1243 = arith.mulf %get3A_1242, %get3A_764 : vector<16xf32>
      %swap3A_1244 = arith.constant 0 : i32
      %swap3A_1245 = arith.index_cast %swap3A_1244 : i32 to index
      %swap3A_1246 = arith.constant 608 : index
      %swap3A_1247 = tpu.vector_load %arg9[%swap3A_1245, %swap3A_1246] {strides = array<i32>} : memref<16x1024xf32, #tpu.memory_space<vmem>>, vector<1x16xf32>,
      %swap3A_1248 = vector.shape_cast %swap3A_1247 : vector<1x16xf32> to vector<16xf32>
      %swap3A_1249 = vector.shape_cast %mul3A_1243 : vector<16xf32> to vector<1x16xf32>
      tpu.vector_store %arg9[%swap3A_1245, %swap3A_1246], %swap3A_1249 {strides = array<i32>} : memref<16x1024xf32, #tpu.memory_space<vmem>>, vector<1x16xf32>,
      %get3A_1250 = arith.constant 0 : i32
      %get3A_1251 = arith.index_cast %get3A_1250 : i32 to index
      %get3A_1252 = arith.constant 624 : index
      %get3A_1253 = tpu.vector_load %arg9[%get3A_1251, %get3A_1252] {strides = array<i32>} : memref<16x1024xf32, #tpu.memory_space<vmem>>, vector<1x16xf32>,
      %get3A_1254 = vector.shape_cast %get3A_1253 : vector<1x16xf32> to vector<16xf32>
      %mul3A_1255 = arith.mulf %get3A_1254, %get3A_764 : vector<16xf32>
      %swap3A_1256 = arith.constant 0 : i32
      %swap3A_1257 = arith.index_cast %swap3A_1256 : i32 to index
      %swap3A_1258 = arith.constant 624 : index
      %swap3A_1259 = tpu.vector_load %arg9[%swap3A_1257, %swap3A_1258] {strides = array<i32>} : memref<16x1024xf32, #tpu.memory_space<vmem>>, vector<1x16xf32>,
      %swap3A_1260 = vector.shape_cast %swap3A_1259 : vector<1x16xf32> to vector<16xf32>
      %swap3A_1261 = vector.shape_cast %mul3A_1255 : vector<16xf32> to vector<1x16xf32>
      tpu.vector_store %arg9[%swap3A_1257, %swap3A_1258], %swap3A_1261 {strides = array<i32>} : memref<16x1024xf32, #tpu.memory_space<vmem>>, vector<1x16xf32>,
      %get3A_1262 = arith.constant 0 : i32
      %get3A_1263 = arith.index_cast %get3A_1262 : i32 to index
      %get3A_1264 = arith.constant 640 : index
      %get3A_1265 = tpu.vector_load %arg9[%get3A_1263, %get3A_1264] {strides = array<i32>} : memref<16x1024xf32, #tpu.memory_space<vmem>>, vector<1x16xf32>,
      %get3A_1266 = vector.shape_cast %get3A_1265 : vector<1x16xf32> to vector<16xf32>
      %mul3A_1267 = arith.mulf %get3A_1266, %get3A_764 : vector<16xf32>
      %swap3A_1268 = arith.constant 0 : i32
      %swap3A_1269 = arith.index_cast %swap3A_1268 : i32 to index
      %swap3A_1270 = arith.constant 640 : index
      %swap3A_1271 = tpu.vector_load %arg9[%swap3A_1269, %swap3A_1270] {strides = array<i32>} : memref<16x1024xf32, #tpu.memory_space<vmem>>, vector<1x16xf32>,
      %swap3A_1272 = vector.shape_cast %swap3A_1271 : vector<1x16xf32> to vector<16xf32>
      %swap3A_1273 = vector.shape_cast %mul3A_1267 : vector<16xf32> to vector<1x16xf32>
      tpu.vector_store %arg9[%swap3A_1269, %swap3A_1270], %swap3A_1273 {strides = array<i32>} : memref<16x1024xf32, #tpu.memory_space<vmem>>, vector<1x16xf32>,
      %get3A_1274 = arith.constant 0 : i32
      %get3A_1275 = arith.index_cast %get3A_1274 : i32 to index
      %get3A_1276 = arith.constant 656 : index
      %get3A_1277 = tpu.vector_load %arg9[%get3A_1275, %get3A_1276] {strides = array<i32>} : memref<16x1024xf32, #tpu.memory_space<vmem>>, vector<1x16xf32>,
      %get3A_1278 = vector.shape_cast %get3A_1277 : vector<1x16xf32> to vector<16xf32>
      %mul3A_1279 = arith.mulf %get3A_1278, %get3A_764 : vector<16xf32>
      %swap3A_1280 = arith.constant 0 : i32
      %swap3A_1281 = arith.index_cast %swap3A_1280 : i32 to index
      %swap3A_1282 = arith.constant 656 : index
      %swap3A_1283 = tpu.vector_load %arg9[%swap3A_1281, %swap3A_1282] {strides = array<i32>} : memref<16x1024xf32, #tpu.memory_space<vmem>>, vector<1x16xf32>,
      %swap3A_1284 = vector.shape_cast %swap3A_1283 : vector<1x16xf32> to vector<16xf32>
      %swap3A_1285 = vector.shape_cast %mul3A_1279 : vector<16xf32> to vector<1x16xf32>
      tpu.vector_store %arg9[%swap3A_1281, %swap3A_1282], %swap3A_1285 {strides = array<i32>} : memref<16x1024xf32, #tpu.memory_space<vmem>>, vector<1x16xf32>,
      %get3A_1286 = arith.constant 0 : i32
      %get3A_1287 = arith.index_cast %get3A_1286 : i32 to index
      %get3A_1288 = arith.constant 672 : index
      %get3A_1289 = tpu.vector_load %arg9[%get3A_1287, %get3A_1288] {strides = array<i32>} : memref<16x1024xf32, #tpu.memory_space<vmem>>, vector<1x16xf32>,
      %get3A_1290 = vector.shape_cast %get3A_1289 : vector<1x16xf32> to vector<16xf32>
      %mul3A_1291 = arith.mulf %get3A_1290, %get3A_764 : vector<16xf32>
      %swap3A_1292 = arith.constant 0 : i32
      %swap3A_1293 = arith.index_cast %swap3A_1292 : i32 to index
      %swap3A_1294 = arith.constant 672 : index
      %swap3A_1295 = tpu.vector_load %arg9[%swap3A_1293, %swap3A_1294] {strides = array<i32>} : memref<16x1024xf32, #tpu.memory_space<vmem>>, vector<1x16xf32>,
      %swap3A_1296 = vector.shape_cast %swap3A_1295 : vector<1x16xf32> to vector<16xf32>
      %swap3A_1297 = vector.shape_cast %mul3A_1291 : vector<16xf32> to vector<1x16xf32>
      tpu.vector_store %arg9[%swap3A_1293, %swap3A_1294], %swap3A_1297 {strides = array<i32>} : memref<16x1024xf32, #tpu.memory_space<vmem>>, vector<1x16xf32>,
      %get3A_1298 = arith.constant 0 : i32
      %get3A_1299 = arith.index_cast %get3A_1298 : i32 to index
      %get3A_1300 = arith.constant 688 : index
      %get3A_1301 = tpu.vector_load %arg9[%get3A_1299, %get3A_1300] {strides = array<i32>} : memref<16x1024xf32, #tpu.memory_space<vmem>>, vector<1x16xf32>,
      %get3A_1302 = vector.shape_cast %get3A_1301 : vector<1x16xf32> to vector<16xf32>
      %mul3A_1303 = arith.mulf %get3A_1302, %get3A_764 : vector<16xf32>
      %swap3A_1304 = arith.constant 0 : i32
      %swap3A_1305 = arith.index_cast %swap3A_1304 : i32 to index
      %swap3A_1306 = arith.constant 688 : index
      %swap3A_1307 = tpu.vector_load %arg9[%swap3A_1305, %swap3A_1306] {strides = array<i32>} : memref<16x1024xf32, #tpu.memory_space<vmem>>, vector<1x16xf32>,
      %swap3A_1308 = vector.shape_cast %swap3A_1307 : vector<1x16xf32> to vector<16xf32>
      %swap3A_1309 = vector.shape_cast %mul3A_1303 : vector<16xf32> to vector<1x16xf32>
      tpu.vector_store %arg9[%swap3A_1305, %swap3A_1306], %swap3A_1309 {strides = array<i32>} : memref<16x1024xf32, #tpu.memory_space<vmem>>, vector<1x16xf32>,
      %get3A_1310 = arith.constant 0 : i32
      %get3A_1311 = arith.index_cast %get3A_1310 : i32 to index
      %get3A_1312 = arith.constant 704 : index
      %get3A_1313 = tpu.vector_load %arg9[%get3A_1311, %get3A_1312] {strides = array<i32>} : memref<16x1024xf32, #tpu.memory_space<vmem>>, vector<1x16xf32>,
      %get3A_1314 = vector.shape_cast %get3A_1313 : vector<1x16xf32> to vector<16xf32>
      %mul3A_1315 = arith.mulf %get3A_1314, %get3A_764 : vector<16xf32>
      %swap3A_1316 = arith.constant 0 : i32
      %swap3A_1317 = arith.index_cast %swap3A_1316 : i32 to index
      %swap3A_1318 = arith.constant 704 : index
      %swap3A_1319 = tpu.vector_load %arg9[%swap3A_1317, %swap3A_1318] {strides = array<i32>} : memref<16x1024xf32, #tpu.memory_space<vmem>>, vector<1x16xf32>,
      %swap3A_1320 = vector.shape_cast %swap3A_1319 : vector<1x16xf32> to vector<16xf32>
      %swap3A_1321 = vector.shape_cast %mul3A_1315 : vector<16xf32> to vector<1x16xf32>
      tpu.vector_store %arg9[%swap3A_1317, %swap3A_1318], %swap3A_1321 {strides = array<i32>} : memref<16x1024xf32, #tpu.memory_space<vmem>>, vector<1x16xf32>,
      %get3A_1322 = arith.constant 0 : i32
      %get3A_1323 = arith.index_cast %get3A_1322 : i32 to index
      %get3A_1324 = arith.constant 720 : index
      %get3A_1325 = tpu.vector_load %arg9[%get3A_1323, %get3A_1324] {strides = array<i32>} : memref<16x1024xf32, #tpu.memory_space<vmem>>, vector<1x16xf32>,
      %get3A_1326 = vector.shape_cast %get3A_1325 : vector<1x16xf32> to vector<16xf32>
      %mul3A_1327 = arith.mulf %get3A_1326, %get3A_764 : vector<16xf32>
      %swap3A_1328 = arith.constant 0 : i32
      %swap3A_1329 = arith.index_cast %swap3A_1328 : i32 to index
      %swap3A_1330 = arith.constant 720 : index
      %swap3A_1331 = tpu.vector_load %arg9[%swap3A_1329, %swap3A_1330] {strides = array<i32>} : memref<16x1024xf32, #tpu.memory_space<vmem>>, vector<1x16xf32>,
      %swap3A_1332 = vector.shape_cast %swap3A_1331 : vector<1x16xf32> to vector<16xf32>
      %swap3A_1333 = vector.shape_cast %mul3A_1327 : vector<16xf32> to vector<1x16xf32>
      tpu.vector_store %arg9[%swap3A_1329, %swap3A_1330], %swap3A_1333 {strides = array<i32>} : memref<16x1024xf32, #tpu.memory_space<vmem>>, vector<1x16xf32>,
      %get3A_1334 = arith.constant 0 : i32
      %get3A_1335 = arith.index_cast %get3A_1334 : i32 to index
      %get3A_1336 = arith.constant 736 : index
      %get3A_1337 = tpu.vector_load %arg9[%get3A_1335, %get3A_1336] {strides = array<i32>} : memref<16x1024xf32, #tpu.memory_space<vmem>>, vector<1x16xf32>,
      %get3A_1338 = vector.shape_cast %get3A_1337 : vector<1x16xf32> to vector<16xf32>
      %mul3A_1339 = arith.mulf %get3A_1338, %get3A_764 : vector<16xf32>
      %swap3A_1340 = arith.constant 0 : i32
      %swap3A_1341 = arith.index_cast %swap3A_1340 : i32 to index
      %swap3A_1342 = arith.constant 736 : index
      %swap3A_1343 = tpu.vector_load %arg9[%swap3A_1341, %swap3A_1342] {strides = array<i32>} : memref<16x1024xf32, #tpu.memory_space<vmem>>, vector<1x16xf32>,
      %swap3A_1344 = vector.shape_cast %swap3A_1343 : vector<1x16xf32> to vector<16xf32>
      %swap3A_1345 = vector.shape_cast %mul3A_1339 : vector<16xf32> to vector<1x16xf32>
      tpu.vector_store %arg9[%swap3A_1341, %swap3A_1342], %swap3A_1345 {strides = array<i32>} : memref<16x1024xf32, #tpu.memory_space<vmem>>, vector<1x16xf32>,
      %get3A_1346 = arith.constant 0 : i32
      %get3A_1347 = arith.index_cast %get3A_1346 : i32 to index
      %get3A_1348 = arith.constant 752 : index
      %get3A_1349 = tpu.vector_load %arg9[%get3A_1347, %get3A_1348] {strides = array<i32>} : memref<16x1024xf32, #tpu.memory_space<vmem>>, vector<1x16xf32>,
      %get3A_1350 = vector.shape_cast %get3A_1349 : vector<1x16xf32> to vector<16xf32>
      %mul3A_1351 = arith.mulf %get3A_1350, %get3A_764 : vector<16xf32>
      %swap3A_1352 = arith.constant 0 : i32
      %swap3A_1353 = arith.index_cast %swap3A_1352 : i32 to index
      %swap3A_1354 = arith.constant 752 : index
      %swap3A_1355 = tpu.vector_load %arg9[%swap3A_1353, %swap3A_1354] {strides = array<i32>} : memref<16x1024xf32, #tpu.memory_space<vmem>>, vector<1x16xf32>,
      %swap3A_1356 = vector.shape_cast %swap3A_1355 : vector<1x16xf32> to vector<16xf32>
      %swap3A_1357 = vector.shape_cast %mul3A_1351 : vector<16xf32> to vector<1x16xf32>
      tpu.vector_store %arg9[%swap3A_1353, %swap3A_1354], %swap3A_1357 {strides = array<i32>} : memref<16x1024xf32, #tpu.memory_space<vmem>>, vector<1x16xf32>,
      %get3A_1358 = arith.constant 0 : i32
      %get3A_1359 = arith.index_cast %get3A_1358 : i32 to index
      %get3A_1360 = arith.constant 768 : index
      %get3A_1361 = tpu.vector_load %arg9[%get3A_1359, %get3A_1360] {strides = array<i32>} : memref<16x1024xf32, #tpu.memory_space<vmem>>, vector<1x16xf32>,
      %get3A_1362 = vector.shape_cast %get3A_1361 : vector<1x16xf32> to vector<16xf32>
      %mul3A_1363 = arith.mulf %get3A_1362, %get3A_764 : vector<16xf32>
      %swap3A_1364 = arith.constant 0 : i32
      %swap3A_1365 = arith.index_cast %swap3A_1364 : i32 to index
      %swap3A_1366 = arith.constant 768 : index
      %swap3A_1367 = tpu.vector_load %arg9[%swap3A_1365, %swap3A_1366] {strides = array<i32>} : memref<16x1024xf32, #tpu.memory_space<vmem>>, vector<1x16xf32>,
      %swap3A_1368 = vector.shape_cast %swap3A_1367 : vector<1x16xf32> to vector<16xf32>
      %swap3A_1369 = vector.shape_cast %mul3A_1363 : vector<16xf32> to vector<1x16xf32>
      tpu.vector_store %arg9[%swap3A_1365, %swap3A_1366], %swap3A_1369 {strides = array<i32>} : memref<16x1024xf32, #tpu.memory_space<vmem>>, vector<1x16xf32>,
      %get3A_1370 = arith.constant 0 : i32
      %get3A_1371 = arith.index_cast %get3A_1370 : i32 to index
      %get3A_1372 = arith.constant 784 : index
      %get3A_1373 = tpu.vector_load %arg9[%get3A_1371, %get3A_1372] {strides = array<i32>} : memref<16x1024xf32, #tpu.memory_space<vmem>>, vector<1x16xf32>,
      %get3A_1374 = vector.shape_cast %get3A_1373 : vector<1x16xf32> to vector<16xf32>
      %mul3A_1375 = arith.mulf %get3A_1374, %get3A_764 : vector<16xf32>
      %swap3A_1376 = arith.constant 0 : i32
      %swap3A_1377 = arith.index_cast %swap3A_1376 : i32 to index
      %swap3A_1378 = arith.constant 784 : index
      %swap3A_1379 = tpu.vector_load %arg9[%swap3A_1377, %swap3A_1378] {strides = array<i32>} : memref<16x1024xf32, #tpu.memory_space<vmem>>, vector<1x16xf32>,
      %swap3A_1380 = vector.shape_cast %swap3A_1379 : vector<1x16xf32> to vector<16xf32>
      %swap3A_1381 = vector.shape_cast %mul3A_1375 : vector<16xf32> to vector<1x16xf32>
      tpu.vector_store %arg9[%swap3A_1377, %swap3A_1378], %swap3A_1381 {strides = array<i32>} : memref<16x1024xf32, #tpu.memory_space<vmem>>, vector<1x16xf32>,
      %get3A_1382 = arith.constant 0 : i32
      %get3A_1383 = arith.index_cast %get3A_1382 : i32 to index
      %get3A_1384 = arith.constant 800 : index
      %get3A_1385 = tpu.vector_load %arg9[%get3A_1383, %get3A_1384] {strides = array<i32>} : memref<16x1024xf32, #tpu.memory_space<vmem>>, vector<1x16xf32>,
      %get3A_1386 = vector.shape_cast %get3A_1385 : vector<1x16xf32> to vector<16xf32>
      %mul3A_1387 = arith.mulf %get3A_1386, %get3A_764 : vector<16xf32>
      %swap3A_1388 = arith.constant 0 : i32
      %swap3A_1389 = arith.index_cast %swap3A_1388 : i32 to index
      %swap3A_1390 = arith.constant 800 : index
      %swap3A_1391 = tpu.vector_load %arg9[%swap3A_1389, %swap3A_1390] {strides = array<i32>} : memref<16x1024xf32, #tpu.memory_space<vmem>>, vector<1x16xf32>,
      %swap3A_1392 = vector.shape_cast %swap3A_1391 : vector<1x16xf32> to vector<16xf32>
      %swap3A_1393 = vector.shape_cast %mul3A_1387 : vector<16xf32> to vector<1x16xf32>
      tpu.vector_store %arg9[%swap3A_1389, %swap3A_1390], %swap3A_1393 {strides = array<i32>} : memref<16x1024xf32, #tpu.memory_space<vmem>>, vector<1x16xf32>,
      %get3A_1394 = arith.constant 0 : i32
      %get3A_1395 = arith.index_cast %get3A_1394 : i32 to index
      %get3A_1396 = arith.constant 816 : index
      %get3A_1397 = tpu.vector_load %arg9[%get3A_1395, %get3A_1396] {strides = array<i32>} : memref<16x1024xf32, #tpu.memory_space<vmem>>, vector<1x16xf32>,
      %get3A_1398 = vector.shape_cast %get3A_1397 : vector<1x16xf32> to vector<16xf32>
      %mul3A_1399 = arith.mulf %get3A_1398, %get3A_764 : vector<16xf32>
      %swap3A_1400 = arith.constant 0 : i32
      %swap3A_1401 = arith.index_cast %swap3A_1400 : i32 to index
      %swap3A_1402 = arith.constant 816 : index
      %swap3A_1403 = tpu.vector_load %arg9[%swap3A_1401, %swap3A_1402] {strides = array<i32>} : memref<16x1024xf32, #tpu.memory_space<vmem>>, vector<1x16xf32>,
      %swap3A_1404 = vector.shape_cast %swap3A_1403 : vector<1x16xf32> to vector<16xf32>
      %swap3A_1405 = vector.shape_cast %mul3A_1399 : vector<16xf32> to vector<1x16xf32>
      tpu.vector_store %arg9[%swap3A_1401, %swap3A_1402], %swap3A_1405 {strides = array<i32>} : memref<16x1024xf32, #tpu.memory_space<vmem>>, vector<1x16xf32>,
      %get3A_1406 = arith.constant 0 : i32
      %get3A_1407 = arith.index_cast %get3A_1406 : i32 to index
      %get3A_1408 = arith.constant 832 : index
      %get3A_1409 = tpu.vector_load %arg9[%get3A_1407, %get3A_1408] {strides = array<i32>} : memref<16x1024xf32, #tpu.memory_space<vmem>>, vector<1x16xf32>,
      %get3A_1410 = vector.shape_cast %get3A_1409 : vector<1x16xf32> to vector<16xf32>
      %mul3A_1411 = arith.mulf %get3A_1410, %get3A_764 : vector<16xf32>
      %swap3A_1412 = arith.constant 0 : i32
      %swap3A_1413 = arith.index_cast %swap3A_1412 : i32 to index
      %swap3A_1414 = arith.constant 832 : index
      %swap3A_1415 = tpu.vector_load %arg9[%swap3A_1413, %swap3A_1414] {strides = array<i32>} : memref<16x1024xf32, #tpu.memory_space<vmem>>, vector<1x16xf32>,
      %swap3A_1416 = vector.shape_cast %swap3A_1415 : vector<1x16xf32> to vector<16xf32>
      %swap3A_1417 = vector.shape_cast %mul3A_1411 : vector<16xf32> to vector<1x16xf32>
      tpu.vector_store %arg9[%swap3A_1413, %swap3A_1414], %swap3A_1417 {strides = array<i32>} : memref<16x1024xf32, #tpu.memory_space<vmem>>, vector<1x16xf32>,
      %get3A_1418 = arith.constant 0 : i32
      %get3A_1419 = arith.index_cast %get3A_1418 : i32 to index
      %get3A_1420 = arith.constant 848 : index
      %get3A_1421 = tpu.vector_load %arg9[%get3A_1419, %get3A_1420] {strides = array<i32>} : memref<16x1024xf32, #tpu.memory_space<vmem>>, vector<1x16xf32>,
      %get3A_1422 = vector.shape_cast %get3A_1421 : vector<1x16xf32> to vector<16xf32>
      %mul3A_1423 = arith.mulf %get3A_1422, %get3A_764 : vector<16xf32>
      %swap3A_1424 = arith.constant 0 : i32
      %swap3A_1425 = arith.index_cast %swap3A_1424 : i32 to index
      %swap3A_1426 = arith.constant 848 : index
      %swap3A_1427 = tpu.vector_load %arg9[%swap3A_1425, %swap3A_1426] {strides = array<i32>} : memref<16x1024xf32, #tpu.memory_space<vmem>>, vector<1x16xf32>,
      %swap3A_1428 = vector.shape_cast %swap3A_1427 : vector<1x16xf32> to vector<16xf32>
      %swap3A_1429 = vector.shape_cast %mul3A_1423 : vector<16xf32> to vector<1x16xf32>
      tpu.vector_store %arg9[%swap3A_1425, %swap3A_1426], %swap3A_1429 {strides = array<i32>} : memref<16x1024xf32, #tpu.memory_space<vmem>>, vector<1x16xf32>,
      %get3A_1430 = arith.constant 0 : i32
      %get3A_1431 = arith.index_cast %get3A_1430 : i32 to index
      %get3A_1432 = arith.constant 864 : index
      %get3A_1433 = tpu.vector_load %arg9[%get3A_1431, %get3A_1432] {strides = array<i32>} : memref<16x1024xf32, #tpu.memory_space<vmem>>, vector<1x16xf32>,
      %get3A_1434 = vector.shape_cast %get3A_1433 : vector<1x16xf32> to vector<16xf32>
      %mul3A_1435 = arith.mulf %get3A_1434, %get3A_764 : vector<16xf32>
      %swap3A_1436 = arith.constant 0 : i32
      %swap3A_1437 = arith.index_cast %swap3A_1436 : i32 to index
      %swap3A_1438 = arith.constant 864 : index
      %swap3A_1439 = tpu.vector_load %arg9[%swap3A_1437, %swap3A_1438] {strides = array<i32>} : memref<16x1024xf32, #tpu.memory_space<vmem>>, vector<1x16xf32>,
      %swap3A_1440 = vector.shape_cast %swap3A_1439 : vector<1x16xf32> to vector<16xf32>
      %swap3A_1441 = vector.shape_cast %mul3A_1435 : vector<16xf32> to vector<1x16xf32>
      tpu.vector_store %arg9[%swap3A_1437, %swap3A_1438], %swap3A_1441 {strides = array<i32>} : memref<16x1024xf32, #tpu.memory_space<vmem>>, vector<1x16xf32>,
      %get3A_1442 = arith.constant 0 : i32
      %get3A_1443 = arith.index_cast %get3A_1442 : i32 to index
      %get3A_1444 = arith.constant 880 : index
      %get3A_1445 = tpu.vector_load %arg9[%get3A_1443, %get3A_1444] {strides = array<i32>} : memref<16x1024xf32, #tpu.memory_space<vmem>>, vector<1x16xf32>,
      %get3A_1446 = vector.shape_cast %get3A_1445 : vector<1x16xf32> to vector<16xf32>
      %mul3A_1447 = arith.mulf %get3A_1446, %get3A_764 : vector<16xf32>
      %swap3A_1448 = arith.constant 0 : i32
      %swap3A_1449 = arith.index_cast %swap3A_1448 : i32 to index
      %swap3A_1450 = arith.constant 880 : index
      %swap3A_1451 = tpu.vector_load %arg9[%swap3A_1449, %swap3A_1450] {strides = array<i32>} : memref<16x1024xf32, #tpu.memory_space<vmem>>, vector<1x16xf32>,
      %swap3A_1452 = vector.shape_cast %swap3A_1451 : vector<1x16xf32> to vector<16xf32>
      %swap3A_1453 = vector.shape_cast %mul3A_1447 : vector<16xf32> to vector<1x16xf32>
      tpu.vector_store %arg9[%swap3A_1449, %swap3A_1450], %swap3A_1453 {strides = array<i32>} : memref<16x1024xf32, #tpu.memory_space<vmem>>, vector<1x16xf32>,
      %get3A_1454 = arith.constant 0 : i32
      %get3A_1455 = arith.index_cast %get3A_1454 : i32 to index
      %get3A_1456 = arith.constant 896 : index
      %get3A_1457 = tpu.vector_load %arg9[%get3A_1455, %get3A_1456] {strides = array<i32>} : memref<16x1024xf32, #tpu.memory_space<vmem>>, vector<1x16xf32>,
      %get3A_1458 = vector.shape_cast %get3A_1457 : vector<1x16xf32> to vector<16xf32>
      %mul3A_1459 = arith.mulf %get3A_1458, %get3A_764 : vector<16xf32>
      %swap3A_1460 = arith.constant 0 : i32
      %swap3A_1461 = arith.index_cast %swap3A_1460 : i32 to index
      %swap3A_1462 = arith.constant 896 : index
      %swap3A_1463 = tpu.vector_load %arg9[%swap3A_1461, %swap3A_1462] {strides = array<i32>} : memref<16x1024xf32, #tpu.memory_space<vmem>>, vector<1x16xf32>,
      %swap3A_1464 = vector.shape_cast %swap3A_1463 : vector<1x16xf32> to vector<16xf32>
      %swap3A_1465 = vector.shape_cast %mul3A_1459 : vector<16xf32> to vector<1x16xf32>
      tpu.vector_store %arg9[%swap3A_1461, %swap3A_1462], %swap3A_1465 {strides = array<i32>} : memref<16x1024xf32, #tpu.memory_space<vmem>>, vector<1x16xf32>,
      %get3A_1466 = arith.constant 0 : i32
      %get3A_1467 = arith.index_cast %get3A_1466 : i32 to index
      %get3A_1468 = arith.constant 912 : index
      %get3A_1469 = tpu.vector_load %arg9[%get3A_1467, %get3A_1468] {strides = array<i32>} : memref<16x1024xf32, #tpu.memory_space<vmem>>, vector<1x16xf32>,
      %get3A_1470 = vector.shape_cast %get3A_1469 : vector<1x16xf32> to vector<16xf32>
      %mul3A_1471 = arith.mulf %get3A_1470, %get3A_764 : vector<16xf32>
      %swap3A_1472 = arith.constant 0 : i32
      %swap3A_1473 = arith.index_cast %swap3A_1472 : i32 to index
      %swap3A_1474 = arith.constant 912 : index
      %swap3A_1475 = tpu.vector_load %arg9[%swap3A_1473, %swap3A_1474] {strides = array<i32>} : memref<16x1024xf32, #tpu.memory_space<vmem>>, vector<1x16xf32>,
      %swap3A_1476 = vector.shape_cast %swap3A_1475 : vector<1x16xf32> to vector<16xf32>
      %swap3A_1477 = vector.shape_cast %mul3A_1471 : vector<16xf32> to vector<1x16xf32>
      tpu.vector_store %arg9[%swap3A_1473, %swap3A_1474], %swap3A_1477 {strides = array<i32>} : memref<16x1024xf32, #tpu.memory_space<vmem>>, vector<1x16xf32>,
      %get3A_1478 = arith.constant 0 : i32
      %get3A_1479 = arith.index_cast %get3A_1478 : i32 to index
      %get3A_1480 = arith.constant 928 : index
      %get3A_1481 = tpu.vector_load %arg9[%get3A_1479, %get3A_1480] {strides = array<i32>} : memref<16x1024xf32, #tpu.memory_space<vmem>>, vector<1x16xf32>,
      %get3A_1482 = vector.shape_cast %get3A_1481 : vector<1x16xf32> to vector<16xf32>
      %mul3A_1483 = arith.mulf %get3A_1482, %get3A_764 : vector<16xf32>
      %swap3A_1484 = arith.constant 0 : i32
      %swap3A_1485 = arith.index_cast %swap3A_1484 : i32 to index
      %swap3A_1486 = arith.constant 928 : index
      %swap3A_1487 = tpu.vector_load %arg9[%swap3A_1485, %swap3A_1486] {strides = array<i32>} : memref<16x1024xf32, #tpu.memory_space<vmem>>, vector<1x16xf32>,
      %swap3A_1488 = vector.shape_cast %swap3A_1487 : vector<1x16xf32> to vector<16xf32>
      %swap3A_1489 = vector.shape_cast %mul3A_1483 : vector<16xf32> to vector<1x16xf32>
      tpu.vector_store %arg9[%swap3A_1485, %swap3A_1486], %swap3A_1489 {strides = array<i32>} : memref<16x1024xf32, #tpu.memory_space<vmem>>, vector<1x16xf32>,
      %get3A_1490 = arith.constant 0 : i32
      %get3A_1491 = arith.index_cast %get3A_1490 : i32 to index
      %get3A_1492 = arith.constant 944 : index
      %get3A_1493 = tpu.vector_load %arg9[%get3A_1491, %get3A_1492] {strides = array<i32>} : memref<16x1024xf32, #tpu.memory_space<vmem>>, vector<1x16xf32>,
      %get3A_1494 = vector.shape_cast %get3A_1493 : vector<1x16xf32> to vector<16xf32>
      %mul3A_1495 = arith.mulf %get3A_1494, %get3A_764 : vector<16xf32>
      %swap3A_1496 = arith.constant 0 : i32
      %swap3A_1497 = arith.index_cast %swap3A_1496 : i32 to index
      %swap3A_1498 = arith.constant 944 : index
      %swap3A_1499 = tpu.vector_load %arg9[%swap3A_1497, %swap3A_1498] {strides = array<i32>} : memref<16x1024xf32, #tpu.memory_space<vmem>>, vector<1x16xf32>,
      %swap3A_1500 = vector.shape_cast %swap3A_1499 : vector<1x16xf32> to vector<16xf32>
      %swap3A_1501 = vector.shape_cast %mul3A_1495 : vector<16xf32> to vector<1x16xf32>
      tpu.vector_store %arg9[%swap3A_1497, %swap3A_1498], %swap3A_1501 {strides = array<i32>} : memref<16x1024xf32, #tpu.memory_space<vmem>>, vector<1x16xf32>,
      %get3A_1502 = arith.constant 0 : i32
      %get3A_1503 = arith.index_cast %get3A_1502 : i32 to index
      %get3A_1504 = arith.constant 960 : index
      %get3A_1505 = tpu.vector_load %arg9[%get3A_1503, %get3A_1504] {strides = array<i32>} : memref<16x1024xf32, #tpu.memory_space<vmem>>, vector<1x16xf32>,
      %get3A_1506 = vector.shape_cast %get3A_1505 : vector<1x16xf32> to vector<16xf32>
      %mul3A_1507 = arith.mulf %get3A_1506, %get3A_764 : vector<16xf32>
      %swap3A_1508 = arith.constant 0 : i32
      %swap3A_1509 = arith.index_cast %swap3A_1508 : i32 to index
      %swap3A_1510 = arith.constant 960 : index
      %swap3A_1511 = tpu.vector_load %arg9[%swap3A_1509, %swap3A_1510] {strides = array<i32>} : memref<16x1024xf32, #tpu.memory_space<vmem>>, vector<1x16xf32>,
      %swap3A_1512 = vector.shape_cast %swap3A_1511 : vector<1x16xf32> to vector<16xf32>
      %swap3A_1513 = vector.shape_cast %mul3A_1507 : vector<16xf32> to vector<1x16xf32>
      tpu.vector_store %arg9[%swap3A_1509, %swap3A_1510], %swap3A_1513 {strides = array<i32>} : memref<16x1024xf32, #tpu.memory_space<vmem>>, vector<1x16xf32>,
      %get3A_1514 = arith.constant 0 : i32
      %get3A_1515 = arith.index_cast %get3A_1514 : i32 to index
      %get3A_1516 = arith.constant 976 : index
      %get3A_1517 = tpu.vector_load %arg9[%get3A_1515, %get3A_1516] {strides = array<i32>} : memref<16x1024xf32, #tpu.memory_space<vmem>>, vector<1x16xf32>,
      %get3A_1518 = vector.shape_cast %get3A_1517 : vector<1x16xf32> to vector<16xf32>
      %mul3A_1519 = arith.mulf %get3A_1518, %get3A_764 : vector<16xf32>
      %swap3A_1520 = arith.constant 0 : i32
      %swap3A_1521 = arith.index_cast %swap3A_1520 : i32 to index
      %swap3A_1522 = arith.constant 976 : index
      %swap3A_1523 = tpu.vector_load %arg9[%swap3A_1521, %swap3A_1522] {strides = array<i32>} : memref<16x1024xf32, #tpu.memory_space<vmem>>, vector<1x16xf32>,
      %swap3A_1524 = vector.shape_cast %swap3A_1523 : vector<1x16xf32> to vector<16xf32>
      %swap3A_1525 = vector.shape_cast %mul3A_1519 : vector<16xf32> to vector<1x16xf32>
      tpu.vector_store %arg9[%swap3A_1521, %swap3A_1522], %swap3A_1525 {strides = array<i32>} : memref<16x1024xf32, #tpu.memory_space<vmem>>, vector<1x16xf32>,
      %get3A_1526 = arith.constant 0 : i32
      %get3A_1527 = arith.index_cast %get3A_1526 : i32 to index
      %get3A_1528 = arith.constant 992 : index
      %get3A_1529 = tpu.vector_load %arg9[%get3A_1527, %get3A_1528] {strides = array<i32>} : memref<16x1024xf32, #tpu.memory_space<vmem>>, vector<1x16xf32>,
      %get3A_1530 = vector.shape_cast %get3A_1529 : vector<1x16xf32> to vector<16xf32>
      %mul3A_1531 = arith.mulf %get3A_1530, %get3A_764 : vector<16xf32>
      %swap3A_1532 = arith.constant 0 : i32
      %swap3A_1533 = arith.index_cast %swap3A_1532 : i32 to index
      %swap3A_1534 = arith.constant 992 : index
      %swap3A_1535 = tpu.vector_load %arg9[%swap3A_1533, %swap3A_1534] {strides = array<i32>} : memref<16x1024xf32, #tpu.memory_space<vmem>>, vector<1x16xf32>,
      %swap3A_1536 = vector.shape_cast %swap3A_1535 : vector<1x16xf32> to vector<16xf32>
      %swap3A_1537 = vector.shape_cast %mul3A_1531 : vector<16xf32> to vector<1x16xf32>
      tpu.vector_store %arg9[%swap3A_1533, %swap3A_1534], %swap3A_1537 {strides = array<i32>} : memref<16x1024xf32, #tpu.memory_space<vmem>>, vector<1x16xf32>,
      %get3A_1538 = arith.constant 0 : i32
      %get3A_1539 = arith.index_cast %get3A_1538 : i32 to index
      %get3A_1540 = arith.constant 1008 : index
      %get3A_1541 = tpu.vector_load %arg9[%get3A_1539, %get3A_1540] {strides = array<i32>} : memref<16x1024xf32, #tpu.memory_space<vmem>>, vector<1x16xf32>,
      %get3A_1542 = vector.shape_cast %get3A_1541 : vector<1x16xf32> to vector<16xf32>
      %mul3A_1543 = arith.mulf %get3A_1542, %get3A_764 : vector<16xf32>
      %swap3A_1544 = arith.constant 0 : i32
      %swap3A_1545 = arith.index_cast %swap3A_1544 : i32 to index
      %swap3A_1546 = arith.constant 1008 : index
      %swap3A_1547 = tpu.vector_load %arg9[%swap3A_1545, %swap3A_1546] {strides = array<i32>} : memref<16x1024xf32, #tpu.memory_space<vmem>>, vector<1x16xf32>,
      %swap3A_1548 = vector.shape_cast %swap3A_1547 : vector<1x16xf32> to vector<16xf32>
      %swap3A_1549 = vector.shape_cast %mul3A_1543 : vector<16xf32> to vector<1x16xf32>
      tpu.vector_store %arg9[%swap3A_1545, %swap3A_1546], %swap3A_1549 {strides = array<i32>} : memref<16x1024xf32, #tpu.memory_space<vmem>>, vector<1x16xf32>,
      "tpu.region"() ({
        %run_scoped3A = tpu.sem_alloc : memref<!tpu.dma_semaphore, #tpu.memory_space<semaphore_mem>>
        %dma_start3A_1550 = arith.constant 0 : i32
        %dma_start3A_1551 = arith.constant 0 : i32
        %dma_start3A_1552 = tpu.memref_slice %arg9[%dma_start3A_1550, %dma_start3A_1551] : memref<16x1024xf32, #tpu.memory_space<vmem>> -> memref<1x1024xf32, #tpu.memory_space<vmem>>
        %dma_start3A_1553 = arith.constant 0 : i32
        %dma_start3A_1554 = tpu.memref_slice %arg4[%add3A_733, %dma_start3A_1553] : memref<80x1024xf32, #tpu.memory_space<hbm>> -> memref<1x1024xf32, #tpu.memory_space<hbm>>
        %dma_start3A_1555 = arith.constant 0 : i32
        %dma_start3A_1556 = tpu.memref_slice %arg4[%add3A_733, %dma_start3A_1555] : memref<80x1024xf32, #tpu.memory_space<hbm>> -> memref<1x1024xf32, #tpu.memory_space<hbm>>
        %dma_start3A_1557 = arith.constant 0 : i32
        %dma_start3A_1558 = arith.constant 0 : i32
        %dma_start3A_1559 = tpu.memref_slice %arg9[%dma_start3A_1557, %dma_start3A_1558] : memref<16x1024xf32, #tpu.memory_space<vmem>> -> memref<1x1024xf32, #tpu.memory_space<vmem>>
        tpu.enqueue_dma source(%dma_start3A_1559 : memref<1x1024xf32, #tpu.memory_space<vmem>>) target(%dma_start3A_1556 : memref<1x1024xf32, #tpu.memory_space<hbm>>) target_semaphore(%run_scoped3A : memref<!tpu.dma_semaphore, #tpu.memory_space<semaphore_mem>>)
        %dma_wait3A_1560 = arith.constant 0 : i32
        %dma_wait3A_1561 = arith.constant 0 : i32
        %dma_wait3A_1562 = tpu.memref_slice %arg9[%dma_wait3A_1560, %dma_wait3A_1561] : memref<16x1024xf32, #tpu.memory_space<vmem>> -> memref<1x1024xf32, #tpu.memory_space<vmem>>
        %dma_wait3A_1563 = arith.constant 0 : i32
        %dma_wait3A_1564 = tpu.memref_slice %arg4[%add3A_733, %dma_wait3A_1563] : memref<80x1024xf32, #tpu.memory_space<hbm>> -> memref<1x1024xf32, #tpu.memory_space<hbm>>
        %dma_wait3A_1565 = arith.constant 0 : i32
        %dma_wait3A_1566 = tpu.memref_slice %arg4[%add3A_733, %dma_wait3A_1565] : memref<80x1024xf32, #tpu.memory_space<hbm>> -> memref<1x1024xf32, #tpu.memory_space<hbm>>
        %dma_wait3A_1567 = arith.constant 0 : i32
        %dma_wait3A_1568 = arith.constant 0 : i32
        %dma_wait3A_1569 = tpu.memref_slice %arg9[%dma_wait3A_1567, %dma_wait3A_1568] : memref<16x1024xf32, #tpu.memory_space<vmem>> -> memref<1x1024xf32, #tpu.memory_space<vmem>>
        tpu.wait_dma2 semaphore(%run_scoped3A : memref<!tpu.dma_semaphore, #tpu.memory_space<semaphore_mem>>) src(%dma_wait3A_1569 : memref<1x1024xf32, #tpu.memory_space<vmem>>) dst(%dma_wait3A_1566 : memref<1x1024xf32, #tpu.memory_space<hbm>>)
        tpu.yield
      }) : () -> ()
    } else {
    }
    return
  }
}

module attributes {stable_mosaic.version = 14 : i64} {
  func.func @_tc_body(%arg0: i32, %arg1: memref<4x256x1024xf32, #tpu.memory_space<vmem>>, %arg2: memref<16x1024xf32, #tpu.memory_space<vmem>>, %arg3: memref<1x16xf32, #tpu.memory_space<vmem>>, %arg4: memref<4x16xf32, #tpu.memory_space<vmem>>, %arg5: memref<4x8x1024xf32, #tpu.memory_space<vmem>>) attributes {dimension_semantics = [#tpu.dimension_semantics<arbitrary>], iteration_bounds = array<i64: 8>, scalar_prefetch = 0 : i64, scratch_operands = 1 : i64, tpu.core_type = #tpu.core_type<tc>, window_params = [{transform_indices = @transform_0, window_bounds = array<i64: 4, 256, 1024>}, {pipeline_mode = #tpu.pipeline_mode<synchronous>, transform_indices = @transform_1, window_bounds = array<i64: 16, 1024>}, {pipeline_mode = #tpu.pipeline_mode<synchronous>, transform_indices = @transform_2, window_bounds = array<i64: 1, 16>}, {pipeline_mode = #tpu.pipeline_mode<synchronous>, transform_indices = @transform_3, window_bounds = array<i64: 4, 16>}]} {
    %eq3A = arith.constant 0 : i32
    %eq3A_0 = arith.cmpi eq, %arg0, %eq3A : i32
    %convert_element_type3A = arith.extui %eq3A_0 : i1 to i32
    %cond3A = arith.constant 0 : i32
    %cond3A_1 = arith.cmpi ne, %convert_element_type3A, %cond3A : i32
    scf.if %cond3A_1 {
      %broadcast_in_dim3A = arith.constant 0.000000e+00 : f32
      %broadcast_in_dim3A_442 = vector.broadcast %broadcast_in_dim3A : f32 to vector<4x8x1024xf32>
      %swap3A_443 = arith.constant 0 : index
      %swap3A_444 = arith.constant 0 : index
      %swap3A_445 = arith.constant 0 : index
      %swap3A_446 = vector.load %arg5[%swap3A_443, %swap3A_444, %swap3A_445] : memref<4x8x1024xf32, #tpu.memory_space<vmem>>, vector<4x8x1024xf32>
      tpu.vector_store %arg5[%swap3A_443, %swap3A_444, %swap3A_445], %broadcast_in_dim3A_442 {strides = array<i32>} : memref<4x8x1024xf32, #tpu.memory_space<vmem>>, vector<4x8x1024xf32>,
    } else {
    }
    %get3A = arith.constant 0 : index
    %get3A_2 = arith.constant 0 : index
    %get3A_3 = arith.constant 0 : index
    %get3A_4 = vector.load %arg1[%get3A, %get3A_2, %get3A_3] : memref<4x256x1024xf32, #tpu.memory_space<vmem>>, vector<4x256x1024xf32>
    %reshape3A = vector.shape_cast %get3A_4 : vector<4x256x1024xf32> to vector<4x32x8x1024xf32>
    %get3A_5 = arith.constant 0 : index
    %get3A_6 = arith.constant 0 : index
    %get3A_7 = arith.constant 0 : index
    %get3A_8 = vector.load %arg5[%get3A_5, %get3A_6, %get3A_7] : memref<4x8x1024xf32, #tpu.memory_space<vmem>>, vector<1x8x1024xf32>
    %get3A_9 = vector.shape_cast %get3A_8 : vector<1x8x1024xf32> to vector<8x1024xf32>
    %slice3A = vector.extract_strided_slice %reshape3A {offsets = [0, 0, 0, 0], sizes = [1, 32, 8, 1024], strides = [1, 1, 1, 1]} : vector<4x32x8x1024xf32> to vector<1x32x8x1024xf32>
    %squeeze3A = vector.shape_cast %slice3A : vector<1x32x8x1024xf32> to vector<32x8x1024xf32>
    %slice3A_10 = vector.extract_strided_slice %squeeze3A {offsets = [0, 0, 0], sizes = [1, 8, 1024], strides = [1, 1, 1]} : vector<32x8x1024xf32> to vector<1x8x1024xf32>
    %squeeze3A_11 = vector.shape_cast %slice3A_10 : vector<1x8x1024xf32> to vector<8x1024xf32>
    %slice3A_12 = vector.extract_strided_slice %squeeze3A {offsets = [1, 0, 0], sizes = [1, 8, 1024], strides = [1, 1, 1]} : vector<32x8x1024xf32> to vector<1x8x1024xf32>
    %squeeze3A_13 = vector.shape_cast %slice3A_12 : vector<1x8x1024xf32> to vector<8x1024xf32>
    %slice3A_14 = vector.extract_strided_slice %squeeze3A {offsets = [2, 0, 0], sizes = [1, 8, 1024], strides = [1, 1, 1]} : vector<32x8x1024xf32> to vector<1x8x1024xf32>
    %squeeze3A_15 = vector.shape_cast %slice3A_14 : vector<1x8x1024xf32> to vector<8x1024xf32>
    %slice3A_16 = vector.extract_strided_slice %squeeze3A {offsets = [3, 0, 0], sizes = [1, 8, 1024], strides = [1, 1, 1]} : vector<32x8x1024xf32> to vector<1x8x1024xf32>
    %squeeze3A_17 = vector.shape_cast %slice3A_16 : vector<1x8x1024xf32> to vector<8x1024xf32>
    %slice3A_18 = vector.extract_strided_slice %squeeze3A {offsets = [4, 0, 0], sizes = [1, 8, 1024], strides = [1, 1, 1]} : vector<32x8x1024xf32> to vector<1x8x1024xf32>
    %squeeze3A_19 = vector.shape_cast %slice3A_18 : vector<1x8x1024xf32> to vector<8x1024xf32>
    %add3A = arith.addf %squeeze3A_11, %squeeze3A_19 : vector<8x1024xf32>
    %slice3A_20 = vector.extract_strided_slice %squeeze3A {offsets = [5, 0, 0], sizes = [1, 8, 1024], strides = [1, 1, 1]} : vector<32x8x1024xf32> to vector<1x8x1024xf32>
    %squeeze3A_21 = vector.shape_cast %slice3A_20 : vector<1x8x1024xf32> to vector<8x1024xf32>
    %add3A_22 = arith.addf %squeeze3A_13, %squeeze3A_21 : vector<8x1024xf32>
    %slice3A_23 = vector.extract_strided_slice %squeeze3A {offsets = [6, 0, 0], sizes = [1, 8, 1024], strides = [1, 1, 1]} : vector<32x8x1024xf32> to vector<1x8x1024xf32>
    %squeeze3A_24 = vector.shape_cast %slice3A_23 : vector<1x8x1024xf32> to vector<8x1024xf32>
    %add3A_25 = arith.addf %squeeze3A_15, %squeeze3A_24 : vector<8x1024xf32>
    %slice3A_26 = vector.extract_strided_slice %squeeze3A {offsets = [7, 0, 0], sizes = [1, 8, 1024], strides = [1, 1, 1]} : vector<32x8x1024xf32> to vector<1x8x1024xf32>
    %squeeze3A_27 = vector.shape_cast %slice3A_26 : vector<1x8x1024xf32> to vector<8x1024xf32>
    %add3A_28 = arith.addf %squeeze3A_17, %squeeze3A_27 : vector<8x1024xf32>
    %slice3A_29 = vector.extract_strided_slice %squeeze3A {offsets = [8, 0, 0], sizes = [1, 8, 1024], strides = [1, 1, 1]} : vector<32x8x1024xf32> to vector<1x8x1024xf32>
    %squeeze3A_30 = vector.shape_cast %slice3A_29 : vector<1x8x1024xf32> to vector<8x1024xf32>
    %add3A_31 = arith.addf %add3A, %squeeze3A_30 : vector<8x1024xf32>
    %slice3A_32 = vector.extract_strided_slice %squeeze3A {offsets = [9, 0, 0], sizes = [1, 8, 1024], strides = [1, 1, 1]} : vector<32x8x1024xf32> to vector<1x8x1024xf32>
    %squeeze3A_33 = vector.shape_cast %slice3A_32 : vector<1x8x1024xf32> to vector<8x1024xf32>
    %add3A_34 = arith.addf %add3A_22, %squeeze3A_33 : vector<8x1024xf32>
    %slice3A_35 = vector.extract_strided_slice %squeeze3A {offsets = [10, 0, 0], sizes = [1, 8, 1024], strides = [1, 1, 1]} : vector<32x8x1024xf32> to vector<1x8x1024xf32>
    %squeeze3A_36 = vector.shape_cast %slice3A_35 : vector<1x8x1024xf32> to vector<8x1024xf32>
    %add3A_37 = arith.addf %add3A_25, %squeeze3A_36 : vector<8x1024xf32>
    %slice3A_38 = vector.extract_strided_slice %squeeze3A {offsets = [11, 0, 0], sizes = [1, 8, 1024], strides = [1, 1, 1]} : vector<32x8x1024xf32> to vector<1x8x1024xf32>
    %squeeze3A_39 = vector.shape_cast %slice3A_38 : vector<1x8x1024xf32> to vector<8x1024xf32>
    %add3A_40 = arith.addf %add3A_28, %squeeze3A_39 : vector<8x1024xf32>
    %slice3A_41 = vector.extract_strided_slice %squeeze3A {offsets = [12, 0, 0], sizes = [1, 8, 1024], strides = [1, 1, 1]} : vector<32x8x1024xf32> to vector<1x8x1024xf32>
    %squeeze3A_42 = vector.shape_cast %slice3A_41 : vector<1x8x1024xf32> to vector<8x1024xf32>
    %add3A_43 = arith.addf %add3A_31, %squeeze3A_42 : vector<8x1024xf32>
    %slice3A_44 = vector.extract_strided_slice %squeeze3A {offsets = [13, 0, 0], sizes = [1, 8, 1024], strides = [1, 1, 1]} : vector<32x8x1024xf32> to vector<1x8x1024xf32>
    %squeeze3A_45 = vector.shape_cast %slice3A_44 : vector<1x8x1024xf32> to vector<8x1024xf32>
    %add3A_46 = arith.addf %add3A_34, %squeeze3A_45 : vector<8x1024xf32>
    %slice3A_47 = vector.extract_strided_slice %squeeze3A {offsets = [14, 0, 0], sizes = [1, 8, 1024], strides = [1, 1, 1]} : vector<32x8x1024xf32> to vector<1x8x1024xf32>
    %squeeze3A_48 = vector.shape_cast %slice3A_47 : vector<1x8x1024xf32> to vector<8x1024xf32>
    %add3A_49 = arith.addf %add3A_37, %squeeze3A_48 : vector<8x1024xf32>
    %slice3A_50 = vector.extract_strided_slice %squeeze3A {offsets = [15, 0, 0], sizes = [1, 8, 1024], strides = [1, 1, 1]} : vector<32x8x1024xf32> to vector<1x8x1024xf32>
    %squeeze3A_51 = vector.shape_cast %slice3A_50 : vector<1x8x1024xf32> to vector<8x1024xf32>
    %add3A_52 = arith.addf %add3A_40, %squeeze3A_51 : vector<8x1024xf32>
    %slice3A_53 = vector.extract_strided_slice %squeeze3A {offsets = [16, 0, 0], sizes = [1, 8, 1024], strides = [1, 1, 1]} : vector<32x8x1024xf32> to vector<1x8x1024xf32>
    %squeeze3A_54 = vector.shape_cast %slice3A_53 : vector<1x8x1024xf32> to vector<8x1024xf32>
    %add3A_55 = arith.addf %add3A_43, %squeeze3A_54 : vector<8x1024xf32>
    %slice3A_56 = vector.extract_strided_slice %squeeze3A {offsets = [17, 0, 0], sizes = [1, 8, 1024], strides = [1, 1, 1]} : vector<32x8x1024xf32> to vector<1x8x1024xf32>
    %squeeze3A_57 = vector.shape_cast %slice3A_56 : vector<1x8x1024xf32> to vector<8x1024xf32>
    %add3A_58 = arith.addf %add3A_46, %squeeze3A_57 : vector<8x1024xf32>
    %slice3A_59 = vector.extract_strided_slice %squeeze3A {offsets = [18, 0, 0], sizes = [1, 8, 1024], strides = [1, 1, 1]} : vector<32x8x1024xf32> to vector<1x8x1024xf32>
    %squeeze3A_60 = vector.shape_cast %slice3A_59 : vector<1x8x1024xf32> to vector<8x1024xf32>
    %add3A_61 = arith.addf %add3A_49, %squeeze3A_60 : vector<8x1024xf32>
    %slice3A_62 = vector.extract_strided_slice %squeeze3A {offsets = [19, 0, 0], sizes = [1, 8, 1024], strides = [1, 1, 1]} : vector<32x8x1024xf32> to vector<1x8x1024xf32>
    %squeeze3A_63 = vector.shape_cast %slice3A_62 : vector<1x8x1024xf32> to vector<8x1024xf32>
    %add3A_64 = arith.addf %add3A_52, %squeeze3A_63 : vector<8x1024xf32>
    %slice3A_65 = vector.extract_strided_slice %squeeze3A {offsets = [20, 0, 0], sizes = [1, 8, 1024], strides = [1, 1, 1]} : vector<32x8x1024xf32> to vector<1x8x1024xf32>
    %squeeze3A_66 = vector.shape_cast %slice3A_65 : vector<1x8x1024xf32> to vector<8x1024xf32>
    %add3A_67 = arith.addf %add3A_55, %squeeze3A_66 : vector<8x1024xf32>
    %slice3A_68 = vector.extract_strided_slice %squeeze3A {offsets = [21, 0, 0], sizes = [1, 8, 1024], strides = [1, 1, 1]} : vector<32x8x1024xf32> to vector<1x8x1024xf32>
    %squeeze3A_69 = vector.shape_cast %slice3A_68 : vector<1x8x1024xf32> to vector<8x1024xf32>
    %add3A_70 = arith.addf %add3A_58, %squeeze3A_69 : vector<8x1024xf32>
    %slice3A_71 = vector.extract_strided_slice %squeeze3A {offsets = [22, 0, 0], sizes = [1, 8, 1024], strides = [1, 1, 1]} : vector<32x8x1024xf32> to vector<1x8x1024xf32>
    %squeeze3A_72 = vector.shape_cast %slice3A_71 : vector<1x8x1024xf32> to vector<8x1024xf32>
    %add3A_73 = arith.addf %add3A_61, %squeeze3A_72 : vector<8x1024xf32>
    %slice3A_74 = vector.extract_strided_slice %squeeze3A {offsets = [23, 0, 0], sizes = [1, 8, 1024], strides = [1, 1, 1]} : vector<32x8x1024xf32> to vector<1x8x1024xf32>
    %squeeze3A_75 = vector.shape_cast %slice3A_74 : vector<1x8x1024xf32> to vector<8x1024xf32>
    %add3A_76 = arith.addf %add3A_64, %squeeze3A_75 : vector<8x1024xf32>
    %slice3A_77 = vector.extract_strided_slice %squeeze3A {offsets = [24, 0, 0], sizes = [1, 8, 1024], strides = [1, 1, 1]} : vector<32x8x1024xf32> to vector<1x8x1024xf32>
    %squeeze3A_78 = vector.shape_cast %slice3A_77 : vector<1x8x1024xf32> to vector<8x1024xf32>
    %add3A_79 = arith.addf %add3A_67, %squeeze3A_78 : vector<8x1024xf32>
    %slice3A_80 = vector.extract_strided_slice %squeeze3A {offsets = [25, 0, 0], sizes = [1, 8, 1024], strides = [1, 1, 1]} : vector<32x8x1024xf32> to vector<1x8x1024xf32>
    %squeeze3A_81 = vector.shape_cast %slice3A_80 : vector<1x8x1024xf32> to vector<8x1024xf32>
    %add3A_82 = arith.addf %add3A_70, %squeeze3A_81 : vector<8x1024xf32>
    %slice3A_83 = vector.extract_strided_slice %squeeze3A {offsets = [26, 0, 0], sizes = [1, 8, 1024], strides = [1, 1, 1]} : vector<32x8x1024xf32> to vector<1x8x1024xf32>
    %squeeze3A_84 = vector.shape_cast %slice3A_83 : vector<1x8x1024xf32> to vector<8x1024xf32>
    %add3A_85 = arith.addf %add3A_73, %squeeze3A_84 : vector<8x1024xf32>
    %slice3A_86 = vector.extract_strided_slice %squeeze3A {offsets = [27, 0, 0], sizes = [1, 8, 1024], strides = [1, 1, 1]} : vector<32x8x1024xf32> to vector<1x8x1024xf32>
    %squeeze3A_87 = vector.shape_cast %slice3A_86 : vector<1x8x1024xf32> to vector<8x1024xf32>
    %add3A_88 = arith.addf %add3A_76, %squeeze3A_87 : vector<8x1024xf32>
    %slice3A_89 = vector.extract_strided_slice %squeeze3A {offsets = [28, 0, 0], sizes = [1, 8, 1024], strides = [1, 1, 1]} : vector<32x8x1024xf32> to vector<1x8x1024xf32>
    %squeeze3A_90 = vector.shape_cast %slice3A_89 : vector<1x8x1024xf32> to vector<8x1024xf32>
    %add3A_91 = arith.addf %add3A_79, %squeeze3A_90 : vector<8x1024xf32>
    %slice3A_92 = vector.extract_strided_slice %squeeze3A {offsets = [29, 0, 0], sizes = [1, 8, 1024], strides = [1, 1, 1]} : vector<32x8x1024xf32> to vector<1x8x1024xf32>
    %squeeze3A_93 = vector.shape_cast %slice3A_92 : vector<1x8x1024xf32> to vector<8x1024xf32>
    %add3A_94 = arith.addf %add3A_82, %squeeze3A_93 : vector<8x1024xf32>
    %slice3A_95 = vector.extract_strided_slice %squeeze3A {offsets = [30, 0, 0], sizes = [1, 8, 1024], strides = [1, 1, 1]} : vector<32x8x1024xf32> to vector<1x8x1024xf32>
    %squeeze3A_96 = vector.shape_cast %slice3A_95 : vector<1x8x1024xf32> to vector<8x1024xf32>
    %add3A_97 = arith.addf %add3A_85, %squeeze3A_96 : vector<8x1024xf32>
    %slice3A_98 = vector.extract_strided_slice %squeeze3A {offsets = [31, 0, 0], sizes = [1, 8, 1024], strides = [1, 1, 1]} : vector<32x8x1024xf32> to vector<1x8x1024xf32>
    %squeeze3A_99 = vector.shape_cast %slice3A_98 : vector<1x8x1024xf32> to vector<8x1024xf32>
    %add3A_100 = arith.addf %add3A_88, %squeeze3A_99 : vector<8x1024xf32>
    %add3A_101 = arith.addf %add3A_91, %add3A_94 : vector<8x1024xf32>
    %add3A_102 = arith.addf %add3A_97, %add3A_100 : vector<8x1024xf32>
    %add3A_103 = arith.addf %add3A_101, %add3A_102 : vector<8x1024xf32>
    %add3A_104 = arith.addf %get3A_9, %add3A_103 : vector<8x1024xf32>
    %swap3A = arith.constant 0 : index
    %swap3A_105 = arith.constant 0 : index
    %swap3A_106 = arith.constant 0 : index
    %swap3A_107 = vector.load %arg5[%swap3A, %swap3A_105, %swap3A_106] : memref<4x8x1024xf32, #tpu.memory_space<vmem>>, vector<1x8x1024xf32>
    %swap3A_108 = vector.shape_cast %swap3A_107 : vector<1x8x1024xf32> to vector<8x1024xf32>
    %swap3A_109 = vector.shape_cast %add3A_104 : vector<8x1024xf32> to vector<1x8x1024xf32>
    tpu.vector_store %arg5[%swap3A, %swap3A_105, %swap3A_106], %swap3A_109 {strides = array<i32>} : memref<4x8x1024xf32, #tpu.memory_space<vmem>>, vector<1x8x1024xf32>,
    %get3A_110 = arith.constant 1 : index
    %get3A_111 = arith.constant 0 : index
    %get3A_112 = arith.constant 0 : index
    %get3A_113 = vector.load %arg5[%get3A_110, %get3A_111, %get3A_112] : memref<4x8x1024xf32, #tpu.memory_space<vmem>>, vector<1x8x1024xf32>
    %get3A_114 = vector.shape_cast %get3A_113 : vector<1x8x1024xf32> to vector<8x1024xf32>
    %slice3A_115 = vector.extract_strided_slice %reshape3A {offsets = [1, 0, 0, 0], sizes = [1, 32, 8, 1024], strides = [1, 1, 1, 1]} : vector<4x32x8x1024xf32> to vector<1x32x8x1024xf32>
    %squeeze3A_116 = vector.shape_cast %slice3A_115 : vector<1x32x8x1024xf32> to vector<32x8x1024xf32>
    %slice3A_117 = vector.extract_strided_slice %squeeze3A_116 {offsets = [0, 0, 0], sizes = [1, 8, 1024], strides = [1, 1, 1]} : vector<32x8x1024xf32> to vector<1x8x1024xf32>
    %squeeze3A_118 = vector.shape_cast %slice3A_117 : vector<1x8x1024xf32> to vector<8x1024xf32>
    %slice3A_119 = vector.extract_strided_slice %squeeze3A_116 {offsets = [1, 0, 0], sizes = [1, 8, 1024], strides = [1, 1, 1]} : vector<32x8x1024xf32> to vector<1x8x1024xf32>
    %squeeze3A_120 = vector.shape_cast %slice3A_119 : vector<1x8x1024xf32> to vector<8x1024xf32>
    %slice3A_121 = vector.extract_strided_slice %squeeze3A_116 {offsets = [2, 0, 0], sizes = [1, 8, 1024], strides = [1, 1, 1]} : vector<32x8x1024xf32> to vector<1x8x1024xf32>
    %squeeze3A_122 = vector.shape_cast %slice3A_121 : vector<1x8x1024xf32> to vector<8x1024xf32>
    %slice3A_123 = vector.extract_strided_slice %squeeze3A_116 {offsets = [3, 0, 0], sizes = [1, 8, 1024], strides = [1, 1, 1]} : vector<32x8x1024xf32> to vector<1x8x1024xf32>
    %squeeze3A_124 = vector.shape_cast %slice3A_123 : vector<1x8x1024xf32> to vector<8x1024xf32>
    %slice3A_125 = vector.extract_strided_slice %squeeze3A_116 {offsets = [4, 0, 0], sizes = [1, 8, 1024], strides = [1, 1, 1]} : vector<32x8x1024xf32> to vector<1x8x1024xf32>
    %squeeze3A_126 = vector.shape_cast %slice3A_125 : vector<1x8x1024xf32> to vector<8x1024xf32>
    %add3A_127 = arith.addf %squeeze3A_118, %squeeze3A_126 : vector<8x1024xf32>
    %slice3A_128 = vector.extract_strided_slice %squeeze3A_116 {offsets = [5, 0, 0], sizes = [1, 8, 1024], strides = [1, 1, 1]} : vector<32x8x1024xf32> to vector<1x8x1024xf32>
    %squeeze3A_129 = vector.shape_cast %slice3A_128 : vector<1x8x1024xf32> to vector<8x1024xf32>
    %add3A_130 = arith.addf %squeeze3A_120, %squeeze3A_129 : vector<8x1024xf32>
    %slice3A_131 = vector.extract_strided_slice %squeeze3A_116 {offsets = [6, 0, 0], sizes = [1, 8, 1024], strides = [1, 1, 1]} : vector<32x8x1024xf32> to vector<1x8x1024xf32>
    %squeeze3A_132 = vector.shape_cast %slice3A_131 : vector<1x8x1024xf32> to vector<8x1024xf32>
    %add3A_133 = arith.addf %squeeze3A_122, %squeeze3A_132 : vector<8x1024xf32>
    %slice3A_134 = vector.extract_strided_slice %squeeze3A_116 {offsets = [7, 0, 0], sizes = [1, 8, 1024], strides = [1, 1, 1]} : vector<32x8x1024xf32> to vector<1x8x1024xf32>
    %squeeze3A_135 = vector.shape_cast %slice3A_134 : vector<1x8x1024xf32> to vector<8x1024xf32>
    %add3A_136 = arith.addf %squeeze3A_124, %squeeze3A_135 : vector<8x1024xf32>
    %slice3A_137 = vector.extract_strided_slice %squeeze3A_116 {offsets = [8, 0, 0], sizes = [1, 8, 1024], strides = [1, 1, 1]} : vector<32x8x1024xf32> to vector<1x8x1024xf32>
    %squeeze3A_138 = vector.shape_cast %slice3A_137 : vector<1x8x1024xf32> to vector<8x1024xf32>
    %add3A_139 = arith.addf %add3A_127, %squeeze3A_138 : vector<8x1024xf32>
    %slice3A_140 = vector.extract_strided_slice %squeeze3A_116 {offsets = [9, 0, 0], sizes = [1, 8, 1024], strides = [1, 1, 1]} : vector<32x8x1024xf32> to vector<1x8x1024xf32>
    %squeeze3A_141 = vector.shape_cast %slice3A_140 : vector<1x8x1024xf32> to vector<8x1024xf32>
    %add3A_142 = arith.addf %add3A_130, %squeeze3A_141 : vector<8x1024xf32>
    %slice3A_143 = vector.extract_strided_slice %squeeze3A_116 {offsets = [10, 0, 0], sizes = [1, 8, 1024], strides = [1, 1, 1]} : vector<32x8x1024xf32> to vector<1x8x1024xf32>
    %squeeze3A_144 = vector.shape_cast %slice3A_143 : vector<1x8x1024xf32> to vector<8x1024xf32>
    %add3A_145 = arith.addf %add3A_133, %squeeze3A_144 : vector<8x1024xf32>
    %slice3A_146 = vector.extract_strided_slice %squeeze3A_116 {offsets = [11, 0, 0], sizes = [1, 8, 1024], strides = [1, 1, 1]} : vector<32x8x1024xf32> to vector<1x8x1024xf32>
    %squeeze3A_147 = vector.shape_cast %slice3A_146 : vector<1x8x1024xf32> to vector<8x1024xf32>
    %add3A_148 = arith.addf %add3A_136, %squeeze3A_147 : vector<8x1024xf32>
    %slice3A_149 = vector.extract_strided_slice %squeeze3A_116 {offsets = [12, 0, 0], sizes = [1, 8, 1024], strides = [1, 1, 1]} : vector<32x8x1024xf32> to vector<1x8x1024xf32>
    %squeeze3A_150 = vector.shape_cast %slice3A_149 : vector<1x8x1024xf32> to vector<8x1024xf32>
    %add3A_151 = arith.addf %add3A_139, %squeeze3A_150 : vector<8x1024xf32>
    %slice3A_152 = vector.extract_strided_slice %squeeze3A_116 {offsets = [13, 0, 0], sizes = [1, 8, 1024], strides = [1, 1, 1]} : vector<32x8x1024xf32> to vector<1x8x1024xf32>
    %squeeze3A_153 = vector.shape_cast %slice3A_152 : vector<1x8x1024xf32> to vector<8x1024xf32>
    %add3A_154 = arith.addf %add3A_142, %squeeze3A_153 : vector<8x1024xf32>
    %slice3A_155 = vector.extract_strided_slice %squeeze3A_116 {offsets = [14, 0, 0], sizes = [1, 8, 1024], strides = [1, 1, 1]} : vector<32x8x1024xf32> to vector<1x8x1024xf32>
    %squeeze3A_156 = vector.shape_cast %slice3A_155 : vector<1x8x1024xf32> to vector<8x1024xf32>
    %add3A_157 = arith.addf %add3A_145, %squeeze3A_156 : vector<8x1024xf32>
    %slice3A_158 = vector.extract_strided_slice %squeeze3A_116 {offsets = [15, 0, 0], sizes = [1, 8, 1024], strides = [1, 1, 1]} : vector<32x8x1024xf32> to vector<1x8x1024xf32>
    %squeeze3A_159 = vector.shape_cast %slice3A_158 : vector<1x8x1024xf32> to vector<8x1024xf32>
    %add3A_160 = arith.addf %add3A_148, %squeeze3A_159 : vector<8x1024xf32>
    %slice3A_161 = vector.extract_strided_slice %squeeze3A_116 {offsets = [16, 0, 0], sizes = [1, 8, 1024], strides = [1, 1, 1]} : vector<32x8x1024xf32> to vector<1x8x1024xf32>
    %squeeze3A_162 = vector.shape_cast %slice3A_161 : vector<1x8x1024xf32> to vector<8x1024xf32>
    %add3A_163 = arith.addf %add3A_151, %squeeze3A_162 : vector<8x1024xf32>
    %slice3A_164 = vector.extract_strided_slice %squeeze3A_116 {offsets = [17, 0, 0], sizes = [1, 8, 1024], strides = [1, 1, 1]} : vector<32x8x1024xf32> to vector<1x8x1024xf32>
    %squeeze3A_165 = vector.shape_cast %slice3A_164 : vector<1x8x1024xf32> to vector<8x1024xf32>
    %add3A_166 = arith.addf %add3A_154, %squeeze3A_165 : vector<8x1024xf32>
    %slice3A_167 = vector.extract_strided_slice %squeeze3A_116 {offsets = [18, 0, 0], sizes = [1, 8, 1024], strides = [1, 1, 1]} : vector<32x8x1024xf32> to vector<1x8x1024xf32>
    %squeeze3A_168 = vector.shape_cast %slice3A_167 : vector<1x8x1024xf32> to vector<8x1024xf32>
    %add3A_169 = arith.addf %add3A_157, %squeeze3A_168 : vector<8x1024xf32>
    %slice3A_170 = vector.extract_strided_slice %squeeze3A_116 {offsets = [19, 0, 0], sizes = [1, 8, 1024], strides = [1, 1, 1]} : vector<32x8x1024xf32> to vector<1x8x1024xf32>
    %squeeze3A_171 = vector.shape_cast %slice3A_170 : vector<1x8x1024xf32> to vector<8x1024xf32>
    %add3A_172 = arith.addf %add3A_160, %squeeze3A_171 : vector<8x1024xf32>
    %slice3A_173 = vector.extract_strided_slice %squeeze3A_116 {offsets = [20, 0, 0], sizes = [1, 8, 1024], strides = [1, 1, 1]} : vector<32x8x1024xf32> to vector<1x8x1024xf32>
    %squeeze3A_174 = vector.shape_cast %slice3A_173 : vector<1x8x1024xf32> to vector<8x1024xf32>
    %add3A_175 = arith.addf %add3A_163, %squeeze3A_174 : vector<8x1024xf32>
    %slice3A_176 = vector.extract_strided_slice %squeeze3A_116 {offsets = [21, 0, 0], sizes = [1, 8, 1024], strides = [1, 1, 1]} : vector<32x8x1024xf32> to vector<1x8x1024xf32>
    %squeeze3A_177 = vector.shape_cast %slice3A_176 : vector<1x8x1024xf32> to vector<8x1024xf32>
    %add3A_178 = arith.addf %add3A_166, %squeeze3A_177 : vector<8x1024xf32>
    %slice3A_179 = vector.extract_strided_slice %squeeze3A_116 {offsets = [22, 0, 0], sizes = [1, 8, 1024], strides = [1, 1, 1]} : vector<32x8x1024xf32> to vector<1x8x1024xf32>
    %squeeze3A_180 = vector.shape_cast %slice3A_179 : vector<1x8x1024xf32> to vector<8x1024xf32>
    %add3A_181 = arith.addf %add3A_169, %squeeze3A_180 : vector<8x1024xf32>
    %slice3A_182 = vector.extract_strided_slice %squeeze3A_116 {offsets = [23, 0, 0], sizes = [1, 8, 1024], strides = [1, 1, 1]} : vector<32x8x1024xf32> to vector<1x8x1024xf32>
    %squeeze3A_183 = vector.shape_cast %slice3A_182 : vector<1x8x1024xf32> to vector<8x1024xf32>
    %add3A_184 = arith.addf %add3A_172, %squeeze3A_183 : vector<8x1024xf32>
    %slice3A_185 = vector.extract_strided_slice %squeeze3A_116 {offsets = [24, 0, 0], sizes = [1, 8, 1024], strides = [1, 1, 1]} : vector<32x8x1024xf32> to vector<1x8x1024xf32>
    %squeeze3A_186 = vector.shape_cast %slice3A_185 : vector<1x8x1024xf32> to vector<8x1024xf32>
    %add3A_187 = arith.addf %add3A_175, %squeeze3A_186 : vector<8x1024xf32>
    %slice3A_188 = vector.extract_strided_slice %squeeze3A_116 {offsets = [25, 0, 0], sizes = [1, 8, 1024], strides = [1, 1, 1]} : vector<32x8x1024xf32> to vector<1x8x1024xf32>
    %squeeze3A_189 = vector.shape_cast %slice3A_188 : vector<1x8x1024xf32> to vector<8x1024xf32>
    %add3A_190 = arith.addf %add3A_178, %squeeze3A_189 : vector<8x1024xf32>
    %slice3A_191 = vector.extract_strided_slice %squeeze3A_116 {offsets = [26, 0, 0], sizes = [1, 8, 1024], strides = [1, 1, 1]} : vector<32x8x1024xf32> to vector<1x8x1024xf32>
    %squeeze3A_192 = vector.shape_cast %slice3A_191 : vector<1x8x1024xf32> to vector<8x1024xf32>
    %add3A_193 = arith.addf %add3A_181, %squeeze3A_192 : vector<8x1024xf32>
    %slice3A_194 = vector.extract_strided_slice %squeeze3A_116 {offsets = [27, 0, 0], sizes = [1, 8, 1024], strides = [1, 1, 1]} : vector<32x8x1024xf32> to vector<1x8x1024xf32>
    %squeeze3A_195 = vector.shape_cast %slice3A_194 : vector<1x8x1024xf32> to vector<8x1024xf32>
    %add3A_196 = arith.addf %add3A_184, %squeeze3A_195 : vector<8x1024xf32>
    %slice3A_197 = vector.extract_strided_slice %squeeze3A_116 {offsets = [28, 0, 0], sizes = [1, 8, 1024], strides = [1, 1, 1]} : vector<32x8x1024xf32> to vector<1x8x1024xf32>
    %squeeze3A_198 = vector.shape_cast %slice3A_197 : vector<1x8x1024xf32> to vector<8x1024xf32>
    %add3A_199 = arith.addf %add3A_187, %squeeze3A_198 : vector<8x1024xf32>
    %slice3A_200 = vector.extract_strided_slice %squeeze3A_116 {offsets = [29, 0, 0], sizes = [1, 8, 1024], strides = [1, 1, 1]} : vector<32x8x1024xf32> to vector<1x8x1024xf32>
    %squeeze3A_201 = vector.shape_cast %slice3A_200 : vector<1x8x1024xf32> to vector<8x1024xf32>
    %add3A_202 = arith.addf %add3A_190, %squeeze3A_201 : vector<8x1024xf32>
    %slice3A_203 = vector.extract_strided_slice %squeeze3A_116 {offsets = [30, 0, 0], sizes = [1, 8, 1024], strides = [1, 1, 1]} : vector<32x8x1024xf32> to vector<1x8x1024xf32>
    %squeeze3A_204 = vector.shape_cast %slice3A_203 : vector<1x8x1024xf32> to vector<8x1024xf32>
    %add3A_205 = arith.addf %add3A_193, %squeeze3A_204 : vector<8x1024xf32>
    %slice3A_206 = vector.extract_strided_slice %squeeze3A_116 {offsets = [31, 0, 0], sizes = [1, 8, 1024], strides = [1, 1, 1]} : vector<32x8x1024xf32> to vector<1x8x1024xf32>
    %squeeze3A_207 = vector.shape_cast %slice3A_206 : vector<1x8x1024xf32> to vector<8x1024xf32>
    %add3A_208 = arith.addf %add3A_196, %squeeze3A_207 : vector<8x1024xf32>
    %add3A_209 = arith.addf %add3A_199, %add3A_202 : vector<8x1024xf32>
    %add3A_210 = arith.addf %add3A_205, %add3A_208 : vector<8x1024xf32>
    %add3A_211 = arith.addf %add3A_209, %add3A_210 : vector<8x1024xf32>
    %add3A_212 = arith.addf %get3A_114, %add3A_211 : vector<8x1024xf32>
    %swap3A_213 = arith.constant 1 : index
    %swap3A_214 = arith.constant 0 : index
    %swap3A_215 = arith.constant 0 : index
    %swap3A_216 = vector.load %arg5[%swap3A_213, %swap3A_214, %swap3A_215] : memref<4x8x1024xf32, #tpu.memory_space<vmem>>, vector<1x8x1024xf32>
    %swap3A_217 = vector.shape_cast %swap3A_216 : vector<1x8x1024xf32> to vector<8x1024xf32>
    %swap3A_218 = vector.shape_cast %add3A_212 : vector<8x1024xf32> to vector<1x8x1024xf32>
    tpu.vector_store %arg5[%swap3A_213, %swap3A_214, %swap3A_215], %swap3A_218 {strides = array<i32>} : memref<4x8x1024xf32, #tpu.memory_space<vmem>>, vector<1x8x1024xf32>,
    %get3A_219 = arith.constant 2 : index
    %get3A_220 = arith.constant 0 : index
    %get3A_221 = arith.constant 0 : index
    %get3A_222 = vector.load %arg5[%get3A_219, %get3A_220, %get3A_221] : memref<4x8x1024xf32, #tpu.memory_space<vmem>>, vector<1x8x1024xf32>
    %get3A_223 = vector.shape_cast %get3A_222 : vector<1x8x1024xf32> to vector<8x1024xf32>
    %slice3A_224 = vector.extract_strided_slice %reshape3A {offsets = [2, 0, 0, 0], sizes = [1, 32, 8, 1024], strides = [1, 1, 1, 1]} : vector<4x32x8x1024xf32> to vector<1x32x8x1024xf32>
    %squeeze3A_225 = vector.shape_cast %slice3A_224 : vector<1x32x8x1024xf32> to vector<32x8x1024xf32>
    %slice3A_226 = vector.extract_strided_slice %squeeze3A_225 {offsets = [0, 0, 0], sizes = [1, 8, 1024], strides = [1, 1, 1]} : vector<32x8x1024xf32> to vector<1x8x1024xf32>
    %squeeze3A_227 = vector.shape_cast %slice3A_226 : vector<1x8x1024xf32> to vector<8x1024xf32>
    %slice3A_228 = vector.extract_strided_slice %squeeze3A_225 {offsets = [1, 0, 0], sizes = [1, 8, 1024], strides = [1, 1, 1]} : vector<32x8x1024xf32> to vector<1x8x1024xf32>
    %squeeze3A_229 = vector.shape_cast %slice3A_228 : vector<1x8x1024xf32> to vector<8x1024xf32>
    %slice3A_230 = vector.extract_strided_slice %squeeze3A_225 {offsets = [2, 0, 0], sizes = [1, 8, 1024], strides = [1, 1, 1]} : vector<32x8x1024xf32> to vector<1x8x1024xf32>
    %squeeze3A_231 = vector.shape_cast %slice3A_230 : vector<1x8x1024xf32> to vector<8x1024xf32>
    %slice3A_232 = vector.extract_strided_slice %squeeze3A_225 {offsets = [3, 0, 0], sizes = [1, 8, 1024], strides = [1, 1, 1]} : vector<32x8x1024xf32> to vector<1x8x1024xf32>
    %squeeze3A_233 = vector.shape_cast %slice3A_232 : vector<1x8x1024xf32> to vector<8x1024xf32>
    %slice3A_234 = vector.extract_strided_slice %squeeze3A_225 {offsets = [4, 0, 0], sizes = [1, 8, 1024], strides = [1, 1, 1]} : vector<32x8x1024xf32> to vector<1x8x1024xf32>
    %squeeze3A_235 = vector.shape_cast %slice3A_234 : vector<1x8x1024xf32> to vector<8x1024xf32>
    %add3A_236 = arith.addf %squeeze3A_227, %squeeze3A_235 : vector<8x1024xf32>
    %slice3A_237 = vector.extract_strided_slice %squeeze3A_225 {offsets = [5, 0, 0], sizes = [1, 8, 1024], strides = [1, 1, 1]} : vector<32x8x1024xf32> to vector<1x8x1024xf32>
    %squeeze3A_238 = vector.shape_cast %slice3A_237 : vector<1x8x1024xf32> to vector<8x1024xf32>
    %add3A_239 = arith.addf %squeeze3A_229, %squeeze3A_238 : vector<8x1024xf32>
    %slice3A_240 = vector.extract_strided_slice %squeeze3A_225 {offsets = [6, 0, 0], sizes = [1, 8, 1024], strides = [1, 1, 1]} : vector<32x8x1024xf32> to vector<1x8x1024xf32>
    %squeeze3A_241 = vector.shape_cast %slice3A_240 : vector<1x8x1024xf32> to vector<8x1024xf32>
    %add3A_242 = arith.addf %squeeze3A_231, %squeeze3A_241 : vector<8x1024xf32>
    %slice3A_243 = vector.extract_strided_slice %squeeze3A_225 {offsets = [7, 0, 0], sizes = [1, 8, 1024], strides = [1, 1, 1]} : vector<32x8x1024xf32> to vector<1x8x1024xf32>
    %squeeze3A_244 = vector.shape_cast %slice3A_243 : vector<1x8x1024xf32> to vector<8x1024xf32>
    %add3A_245 = arith.addf %squeeze3A_233, %squeeze3A_244 : vector<8x1024xf32>
    %slice3A_246 = vector.extract_strided_slice %squeeze3A_225 {offsets = [8, 0, 0], sizes = [1, 8, 1024], strides = [1, 1, 1]} : vector<32x8x1024xf32> to vector<1x8x1024xf32>
    %squeeze3A_247 = vector.shape_cast %slice3A_246 : vector<1x8x1024xf32> to vector<8x1024xf32>
    %add3A_248 = arith.addf %add3A_236, %squeeze3A_247 : vector<8x1024xf32>
    %slice3A_249 = vector.extract_strided_slice %squeeze3A_225 {offsets = [9, 0, 0], sizes = [1, 8, 1024], strides = [1, 1, 1]} : vector<32x8x1024xf32> to vector<1x8x1024xf32>
    %squeeze3A_250 = vector.shape_cast %slice3A_249 : vector<1x8x1024xf32> to vector<8x1024xf32>
    %add3A_251 = arith.addf %add3A_239, %squeeze3A_250 : vector<8x1024xf32>
    %slice3A_252 = vector.extract_strided_slice %squeeze3A_225 {offsets = [10, 0, 0], sizes = [1, 8, 1024], strides = [1, 1, 1]} : vector<32x8x1024xf32> to vector<1x8x1024xf32>
    %squeeze3A_253 = vector.shape_cast %slice3A_252 : vector<1x8x1024xf32> to vector<8x1024xf32>
    %add3A_254 = arith.addf %add3A_242, %squeeze3A_253 : vector<8x1024xf32>
    %slice3A_255 = vector.extract_strided_slice %squeeze3A_225 {offsets = [11, 0, 0], sizes = [1, 8, 1024], strides = [1, 1, 1]} : vector<32x8x1024xf32> to vector<1x8x1024xf32>
    %squeeze3A_256 = vector.shape_cast %slice3A_255 : vector<1x8x1024xf32> to vector<8x1024xf32>
    %add3A_257 = arith.addf %add3A_245, %squeeze3A_256 : vector<8x1024xf32>
    %slice3A_258 = vector.extract_strided_slice %squeeze3A_225 {offsets = [12, 0, 0], sizes = [1, 8, 1024], strides = [1, 1, 1]} : vector<32x8x1024xf32> to vector<1x8x1024xf32>
    %squeeze3A_259 = vector.shape_cast %slice3A_258 : vector<1x8x1024xf32> to vector<8x1024xf32>
    %add3A_260 = arith.addf %add3A_248, %squeeze3A_259 : vector<8x1024xf32>
    %slice3A_261 = vector.extract_strided_slice %squeeze3A_225 {offsets = [13, 0, 0], sizes = [1, 8, 1024], strides = [1, 1, 1]} : vector<32x8x1024xf32> to vector<1x8x1024xf32>
    %squeeze3A_262 = vector.shape_cast %slice3A_261 : vector<1x8x1024xf32> to vector<8x1024xf32>
    %add3A_263 = arith.addf %add3A_251, %squeeze3A_262 : vector<8x1024xf32>
    %slice3A_264 = vector.extract_strided_slice %squeeze3A_225 {offsets = [14, 0, 0], sizes = [1, 8, 1024], strides = [1, 1, 1]} : vector<32x8x1024xf32> to vector<1x8x1024xf32>
    %squeeze3A_265 = vector.shape_cast %slice3A_264 : vector<1x8x1024xf32> to vector<8x1024xf32>
    %add3A_266 = arith.addf %add3A_254, %squeeze3A_265 : vector<8x1024xf32>
    %slice3A_267 = vector.extract_strided_slice %squeeze3A_225 {offsets = [15, 0, 0], sizes = [1, 8, 1024], strides = [1, 1, 1]} : vector<32x8x1024xf32> to vector<1x8x1024xf32>
    %squeeze3A_268 = vector.shape_cast %slice3A_267 : vector<1x8x1024xf32> to vector<8x1024xf32>
    %add3A_269 = arith.addf %add3A_257, %squeeze3A_268 : vector<8x1024xf32>
    %slice3A_270 = vector.extract_strided_slice %squeeze3A_225 {offsets = [16, 0, 0], sizes = [1, 8, 1024], strides = [1, 1, 1]} : vector<32x8x1024xf32> to vector<1x8x1024xf32>
    %squeeze3A_271 = vector.shape_cast %slice3A_270 : vector<1x8x1024xf32> to vector<8x1024xf32>
    %add3A_272 = arith.addf %add3A_260, %squeeze3A_271 : vector<8x1024xf32>
    %slice3A_273 = vector.extract_strided_slice %squeeze3A_225 {offsets = [17, 0, 0], sizes = [1, 8, 1024], strides = [1, 1, 1]} : vector<32x8x1024xf32> to vector<1x8x1024xf32>
    %squeeze3A_274 = vector.shape_cast %slice3A_273 : vector<1x8x1024xf32> to vector<8x1024xf32>
    %add3A_275 = arith.addf %add3A_263, %squeeze3A_274 : vector<8x1024xf32>
    %slice3A_276 = vector.extract_strided_slice %squeeze3A_225 {offsets = [18, 0, 0], sizes = [1, 8, 1024], strides = [1, 1, 1]} : vector<32x8x1024xf32> to vector<1x8x1024xf32>
    %squeeze3A_277 = vector.shape_cast %slice3A_276 : vector<1x8x1024xf32> to vector<8x1024xf32>
    %add3A_278 = arith.addf %add3A_266, %squeeze3A_277 : vector<8x1024xf32>
    %slice3A_279 = vector.extract_strided_slice %squeeze3A_225 {offsets = [19, 0, 0], sizes = [1, 8, 1024], strides = [1, 1, 1]} : vector<32x8x1024xf32> to vector<1x8x1024xf32>
    %squeeze3A_280 = vector.shape_cast %slice3A_279 : vector<1x8x1024xf32> to vector<8x1024xf32>
    %add3A_281 = arith.addf %add3A_269, %squeeze3A_280 : vector<8x1024xf32>
    %slice3A_282 = vector.extract_strided_slice %squeeze3A_225 {offsets = [20, 0, 0], sizes = [1, 8, 1024], strides = [1, 1, 1]} : vector<32x8x1024xf32> to vector<1x8x1024xf32>
    %squeeze3A_283 = vector.shape_cast %slice3A_282 : vector<1x8x1024xf32> to vector<8x1024xf32>
    %add3A_284 = arith.addf %add3A_272, %squeeze3A_283 : vector<8x1024xf32>
    %slice3A_285 = vector.extract_strided_slice %squeeze3A_225 {offsets = [21, 0, 0], sizes = [1, 8, 1024], strides = [1, 1, 1]} : vector<32x8x1024xf32> to vector<1x8x1024xf32>
    %squeeze3A_286 = vector.shape_cast %slice3A_285 : vector<1x8x1024xf32> to vector<8x1024xf32>
    %add3A_287 = arith.addf %add3A_275, %squeeze3A_286 : vector<8x1024xf32>
    %slice3A_288 = vector.extract_strided_slice %squeeze3A_225 {offsets = [22, 0, 0], sizes = [1, 8, 1024], strides = [1, 1, 1]} : vector<32x8x1024xf32> to vector<1x8x1024xf32>
    %squeeze3A_289 = vector.shape_cast %slice3A_288 : vector<1x8x1024xf32> to vector<8x1024xf32>
    %add3A_290 = arith.addf %add3A_278, %squeeze3A_289 : vector<8x1024xf32>
    %slice3A_291 = vector.extract_strided_slice %squeeze3A_225 {offsets = [23, 0, 0], sizes = [1, 8, 1024], strides = [1, 1, 1]} : vector<32x8x1024xf32> to vector<1x8x1024xf32>
    %squeeze3A_292 = vector.shape_cast %slice3A_291 : vector<1x8x1024xf32> to vector<8x1024xf32>
    %add3A_293 = arith.addf %add3A_281, %squeeze3A_292 : vector<8x1024xf32>
    %slice3A_294 = vector.extract_strided_slice %squeeze3A_225 {offsets = [24, 0, 0], sizes = [1, 8, 1024], strides = [1, 1, 1]} : vector<32x8x1024xf32> to vector<1x8x1024xf32>
    %squeeze3A_295 = vector.shape_cast %slice3A_294 : vector<1x8x1024xf32> to vector<8x1024xf32>
    %add3A_296 = arith.addf %add3A_284, %squeeze3A_295 : vector<8x1024xf32>
    %slice3A_297 = vector.extract_strided_slice %squeeze3A_225 {offsets = [25, 0, 0], sizes = [1, 8, 1024], strides = [1, 1, 1]} : vector<32x8x1024xf32> to vector<1x8x1024xf32>
    %squeeze3A_298 = vector.shape_cast %slice3A_297 : vector<1x8x1024xf32> to vector<8x1024xf32>
    %add3A_299 = arith.addf %add3A_287, %squeeze3A_298 : vector<8x1024xf32>
    %slice3A_300 = vector.extract_strided_slice %squeeze3A_225 {offsets = [26, 0, 0], sizes = [1, 8, 1024], strides = [1, 1, 1]} : vector<32x8x1024xf32> to vector<1x8x1024xf32>
    %squeeze3A_301 = vector.shape_cast %slice3A_300 : vector<1x8x1024xf32> to vector<8x1024xf32>
    %add3A_302 = arith.addf %add3A_290, %squeeze3A_301 : vector<8x1024xf32>
    %slice3A_303 = vector.extract_strided_slice %squeeze3A_225 {offsets = [27, 0, 0], sizes = [1, 8, 1024], strides = [1, 1, 1]} : vector<32x8x1024xf32> to vector<1x8x1024xf32>
    %squeeze3A_304 = vector.shape_cast %slice3A_303 : vector<1x8x1024xf32> to vector<8x1024xf32>
    %add3A_305 = arith.addf %add3A_293, %squeeze3A_304 : vector<8x1024xf32>
    %slice3A_306 = vector.extract_strided_slice %squeeze3A_225 {offsets = [28, 0, 0], sizes = [1, 8, 1024], strides = [1, 1, 1]} : vector<32x8x1024xf32> to vector<1x8x1024xf32>
    %squeeze3A_307 = vector.shape_cast %slice3A_306 : vector<1x8x1024xf32> to vector<8x1024xf32>
    %add3A_308 = arith.addf %add3A_296, %squeeze3A_307 : vector<8x1024xf32>
    %slice3A_309 = vector.extract_strided_slice %squeeze3A_225 {offsets = [29, 0, 0], sizes = [1, 8, 1024], strides = [1, 1, 1]} : vector<32x8x1024xf32> to vector<1x8x1024xf32>
    %squeeze3A_310 = vector.shape_cast %slice3A_309 : vector<1x8x1024xf32> to vector<8x1024xf32>
    %add3A_311 = arith.addf %add3A_299, %squeeze3A_310 : vector<8x1024xf32>
    %slice3A_312 = vector.extract_strided_slice %squeeze3A_225 {offsets = [30, 0, 0], sizes = [1, 8, 1024], strides = [1, 1, 1]} : vector<32x8x1024xf32> to vector<1x8x1024xf32>
    %squeeze3A_313 = vector.shape_cast %slice3A_312 : vector<1x8x1024xf32> to vector<8x1024xf32>
    %add3A_314 = arith.addf %add3A_302, %squeeze3A_313 : vector<8x1024xf32>
    %slice3A_315 = vector.extract_strided_slice %squeeze3A_225 {offsets = [31, 0, 0], sizes = [1, 8, 1024], strides = [1, 1, 1]} : vector<32x8x1024xf32> to vector<1x8x1024xf32>
    %squeeze3A_316 = vector.shape_cast %slice3A_315 : vector<1x8x1024xf32> to vector<8x1024xf32>
    %add3A_317 = arith.addf %add3A_305, %squeeze3A_316 : vector<8x1024xf32>
    %add3A_318 = arith.addf %add3A_308, %add3A_311 : vector<8x1024xf32>
    %add3A_319 = arith.addf %add3A_314, %add3A_317 : vector<8x1024xf32>
    %add3A_320 = arith.addf %add3A_318, %add3A_319 : vector<8x1024xf32>
    %add3A_321 = arith.addf %get3A_223, %add3A_320 : vector<8x1024xf32>
    %swap3A_322 = arith.constant 2 : index
    %swap3A_323 = arith.constant 0 : index
    %swap3A_324 = arith.constant 0 : index
    %swap3A_325 = vector.load %arg5[%swap3A_322, %swap3A_323, %swap3A_324] : memref<4x8x1024xf32, #tpu.memory_space<vmem>>, vector<1x8x1024xf32>
    %swap3A_326 = vector.shape_cast %swap3A_325 : vector<1x8x1024xf32> to vector<8x1024xf32>
    %swap3A_327 = vector.shape_cast %add3A_321 : vector<8x1024xf32> to vector<1x8x1024xf32>
    tpu.vector_store %arg5[%swap3A_322, %swap3A_323, %swap3A_324], %swap3A_327 {strides = array<i32>} : memref<4x8x1024xf32, #tpu.memory_space<vmem>>, vector<1x8x1024xf32>,
    %get3A_328 = arith.constant 3 : index
    %get3A_329 = arith.constant 0 : index
    %get3A_330 = arith.constant 0 : index
    %get3A_331 = vector.load %arg5[%get3A_328, %get3A_329, %get3A_330] : memref<4x8x1024xf32, #tpu.memory_space<vmem>>, vector<1x8x1024xf32>
    %get3A_332 = vector.shape_cast %get3A_331 : vector<1x8x1024xf32> to vector<8x1024xf32>
    %slice3A_333 = vector.extract_strided_slice %reshape3A {offsets = [3, 0, 0, 0], sizes = [1, 32, 8, 1024], strides = [1, 1, 1, 1]} : vector<4x32x8x1024xf32> to vector<1x32x8x1024xf32>
    %squeeze3A_334 = vector.shape_cast %slice3A_333 : vector<1x32x8x1024xf32> to vector<32x8x1024xf32>
    %slice3A_335 = vector.extract_strided_slice %squeeze3A_334 {offsets = [0, 0, 0], sizes = [1, 8, 1024], strides = [1, 1, 1]} : vector<32x8x1024xf32> to vector<1x8x1024xf32>
    %squeeze3A_336 = vector.shape_cast %slice3A_335 : vector<1x8x1024xf32> to vector<8x1024xf32>
    %slice3A_337 = vector.extract_strided_slice %squeeze3A_334 {offsets = [1, 0, 0], sizes = [1, 8, 1024], strides = [1, 1, 1]} : vector<32x8x1024xf32> to vector<1x8x1024xf32>
    %squeeze3A_338 = vector.shape_cast %slice3A_337 : vector<1x8x1024xf32> to vector<8x1024xf32>
    %slice3A_339 = vector.extract_strided_slice %squeeze3A_334 {offsets = [2, 0, 0], sizes = [1, 8, 1024], strides = [1, 1, 1]} : vector<32x8x1024xf32> to vector<1x8x1024xf32>
    %squeeze3A_340 = vector.shape_cast %slice3A_339 : vector<1x8x1024xf32> to vector<8x1024xf32>
    %slice3A_341 = vector.extract_strided_slice %squeeze3A_334 {offsets = [3, 0, 0], sizes = [1, 8, 1024], strides = [1, 1, 1]} : vector<32x8x1024xf32> to vector<1x8x1024xf32>
    %squeeze3A_342 = vector.shape_cast %slice3A_341 : vector<1x8x1024xf32> to vector<8x1024xf32>
    %slice3A_343 = vector.extract_strided_slice %squeeze3A_334 {offsets = [4, 0, 0], sizes = [1, 8, 1024], strides = [1, 1, 1]} : vector<32x8x1024xf32> to vector<1x8x1024xf32>
    %squeeze3A_344 = vector.shape_cast %slice3A_343 : vector<1x8x1024xf32> to vector<8x1024xf32>
    %add3A_345 = arith.addf %squeeze3A_336, %squeeze3A_344 : vector<8x1024xf32>
    %slice3A_346 = vector.extract_strided_slice %squeeze3A_334 {offsets = [5, 0, 0], sizes = [1, 8, 1024], strides = [1, 1, 1]} : vector<32x8x1024xf32> to vector<1x8x1024xf32>
    %squeeze3A_347 = vector.shape_cast %slice3A_346 : vector<1x8x1024xf32> to vector<8x1024xf32>
    %add3A_348 = arith.addf %squeeze3A_338, %squeeze3A_347 : vector<8x1024xf32>
    %slice3A_349 = vector.extract_strided_slice %squeeze3A_334 {offsets = [6, 0, 0], sizes = [1, 8, 1024], strides = [1, 1, 1]} : vector<32x8x1024xf32> to vector<1x8x1024xf32>
    %squeeze3A_350 = vector.shape_cast %slice3A_349 : vector<1x8x1024xf32> to vector<8x1024xf32>
    %add3A_351 = arith.addf %squeeze3A_340, %squeeze3A_350 : vector<8x1024xf32>
    %slice3A_352 = vector.extract_strided_slice %squeeze3A_334 {offsets = [7, 0, 0], sizes = [1, 8, 1024], strides = [1, 1, 1]} : vector<32x8x1024xf32> to vector<1x8x1024xf32>
    %squeeze3A_353 = vector.shape_cast %slice3A_352 : vector<1x8x1024xf32> to vector<8x1024xf32>
    %add3A_354 = arith.addf %squeeze3A_342, %squeeze3A_353 : vector<8x1024xf32>
    %slice3A_355 = vector.extract_strided_slice %squeeze3A_334 {offsets = [8, 0, 0], sizes = [1, 8, 1024], strides = [1, 1, 1]} : vector<32x8x1024xf32> to vector<1x8x1024xf32>
    %squeeze3A_356 = vector.shape_cast %slice3A_355 : vector<1x8x1024xf32> to vector<8x1024xf32>
    %add3A_357 = arith.addf %add3A_345, %squeeze3A_356 : vector<8x1024xf32>
    %slice3A_358 = vector.extract_strided_slice %squeeze3A_334 {offsets = [9, 0, 0], sizes = [1, 8, 1024], strides = [1, 1, 1]} : vector<32x8x1024xf32> to vector<1x8x1024xf32>
    %squeeze3A_359 = vector.shape_cast %slice3A_358 : vector<1x8x1024xf32> to vector<8x1024xf32>
    %add3A_360 = arith.addf %add3A_348, %squeeze3A_359 : vector<8x1024xf32>
    %slice3A_361 = vector.extract_strided_slice %squeeze3A_334 {offsets = [10, 0, 0], sizes = [1, 8, 1024], strides = [1, 1, 1]} : vector<32x8x1024xf32> to vector<1x8x1024xf32>
    %squeeze3A_362 = vector.shape_cast %slice3A_361 : vector<1x8x1024xf32> to vector<8x1024xf32>
    %add3A_363 = arith.addf %add3A_351, %squeeze3A_362 : vector<8x1024xf32>
    %slice3A_364 = vector.extract_strided_slice %squeeze3A_334 {offsets = [11, 0, 0], sizes = [1, 8, 1024], strides = [1, 1, 1]} : vector<32x8x1024xf32> to vector<1x8x1024xf32>
    %squeeze3A_365 = vector.shape_cast %slice3A_364 : vector<1x8x1024xf32> to vector<8x1024xf32>
    %add3A_366 = arith.addf %add3A_354, %squeeze3A_365 : vector<8x1024xf32>
    %slice3A_367 = vector.extract_strided_slice %squeeze3A_334 {offsets = [12, 0, 0], sizes = [1, 8, 1024], strides = [1, 1, 1]} : vector<32x8x1024xf32> to vector<1x8x1024xf32>
    %squeeze3A_368 = vector.shape_cast %slice3A_367 : vector<1x8x1024xf32> to vector<8x1024xf32>
    %add3A_369 = arith.addf %add3A_357, %squeeze3A_368 : vector<8x1024xf32>
    %slice3A_370 = vector.extract_strided_slice %squeeze3A_334 {offsets = [13, 0, 0], sizes = [1, 8, 1024], strides = [1, 1, 1]} : vector<32x8x1024xf32> to vector<1x8x1024xf32>
    %squeeze3A_371 = vector.shape_cast %slice3A_370 : vector<1x8x1024xf32> to vector<8x1024xf32>
    %add3A_372 = arith.addf %add3A_360, %squeeze3A_371 : vector<8x1024xf32>
    %slice3A_373 = vector.extract_strided_slice %squeeze3A_334 {offsets = [14, 0, 0], sizes = [1, 8, 1024], strides = [1, 1, 1]} : vector<32x8x1024xf32> to vector<1x8x1024xf32>
    %squeeze3A_374 = vector.shape_cast %slice3A_373 : vector<1x8x1024xf32> to vector<8x1024xf32>
    %add3A_375 = arith.addf %add3A_363, %squeeze3A_374 : vector<8x1024xf32>
    %slice3A_376 = vector.extract_strided_slice %squeeze3A_334 {offsets = [15, 0, 0], sizes = [1, 8, 1024], strides = [1, 1, 1]} : vector<32x8x1024xf32> to vector<1x8x1024xf32>
    %squeeze3A_377 = vector.shape_cast %slice3A_376 : vector<1x8x1024xf32> to vector<8x1024xf32>
    %add3A_378 = arith.addf %add3A_366, %squeeze3A_377 : vector<8x1024xf32>
    %slice3A_379 = vector.extract_strided_slice %squeeze3A_334 {offsets = [16, 0, 0], sizes = [1, 8, 1024], strides = [1, 1, 1]} : vector<32x8x1024xf32> to vector<1x8x1024xf32>
    %squeeze3A_380 = vector.shape_cast %slice3A_379 : vector<1x8x1024xf32> to vector<8x1024xf32>
    %add3A_381 = arith.addf %add3A_369, %squeeze3A_380 : vector<8x1024xf32>
    %slice3A_382 = vector.extract_strided_slice %squeeze3A_334 {offsets = [17, 0, 0], sizes = [1, 8, 1024], strides = [1, 1, 1]} : vector<32x8x1024xf32> to vector<1x8x1024xf32>
    %squeeze3A_383 = vector.shape_cast %slice3A_382 : vector<1x8x1024xf32> to vector<8x1024xf32>
    %add3A_384 = arith.addf %add3A_372, %squeeze3A_383 : vector<8x1024xf32>
    %slice3A_385 = vector.extract_strided_slice %squeeze3A_334 {offsets = [18, 0, 0], sizes = [1, 8, 1024], strides = [1, 1, 1]} : vector<32x8x1024xf32> to vector<1x8x1024xf32>
    %squeeze3A_386 = vector.shape_cast %slice3A_385 : vector<1x8x1024xf32> to vector<8x1024xf32>
    %add3A_387 = arith.addf %add3A_375, %squeeze3A_386 : vector<8x1024xf32>
    %slice3A_388 = vector.extract_strided_slice %squeeze3A_334 {offsets = [19, 0, 0], sizes = [1, 8, 1024], strides = [1, 1, 1]} : vector<32x8x1024xf32> to vector<1x8x1024xf32>
    %squeeze3A_389 = vector.shape_cast %slice3A_388 : vector<1x8x1024xf32> to vector<8x1024xf32>
    %add3A_390 = arith.addf %add3A_378, %squeeze3A_389 : vector<8x1024xf32>
    %slice3A_391 = vector.extract_strided_slice %squeeze3A_334 {offsets = [20, 0, 0], sizes = [1, 8, 1024], strides = [1, 1, 1]} : vector<32x8x1024xf32> to vector<1x8x1024xf32>
    %squeeze3A_392 = vector.shape_cast %slice3A_391 : vector<1x8x1024xf32> to vector<8x1024xf32>
    %add3A_393 = arith.addf %add3A_381, %squeeze3A_392 : vector<8x1024xf32>
    %slice3A_394 = vector.extract_strided_slice %squeeze3A_334 {offsets = [21, 0, 0], sizes = [1, 8, 1024], strides = [1, 1, 1]} : vector<32x8x1024xf32> to vector<1x8x1024xf32>
    %squeeze3A_395 = vector.shape_cast %slice3A_394 : vector<1x8x1024xf32> to vector<8x1024xf32>
    %add3A_396 = arith.addf %add3A_384, %squeeze3A_395 : vector<8x1024xf32>
    %slice3A_397 = vector.extract_strided_slice %squeeze3A_334 {offsets = [22, 0, 0], sizes = [1, 8, 1024], strides = [1, 1, 1]} : vector<32x8x1024xf32> to vector<1x8x1024xf32>
    %squeeze3A_398 = vector.shape_cast %slice3A_397 : vector<1x8x1024xf32> to vector<8x1024xf32>
    %add3A_399 = arith.addf %add3A_387, %squeeze3A_398 : vector<8x1024xf32>
    %slice3A_400 = vector.extract_strided_slice %squeeze3A_334 {offsets = [23, 0, 0], sizes = [1, 8, 1024], strides = [1, 1, 1]} : vector<32x8x1024xf32> to vector<1x8x1024xf32>
    %squeeze3A_401 = vector.shape_cast %slice3A_400 : vector<1x8x1024xf32> to vector<8x1024xf32>
    %add3A_402 = arith.addf %add3A_390, %squeeze3A_401 : vector<8x1024xf32>
    %slice3A_403 = vector.extract_strided_slice %squeeze3A_334 {offsets = [24, 0, 0], sizes = [1, 8, 1024], strides = [1, 1, 1]} : vector<32x8x1024xf32> to vector<1x8x1024xf32>
    %squeeze3A_404 = vector.shape_cast %slice3A_403 : vector<1x8x1024xf32> to vector<8x1024xf32>
    %add3A_405 = arith.addf %add3A_393, %squeeze3A_404 : vector<8x1024xf32>
    %slice3A_406 = vector.extract_strided_slice %squeeze3A_334 {offsets = [25, 0, 0], sizes = [1, 8, 1024], strides = [1, 1, 1]} : vector<32x8x1024xf32> to vector<1x8x1024xf32>
    %squeeze3A_407 = vector.shape_cast %slice3A_406 : vector<1x8x1024xf32> to vector<8x1024xf32>
    %add3A_408 = arith.addf %add3A_396, %squeeze3A_407 : vector<8x1024xf32>
    %slice3A_409 = vector.extract_strided_slice %squeeze3A_334 {offsets = [26, 0, 0], sizes = [1, 8, 1024], strides = [1, 1, 1]} : vector<32x8x1024xf32> to vector<1x8x1024xf32>
    %squeeze3A_410 = vector.shape_cast %slice3A_409 : vector<1x8x1024xf32> to vector<8x1024xf32>
    %add3A_411 = arith.addf %add3A_399, %squeeze3A_410 : vector<8x1024xf32>
    %slice3A_412 = vector.extract_strided_slice %squeeze3A_334 {offsets = [27, 0, 0], sizes = [1, 8, 1024], strides = [1, 1, 1]} : vector<32x8x1024xf32> to vector<1x8x1024xf32>
    %squeeze3A_413 = vector.shape_cast %slice3A_412 : vector<1x8x1024xf32> to vector<8x1024xf32>
    %add3A_414 = arith.addf %add3A_402, %squeeze3A_413 : vector<8x1024xf32>
    %slice3A_415 = vector.extract_strided_slice %squeeze3A_334 {offsets = [28, 0, 0], sizes = [1, 8, 1024], strides = [1, 1, 1]} : vector<32x8x1024xf32> to vector<1x8x1024xf32>
    %squeeze3A_416 = vector.shape_cast %slice3A_415 : vector<1x8x1024xf32> to vector<8x1024xf32>
    %add3A_417 = arith.addf %add3A_405, %squeeze3A_416 : vector<8x1024xf32>
    %slice3A_418 = vector.extract_strided_slice %squeeze3A_334 {offsets = [29, 0, 0], sizes = [1, 8, 1024], strides = [1, 1, 1]} : vector<32x8x1024xf32> to vector<1x8x1024xf32>
    %squeeze3A_419 = vector.shape_cast %slice3A_418 : vector<1x8x1024xf32> to vector<8x1024xf32>
    %add3A_420 = arith.addf %add3A_408, %squeeze3A_419 : vector<8x1024xf32>
    %slice3A_421 = vector.extract_strided_slice %squeeze3A_334 {offsets = [30, 0, 0], sizes = [1, 8, 1024], strides = [1, 1, 1]} : vector<32x8x1024xf32> to vector<1x8x1024xf32>
    %squeeze3A_422 = vector.shape_cast %slice3A_421 : vector<1x8x1024xf32> to vector<8x1024xf32>
    %add3A_423 = arith.addf %add3A_411, %squeeze3A_422 : vector<8x1024xf32>
    %slice3A_424 = vector.extract_strided_slice %squeeze3A_334 {offsets = [31, 0, 0], sizes = [1, 8, 1024], strides = [1, 1, 1]} : vector<32x8x1024xf32> to vector<1x8x1024xf32>
    %squeeze3A_425 = vector.shape_cast %slice3A_424 : vector<1x8x1024xf32> to vector<8x1024xf32>
    %add3A_426 = arith.addf %add3A_414, %squeeze3A_425 : vector<8x1024xf32>
    %add3A_427 = arith.addf %add3A_417, %add3A_420 : vector<8x1024xf32>
    %add3A_428 = arith.addf %add3A_423, %add3A_426 : vector<8x1024xf32>
    %add3A_429 = arith.addf %add3A_427, %add3A_428 : vector<8x1024xf32>
    %add3A_430 = arith.addf %get3A_332, %add3A_429 : vector<8x1024xf32>
    %swap3A_431 = arith.constant 3 : index
    %swap3A_432 = arith.constant 0 : index
    %swap3A_433 = arith.constant 0 : index
    %swap3A_434 = vector.load %arg5[%swap3A_431, %swap3A_432, %swap3A_433] : memref<4x8x1024xf32, #tpu.memory_space<vmem>>, vector<1x8x1024xf32>
    %swap3A_435 = vector.shape_cast %swap3A_434 : vector<1x8x1024xf32> to vector<8x1024xf32>
    %swap3A_436 = vector.shape_cast %add3A_430 : vector<8x1024xf32> to vector<1x8x1024xf32>
    tpu.vector_store %arg5[%swap3A_431, %swap3A_432, %swap3A_433], %swap3A_436 {strides = array<i32>} : memref<4x8x1024xf32, #tpu.memory_space<vmem>>, vector<1x8x1024xf32>,
    %eq3A_437 = arith.constant 7 : i32
    %eq3A_438 = arith.cmpi eq, %arg0, %eq3A_437 : i32
    %convert_element_type3A_439 = arith.extui %eq3A_438 : i1 to i32
    %cond3A_440 = arith.constant 0 : i32
    %cond3A_441 = arith.cmpi ne, %convert_element_type3A_439, %cond3A_440 : i32
    scf.if %cond3A_441 {
      %get3A_442 = arith.constant 0 : index
      %get3A_443 = arith.constant 0 : index
      %get3A_444 = arith.constant 0 : index
      %get3A_445 = vector.load %arg5[%get3A_442, %get3A_443, %get3A_444] : memref<4x8x1024xf32, #tpu.memory_space<vmem>>, vector<4x8x1024xf32>
      %reduce_sum3A = arith.constant dense<0.000000e+00> : vector<4x1024xf32>
      %reduce_sum3A_446 = vector.multi_reduction <add>, %get3A_445, %reduce_sum3A [1] : vector<4x8x1024xf32> to vector<4x1024xf32>
      %mul3A = arith.constant 4.8828125E-4 : f32
      %mul3A_447 = vector.broadcast %mul3A : f32 to vector<4x1024xf32>
      %mul3A_448 = arith.mulf %reduce_sum3A_446, %mul3A_447 : vector<4x1024xf32>
      %get3A_449 = arith.constant 0 : index
      %get3A_450 = arith.constant 0 : index
      %get3A_451 = vector.load %arg2[%get3A_449, %get3A_450] : memref<16x1024xf32, #tpu.memory_space<vmem>>, vector<16x1024xf32>
      %dot_general3A = arith.constant dense<0.000000e+00> : vector<4x16xf32>
      %dot_general3A_452 = tpu.matmul %mul3A_448, %get3A_451, %dot_general3A {dimension_numbers = #tpu.dot_dimension_numbers<[1], [1], [0], [0], [0, 0, 1, 0], [], []>, transpose_lhs_hint = false} : vector<4x1024xf32>, vector<16x1024xf32>, vector<4x16xf32> -> vector<4x16xf32>
      %get3A_453 = arith.constant 0 : index
      %get3A_454 = arith.constant 0 : index
      %get3A_455 = vector.load %arg3[%get3A_453, %get3A_454] : memref<1x16xf32, #tpu.memory_space<vmem>>, vector<1x16xf32>
      %add3A_456 = vector.broadcast %get3A_455 : vector<1x16xf32> to vector<4x16xf32>
      %add3A_457 = arith.addf %dot_general3A_452, %add3A_456 : vector<4x16xf32>
      %swap3A_458 = arith.constant 0 : index
      %swap3A_459 = arith.constant 0 : index
      %swap3A_460 = vector.load %arg4[%swap3A_458, %swap3A_459] : memref<4x16xf32, #tpu.memory_space<vmem>>, vector<4x16xf32>
      tpu.vector_store %arg4[%swap3A_458, %swap3A_459], %add3A_457 {strides = array<i32>} : memref<4x16xf32, #tpu.memory_space<vmem>>, vector<4x16xf32>,
    } else {
    }
    return
  }
  func.func @transform_0(%arg0: i32) -> (i32, i32, i32) {
    %c0_i32 = arith.constant 0 : i32
    %c0_i32_0 = arith.constant 0 : i32
    %c0_i32_1 = arith.constant 0 : i32
    return %c0_i32, %arg0, %c0_i32_0 : i32, i32, i32
  }
  func.func @transform_1(%arg0: i32) -> (i32, i32) {
    %c0_i32 = arith.constant 0 : i32
    %c0_i32_0 = arith.constant 0 : i32
    %c0_i32_1 = arith.constant 0 : i32
    return %c0_i32, %c0_i32_0 : i32, i32
  }
  func.func @transform_2(%arg0: i32) -> (i32, i32) {
    %c0_i32 = arith.constant 0 : i32
    %c0_i32_0 = arith.constant 0 : i32
    %c0_i32_1 = arith.constant 0 : i32
    return %c0_i32, %c0_i32_0 : i32, i32
  }
  func.func @transform_3(%arg0: i32) -> (i32, i32) {
    %c0_i32 = arith.constant 0 : i32
    %c0_i32_0 = arith.constant 0 : i32
    %c0_i32_1 = arith.constant 0 : i32
    return %c0_i32, %c0_i32_0 : i32, i32
  }
}

</mosaic_0001>

<sc_bundles>
// kernel: _run.4.cloned.1.call-start
scs
__scs_entry_jumppad:
0x0: {  	(pc) =	sbr.rel $0x88, $3  }
0x1: {  	(tag) =	ssettag $0x0;
	lr =	simm.s32 $0x1  }
0x2: {  	[smem:$0x3F9D] =	sst lr;
	_ =	strace $0xD0000000  }
0x3: {  	_ = 	snop  }
0x4: {  	_ = 	snop  }
0x5: {  	_ = 	snop  }
0x6: {  	_ = 	snop  }
0x7: {  	_ = 	snop  }
__scs_overlays_trampoline_lowered:
0x8: {  	[smem:$0x3FAC] =	sst s0  }
0x9: {  	[smem:$0x3FAD] =	sst s1  }
0xa: {  	[smem:$0x3FAE] =	sst s2  }
0xb: {  	[smem:$0x3FAF] =	sst s3  }
0xc: {  	[smem:$0x3FB0] =	sst s4  }
0xd: {  	[smem:$0x3FB1] =	sst s5  }
0xe: {  	[smem:$0x3FB2] =	sst s6  }
0xf: {  	[smem:$0x3FB3] =	sst s7  }
0x10: {  	[smem:$0x3FB4] =	sst s8  }
0x11: {  	[smem:$0x3FB5] =	sst s9;
	s0 =	simm.s32 @!p0 $0x0  }
0x12: {  	s1 =	sld [smem:$0x3F9B];
	s0 =	simm.s32 @p0 $0x1  }
0x13: {  	[smem:$0x3FB6] =	sst s0;
	s0 =	simm.s32 @!p1 $0x0  }
0x14: {  	s2 =	sld [smem:$0x3F9A];
	s0 =	simm.s32 @p1 $0x1  }
0x15: {  	[smem:$0x3FB7] =	sst s0;
	s0 =	simm.s32 @!p2 $0x0  }
0x16: {  	s3 =	sld [smem:$0x3FDB];
	s0 =	simm.s32 @p2 $0x1  }
0x17: {  	s4 =	simm.s32 $0x1BF5;
	[smem:$0x3FB9] =	sst s0  }
0x18: {  	s0 =	sld [smem:$0x3F9C];
	_ =	swait.ge [sflag:s4], $0x0  }
0x19: {  	s7 =	sld [smem:$0x3F9D]  }
0x1a: {  	s8 =	sadd.s32 $0xFFFFE003, lr  }
0x1b: {  	s9 =	sadd.s32 $0xFFFFFEF7, lr;
	s5 =	simm.s32 $0xFFFFFFFF;
	p2 =	slt.u32 s8, $0xFFFFF086  }
0x1c: {  	p1 =	slt.u32 s9, $0xF7A;
	s5 =	simm.s32 @!p2 $0x0  }
0x1d: {  	s5 =	simm.s32 @p1 $0x1;
	p0 =	seq.s32 s7, s2  }
0x1e: {  	s7 =	smul.u32 @!p0 $0xF7A, s2;
	p2 =	seq.s32 @!p0 s5, $0x0  }
0x1f: {  	s9 =	smul.u32 $0xF7A, s1;
	s8 =	simm.s32 @!p0 $0x1BF5;
	p2 =	por !p2, p0  }
0x20: {  	[sflag:s8] =	ssyncset.s32 @!p0 $0xFFFFF086;
	s6 =	sadd.s32 @!p0 s3, s7;
	s7 =	simm.s32 @!p0 $0x108  }
0x21: {  	s3 =	sadd.s32 s3, s9;
	s6 =	sadd.s32 @!p0 $0x88, s6;
	s7 =	simm.s32 @p2 $0x1082  }
0x22: {  	[simem:s7], [sflag:s8] =	dma.local @!p0 [hbm:s6], $0xF7A  }
0x23: {  	s9 =	sor.u32 $0xD0000000, s2;
	s6 =	simm.s32 $0x108;
	_ =	swait.ge @!p0 [sflag:s8], $0x0  }
0x24: {  	s3 =	sadd.s32 $0x88, s3;
	s6 =	simm.s32 @!p1 $0x1082;
	[sflag:s4] =	ssyncset.s32 $0xFFFFF086  }
0x25: {  	[simem:s6], [sflag:s4] =	dma.local [hbm:s3], $0xF7A  }
0x26: {  	[smem:$0x3F9D] =	sst s1;
	(tag) =	ssettag s2;
	_ =	strace s9  }
0x27: {  	s1 =	sld [smem:$0x3FAD]  }
0x28: {  	s2 =	sld [smem:$0x3FAE]  }
0x29: {  	s4 =	sld [smem:$0x3FB0]  }
0x2a: {  	p0 =	seq.s32 s5, $0x0;
	s5 =	sld [smem:$0x3FB1]  }
0x2b: {  	s6 =	sld [smem:$0x3FB2]  }
0x2c: {  	s7 =	sld [smem:$0x3FB3]  }
0x2d: {  	s3 =	simm.s32 $0x108;
	s8 =	sld [smem:$0x3FB4]  }
0x2e: {  	s3 =	simm.s32 @!p0 $0x1082;
	s9 =	sld [smem:$0x3FB5]  }
0x2f: {  	lr =	sadd.s32 s0, s3;
	s0 =	sld [smem:$0x3FAC]  }
0x30: {  	s3 =	sld [smem:$0x3FAF]  }
0x31: {  	[smem:$0x3FB8] =	sst s10  }
0x32: {  	s10 =	sld [smem:$0x3FB6];
	_ =	sdelay $0x3  }
0x33: {  	p0 =	seq.s32 s10, $0x1;
	s10 =	sld [smem:$0x3FB8];
	_ =	sdelay $0x3  }
0x34: {  	[smem:$0x3FB8] =	sst s10  }
0x35: {  	s10 =	sld [smem:$0x3FB7];
	_ =	sdelay $0x3  }
0x36: {  	p1 =	seq.s32 s10, $0x1;
	s10 =	sld [smem:$0x3FB8];
	_ =	sdelay $0x3  }
0x37: {  	[smem:$0x3FB8] =	sst s10  }
0x38: {  	s10 =	sld [smem:$0x3FB9]  }
0x39: {  	_ = 	snop;
	(pc) =	sbr.ind lr, $3  }
0x3a: {  	_ = 	snop  }
0x3b: {  	_ = 	snop  }
0x3c: {  	p2 =	seq.s32 s10, $0x1;
	s10 =	sld [smem:$0x3FB8]  }
0x3d: {  	_ =	shalt  }
0x3e: {  	_ =	shalt  }
0x3f: {  	_ =	shalt  }
0x40: {  	_ =	shalt  }
0x41: {  	_ =	shalt  }
0x42: {  	_ =	shalt  }
0x43: {  	_ =	shalt  }
0x44: {  	_ =	shalt  }
0x45: {  	_ =	shalt  }
0x46: {  	_ =	shalt  }
0x47: {  	_ =	shalt  }
0x48: {  	_ =	shalt  }
0x49: {  	_ =	shalt  }
0x4a: {  	_ =	shalt  }
0x4b: {  	_ =	shalt  }
0x4c: {  	_ =	shalt  }
0x4d: {  	_ =	shalt  }
0x4e: {  	_ =	shalt  }
0x4f: {  	_ =	shalt  }
0x50: {  	_ =	shalt  }
0x51: {  	_ =	shalt  }
0x52: {  	_ =	shalt  }
0x53: {  	_ =	shalt  }
0x54: {  	_ =	shalt  }
0x55: {  	_ =	shalt  }
0x56: {  	_ =	shalt  }
0x57: {  	_ =	shalt  }
0x58: {  	_ =	shalt  }
0x59: {  	_ =	shalt  }
0x5a: {  	_ =	shalt  }
0x5b: {  	_ =	shalt  }
0x5c: {  	_ =	shalt  }
0x5d: {  	_ =	shalt  }
0x5e: {  	_ =	shalt  }
0x5f: {  	_ =	shalt  }
0x60: {  	_ =	shalt  }
0x61: {  	_ =	shalt  }
0x62: {  	_ =	shalt  }
0x63: {  	_ =	shalt  }
0x64: {  	_ =	shalt  }
0x65: {  	_ =	shalt  }
0x66: {  	_ =	shalt  }
0x67: {  	_ =	shalt  }
0x68: {  	_ =	shalt  }
0x69: {  	_ =	shalt  }
0x6a: {  	_ =	shalt  }
0x6b: {  	_ =	shalt  }
0x6c: {  	_ =	shalt  }
0x6d: {  	_ =	shalt  }
0x6e: {  	_ =	shalt  }
0x6f: {  	_ =	shalt  }
0x70: {  	_ =	shalt  }
0x71: {  	_ =	shalt  }
0x72: {  	_ =	shalt  }
0x73: {  	_ =	shalt  }
0x74: {  	_ =	shalt  }
0x75: {  	_ =	shalt  }
0x76: {  	_ =	shalt  }
0x77: {  	_ =	shalt  }
0x78: {  	_ =	shalt  }
0x79: {  	_ =	shalt  }
0x7a: {  	_ =	shalt  }
0x7b: {  	_ =	shalt  }
0x7c: {  	_ =	shalt  }
0x7d: {  	_ =	shalt  }
0x7e: {  	_ =	shalt  }
0x7f: {  	_ =	shalt  }
0x80: {  	_ =	shalt  }
0x81: {  	_ =	shalt  }
0x82: {  	_ =	shalt  }
0x83: {  	_ =	shalt  }
0x84: {  	_ =	shalt  }
0x85: {  	_ =	shalt  }
0x86: {  	_ =	shalt  }
0x87: {  	_ =	shalt  }
.Lfunc_end0:
.L_simem_size_0:
called_computation_lowered:
.L_overlay_start_0:
0x88: {  	s2 =	sld [smem:$0x3FD9]  }
0x89: {  	s3 =	sld [smem:$0x3FFE];
	_ =	sdelay $0x1  }
0x8a: {  	s1 =	srdreg.scid  }
0x8b: {  	s0 =	sand.u32 $0x1, s1  }
0x8c: {  	s17 =	sshll.u32 s0, $0xA;
	s2 =	sadd.s32 s3, s2  }
0x8d: {  	s2 =	sadd.s32 s2, s17  }
0x8e: {  	[smem:$0x3FC4] =	sst s2  }
0x8f: {  	_ = 	snop  }
0x90: {  	s2 =	sld [smem:$0x3FD0];
	(tm) =	ssettm $0x1  }
0x91: {  	s18 =	sld [smem:$0x3FFB];
	_ =	sdelay $0x3  }
0x92: {  	_ =	strace s18  }
0x93: {  	s3 =	sld [smem:$0x3FFC];
	_ =	sdelay $0x3  }
0x94: {  	_ =	strace s3  }
0x95: {  	s3 =	sld [smem:$0x3FFD];
	_ =	sdelay $0x3  }
0x96: {  	_ =	strace s3  }
0x97: {  	_ =	strace $0x8FFFFFFF  }
0x98: {  	s19 =	sld [smem:$0x3FDB];
	_ =	sdelay $0x1  }
0x99: {  	s4 =	simm.s32 $_scs_section_size  }
0x9a: {  	s5 =	simm.s32 $_size__tile_overlayer_lowered;
	s6 =	simm.s32 $_tile_overlayer_lowered  }
0x9b: {  	s22 =	simm.s32 $0x1BFF;
	s21 =	sshll.u32 s6, $0x1;
	s3 =	sadd.s32 s4, s19  }
0x9c: {  	s7 =	simm.s32 $0x0;
	s20 =	sshll.u32 s5, $0x1;
	s5 =	sadd.s32 s21, s3  }
0x9d: {  	[timem:s7], [sflag:s22] =	dma.local [hbm:s5], s20  }
0x9e: {  	_ =	swait.ge [sflag:s22], s20  }
0x9f: {  	s4 =	ssub.s32 $0x0, s20;
	[sflag:s22] =	ssyncset.done $0x0  }
0xa0: {  	[sflag:s22] =	ssyncadd.s32 s4;
	_ =	sdelay $0x1  }
0xa1: {  	s23 =	simm.s32 $0x1B8B  }
0xa2: {  	_ =	swait.ge [sflag:s23], $0x1  }
0xa3: {  	[sflag:s23] =	ssyncset.done $0x0  }
0xa4: {  	s25 =	simm.s32 $0x1B8E;
	s24 =	sld [smem:$0x3FFE];
	[sflag:s23] =	ssyncadd.s32 $0xFFFFFFFF  }
0xa5: {  	s26 =	simm.s32 $execute0_lowered;
	[smem:$0x3FD2] =	sst s25  }
0xa6: {  	s5 =	sshll.u32 s26, $0x1;
	_ =	strace $0x80000046;
	[dreg:$0x1] =	wrdreg $0xFFFFFFFF  }
0xa7: {  	s28 =	simm.s32 $_size_execute0_lowered;
	s3 =	sadd.s32 s3, s5;
	[dreg:$0x0] =	wrdreg $0x0  }
0xa8: {  	s5 =	sshll.u32 s28, $0x1;
	[dreg:$0x2] =	wrdreg s3  }
0xa9: {  	[dreg:$0x3] =	wrdreg s5  }
0xaa: {  	[dreg:$0x4] =	wrdreg $0xC0  }
0xab: {  	_ =	task [dreg:s7], $0x5FFFF  }
0xac: {  	[dreg:$0x1] =	wrdreg $0xFFFFFFFF  }
0xad: {  	[dreg:$0x0] =	wrdreg $0x60  }
0xae: {  	[dreg:$0x2] =	wrdreg s24  }
0xaf: {  	[dreg:$0x3] =	wrdreg s2  }
0xb0: {  	[dreg:$0x4] =	wrdreg $0x9  }
0xb1: {  	_ =	task.clear_ibuf [dreg:s7], $0x5FFFF;
	_ =	strace $0x90000046  }
0xb2: {  	s29 =	simm.s32 $0x9;
	_ =	strace $0x80000048  }
0xb3: {  	_ =	swait.ge [sflag:s29], $0x1  }
0xb4: {  	[sflag:s29] =	ssyncadd.s32 $0xFFFFFFFF  }
0xb5: {  	_ =	strace $0x90000048  }
0xb6: {  	_ =	sfence  }
0xb7: {  	s30 =	sld [smem:$0x0];
	_ =	sdelay $0x2  }
0xb8: {  	s31 =	sshll.u32 s1, $0xD;
	s1 =	sshrl.u32 s1, $0x2  }
0xb9: {  	s3 =	sand.u32 $0x4000, s31;
	s1 =	sadd.s32 s1, s30  }
0xba: {  	s0 =	sor.u32 s3, s0;
	s1 =	sshll.u32 s1, $0x11  }
0xbb: {  	s0 =	sor.u32 s1, s0  }
0xbc: {  	s0 =	sadd.s32 $0x8F2B, s0  }
0xbd: {  	[sflag:s0] =	ssyncadd.remote.s32 $0x1  }
0xbe: {  	_ =	sfence.sel $0xFFFF  }
0xbf: {  	[dreg:$0x0] =	wrdreg $0xFFFFFFFF;
	(pc) =	sbr.abs _section_cstart, $3  }
0xc0: {  	[dreg:$0x1] =	wrdreg $0xFFFFFFFF  }
0xc1: {  	_ =	task.clear_ibuf [dreg:s7], $0x2FFFF;
	_ =	strace $0x9FFFFFFF  }
0xc2: {  	(tm) =	ssettm $0x7FFFFFFF  }
0xc3: {  	_ =	shalt  }
tec
execute0_lowered:
.L_overlay_start_1:
0x0: {  	(tag) =	ssettag $0x1  }
0x1: {  	s8 =	rddreg [dreg:$0x0]  }
0x2: {  	s1 =	srdreg.scid;
	s0 =	stileid.u32  }
0x3: {  	s13 =	rddreg [dreg:$0x1];
	s2 =	simm.s32 $0x0;
	s28 =	simm.s32 $0x1E80  }
0x4: {  	s29 =	simm.s32 $0x2680;
	s4 =	sand.u32 $0x1, s1;
	s1 =	rddreg [dreg:$0x2]  }
0x5: {  	s3 =	sshll.u32 s0, $0x1;
	[smem:$0x7FF] =	sst s2;
	s5 =	smul.u32 $0x34, s0  }
0x6: {  	s21 =	sshll.u32 s0, $0xB;
	p0 =	sgt.u32 s0, $0x7;
	s7 =	sor.u32 s4, s3  }
0x7: {  	_ =	strace $0x80000047;
	s3 =	sadd.s32 $0x5A00, s8;
	s9 =	ssub.s32 $0x2, s4  }
0x8: {  	s4 =	sadd.s32 $0xA00, s8;
	s10 =	sor.u32 $0x20, s7;
	s5 =	sshrl.u32 s5, $0x8  }
0x9: {  	v0 =	vimm.s32 $0xEFCDAB89;
	s11 =	sshrl.u32 s9, $0x1;
	s22 =	sshll.u32 s7, $0x7;
	s6 =	smul.u32 $0x1A, s10  }
0xa: {  	v3 =	vimm.s32 $0x67452301;
	v4 =	vimm.s32 $0xDCFE98BA;
	s24 =	sor.u32 $0x40, s7;
	s12 =	smul.u32 $0xFFFFFFF6, s5;
	s15 =	ssub.s32 s9, s11  }
0xb: {  	v5 =	vimm.s32 $0x54761032;
	v6 =	vimm.s32 $0xBA98FEDC;
	s5 =	sshll.u32 s5, $0x7;
	s11 =	sor.u32 s21, s22;
	s25 =	smul.u32 $0x67, s24  }
0xc: {  	v7 =	vimm.s32 $0x32107654;
	s26 =	sshll.u32 s24, $0xA;
	s21 =	simm.s32 $0x3280;
	s23 =	sand.u32 $0x6380, s11  }
0xd: {  	v8 =	vimm.s32 $0xFEDCBA98;
	v9 =	vimm.s32 $0x76543210;
	s11 =	sor.u32 s22, s26;
	s26 =	simm.s32 $0x1680;
	s14 =	sshrl.u32 s6, $0x8  }
0xe: {  	vm0 =	vmmov $0xffff;
	v2 =	vunpack.c.l.s4.s8 v0;
	v3 =	vunpack.c.l.s4.s8 v3;
	s20 =	sadd.s32 s7, s12;
	s7 =	sadd.s32 $0xC00, s8;
	s9 =	sshrl.u32 s23, $0x3  }
0xf: {  	v4 =	vunpack.c.l.s4.s8 v4;
	v5 =	vunpack.c.l.s4.s8 v5;
	v6 =	vunpack.c.l.s4.s8 v6;
	s17 =	sshrl.u32 s25, $0xA;
	s31 =	sand.u32 $0x12380, s11;
	s23 =	simm.s32 $0x4280  }
0x10: {  	v7 =	vunpack.c.l.s4.s8 v7;
	v8 =	vunpack.c.l.s4.s8 v8;
	v2 =	vunpack.c.0.s8.s32 v2;
	s25 =	simm.s32 $0xE80;
	s6 =	smul.u32 $0xFFFFFFF6, s14;
	s9 =	sadd.s32 s13, s9  }
0x11: {  	v3 =	vunpack.c.0.s8.s32 v3;
	v4 =	vunpack.c.0.s8.s32 v4;
	v5 =	vunpack.c.0.s8.s32 v5;
	s19 =	smul.u32 $0xFFFFFFF6, s17;
	s12 =	sshll.u32 s17, $0x7;
	s17 =	simm.s32 $0x1280  }
0x12: {  	v6 =	vunpack.c.0.s8.s32 v6;
	v7 =	vunpack.c.0.s8.s32 v7;
	v0 =	vmov s20;
	s20 =	simm.s32 $0x2A80;
	s16 =	sadd.s32 s10, s6;
	s10 =	sshll.u32 s10, $0xA  }
0x13: {  	v3 =	vcombine.low v3, v2;
	v4 =	vcombine.low v5, v4;
	v5 =	vunpack.c.l.s4.s8 v9;
	s6 =	sadd.s32 $0xB00, s8;
	s8 =	sadd.s32 $0xD00, s8;
	s10 =	sor.u32 s22, s10  }
.Ltmp0:
0x14: {  	v6 =	vcombine.low v7, v6;
	v7 =	vunpack.c.0.s8.s32 v8;
	v1 =	vmov s16;
	s16 =	sadd.s32 s24, s19;
	s19 =	simm.s32 $0x2280;
	(pc) =	sbr.rel .LBB2_1-.Ltmp0, $4  }
0x15: {  	v3 =	vand.u32 $0xF, v3;
	v4 =	vand.u32 $0xF, v4;
	v8 =	vunpack.c.0.s8.s32 v5;
	s22 =	simm.s32 $0x3A80;
	s24 =	simm.s32 $0x1;
	s18 =	sand.u32 $0xE380, s10  }
0x16: {  	v5 =	vand.u32 $0xF, v6;
	v7 =	vand.u32 $0xF, v7;
	v6 =	vlaneseq.u32;
	s10 =	sshll.u32 s14, $0x7;
	s14 =	sshrl.u32 s31, $0x3;
	s30 =	sshrl.u32 s18, $0x3  }
0x17: {  	v9 =	vshrl.u32 v6, $0x3;
	v10 =	vor.u32 $0x8, v6;
	v2 =	vmov s16;
	s16 =	simm.s32 $0xA80;
	s18 =	simm.s32 $0x1A80;
	s11 =	sadd.s32 s13, s30  }
0x18: {  	v7 =	vcombine.low v7, v8;
	v8 =	vand.u32 $0x7, v6;
	v9 =	vmul.u32 $0x8, v9;
	s13 =	sadd.s32 s13, s14;
	s14 =	smax.u32 s15, $0x1;
	s15 =	simm.s32 $0x2  }
.LBB2_3:
0x19: {  	s14 =	sadd.s32 $0xFFFFFFFF, s14  }
0x1a: {  	p1 =	sne.s32 s14, $0x0  }
.Ltmp1:
0x1b: {  	_ = 	snop;
	(pc) =	sbr.rel @!p1 .LBB2_4-.Ltmp1, $1  }
0x1c: {  	_ =	sdelay $0x3  }
.LBB2_1:
0x1d: {  	[tilespmem:s2], [sflag:$0x2] =	stream.linear.gather [hbm4b:s3+s2], $0x200, $0x38;
	[tilespmem:$0x4A80] =	vst v63  }
0x1e: {  	_ =	swait.ge [sflag:s15], $0x200  }
0x1f: {  	[sflag:s15] =	ssyncset.done $0x0  }
0x20: {  	[sflag:s15] =	ssyncadd.s32 $0xFFFFFE00  }
0x21: {  	v11 =	vld [tilespmem:$0x0];
	_ =	sdelay $0x4  }
0x22: {  	v11 =	vmul.f32 $1.442695020e+00, v11;
	_ =	sdelay $0x1  }
0x23: {  	(erf) = vpow2.f32 v11;
	_ =	sdelay $0x8  }
0x24: {  	v11 =	vpop (erf)  }
0x25: {  	v12 =	vperm.xlane v11, v3;
	_ =	sdelay $0x1  }
0x26: {  	v12 =	vadd.f32 v11, v12;
	_ =	sdelay $0x1  }
0x27: {  	v13 =	vperm.xlane v12, v4;
	_ =	sdelay $0x1  }
0x28: {  	v12 =	vadd.f32 v12, v13;
	_ =	sdelay $0x1  }
0x29: {  	v13 =	vperm.xlane v12, v5;
	_ =	sdelay $0x1  }
0x2a: {  	v33 =	vld [tilespmem:$0x80];
	v12 =	vadd.f32 v12, v13;
	_ =	sdelay $0x1  }
0x2b: {  	v14 =	vperm.xlane v12, v7;
	_ =	sdelay $0x1  }
0x2c: {  	v12 =	vadd.f32 v12, v14  }
0x2d: {  	v13 =	vmul.f32 $1.442695020e+00, v33  }
0x2e: {  	(erf) = vrcp.f32 v12  }
0x2f: {  	(erf) = vpow2.f32 v13;
	_ =	sdelay $0x7  }
0x30: {  	v12 =	vpop (erf)  }
0x31: {  	v13 =	vpop (erf)  }
0x32: {  	v34 =	vperm.xlane v13, v3;
	_ =	sdelay $0x1  }
0x33: {  	v14 =	vadd.f32 v13, v34;
	_ =	sdelay $0x1  }
0x34: {  	v15 =	vperm.xlane v14, v4;
	_ =	sdelay $0x1  }
0x35: {  	v14 =	vadd.f32 v14, v15;
	_ =	sdelay $0x1  }
0x36: {  	v15 =	vperm.xlane v14, v5;
	_ =	sdelay $0x1  }
0x37: {  	v35 =	vld [tilespmem:$0x100];
	v14 =	vadd.f32 v14, v15;
	_ =	sdelay $0x1  }
0x38: {  	v16 =	vperm.xlane v14, v7;
	_ =	sdelay $0x1  }
0x39: {  	v14 =	vadd.f32 v14, v16  }
0x3a: {  	v15 =	vmul.f32 $1.442695020e+00, v35  }
0x3b: {  	(erf) = vrcp.f32 v14  }
0x3c: {  	(erf) = vpow2.f32 v15;
	_ =	sdelay $0x7  }
0x3d: {  	v14 =	vpop (erf)  }
0x3e: {  	v15 =	vpop (erf)  }
0x3f: {  	v36 =	vperm.xlane v15, v3;
	_ =	sdelay $0x1  }
0x40: {  	v16 =	vadd.f32 v15, v36;
	_ =	sdelay $0x1  }
0x41: {  	v17 =	vperm.xlane v16, v4;
	_ =	sdelay $0x1  }
0x42: {  	v16 =	vadd.f32 v16, v17;
	_ =	sdelay $0x1  }
0x43: {  	v17 =	vperm.xlane v16, v5;
	_ =	sdelay $0x1  }
0x44: {  	v37 =	vld [tilespmem:$0x180];
	v16 =	vadd.f32 v16, v17;
	_ =	sdelay $0x1  }
0x45: {  	v18 =	vperm.xlane v16, v7;
	_ =	sdelay $0x1  }
0x46: {  	v12 =	vmul.f32 v12, v11;
	v11 =	vadd.f32 v16, v18  }
0x47: {  	v38 =	vmul.f32 $1.442695020e+00, v37  }
0x48: {  	(erf) = vrcp.f32 v11  }
0x49: {  	(erf) = vpow2.f32 v38  }
0x4a: {  	v39 =	vperm.xlane v12, v3;
	_ =	sdelay $0x1  }
0x4b: {  	v11 =	vmax.f32 v12, v39  }
0x4c: {  	v40 =	vperm.xlane v11, v4;
	_ =	sdelay $0x1  }
0x4d: {  	v11 =	vmax.f32 v11, v40  }
0x4e: {  	v16 =	vperm.xlane v11, v5  }
0x4f: {  	v41 =	vpop (erf)  }
0x50: {  	v11 =	vmax.f32 v11, v16;
	v43 =	vpop (erf)  }
0x51: {  	v42 =	vperm.xlane v11, v7;
	v44 =	vperm.xlane v43, v3;
	_ =	sdelay $0x1  }
0x52: {  	v11 =	vmax.f32 v11, v42;
	v17 =	vadd.f32 v43, v44  }
0x53: {  	vm1 =	veq.f32 v12, v11  }
0x54: {  	v19 =	vnsel vm1, $0x10, v6;
	v21 =	vperm.xlane v17, v4  }
0x55: {  	v13 =	vmul.f32 v14, v13;
	v20 =	vperm.xlane v19, v3  }
0x56: {  	v17 =	vadd.f32 v17, v21  }
0x57: {  	v46 =	vperm.xlane v13, v3;
	vm1 =	vlt.s32 v19, v20  }
0x58: {  	v45 =	vsel vm1, v19, v20;
	v21 =	vperm.xlane v17, v5  }
0x59: {  	v20 =	vmax.f32 v13, v46;
	v19 =	vperm.xlane v45, v4  }
0x5a: {  	v47 =	vperm.xlane v20, v4;
	v17 =	vadd.f32 v17, v21  }
0x5b: {  	vm1 =	vlt.s32 v45, v19  }
0x5c: {  	v14 =	vsel vm1, v45, v19;
	v19 =	vmax.f32 v20, v47;
	v49 =	vperm.xlane v17, v7  }
0x5d: {  	v22 =	vperm.xlane v19, v5  }
0x5e: {  	v48 =	vperm.xlane v14, v5;
	v17 =	vadd.f32 v17, v49  }
0x5f: {  	v19 =	vmax.f32 v19, v22  }
0x60: {  	vm1 =	vlt.s32 v14, v48;
	v51 =	vperm.xlane v19, v7;
	(erf) = vrcp.f32 v17  }
0x61: {  	v14 =	vsel vm1, v14, v48  }
0x62: {  	v50 =	vperm.xlane v14, v7;
	v17 =	vmax.f32 v19, v51  }
0x63: {  	vm2 =	veq.f32 v13, v17  }
0x64: {  	vm1 =	vlt.s32 v14, v50;
	v52 =	vnsel vm2, $0x10, v6  }
0x65: {  	v14 =	vsel vm1, v14, v50;
	v54 =	vperm.xlane v52, v3  }
0x66: {  	v15 =	vmul.f32 v41, v15;
	vm1 =	veq.s32 v14, v6  }
0x67: {  	v12 =	vsel vm1, $0xBF800000, v12;
	vm1 =	vlt.s32 v52, v54  }
0x68: {  	v56 =	vperm.xlane v15, v3;
	v19 =	vsel vm1, v52, v54  }
0x69: {  	v53 =	vperm.xlane v12, v3;
	v21 =	vperm.xlane v19, v4;
	v23 =	vpop (erf)  }
0x6a: {  	v22 =	vmax.f32 v15, v56;
	v18 =	vmul.f32 v23, v43  }
0x6b: {  	v57 =	vperm.xlane v22, v4;
	v20 =	vmax.f32 v12, v53;
	vm1 =	vlt.s32 v19, v21  }
0x6c: {  	v55 =	vperm.xlane v20, v4;
	v19 =	vsel vm1, v19, v21;
	v23 =	vperm.xlane v18, v3  }
0x6d: {  	v24 =	vperm.xlane v19, v5  }
0x6e: {  	v58 =	vmax.f32 v22, v57;
	v16 =	vmax.f32 v20, v55;
	v59 =	vmax.f32 v18, v23  }
0x6f: {  	v20 =	vperm.xlane v16, v5;
	vm1 =	vlt.s32 v19, v24;
	v23 =	vperm.xlane v59, v4  }
0x70: {  	v22 =	vperm.xlane v58, v5;
	v19 =	vsel vm1, v19, v24  }
0x71: {  	v16 =	vmax.f32 v16, v20;
	v24 =	vperm.xlane v19, v7;
	v21 =	vmax.f32 v59, v23  }
0x72: {  	v20 =	vmax.f32 v58, v22;
	v25 =	vperm.xlane v16, v7;
	v23 =	vperm.xlane v21, v5  }
0x73: {  	v22 =	vperm.xlane v20, v7;
	vm2 =	vlt.s32 v19, v24  }
0x74: {  	v16 =	vmax.f32 v16, v25;
	v60 =	vsel vm2, v19, v24;
	v62 =	vmax.f32 v21, v23  }
0x75: {  	v61 =	vmax.f32 v20, v22;
	vm2 =	veq.s32 v60, v6;
	v21 =	vperm.xlane v62, v7  }
0x76: {  	vm1 =	veq.f32 v12, v16;
	vm3 =	veq.f32 v15, v61;
	v13 =	vsel vm2, $0xBF800000, v13  }
0x77: {  	v30 =	vnsel vm3, $0x10, v6;
	v31 =	vperm.xlane v13, v3;
	v20 =	vmax.f32 v62, v21  }
0x78: {  	v63 =	vnsel vm1, $0x10, v6;
	v32 =	vperm.xlane v30, v3;
	vm1 =	veq.f32 v18, v20  }
0x79: {  	v24 =	vmax.f32 v13, v31;
	v26 =	vnsel vm1, $0x10, v6  }
0x7a: {  	vm2 =	vlt.s32 v30, v32;
	v27 =	vperm.xlane v24, v4;
	v34 =	vperm.xlane v26, v3  }
0x7b: {  	v33 =	vperm.xlane v63, v3;
	v23 =	vsel vm2, v30, v32  }
0x7c: {  	v28 =	vperm.xlane v23, v4;
	v24 =	vmax.f32 v24, v27;
	vm2 =	vlt.s32 v26, v34  }
0x7d: {  	vm1 =	vlt.s32 v63, v33;
	v27 =	vperm.xlane v24, v5;
	v25 =	vsel vm2, v26, v34  }
0x7e: {  	v21 =	vsel vm1, v63, v33;
	vm2 =	vlt.s32 v23, v28;
	v36 =	vperm.xlane v25, v4  }
0x7f: {  	v37 =	vperm.xlane v21, v4;
	v24 =	vmax.f32 v24, v27;
	v35 =	vsel vm2, v23, v28  }
0x80: {  	v39 =	vperm.xlane v24, v7;
	v38 =	vperm.xlane v35, v5;
	vm1 =	vlt.s32 v25, v36  }
0x81: {  	vm2 =	vlt.s32 v21, v37;
	v23 =	vsel vm1, v25, v36  }
0x82: {  	v24 =	vmax.f32 v24, v39;
	vm1 =	vlt.s32 v35, v38;
	v25 =	vperm.xlane v23, v5  }
0x83: {  	v21 =	vsel vm2, v21, v37;
	v22 =	vsel vm1, v35, v38;
	vm1 =	veq.f32 v13, v24  }
0x84: {  	v26 =	vperm.xlane v21, v5;
	v41 =	vnsel vm1, $0x10, v6;
	vm1 =	vlt.s32 v23, v25  }
0x85: {  	v40 =	vperm.xlane v22, v7;
	v42 =	vperm.xlane v41, v3;
	v23 =	vsel vm1, v23, v25  }
0x86: {  	vm1 =	vlt.s32 v21, v26;
	v43 =	vperm.xlane v23, v7  }
0x87: {  	vm2 =	vlt.s32 v22, v40;
	v21 =	vsel vm1, v21, v26;
	vm1 =	vlt.s32 v41, v42  }
0x88: {  	v13 =	vsel vm2, v22, v40;
	v44 =	vsel vm1, v41, v42;
	vm1 =	vlt.s32 v23, v43  }
0x89: {  	vm2 =	veq.s32 v13, v6;
	v22 =	vsel vm1, v23, v43  }
0x8a: {  	v15 =	vsel vm2, $0xBF800000, v15;
	vm1 =	veq.s32 v22, v6  }
0x8b: {  	v45 =	vperm.xlane v44, v4;
	v46 =	vperm.xlane v15, v3;
	v18 =	vsel vm1, $0xBF800000, v18  }
0x8c: {  	v49 =	vperm.xlane v18, v3  }
0x8d: {  	vm2 =	vlt.s32 v44, v45;
	v27 =	vmax.f32 v15, v46  }
0x8e: {  	[tilespmem:$0x200] =	vst v11;
	v25 =	vsel vm2, v44, v45;
	v48 =	vperm.xlane v27, v4;
	v50 =	vmax.f32 v18, v49  }
0x8f: {  	[tilespmem:$0x600] =	vst v14;
	v29 =	vperm.xlane v25, v5;
	v28 =	vperm.xlane v50, v4  }
0x90: {  	[tilespmem:$0x300] =	vst v17;
	v26 =	vmax.f32 v27, v48  }
0x91: {  	[tilespmem:$0x280] =	vst v16;
	vm2 =	vlt.s32 v25, v29;
	v11 =	vperm.xlane v26, v5;
	v53 =	vmax.f32 v50, v28  }
0x92: {  	[tilespmem:$0x400] =	vst v61;
	v47 =	vperm.xlane v21, v7;
	v51 =	vsel vm2, v25, v29;
	v55 =	vperm.xlane v53, v5  }
0x93: {  	[tilespmem:$0x700] =	vst v60;
	v52 =	vperm.xlane v51, v7;
	v11 =	vmax.f32 v26, v11  }
0x94: {  	[tilespmem:$0x500] =	vst v20;
	vm1 =	vlt.s32 v21, v47;
	v54 =	vperm.xlane v11, v7;
	v56 =	vmax.f32 v53, v55  }
0x95: {  	[tilespmem:$0x380] =	vst v24;
	v21 =	vsel vm1, v21, v47;
	vm1 =	vlt.s32 v51, v52;
	v57 =	vperm.xlane v56, v7  }
0x96: {  	[tilespmem:$0x680] =	vst v21;
	v14 =	vsel vm1, v51, v52;
	v11 =	vmax.f32 v11, v54  }
0x97: {  	[tilespmem:$0x780] =	vst v14;
	vm1 =	veq.f32 v15, v11;
	v12 =	vmax.f32 v56, v57  }
0x98: {  	[tilespmem:$0x480] =	vst v11;
	v58 =	vnsel vm1, $0x10, v6;
	vm1 =	veq.f32 v18, v12  }
0x99: {  	v59 =	vperm.xlane v58, v3;
	[tilespmem:$0x580] =	vst v12;
	v11 =	vnsel vm1, $0x10, v6  }
0x9a: {  	v62 =	vld [tilespmem:s5+$0x600];
	v60 =	vperm.xlane v11, v3  }
0x9b: {  	vm1 =	vlt.s32 v58, v59  }
0x9c: {  	v14 =	vsel vm1, v58, v59;
	vm1 =	vlt.s32 v11, v60  }
0x9d: {  	v61 =	vperm.xlane v14, v4;
	v11 =	vsel vm1, v11, v60  }
0x9e: {  	v63 =	vperm.xlane v11, v4  }
0x9f: {  	vm1 =	vlt.s32 v14, v61;
	v16 =	vmul.u32 $0xA, v62  }
0xa0: {  	v12 =	vsel vm1, v14, v61;
	vm1 =	vlt.s32 v11, v63  }
0xa1: {  	v20 =	vperm.xlane v12, v5;
	v21 =	vadd.s32 v0, v16;
	v11 =	vsel vm1, v11, v63  }
0xa2: {  	v24 =	vshll.u32 v21, $0x3;
	v14 =	vperm.xlane v11, v5  }
0xa3: {  	vm1 =	vlt.s32 v12, v20;
	v25 =	vand.u32 $0x7, v21;
	v17 =	vand.u32 $0xFFFFFFC0, v24  }
0xa4: {  	v12 =	vsel vm1, v12, v20;
	v26 =	vor.u32 v25, v17;
	vm1 =	vlt.s32 v11, v14  }
0xa5: {  	v23 =	vperm.xlane v12, v7;
	v18 =	vperm.xlane v26, v8;
	v11 =	vsel vm1, v11, v14  }
0xa6: {  	v27 =	vperm.xlane v11, v7  }
0xa7: {  	[tilespmem:$0x800] =	vst v13;
	vm1 =	vlt.s32 v12, v23;
	v28 =	vadd.s32 v9, v18  }
0xa8: {  	[tilespmem:$0x900] =	vst v22;
	v12 =	vsel vm1, v12, v23;
	vm1 =	vlt.s32 v11, v27  }
0xa9: {  	[tilespmem:$0x880] =	vst v12;
	v11 =	vsel vm1, v11, v27  }
0xaa: {  	[tilespmem:$0x980] =	vst v11  }
0xab: {  	v11 =	vld [tilespmem:s5+$0x200];
	[tilespmem:$0xA00] =	vst v21  }
0xac: {  	[tilespmem:s16], [sflag:$0x1] =	stream.indirect_vreg.gather [hbm4b:s4+s2], $0x80, v28, vm0, $0xb8;
	[tilespmem:$0x4A80] =	vst v63  }
0xad: {  	v29 =	vperm.xlane v26, v10  }
0xae: {  	[tilespmem:s17], [sflag:$0x1] =	stream.indirect_vreg.gather [hbm4b:s6+s2], $0x80, v28, vm0, $0xb8;
	[tilespmem:$0x4A80] =	vst v63  }
0xaf: {  	v13 =	vadd.s32 v9, v29  }
0xb0: {  	[tilespmem:s18], [sflag:$0x1] =	stream.indirect_vreg.gather [hbm4b:s7+s2], $0x80, v28, vm0, $0xb8;
	[tilespmem:$0x4A80] =	vst v63  }
0xb1: {  	_ = 	snop  }
0xb2: {  	[tilespmem:s19], [sflag:$0x1] =	stream.indirect_vreg.gather [hbm4b:s8+s2], $0x80, v28, vm0, $0xb8;
	[tilespmem:$0x4A80] =	vst v63  }
0xb3: {  	_ = 	snop  }
0xb4: {  	[tilespmem:s20], [sflag:$0x1] =	stream.indirect_vreg.gather [hbm4b:s4+s2], $0x80, v13, vm0, $0xb8;
	[tilespmem:$0x4A80] =	vst v63  }
0xb5: {  	_ = 	snop  }
0xb6: {  	[tilespmem:s21], [sflag:$0x1] =	stream.indirect_vreg.gather [hbm4b:s6+s2], $0x80, v13, vm0, $0xb8;
	[tilespmem:$0x4A80] =	vst v63  }
0xb7: {  	_ = 	snop  }
0xb8: {  	[tilespmem:s22], [sflag:$0x1] =	stream.indirect_vreg.gather [hbm4b:s7+s2], $0x80, v13, vm0, $0xb8;
	[tilespmem:$0x4A80] =	vst v63  }
0xb9: {  	_ = 	snop  }
0xba: {  	[tilespmem:s23], [sflag:$0x1] =	stream.indirect_vreg.gather [hbm4b:s8+s2], $0x80, v13, vm0, $0xb8;
	[tilespmem:$0x4A80] =	vst v63  }
0xbb: {  	_ =	swait.ge [sflag:s24], $0x4000  }
0xbc: {  	[sflag:s24] =	ssyncset.done $0x0  }
0xbd: {  	[sflag:s24] =	ssyncadd.s32 $0xFFFFC000  }
0xbe: {  	v30 =	vld [tilespmem:$0xA80]  }
0xbf: {  	v31 =	vld [tilespmem:$0xA90]  }
0xc0: {  	v32 =	vld [tilespmem:$0xAA0]  }
0xc1: {  	v33 =	vld [tilespmem:$0xAB0]  }
0xc2: {  	v34 =	vld [tilespmem:$0xAC0]  }
0xc3: {  	v35 =	vld [tilespmem:$0xAD0];
	v12 =	vmul.f32 v30, v11  }
0xc4: {  	v36 =	vld [tilespmem:$0xAE0];
	v13 =	vmul.f32 v31, v11  }
0xc5: {  	v38 =	vld [tilespmem:$0xAF0];
	v37 =	vmul.f32 v32, v11;
	[tilespmem:$0xA80] =	vst v12  }
0xc6: {  	v40 =	vld [tilespmem:$0xE80];
	v39 =	vmul.f32 v33, v11;
	[tilespmem:$0xA90] =	vst v13  }
0xc7: {  	v42 =	vld [tilespmem:$0xE90];
	v41 =	vmul.f32 v34, v11;
	[tilespmem:$0xAA0] =	vst v37  }
0xc8: {  	v44 =	vld [tilespmem:$0xEA0];
	v43 =	vmul.f32 v35, v11;
	[tilespmem:$0xAB0] =	vst v39  }
0xc9: {  	v46 =	vld [tilespmem:$0xEB0];
	v45 =	vmul.f32 v36, v11;
	[tilespmem:$0xAC0] =	vst v41  }
0xca: {  	v48 =	vld [tilespmem:$0xEC0];
	v47 =	vmul.f32 v38, v11;
	[tilespmem:$0xAD0] =	vst v43  }
0xcb: {  	v50 =	vld [tilespmem:$0xED0];
	v49 =	vmul.f32 v40, v11;
	[tilespmem:$0xAE0] =	vst v45  }
0xcc: {  	v52 =	vld [tilespmem:$0xEE0];
	v51 =	vmul.f32 v42, v11;
	[tilespmem:$0xAF0] =	vst v47  }
0xcd: {  	v54 =	vld [tilespmem:$0xEF0];
	v53 =	vmul.f32 v44, v11;
	[tilespmem:$0xE80] =	vst v49  }
0xce: {  	v56 =	vld [tilespmem:$0x1280];
	v55 =	vmul.f32 v46, v11;
	[tilespmem:$0xE90] =	vst v51  }
0xcf: {  	v58 =	vld [tilespmem:$0x1290];
	v57 =	vmul.f32 v48, v11;
	[tilespmem:$0xEA0] =	vst v53  }
0xd0: {  	v60 =	vld [tilespmem:$0x12A0];
	v59 =	vmul.f32 v50, v11;
	[tilespmem:$0xEB0] =	vst v55  }
0xd1: {  	v62 =	vld [tilespmem:$0x12B0];
	v61 =	vmul.f32 v52, v11;
	[tilespmem:$0xEC0] =	vst v57  }
0xd2: {  	v21 =	vld [tilespmem:$0x12C0];
	v63 =	vmul.f32 v54, v11;
	[tilespmem:$0xED0] =	vst v59  }
0xd3: {  	v23 =	vld [tilespmem:$0x12D0];
	v22 =	vmul.f32 v56, v11;
	[tilespmem:$0xEE0] =	vst v61  }
0xd4: {  	v25 =	vld [tilespmem:$0x12E0];
	v24 =	vmul.f32 v58, v11;
	[tilespmem:$0xEF0] =	vst v63  }
0xd5: {  	v27 =	vld [tilespmem:$0x12F0];
	v26 =	vmul.f32 v60, v11;
	[tilespmem:$0x1280] =	vst v22  }
0xd6: {  	v29 =	vld [tilespmem:$0x1680];
	v28 =	vmul.f32 v62, v11;
	[tilespmem:$0x1290] =	vst v24  }
0xd7: {  	v30 =	vmul.f32 v21, v11;
	v31 =	vld [tilespmem:$0x1690];
	[tilespmem:$0x12A0] =	vst v26  }
0xd8: {  	v32 =	vmul.f32 v23, v11;
	v33 =	vld [tilespmem:$0x16A0];
	[tilespmem:$0x12B0] =	vst v28  }
0xd9: {  	v34 =	vmul.f32 v25, v11;
	v35 =	vld [tilespmem:$0x16B0];
	[tilespmem:$0x12C0] =	vst v30  }
0xda: {  	v36 =	vmul.f32 v27, v11;
	v21 =	vld [tilespmem:$0x1EA0];
	[tilespmem:$0x12D0] =	vst v32  }
0xdb: {  	v38 =	vmul.f32 v29, v11;
	v23 =	vld [tilespmem:$0x1EB0];
	[tilespmem:$0x12E0] =	vst v34  }
0xdc: {  	v25 =	vld [tilespmem:$0x1EC0];
	[tilespmem:$0x12F0] =	vst v36;
	v40 =	vmul.f32 v31, v11  }
0xdd: {  	v27 =	vld [tilespmem:$0x1ED0];
	[tilespmem:$0x1680] =	vst v38;
	v42 =	vmul.f32 v33, v11  }
0xde: {  	v29 =	vld [tilespmem:$0x1EE0];
	v44 =	vmul.f32 v35, v11;
	[tilespmem:$0x1690] =	vst v40  }
0xdf: {  	v37 =	vld [tilespmem:$0x16C0];
	v30 =	vmul.f32 v21, v11;
	[tilespmem:$0x16A0] =	vst v42  }
0xe0: {  	v39 =	vld [tilespmem:$0x16D0];
	v32 =	vmul.f32 v23, v11;
	[tilespmem:$0x16B0] =	vst v44  }
0xe1: {  	v41 =	vld [tilespmem:$0x16E0];
	v34 =	vmul.f32 v25, v11;
	[tilespmem:$0x1EA0] =	vst v30  }
0xe2: {  	v43 =	vld [tilespmem:$0x16F0];
	v36 =	vmul.f32 v27, v11;
	[tilespmem:$0x1EB0] =	vst v32  }
0xe3: {  	v45 =	vld [tilespmem:$0x1A80];
	v38 =	vmul.f32 v29, v11;
	[tilespmem:$0x1EC0] =	vst v34  }
0xe4: {  	v47 =	vld [tilespmem:$0x1A90];
	v46 =	vmul.f32 v37, v11;
	[tilespmem:$0x1ED0] =	vst v36  }
0xe5: {  	v49 =	vld [tilespmem:$0x1AA0];
	v48 =	vmul.f32 v39, v11;
	[tilespmem:$0x1EE0] =	vst v38  }
0xe6: {  	v51 =	vld [tilespmem:$0x1AB0];
	v50 =	vmul.f32 v41, v11;
	[tilespmem:$0x16C0] =	vst v46  }
0xe7: {  	v53 =	vld [tilespmem:$0x1AC0];
	v52 =	vmul.f32 v43, v11;
	[tilespmem:$0x16D0] =	vst v48  }
0xe8: {  	v55 =	vld [tilespmem:$0x1AD0];
	v54 =	vmul.f32 v45, v11;
	[tilespmem:$0x16E0] =	vst v50  }
0xe9: {  	v57 =	vld [tilespmem:$0x1AE0];
	v56 =	vmul.f32 v47, v11;
	[tilespmem:$0x16F0] =	vst v52  }
0xea: {  	v59 =	vld [tilespmem:$0x1AF0];
	v58 =	vmul.f32 v49, v11;
	[tilespmem:$0x1A80] =	vst v54  }
0xeb: {  	v61 =	vld [tilespmem:$0x1E80];
	v60 =	vmul.f32 v51, v11;
	[tilespmem:$0x1A90] =	vst v56  }
0xec: {  	v63 =	vld [tilespmem:$0x1E90];
	v62 =	vmul.f32 v53, v11;
	[tilespmem:$0x1AA0] =	vst v58  }
0xed: {  	v31 =	vld [tilespmem:$0x1EF0];
	v20 =	vmul.f32 v55, v11;
	[tilespmem:$0x1AB0] =	vst v60  }
0xee: {  	v33 =	vld [tilespmem:$0x2280];
	v22 =	vmul.f32 v57, v11;
	[tilespmem:$0x1AC0] =	vst v62  }
0xef: {  	v35 =	vld [tilespmem:$0x2290];
	v24 =	vmul.f32 v59, v11;
	[tilespmem:$0x1AD0] =	vst v20  }
0xf0: {  	v26 =	vmul.f32 v61, v11;
	v37 =	vld [tilespmem:$0x22A0];
	[tilespmem:$0x1AE0] =	vst v22  }
0xf1: {  	v28 =	vmul.f32 v63, v11;
	v39 =	vld [tilespmem:$0x22B0];
	[tilespmem:$0x1AF0] =	vst v24  }
0xf2: {  	v41 =	vld [tilespmem:$0x22C0];
	[tilespmem:$0x1E80] =	vst v26;
	v40 =	vmul.f32 v31, v11  }
0xf3: {  	v43 =	vld [tilespmem:$0x22D0];
	[tilespmem:$0x1E90] =	vst v28;
	v42 =	vmul.f32 v33, v11  }
0xf4: {  	v45 =	vld [tilespmem:$0x22E0];
	v44 =	vmul.f32 v35, v11;
	[tilespmem:$0x1EF0] =	vst v40  }
0xf5: {  	v47 =	vld [tilespmem:$0x22F0];
	[tilespmem:$0x2280] =	vst v42;
	v46 =	vmul.f32 v37, v11  }
0xf6: {  	v49 =	vld [tilespmem:$0x2680];
	[tilespmem:$0x2290] =	vst v44;
	v48 =	vmul.f32 v39, v11  }
0xf7: {  	v51 =	vld [tilespmem:$0x2690];
	v50 =	vmul.f32 v41, v11;
	[tilespmem:$0x22A0] =	vst v46  }
0xf8: {  	v53 =	vld [tilespmem:$0x26A0];
	v52 =	vmul.f32 v43, v11;
	[tilespmem:$0x22B0] =	vst v48  }
0xf9: {  	v55 =	vld [tilespmem:$0x26B0];
	v54 =	vmul.f32 v45, v11;
	[tilespmem:$0x22C0] =	vst v50  }
0xfa: {  	v57 =	vld [tilespmem:$0x26C0];
	v56 =	vmul.f32 v47, v11;
	[tilespmem:$0x22D0] =	vst v52  }
0xfb: {  	v59 =	vld [tilespmem:$0x26D0];
	v58 =	vmul.f32 v49, v11;
	[tilespmem:$0x22E0] =	vst v54  }
0xfc: {  	v61 =	vld [tilespmem:$0x26E0];
	v60 =	vmul.f32 v51, v11;
	[tilespmem:$0x22F0] =	vst v56  }
0xfd: {  	v63 =	vld [tilespmem:$0x26F0];
	v62 =	vmul.f32 v53, v11;
	[tilespmem:$0x2680] =	vst v58  }
0xfe: {  	v19 =	vmul.f32 v55, v11;
	[tilespmem:$0x2690] =	vst v60  }
0xff: {  	v20 =	vmul.f32 v57, v11;
	[tilespmem:$0x26A0] =	vst v62  }
0x100: {  	v21 =	vmul.f32 v59, v11;
	[tilespmem:$0x26B0] =	vst v19  }
0x101: {  	v22 =	vmul.f32 v61, v11;
	[tilespmem:$0x26C0] =	vst v20  }
0x102: {  	v11 =	vmul.f32 v63, v11;
	[tilespmem:$0x26D0] =	vst v21  }
0x103: {  	[tilespmem:$0x26E0] =	vst v22  }
0x104: {  	[tilespmem:$0x26F0] =	vst v11  }
0x105: {  	[hbm4b:s9+s2] =	stream.linear.scatter [tilespmem:s16], [sflag:$0x2], $0x80, $0x38;
	[tilespmem:$0x4A80] =	vst v63  }
0x106: {  	s30 =	sadd.s32 $0x80, s9  }
0x107: {  	[hbm4b:s30+s2] =	stream.linear.scatter [tilespmem:s25], [sflag:$0x2], $0x80, $0x38;
	[tilespmem:$0x4A80] =	vst v63  }
0x108: {  	s31 =	sadd.s32 $0x100, s9  }
0x109: {  	[hbm4b:s31+s2] =	stream.linear.scatter [tilespmem:s17], [sflag:$0x2], $0x80, $0x38;
	[tilespmem:$0x4A80] =	vst v63  }
0x10a: {  	s31 =	sadd.s32 $0x180, s9  }
0x10b: {  	[hbm4b:s31+s2] =	stream.linear.scatter [tilespmem:s26], [sflag:$0x2], $0x80, $0x38;
	[tilespmem:$0x4A80] =	vst v63  }
0x10c: {  	s31 =	sadd.s32 $0x200, s9  }
0x10d: {  	[hbm4b:s31+s2] =	stream.linear.scatter [tilespmem:s18], [sflag:$0x2], $0x80, $0x38;
	[tilespmem:$0x4A80] =	vst v63  }
0x10e: {  	s31 =	sadd.s32 $0x280, s9  }
0x10f: {  	[hbm4b:s31+s2] =	stream.linear.scatter [tilespmem:s28], [sflag:$0x2], $0x80, $0x38;
	[tilespmem:$0x4A80] =	vst v63  }
0x110: {  	s31 =	sadd.s32 $0x300, s9  }
0x111: {  	[hbm4b:s31+s2] =	stream.linear.scatter [tilespmem:s19], [sflag:$0x2], $0x80, $0x38;
	[tilespmem:$0x4A80] =	vst v63  }
0x112: {  	s31 =	sadd.s32 $0x380, s9  }
0x113: {  	[hbm4b:s31+s2] =	stream.linear.scatter [tilespmem:s29], [sflag:$0x2], $0x80, $0x38;
	[tilespmem:$0x4A80] =	vst v63  }
0x114: {  	_ =	swait.ge [sflag:s15], $0x400  }
0x115: {  	[sflag:s15] =	ssyncset.done $0x0  }
0x116: {  	[sflag:s15] =	ssyncadd.s32 $0xFFFFFC00  }
0x117: {  	v11 =	vld [tilespmem:s10+$0x600];
	_ =	sdelay $0x4  }
0x118: {  	v11 =	vmul.u32 $0xA, v11;
	_ =	sdelay $0x1  }
0x119: {  	v23 =	vadd.s32 v1, v11  }
0x11a: {  	v11 =	vshll.u32 v23, $0x3  }
0x11b: {  	v24 =	vand.u32 $0x7, v23;
	v11 =	vand.u32 $0xFFFFFFC0, v11  }
0x11c: {  	v13 =	vor.u32 v24, v11  }
0x11d: {  	v11 =	vperm.xlane v13, v8;
	_ =	sdelay $0x1  }
0x11e: {  	v25 =	vadd.s32 v9, v11;
	_ =	sdelay $0x3  }
0x11f: {  	v11 =	vld [tilespmem:s10+$0x200];
	[tilespmem:$0xA00] =	vst v23  }
0x120: {  	[tilespmem:s16], [sflag:$0x1] =	stream.indirect_vreg.gather [hbm4b:s4+s2], $0x80, v25, vm0, $0xb8;
	[tilespmem:$0x4A80] =	vst v63  }
0x121: {  	v26 =	vperm.xlane v13, v10  }
0x122: {  	[tilespmem:s17], [sflag:$0x1] =	stream.indirect_vreg.gather [hbm4b:s6+s2], $0x80, v25, vm0, $0xb8;
	[tilespmem:$0x4A80] =	vst v63  }
0x123: {  	v12 =	vadd.s32 v9, v26  }
0x124: {  	[tilespmem:s18], [sflag:$0x1] =	stream.indirect_vreg.gather [hbm4b:s7+s2], $0x80, v25, vm0, $0xb8;
	[tilespmem:$0x4A80] =	vst v63  }
0x125: {  	_ = 	snop  }
0x126: {  	[tilespmem:s19], [sflag:$0x1] =	stream.indirect_vreg.gather [hbm4b:s8+s2], $0x80, v25, vm0, $0xb8;
	[tilespmem:$0x4A80] =	vst v63  }
0x127: {  	_ = 	snop  }
0x128: {  	[tilespmem:s20], [sflag:$0x1] =	stream.indirect_vreg.gather [hbm4b:s4+s2], $0x80, v12, vm0, $0xb8;
	[tilespmem:$0x4A80] =	vst v63  }
0x129: {  	_ = 	snop  }
0x12a: {  	[tilespmem:s21], [sflag:$0x1] =	stream.indirect_vreg.gather [hbm4b:s6+s2], $0x80, v12, vm0, $0xb8;
	[tilespmem:$0x4A80] =	vst v63  }
0x12b: {  	_ = 	snop  }
0x12c: {  	[tilespmem:s22], [sflag:$0x1] =	stream.indirect_vreg.gather [hbm4b:s7+s2], $0x80, v12, vm0, $0xb8;
	[tilespmem:$0x4A80] =	vst v63  }
0x12d: {  	_ = 	snop  }
0x12e: {  	[tilespmem:s23], [sflag:$0x1] =	stream.indirect_vreg.gather [hbm4b:s8+s2], $0x80, v12, vm0, $0xb8;
	[tilespmem:$0x4A80] =	vst v63  }
0x12f: {  	_ =	swait.ge [sflag:s24], $0x4000  }
0x130: {  	[sflag:s24] =	ssyncset.done $0x0  }
0x131: {  	[sflag:s24] =	ssyncadd.s32 $0xFFFFC000  }
0x132: {  	v27 =	vld [tilespmem:$0xA80]  }
0x133: {  	v28 =	vld [tilespmem:$0xA90]  }
0x134: {  	v29 =	vld [tilespmem:$0xAA0]  }
0x135: {  	v30 =	vld [tilespmem:$0xAB0]  }
0x136: {  	v31 =	vld [tilespmem:$0xAC0]  }
0x137: {  	v32 =	vld [tilespmem:$0xAD0];
	v12 =	vmul.f32 v27, v11  }
0x138: {  	v33 =	vld [tilespmem:$0xAE0];
	v13 =	vmul.f32 v28, v11  }
0x139: {  	v35 =	vld [tilespmem:$0xAF0];
	v34 =	vmul.f32 v29, v11;
	[tilespmem:$0xA80] =	vst v12  }
0x13a: {  	v37 =	vld [tilespmem:$0xE80];
	v36 =	vmul.f32 v30, v11;
	[tilespmem:$0xA90] =	vst v13  }
0x13b: {  	v39 =	vld [tilespmem:$0xE90];
	v38 =	vmul.f32 v31, v11;
	[tilespmem:$0xAA0] =	vst v34  }
0x13c: {  	v41 =	vld [tilespmem:$0xEA0];
	v40 =	vmul.f32 v32, v11;
	[tilespmem:$0xAB0] =	vst v36  }
0x13d: {  	v43 =	vld [tilespmem:$0xEB0];
	v42 =	vmul.f32 v33, v11;
	[tilespmem:$0xAC0] =	vst v38  }
0x13e: {  	v45 =	vld [tilespmem:$0xEC0];
	v44 =	vmul.f32 v35, v11;
	[tilespmem:$0xAD0] =	vst v40  }
0x13f: {  	v47 =	vld [tilespmem:$0xED0];
	v46 =	vmul.f32 v37, v11;
	[tilespmem:$0xAE0] =	vst v42  }
0x140: {  	v49 =	vld [tilespmem:$0xEE0];
	v48 =	vmul.f32 v39, v11;
	[tilespmem:$0xAF0] =	vst v44  }
0x141: {  	v51 =	vld [tilespmem:$0xEF0];
	v50 =	vmul.f32 v41, v11;
	[tilespmem:$0xE80] =	vst v46  }
0x142: {  	v53 =	vld [tilespmem:$0x1280];
	v52 =	vmul.f32 v43, v11;
	[tilespmem:$0xE90] =	vst v48  }
0x143: {  	v55 =	vld [tilespmem:$0x1290];
	v54 =	vmul.f32 v45, v11;
	[tilespmem:$0xEA0] =	vst v50  }
0x144: {  	v57 =	vld [tilespmem:$0x12A0];
	v56 =	vmul.f32 v47, v11;
	[tilespmem:$0xEB0] =	vst v52  }
0x145: {  	v59 =	vld [tilespmem:$0x12B0];
	v58 =	vmul.f32 v49, v11;
	[tilespmem:$0xEC0] =	vst v54  }
0x146: {  	v61 =	vld [tilespmem:$0x12C0];
	v60 =	vmul.f32 v51, v11;
	[tilespmem:$0xED0] =	vst v56  }
0x147: {  	v63 =	vld [tilespmem:$0x12D0];
	v62 =	vmul.f32 v53, v11;
	[tilespmem:$0xEE0] =	vst v58  }
0x148: {  	v21 =	vld [tilespmem:$0x12E0];
	v20 =	vmul.f32 v55, v11;
	[tilespmem:$0xEF0] =	vst v60  }
0x149: {  	v23 =	vld [tilespmem:$0x12F0];
	v22 =	vmul.f32 v57, v11;
	[tilespmem:$0x1280] =	vst v62  }
0x14a: {  	v25 =	vld [tilespmem:$0x1680];
	v24 =	vmul.f32 v59, v11;
	[tilespmem:$0x1290] =	vst v20  }
0x14b: {  	v26 =	vmul.f32 v61, v11;
	v27 =	vld [tilespmem:$0x1690];
	[tilespmem:$0x12A0] =	vst v22  }
0x14c: {  	v28 =	vmul.f32 v63, v11;
	v29 =	vld [tilespmem:$0x16A0];
	[tilespmem:$0x12B0] =	vst v24  }
0x14d: {  	v30 =	vmul.f32 v21, v11;
	v31 =	vld [tilespmem:$0x16B0];
	[tilespmem:$0x12C0] =	vst v26  }
0x14e: {  	v32 =	vmul.f32 v23, v11;
	v33 =	vld [tilespmem:$0x16C0];
	[tilespmem:$0x12D0] =	vst v28  }
0x14f: {  	v35 =	vld [tilespmem:$0x16D0];
	[tilespmem:$0x12E0] =	vst v30;
	v34 =	vmul.f32 v25, v11  }
0x150: {  	v37 =	vld [tilespmem:$0x16E0];
	[tilespmem:$0x12F0] =	vst v32;
	v36 =	vmul.f32 v27, v11  }
0x151: {  	v39 =	vld [tilespmem:$0x16F0];
	[tilespmem:$0x1680] =	vst v34;
	v38 =	vmul.f32 v29, v11  }
0x152: {  	v41 =	vld [tilespmem:$0x1A80];
	v40 =	vmul.f32 v31, v11;
	[tilespmem:$0x1690] =	vst v36  }
0x153: {  	v43 =	vld [tilespmem:$0x1A90];
	v42 =	vmul.f32 v33, v11;
	[tilespmem:$0x16A0] =	vst v38  }
0x154: {  	v45 =	vld [tilespmem:$0x1AA0];
	v44 =	vmul.f32 v35, v11;
	[tilespmem:$0x16B0] =	vst v40  }
0x155: {  	v47 =	vld [tilespmem:$0x1AB0];
	v46 =	vmul.f32 v37, v11;
	[tilespmem:$0x16C0] =	vst v42  }
0x156: {  	v49 =	vld [tilespmem:$0x1AC0];
	v48 =	vmul.f32 v39, v11;
	[tilespmem:$0x16D0] =	vst v44  }
0x157: {  	v51 =	vld [tilespmem:$0x1AD0];
	v50 =	vmul.f32 v41, v11;
	[tilespmem:$0x16E0] =	vst v46  }
0x158: {  	v53 =	vld [tilespmem:$0x1AE0];
	v52 =	vmul.f32 v43, v11;
	[tilespmem:$0x16F0] =	vst v48  }
0x159: {  	v55 =	vld [tilespmem:$0x1AF0];
	v54 =	vmul.f32 v45, v11;
	[tilespmem:$0x1A80] =	vst v50  }
0x15a: {  	v57 =	vld [tilespmem:$0x1E80];
	v56 =	vmul.f32 v47, v11;
	[tilespmem:$0x1A90] =	vst v52  }
0x15b: {  	v59 =	vld [tilespmem:$0x1E90];
	v58 =	vmul.f32 v49, v11;
	[tilespmem:$0x1AA0] =	vst v54  }
0x15c: {  	v61 =	vld [tilespmem:$0x1EA0];
	v60 =	vmul.f32 v51, v11;
	[tilespmem:$0x1AB0] =	vst v56  }
0x15d: {  	v63 =	vld [tilespmem:$0x1EB0];
	v62 =	vmul.f32 v53, v11;
	[tilespmem:$0x1AC0] =	vst v58  }
0x15e: {  	v21 =	vld [tilespmem:$0x1EC0];
	v20 =	vmul.f32 v55, v11;
	[tilespmem:$0x1AD0] =	vst v60  }
0x15f: {  	v23 =	vld [tilespmem:$0x1ED0];
	v22 =	vmul.f32 v57, v11;
	[tilespmem:$0x1AE0] =	vst v62  }
0x160: {  	v25 =	vld [tilespmem:$0x1EE0];
	v24 =	vmul.f32 v59, v11;
	[tilespmem:$0x1AF0] =	vst v20  }
0x161: {  	v26 =	vmul.f32 v61, v11;
	v27 =	vld [tilespmem:$0x1EF0];
	[tilespmem:$0x1E80] =	vst v22  }
0x162: {  	v28 =	vmul.f32 v63, v11;
	v29 =	vld [tilespmem:$0x2280];
	[tilespmem:$0x1E90] =	vst v24  }
0x163: {  	v30 =	vmul.f32 v21, v11;
	v31 =	vld [tilespmem:$0x2290];
	[tilespmem:$0x1EA0] =	vst v26  }
0x164: {  	v32 =	vmul.f32 v23, v11;
	v33 =	vld [tilespmem:$0x22A0];
	[tilespmem:$0x1EB0] =	vst v28  }
0x165: {  	v35 =	vld [tilespmem:$0x22B0];
	[tilespmem:$0x1EC0] =	vst v30;
	v34 =	vmul.f32 v25, v11  }
0x166: {  	v37 =	vld [tilespmem:$0x22C0];
	[tilespmem:$0x1ED0] =	vst v32;
	v36 =	vmul.f32 v27, v11  }
0x167: {  	v39 =	vld [tilespmem:$0x22D0];
	[tilespmem:$0x1EE0] =	vst v34;
	v38 =	vmul.f32 v29, v11  }
0x168: {  	v41 =	vld [tilespmem:$0x22E0];
	v40 =	vmul.f32 v31, v11;
	[tilespmem:$0x1EF0] =	vst v36  }
0x169: {  	v43 =	vld [tilespmem:$0x22F0];
	v42 =	vmul.f32 v33, v11;
	[tilespmem:$0x2280] =	vst v38  }
0x16a: {  	v45 =	vld [tilespmem:$0x2680];
	v44 =	vmul.f32 v35, v11;
	[tilespmem:$0x2290] =	vst v40  }
0x16b: {  	v47 =	vld [tilespmem:$0x2690];
	v46 =	vmul.f32 v37, v11;
	[tilespmem:$0x22A0] =	vst v42  }
0x16c: {  	v49 =	vld [tilespmem:$0x26A0];
	v48 =	vmul.f32 v39, v11;
	[tilespmem:$0x22B0] =	vst v44  }
0x16d: {  	v51 =	vld [tilespmem:$0x26B0];
	v50 =	vmul.f32 v41, v11;
	[tilespmem:$0x22C0] =	vst v46  }
0x16e: {  	v53 =	vld [tilespmem:$0x26C0];
	v52 =	vmul.f32 v43, v11;
	[tilespmem:$0x22D0] =	vst v48  }
0x16f: {  	v55 =	vld [tilespmem:$0x26D0];
	v54 =	vmul.f32 v45, v11;
	[tilespmem:$0x22E0] =	vst v50  }
0x170: {  	v57 =	vld [tilespmem:$0x26E0];
	v56 =	vmul.f32 v47, v11;
	[tilespmem:$0x22F0] =	vst v52  }
0x171: {  	v59 =	vld [tilespmem:$0x26F0];
	v58 =	vmul.f32 v49, v11;
	[tilespmem:$0x2680] =	vst v54  }
0x172: {  	v60 =	vmul.f32 v51, v11;
	[tilespmem:$0x2690] =	vst v56  }
0x173: {  	v61 =	vmul.f32 v53, v11;
	[tilespmem:$0x26A0] =	vst v58  }
0x174: {  	v62 =	vmul.f32 v55, v11;
	[tilespmem:$0x26B0] =	vst v60  }
0x175: {  	v63 =	vmul.f32 v57, v11;
	[tilespmem:$0x26C0] =	vst v61  }
0x176: {  	v11 =	vmul.f32 v59, v11;
	[tilespmem:$0x26D0] =	vst v62  }
0x177: {  	[tilespmem:$0x26E0] =	vst v63  }
0x178: {  	[tilespmem:$0x26F0] =	vst v11  }
0x179: {  	[hbm4b:s11+s2] =	stream.linear.scatter [tilespmem:s16], [sflag:$0x2], $0x80, $0x38;
	[tilespmem:$0x4A80] =	vst v63  }
0x17a: {  	s31 =	sadd.s32 $0x80, s11  }
0x17b: {  	[hbm4b:s31+s2] =	stream.linear.scatter [tilespmem:s25], [sflag:$0x2], $0x80, $0x38;
	[tilespmem:$0x4A80] =	vst v63  }
0x17c: {  	s31 =	sadd.s32 $0x100, s11  }
0x17d: {  	[hbm4b:s31+s2] =	stream.linear.scatter [tilespmem:s17], [sflag:$0x2], $0x80, $0x38;
	[tilespmem:$0x4A80] =	vst v63  }
0x17e: {  	s31 =	sadd.s32 $0x180, s11  }
0x17f: {  	[hbm4b:s31+s2] =	stream.linear.scatter [tilespmem:s26], [sflag:$0x2], $0x80, $0x38;
	[tilespmem:$0x4A80] =	vst v63  }
0x180: {  	s31 =	sadd.s32 $0x200, s11  }
0x181: {  	[hbm4b:s31+s2] =	stream.linear.scatter [tilespmem:s18], [sflag:$0x2], $0x80, $0x38;
	[tilespmem:$0x4A80] =	vst v63  }
0x182: {  	s31 =	sadd.s32 $0x280, s11  }
0x183: {  	[hbm4b:s31+s2] =	stream.linear.scatter [tilespmem:s28], [sflag:$0x2], $0x80, $0x38;
	[tilespmem:$0x4A80] =	vst v63  }
0x184: {  	s31 =	sadd.s32 $0x300, s11  }
0x185: {  	[hbm4b:s31+s2] =	stream.linear.scatter [tilespmem:s19], [sflag:$0x2], $0x80, $0x38;
	[tilespmem:$0x4A80] =	vst v63  }
.Ltmp2:
0x186: {  	s31 =	sadd.s32 $0x380, s11;
	(pc) =	sbr.rel @p0 .LBB2_3-.Ltmp2, $4  }
0x187: {  	[hbm4b:s31+s2] =	stream.linear.scatter [tilespmem:s29], [sflag:$0x2], $0x80, $0x38;
	[tilespmem:$0x4A80] =	vst v63  }
0x188: {  	_ =	swait.ge [sflag:s15], $0x400  }
0x189: {  	[sflag:s15] =	ssyncset.done $0x0  }
0x18a: {  	[sflag:s15] =	ssyncadd.s32 $0xFFFFFC00  }
0x18b: {  	v11 =	vld [tilespmem:s12+$0x600];
	_ =	sdelay $0x4  }
0x18c: {  	v11 =	vmul.u32 $0xA, v11;
	_ =	sdelay $0x1  }
0x18d: {  	v12 =	vadd.s32 v2, v11  }
0x18e: {  	v11 =	vshll.u32 v12, $0x3  }
0x18f: {  	v13 =	vand.u32 $0x7, v12;
	v11 =	vand.u32 $0xFFFFFFC0, v11  }
0x190: {  	v13 =	vor.u32 v13, v11  }
0x191: {  	v11 =	vperm.xlane v13, v8;
	_ =	sdelay $0x1  }
0x192: {  	v14 =	vadd.s32 v9, v11;
	_ =	sdelay $0x3  }
0x193: {  	v11 =	vld [tilespmem:s12+$0x200];
	[tilespmem:$0xA00] =	vst v12  }
0x194: {  	[tilespmem:s16], [sflag:$0x1] =	stream.indirect_vreg.gather [hbm4b:s4+s2], $0x80, v14, vm0, $0xb8;
	[tilespmem:$0x4A80] =	vst v63  }
0x195: {  	v30 =	vperm.xlane v13, v10  }
0x196: {  	[tilespmem:s17], [sflag:$0x1] =	stream.indirect_vreg.gather [hbm4b:s6+s2], $0x80, v14, vm0, $0xb8;
	[tilespmem:$0x4A80] =	vst v63  }
0x197: {  	v12 =	vadd.s32 v9, v30  }
0x198: {  	[tilespmem:s18], [sflag:$0x1] =	stream.indirect_vreg.gather [hbm4b:s7+s2], $0x80, v14, vm0, $0xb8;
	[tilespmem:$0x4A80] =	vst v63  }
0x199: {  	_ = 	snop  }
0x19a: {  	[tilespmem:s19], [sflag:$0x1] =	stream.indirect_vreg.gather [hbm4b:s8+s2], $0x80, v14, vm0, $0xb8;
	[tilespmem:$0x4A80] =	vst v63  }
0x19b: {  	_ = 	snop  }
0x19c: {  	[tilespmem:s20], [sflag:$0x1] =	stream.indirect_vreg.gather [hbm4b:s4+s2], $0x80, v12, vm0, $0xb8;
	[tilespmem:$0x4A80] =	vst v63  }
0x19d: {  	_ = 	snop  }
0x19e: {  	[tilespmem:s21], [sflag:$0x1] =	stream.indirect_vreg.gather [hbm4b:s6+s2], $0x80, v12, vm0, $0xb8;
	[tilespmem:$0x4A80] =	vst v63  }
0x19f: {  	_ = 	snop  }
0x1a0: {  	[tilespmem:s22], [sflag:$0x1] =	stream.indirect_vreg.gather [hbm4b:s7+s2], $0x80, v12, vm0, $0xb8;
	[tilespmem:$0x4A80] =	vst v63  }
0x1a1: {  	_ = 	snop  }
0x1a2: {  	[tilespmem:s23], [sflag:$0x1] =	stream.indirect_vreg.gather [hbm4b:s8+s2], $0x80, v12, vm0, $0xb8;
	[tilespmem:$0x4A80] =	vst v63  }
0x1a3: {  	_ =	swait.ge [sflag:s24], $0x4000  }
0x1a4: {  	[sflag:s24] =	ssyncset.done $0x0  }
0x1a5: {  	[sflag:s24] =	ssyncadd.s32 $0xFFFFC000  }
0x1a6: {  	v31 =	vld [tilespmem:$0xA80]  }
0x1a7: {  	v32 =	vld [tilespmem:$0xA90]  }
0x1a8: {  	v33 =	vld [tilespmem:$0xAA0]  }
0x1a9: {  	v15 =	vld [tilespmem:$0xAB0]  }
0x1aa: {  	v16 =	vld [tilespmem:$0xAC0]  }
0x1ab: {  	v17 =	vld [tilespmem:$0xAD0];
	v12 =	vmul.f32 v31, v11  }
0x1ac: {  	v18 =	vld [tilespmem:$0xAE0];
	v13 =	vmul.f32 v32, v11  }
0x1ad: {  	v35 =	vld [tilespmem:$0xAF0];
	v34 =	vmul.f32 v33, v11;
	[tilespmem:$0xA80] =	vst v12  }
0x1ae: {  	v37 =	vld [tilespmem:$0xE80];
	v36 =	vmul.f32 v15, v11;
	[tilespmem:$0xA90] =	vst v13  }
0x1af: {  	v39 =	vld [tilespmem:$0xE90];
	v38 =	vmul.f32 v16, v11;
	[tilespmem:$0xAA0] =	vst v34  }
0x1b0: {  	v41 =	vld [tilespmem:$0xEA0];
	v40 =	vmul.f32 v17, v11;
	[tilespmem:$0xAB0] =	vst v36  }
0x1b1: {  	v43 =	vld [tilespmem:$0xEB0];
	v42 =	vmul.f32 v18, v11;
	[tilespmem:$0xAC0] =	vst v38  }
0x1b2: {  	v45 =	vld [tilespmem:$0xEC0];
	v44 =	vmul.f32 v35, v11;
	[tilespmem:$0xAD0] =	vst v40  }
0x1b3: {  	v47 =	vld [tilespmem:$0xED0];
	v46 =	vmul.f32 v37, v11;
	[tilespmem:$0xAE0] =	vst v42  }
0x1b4: {  	v49 =	vld [tilespmem:$0xEE0];
	v48 =	vmul.f32 v39, v11;
	[tilespmem:$0xAF0] =	vst v44  }
0x1b5: {  	v51 =	vld [tilespmem:$0xEF0];
	v50 =	vmul.f32 v41, v11;
	[tilespmem:$0xE80] =	vst v46  }
0x1b6: {  	v53 =	vld [tilespmem:$0x1280];
	v52 =	vmul.f32 v43, v11;
	[tilespmem:$0xE90] =	vst v48  }
0x1b7: {  	v55 =	vld [tilespmem:$0x1290];
	v54 =	vmul.f32 v45, v11;
	[tilespmem:$0xEA0] =	vst v50  }
0x1b8: {  	v57 =	vld [tilespmem:$0x12A0];
	v56 =	vmul.f32 v47, v11;
	[tilespmem:$0xEB0] =	vst v52  }
0x1b9: {  	v59 =	vld [tilespmem:$0x12B0];
	v58 =	vmul.f32 v49, v11;
	[tilespmem:$0xEC0] =	vst v54  }
0x1ba: {  	v61 =	vld [tilespmem:$0x12C0];
	v60 =	vmul.f32 v51, v11;
	[tilespmem:$0xED0] =	vst v56  }
0x1bb: {  	v63 =	vld [tilespmem:$0x12D0];
	v62 =	vmul.f32 v53, v11;
	[tilespmem:$0xEE0] =	vst v58  }
0x1bc: {  	v21 =	vld [tilespmem:$0x12E0];
	v20 =	vmul.f32 v55, v11;
	[tilespmem:$0xEF0] =	vst v60  }
0x1bd: {  	v23 =	vld [tilespmem:$0x12F0];
	v22 =	vmul.f32 v57, v11;
	[tilespmem:$0x1280] =	vst v62  }
0x1be: {  	v25 =	vld [tilespmem:$0x1680];
	v24 =	vmul.f32 v59, v11;
	[tilespmem:$0x1290] =	vst v20  }
0x1bf: {  	v27 =	vld [tilespmem:$0x1690];
	v26 =	vmul.f32 v61, v11;
	[tilespmem:$0x12A0] =	vst v22  }
0x1c0: {  	v29 =	vld [tilespmem:$0x16A0];
	v28 =	vmul.f32 v63, v11;
	[tilespmem:$0x12B0] =	vst v24  }
0x1c1: {  	v30 =	vmul.f32 v21, v11;
	v31 =	vld [tilespmem:$0x16B0];
	[tilespmem:$0x12C0] =	vst v26  }
0x1c2: {  	v32 =	vmul.f32 v23, v11;
	v33 =	vld [tilespmem:$0x16C0];
	[tilespmem:$0x12D0] =	vst v28  }
0x1c3: {  	v35 =	vld [tilespmem:$0x16D0];
	[tilespmem:$0x12E0] =	vst v30;
	v34 =	vmul.f32 v25, v11  }
0x1c4: {  	v37 =	vld [tilespmem:$0x16E0];
	[tilespmem:$0x12F0] =	vst v32;
	v36 =	vmul.f32 v27, v11  }
0x1c5: {  	v39 =	vld [tilespmem:$0x16F0];
	v38 =	vmul.f32 v29, v11;
	[tilespmem:$0x1680] =	vst v34  }
0x1c6: {  	v41 =	vld [tilespmem:$0x1A80];
	[tilespmem:$0x1690] =	vst v36;
	v40 =	vmul.f32 v31, v11  }
0x1c7: {  	v43 =	vld [tilespmem:$0x1A90];
	[tilespmem:$0x16A0] =	vst v38;
	v42 =	vmul.f32 v33, v11  }
0x1c8: {  	v45 =	vld [tilespmem:$0x1AA0];
	v44 =	vmul.f32 v35, v11;
	[tilespmem:$0x16B0] =	vst v40  }
0x1c9: {  	v47 =	vld [tilespmem:$0x1AB0];
	v46 =	vmul.f32 v37, v11;
	[tilespmem:$0x16C0] =	vst v42  }
0x1ca: {  	v49 =	vld [tilespmem:$0x1AC0];
	v48 =	vmul.f32 v39, v11;
	[tilespmem:$0x16D0] =	vst v44  }
0x1cb: {  	v51 =	vld [tilespmem:$0x1AD0];
	v50 =	vmul.f32 v41, v11;
	[tilespmem:$0x16E0] =	vst v46  }
0x1cc: {  	v53 =	vld [tilespmem:$0x1AE0];
	v52 =	vmul.f32 v43, v11;
	[tilespmem:$0x16F0] =	vst v48  }
0x1cd: {  	v55 =	vld [tilespmem:$0x1AF0];
	v54 =	vmul.f32 v45, v11;
	[tilespmem:$0x1A80] =	vst v50  }
0x1ce: {  	v57 =	vld [tilespmem:$0x1E80];
	v56 =	vmul.f32 v47, v11;
	[tilespmem:$0x1A90] =	vst v52  }
0x1cf: {  	v59 =	vld [tilespmem:$0x1E90];
	v58 =	vmul.f32 v49, v11;
	[tilespmem:$0x1AA0] =	vst v54  }
0x1d0: {  	v61 =	vld [tilespmem:$0x1EA0];
	v60 =	vmul.f32 v51, v11;
	[tilespmem:$0x1AB0] =	vst v56  }
0x1d1: {  	v63 =	vld [tilespmem:$0x1EB0];
	v62 =	vmul.f32 v53, v11;
	[tilespmem:$0x1AC0] =	vst v58  }
0x1d2: {  	v21 =	vld [tilespmem:$0x1EC0];
	v20 =	vmul.f32 v55, v11;
	[tilespmem:$0x1AD0] =	vst v60  }
0x1d3: {  	v23 =	vld [tilespmem:$0x1ED0];
	v22 =	vmul.f32 v57, v11;
	[tilespmem:$0x1AE0] =	vst v62  }
0x1d4: {  	v25 =	vld [tilespmem:$0x1EE0];
	v24 =	vmul.f32 v59, v11;
	[tilespmem:$0x1AF0] =	vst v20  }
0x1d5: {  	v27 =	vld [tilespmem:$0x1EF0];
	v26 =	vmul.f32 v61, v11;
	[tilespmem:$0x1E80] =	vst v22  }
0x1d6: {  	v29 =	vld [tilespmem:$0x2280];
	v28 =	vmul.f32 v63, v11;
	[tilespmem:$0x1E90] =	vst v24  }
0x1d7: {  	v30 =	vmul.f32 v21, v11;
	v31 =	vld [tilespmem:$0x2290];
	[tilespmem:$0x1EA0] =	vst v26  }
0x1d8: {  	v32 =	vmul.f32 v23, v11;
	v33 =	vld [tilespmem:$0x22A0];
	[tilespmem:$0x1EB0] =	vst v28  }
0x1d9: {  	v35 =	vld [tilespmem:$0x22B0];
	[tilespmem:$0x1EC0] =	vst v30;
	v34 =	vmul.f32 v25, v11  }
0x1da: {  	v37 =	vld [tilespmem:$0x22C0];
	[tilespmem:$0x1ED0] =	vst v32;
	v36 =	vmul.f32 v27, v11  }
0x1db: {  	v39 =	vld [tilespmem:$0x22D0];
	v38 =	vmul.f32 v29, v11;
	[tilespmem:$0x1EE0] =	vst v34  }
0x1dc: {  	v41 =	vld [tilespmem:$0x22E0];
	[tilespmem:$0x1EF0] =	vst v36;
	v40 =	vmul.f32 v31, v11  }
0x1dd: {  	v43 =	vld [tilespmem:$0x22F0];
	[tilespmem:$0x2280] =	vst v38;
	v42 =	vmul.f32 v33, v11  }
0x1de: {  	v45 =	vld [tilespmem:$0x2680];
	v44 =	vmul.f32 v35, v11;
	[tilespmem:$0x2290] =	vst v40  }
0x1df: {  	v47 =	vld [tilespmem:$0x2690];
	v46 =	vmul.f32 v37, v11;
	[tilespmem:$0x22A0] =	vst v42  }
0x1e0: {  	v49 =	vld [tilespmem:$0x26A0];
	v48 =	vmul.f32 v39, v11;
	[tilespmem:$0x22B0] =	vst v44  }
0x1e1: {  	v51 =	vld [tilespmem:$0x26B0];
	v50 =	vmul.f32 v41, v11;
	[tilespmem:$0x22C0] =	vst v46  }
0x1e2: {  	v53 =	vld [tilespmem:$0x26C0];
	v52 =	vmul.f32 v43, v11;
	[tilespmem:$0x22D0] =	vst v48  }
0x1e3: {  	v55 =	vld [tilespmem:$0x26D0];
	v54 =	vmul.f32 v45, v11;
	[tilespmem:$0x22E0] =	vst v50  }
0x1e4: {  	v57 =	vld [tilespmem:$0x26E0];
	v56 =	vmul.f32 v47, v11;
	[tilespmem:$0x22F0] =	vst v52  }
0x1e5: {  	v59 =	vld [tilespmem:$0x26F0];
	v58 =	vmul.f32 v49, v11;
	[tilespmem:$0x2680] =	vst v54  }
0x1e6: {  	v60 =	vmul.f32 v51, v11;
	[tilespmem:$0x2690] =	vst v56  }
0x1e7: {  	v61 =	vmul.f32 v53, v11;
	[tilespmem:$0x26A0] =	vst v58  }
0x1e8: {  	v62 =	vmul.f32 v55, v11;
	[tilespmem:$0x26B0] =	vst v60  }
0x1e9: {  	v63 =	vmul.f32 v57, v11;
	[tilespmem:$0x26C0] =	vst v61  }
0x1ea: {  	v11 =	vmul.f32 v59, v11;
	[tilespmem:$0x26D0] =	vst v62  }
0x1eb: {  	[tilespmem:$0x26E0] =	vst v63  }
0x1ec: {  	[tilespmem:$0x26F0] =	vst v11  }
0x1ed: {  	[hbm4b:s13+s2] =	stream.linear.scatter [tilespmem:s16], [sflag:$0x2], $0x80, $0x38;
	[tilespmem:$0x4A80] =	vst v63  }
0x1ee: {  	s30 =	sadd.s32 $0x80, s13  }
0x1ef: {  	[hbm4b:s30+s2] =	stream.linear.scatter [tilespmem:s25], [sflag:$0x2], $0x80, $0x38;
	[tilespmem:$0x4A80] =	vst v63  }
0x1f0: {  	s31 =	sadd.s32 $0x100, s13  }
0x1f1: {  	[hbm4b:s31+s2] =	stream.linear.scatter [tilespmem:s17], [sflag:$0x2], $0x80, $0x38;
	[tilespmem:$0x4A80] =	vst v63  }
0x1f2: {  	s31 =	sadd.s32 $0x180, s13  }
0x1f3: {  	[hbm4b:s31+s2] =	stream.linear.scatter [tilespmem:s26], [sflag:$0x2], $0x80, $0x38;
	[tilespmem:$0x4A80] =	vst v63  }
0x1f4: {  	s31 =	sadd.s32 $0x200, s13  }
0x1f5: {  	[hbm4b:s31+s2] =	stream.linear.scatter [tilespmem:s18], [sflag:$0x2], $0x80, $0x38;
	[tilespmem:$0x4A80] =	vst v63  }
0x1f6: {  	s31 =	sadd.s32 $0x280, s13  }
0x1f7: {  	[hbm4b:s31+s2] =	stream.linear.scatter [tilespmem:s28], [sflag:$0x2], $0x80, $0x38;
	[tilespmem:$0x4A80] =	vst v63  }
0x1f8: {  	s31 =	sadd.s32 $0x300, s13  }
0x1f9: {  	[hbm4b:s31+s2] =	stream.linear.scatter [tilespmem:s19], [sflag:$0x2], $0x80, $0x38;
	[tilespmem:$0x4A80] =	vst v63  }
.Ltmp3:
0x1fa: {  	s31 =	sadd.s32 $0x380, s13;
	(pc) =	sbr.rel .LBB2_3-.Ltmp3, $4  }
0x1fb: {  	[hbm4b:s31+s2] =	stream.linear.scatter [tilespmem:s29], [sflag:$0x2], $0x80, $0x38;
	[tilespmem:$0x4A80] =	vst v63  }
0x1fc: {  	_ =	swait.ge [sflag:s15], $0x400  }
0x1fd: {  	[sflag:s15] =	ssyncset.done $0x0  }
0x1fe: {  	[sflag:s15] =	ssyncadd.s32 $0xFFFFFC00  }
.LBB2_4:
0x1ff: {  	_ =	sfence.sel $0x180000  }
0x200: {  	[bflag:$0x0] =	sbarrier.arrive $0xFFFF  }
0x201: {  	p0 =	sne.s32 s0, $0x0;
	_ =	strace $0x90000047  }
0x202: {  	s0 =	sadd.s32 @!p0 $0x100000, s1;
	[bflag:$0x2] =	sbarrier.arrive $0xFFFF  }
0x203: {  	[sflag:s0] =	ssyncadd.tile.s32 @!p0 $0x1;
	_ =	shalt  }
.Lfunc_end2:
_tile_overlayer_lowered:
.L_overlay_start_2:
0x204: {  	(tag) =	ssettag $0x2  }
0x205: {  	s0 =	rddreg [dreg:$0x0];
	s2 =	stileid.u32  }
0x206: {  	s1 =	rddreg [dreg:$0x1];
	p0 =	sne.s32 s2, $0x0  }
0x207: {  	s3 =	rddreg [dreg:$0x2];
	[bflag:$0x3] =	sbarrier.arrive $0xFFFF;
	s2 =	simm.s32 @!p0 $0x1C02  }
0x208: {  	[timem:s3], [sflag:s2] =	dma.local @!p0 [hbm:s0], s1  }
0x209: {  	s0 =	simm.s32 @!p0 $0x2  }
0x20a: {  	_ =	swait.ge @!p0 [sflag:s0], s1  }
0x20b: {  	s1 =	ssub.s32 @!p0 $0x0, s1;
	[sflag:s0] =	ssyncset.done @!p0 $0x0  }
0x20c: {  	[sflag:s0] =	ssyncadd.s32 @!p0 s1  }
0x20d: {  	[bflag:$0x3] =	sbarrier.arrive $0xFFFF  }
0x20e: {  	_ =	shalt  }

</sc_bundles>
